<compile_context>
chip_gen: v7x
topology: tpu7x:2x2x1
jax: 0.10.2.dev20260603
libtpu: 0.0.44.dev20260713+nightly
codegen_flags: <defaults>
</compile_context>

<pallas_src>
import functools

import jax
import jax.numpy as jnp
import numpy as np
from jax import lax
from jax.experimental import pallas as pl
from jax.experimental.pallas import tpu as pltpu
from jax.experimental.pallas import tpu_sc as plsc

_N_SLOTS = 100000
_D_STATE = 8
_NGRAM = 16
_N_BLADES = 8
_B = 16
_S = 4096
_N_TOKENS = _B * _S
_N_WORKERS = 32
_TOK_PER_W = _N_TOKENS // _N_WORKERS
_GROUPS = _TOK_PER_W // 16
_TOK_PER_DESC = 128
_N_DESC = _TOK_PER_W // _TOK_PER_DESC

_DESC_PER_SUPER = 2
_SUPERS = _N_DESC // _DESC_PER_SUPER
_TOK_PER_SUPER = _DESC_PER_SUPER * _TOK_PER_DESC

_FNV_INIT = np.uint32(2166136261)
_FNV_PRIME = np.uint32(16777619)

_TR_BLK = 512
_SLOT_BLKS = 196
_SLOTS_PAD = _SLOT_BLKS * _TR_BLK


def _bank_tr_body(in_ref, out_ref):
    x = in_ref[...]
    y = x.reshape(64, _TR_BLK)
    z = jnp.transpose(y, (1, 0))
    z2 = z.reshape(_TR_BLK // 2, 2, 64)
    out_ref[...] = jnp.concatenate([z2[:, 0, :], z2[:, 1, :]], axis=1)


def _bank_transpose(bank_p):
    return pl.pallas_call(
        _bank_tr_body,
        grid=(_SLOT_BLKS,),
        in_specs=[pl.BlockSpec((_N_BLADES, _D_STATE, _TR_BLK),
                               lambda b: (0, 0, b))],
        out_specs=pl.BlockSpec((_TR_BLK // 2, 128), lambda b: (b, 0)),
        out_shape=jax.ShapeDtypeStruct((_SLOT_BLKS * _TR_BLK // 2, 128),
                                       jnp.float32),
    )(bank_p)


@functools.partial(
    pl.kernel,
    out_type=jax.ShapeDtypeStruct((_B * _N_BLADES, _S // 128, _D_STATE, 128),
                                  jnp.float32),
    mesh=plsc.VectorSubcoreMesh(core_axis_name="c", subcore_axis_name="s"),
    scratch_types=[
        pltpu.VMEM((2, 16, 8, 128), jnp.int32),
        pltpu.VMEM((_N_DESC, _TOK_PER_DESC), jnp.int32),
        pltpu.VMEM((_TOK_PER_SUPER, _N_BLADES * _D_STATE), jnp.float32),
        pltpu.VMEM((_TOK_PER_SUPER, _N_BLADES * _D_STATE), jnp.float32),
        pltpu.VMEM((_N_BLADES, _DESC_PER_SUPER, _D_STATE, 128), jnp.float32),
        pltpu.VMEM((_N_BLADES, _DESC_PER_SUPER, _D_STATE, 128), jnp.float32),
        pltpu.SemaphoreType.DMA,
        pltpu.SemaphoreType.DMA,
        pltpu.SemaphoreType.DMA,
        pltpu.SemaphoreType.DMA,
    ],
    compiler_params=pltpu.CompilerParams(
        needs_layout_passes=False, use_tc_tiling_on_sc=False),
)
def _sc_gather(bw_hbm, bank_hbm, out_hbm, bw_v, idx_v, g_a, g_b, st_a, st_b,
               sem_a, sem_b, sem_oa, sem_ob):
    wid = lax.axis_index("s") * 2 + lax.axis_index("c")
    batch = wid // 2
    shalf = wid % 2
    c0 = shalf * 16
    lanes = lax.iota(jnp.int32, 16)

    pltpu.sync_copy(bw_hbm.at[pl.ds(batch * 2, 2), pl.ds(c0, 16)], bw_v)

    def hash_body(g, carry):
        c = g // 8
        off = (g % 8) * 16
        h = jnp.full((16,), _FNV_INIT, dtype=jnp.uint32)
        for i in range(_NGRAM):
            b = bw_v[i // 8, c, i % 8, pl.ds(off, 16)]
            h = (h ^ plsc.bitcast(b, jnp.uint32)) * _FNV_PRIME
        addr = plsc.bitcast(h % np.uint32(_N_SLOTS), jnp.int32)
        idx_v[g // 8, pl.ds(off, 16)] = addr
        return carry

    lax.fori_loop(0, _GROUPS, hash_body, 0)

    def fire_super(s, buf, sem):
        for j in range(_DESC_PER_SUPER):
            d = s * _DESC_PER_SUPER + j
            pltpu.async_copy(bank_hbm.at[idx_v.at[d]],
                             buf.at[pl.ds(j * _TOK_PER_DESC, _TOK_PER_DESC)],
                             sem)

    def drain_super(s, buf, sem):
        for j in range(_DESC_PER_SUPER):
            d = s * _DESC_PER_SUPER + j
            pltpu.make_async_copy(
                bank_hbm.at[idx_v.at[d]],
                buf.at[pl.ds(j * _TOK_PER_DESC, _TOK_PER_DESC)],
                sem).wait()

    def transpose_super(buf, st):
        def tr_body(v, carry):
            tv = jnp.full((16,), v, dtype=jnp.int32)
            for cc in range(_DESC_PER_SUPER):
                for b8 in range(8):
                    ti = lanes + (cc * 128 + b8 * 16)
                    vec = plsc.load_gather(buf, [ti, tv])
                    st[v // _D_STATE, cc, v % _D_STATE, pl.ds(b8 * 16, 16)] = vec
            return carry

        lax.fori_loop(0, _N_BLADES * _D_STATE, tr_body, 0)

    def out_copy(s, st, sem):
        return pltpu.make_async_copy(
            st,
            out_hbm.at[pl.ds(batch * _N_BLADES, _N_BLADES),
                       pl.ds(c0 + s * _DESC_PER_SUPER, _DESC_PER_SUPER)],
            sem)

    gs = (g_a, g_b)
    sts = (st_a, st_b)
    sems = (sem_a, sem_b)
    osems = (sem_oa, sem_ob)

    fire_super(0, g_a, sem_a)
    fire_super(1, g_b, sem_b)

    for p in range(2):
        drain_super(p, gs[p], sems[p])
        transpose_super(gs[p], sts[p])
        fire_super(p + 2, gs[p], sems[p])
        out_copy(p, sts[p], osems[p]).start()

    def gather_body(i, carry):
        s = 2 + i * 2
        for p in range(2):
            drain_super(s + p, gs[p], sems[p])
            out_copy(s + p - 2, sts[p], osems[p]).wait()
            transpose_super(gs[p], sts[p])
            fire_super(s + p + 2, gs[p], sems[p])
            out_copy(s + p, sts[p], osems[p]).start()
        return carry

    lax.fori_loop(0, (_SUPERS - 4) // 2, gather_body, 0)

    for p in range(2):
        s = _SUPERS - 2 + p
        drain_super(s, gs[p], sems[p])
        out_copy(s - 2, sts[p], osems[p]).wait()
        transpose_super(gs[p], sts[p])
        out_copy(s, sts[p], osems[p]).start()
    for p in range(2):
        out_copy(_SUPERS - 2 + p, sts[p], osems[p]).wait()


def kernel(byte_window, bank):
    bw4 = (byte_window.transpose(0, 2, 1)
           .reshape(_B, 2, 8, _S // 128, 128)
           .transpose(0, 1, 3, 2, 4)
           .reshape(_B * 2, _S // 128, 8, 128))
    bank_p = jnp.transpose(bank, (0, 2, 1))
    bank_lin = _bank_transpose(bank_p).reshape(_SLOTS_PAD, 64)
    out5 = _sc_gather(bw4, bank_lin)
    return (out5.reshape(_B, _N_BLADES, _S // 128, _D_STATE, 128)
            .transpose(0, 2, 4, 1, 3)
            .reshape(_B, _S, _N_BLADES, _D_STATE))

# --- scband reference (transcript-rebuilt; emitter-appended) ---
"""Pipeline reference for scband-stacked-blade-bank-8186207666948 (READ-ONLY COPY).

The authoritative reference and input builder live on the scoring server;
editing this copy changes nothing except your own understanding.
"""

import jax, jax.numpy as jnp
import numpy as np

N_SLOTS = 100000
D_STATE = 8
NGRAM = 16
N_BLADES = 8


def setup_inputs(seed: int = 0) -> dict:
    key = jax.random.key(seed)
    k1, k2 = jax.random.split(key)
    byte_window = jax.random.randint(k1, (16, 4096, NGRAM), 0, 256, dtype=jnp.int32)
    # bank buffer materialized per init_kwargs (8, n_slots, d_state); use small random
    # values instead of zeros so the gather output is non-trivial.
    bank = jax.random.normal(k2, (N_BLADES, N_SLOTS, D_STATE), dtype=jnp.float32) * 0.02
    return {"byte_window": byte_window, "bank": bank}


def _compute_address(byte_window):
    # FNV-1a style hash; uint32 arithmetic wraps mod 2**32 exactly like the
    # torch code's explicit `% 2**32` after each multiply.
    bw = byte_window.astype(jnp.uint32)
    h = jnp.full(bw.shape[:-1], np.uint32(2166136261), dtype=jnp.uint32)
    prime = np.uint32(16777619)
    for i in range(NGRAM):
        h = (h ^ bw[..., i]) * prime
    return (h % np.uint32(N_SLOTS)).astype(jnp.int32)


def reference(byte_window, bank):
    # Faithful translation of StackedBladeBank.read_all_blades
    addr = _compute_address(byte_window)          # (B, S)
    B, S = addr.shape
    addr_flat = addr.reshape(-1)                  # (B*S,)
    results = jnp.take(bank, addr_flat, axis=1)   # (8, B*S, d_state)
    out = jnp.transpose(results, (1, 0, 2)).reshape(B, S, N_BLADES, D_STATE)
    return out

if __name__ == "__main__":
    import jax
    _d = setup_inputs()
    print(jax.jit(kernel)(*tuple(_d.values())))

</pallas_src>

<mosaic_0001>
#map = affine_map<(d0, d1) -> (0, 0, 0, 0)>
#map1 = affine_map<(d0, d1) -> (0, 0)>
module attributes {stable_mosaic.version = 14 : i64} {
  func.func @_sc_gather(%arg0: i32, %arg1: i32, %arg2: memref<32x32x8x128xi32, #tpu.memory_space<hbm>>, %arg3: memref<100352x64xf32, #tpu.memory_space<hbm>>, %arg4: memref<128x32x8x128xf32, #tpu.memory_space<hbm>>, %arg5: memref<2x16x8x128xi32, #tpu.memory_space<vmem>>, %arg6: memref<16x128xi32, #tpu.memory_space<vmem>>, %arg7: memref<256x64xf32, #tpu.memory_space<vmem>>, %arg8: memref<256x64xf32, #tpu.memory_space<vmem>>, %arg9: memref<8x2x8x128xf32, #tpu.memory_space<vmem>>, %arg10: memref<8x2x8x128xf32, #tpu.memory_space<vmem>>, %arg11: memref<!tpu.dma_semaphore, #tpu.memory_space<semaphore_mem>>, %arg12: memref<!tpu.dma_semaphore, #tpu.memory_space<semaphore_mem>>, %arg13: memref<!tpu.dma_semaphore, #tpu.memory_space<semaphore_mem>>, %arg14: memref<!tpu.dma_semaphore, #tpu.memory_space<semaphore_mem>>) attributes {dimension_semantics = [#tpu.dimension_semantics<core_parallel>, #tpu.dimension_semantics<subcore_parallel>], iteration_bounds = array<i64: 2, 16>, scalar_prefetch = 0 : i64, scratch_operands = 10 : i64, tpu.core_type = #tpu.core_type<sc_vector_subcore>, window_params = [{transform_indices = #map}, {transform_indices = #map1}, {transform_indices = #map}]} {
    %mul3A = arith.constant 2 : i32
    %mul3A_0 = arith.muli %arg1, %mul3A : i32
    %add3A = arith.addi %mul3A_0, %arg0 : i32
    %jit3A = arith.constant 2 : i32
    %div3A = arith.divsi %add3A, %jit3A : i32
    %sign3A = arith.constant 0 : i32
    %sign3A_1 = arith.cmpi sgt, %add3A, %sign3A : i32
    %sign3A_2 = arith.extui %sign3A_1 : i1 to i32
    %sign3A_3 = arith.constant 0 : i32
    %sign3A_4 = arith.cmpi slt, %add3A, %sign3A_3 : i32
    %sign3A_5 = arith.extui %sign3A_4 : i1 to i32
    %sign3A_6 = arith.subi %sign3A_2, %sign3A_5 : i32
    %sign3A_7 = arith.constant 0 : i32
    %sign3A_8 = arith.cmpi sgt, %jit3A, %sign3A_7 : i32
    %sign3A_9 = arith.extui %sign3A_8 : i1 to i32
    %sign3A_10 = arith.constant 0 : i32
    %sign3A_11 = arith.cmpi slt, %jit3A, %sign3A_10 : i32
    %sign3A_12 = arith.extui %sign3A_11 : i1 to i32
    %sign3A_13 = arith.subi %sign3A_9, %sign3A_12 : i32
    %ne3A = arith.cmpi ne, %sign3A_6, %sign3A_13 : i32
    %rem3A = arith.remsi %add3A, %jit3A : i32
    %ne3A_14 = arith.constant 0 : i32
    %ne3A_15 = arith.cmpi ne, %rem3A, %ne3A_14 : i32
    %and3A = arith.andi %ne3A, %ne3A_15 : i1
    %sub3A = arith.constant 1 : i32
    %sub3A_16 = arith.subi %div3A, %sub3A : i32
    %select_n3A = arith.select %and3A, %sub3A_16, %div3A : i32
    %jit3A_17 = arith.constant 2 : i32
    %eq3A = arith.constant 0 : i32
    %eq3A_18 = arith.cmpi eq, %jit3A_17, %eq3A : i32
    %jit3A_19 = arith.constant 1 : i32
    %select_n3A_20 = arith.select %eq3A_18, %jit3A_19, %jit3A_17 : i32
    %rem3A_21 = arith.remsi %add3A, %select_n3A_20 : i32
    %ne3A_22 = arith.constant 0 : i32
    %ne3A_23 = arith.cmpi ne, %rem3A_21, %ne3A_22 : i32
    %lt3A = arith.constant 0 : i32
    %lt3A_24 = arith.cmpi slt, %rem3A_21, %lt3A : i32
    %lt3A_25 = arith.constant 0 : i32
    %lt3A_26 = arith.cmpi slt, %select_n3A_20, %lt3A_25 : i32
    %ne3A_27 = arith.xori %lt3A_24, %lt3A_26 : i1
    %and3A_28 = arith.andi %ne3A_27, %ne3A_23 : i1
    %add3A_29 = arith.addi %rem3A_21, %select_n3A_20 : i32
    %select_n3A_30 = arith.select %and3A_28, %add3A_29, %rem3A_21 : i32
    %mul3A_31 = arith.constant 16 : i32
    %mul3A_32 = arith.muli %select_n3A_30, %mul3A_31 : i32
    %iota3A = tpu.iota {dimensions = array<i32: 0>} : vector<16xi32>
    %mul3A_33 = arith.constant 2 : i32
    %mul3A_34 = arith.muli %select_n3A, %mul3A_33 : i32
    "tpu.region"() ({
      %run_scoped3A = tpu.sem_alloc : memref<!tpu.dma_semaphore, #tpu.memory_space<semaphore_mem>>
      %dma_start3A_308 = arith.constant 0 : i32
      %dma_start3A_309 = arith.constant 0 : i32
      %dma_start3A_310 = tpu.memref_slice %arg2[%mul3A_34, %mul3A_32, %dma_start3A_308, %dma_start3A_309] : memref<32x32x8x128xi32, #tpu.memory_space<hbm>> -> memref<2x16x8x128xi32, #tpu.memory_space<hbm>>
      %dma_start3A_311 = arith.constant 0 : i32
      %dma_start3A_312 = arith.constant 0 : i32
      %dma_start3A_313 = tpu.memref_slice %arg2[%mul3A_34, %mul3A_32, %dma_start3A_311, %dma_start3A_312] : memref<32x32x8x128xi32, #tpu.memory_space<hbm>> -> memref<2x16x8x128xi32, #tpu.memory_space<hbm>>
      tpu.enqueue_dma source(%dma_start3A_313 : memref<2x16x8x128xi32, #tpu.memory_space<hbm>>) target(%arg5 : memref<2x16x8x128xi32, #tpu.memory_space<vmem>>) target_semaphore(%run_scoped3A : memref<!tpu.dma_semaphore, #tpu.memory_space<semaphore_mem>>)
      %dma_wait3A_314 = arith.constant 0 : i32
      %dma_wait3A_315 = arith.constant 0 : i32
      %dma_wait3A_316 = tpu.memref_slice %arg2[%mul3A_34, %mul3A_32, %dma_wait3A_314, %dma_wait3A_315] : memref<32x32x8x128xi32, #tpu.memory_space<hbm>> -> memref<2x16x8x128xi32, #tpu.memory_space<hbm>>
      %dma_wait3A_317 = arith.constant 0 : i32
      %dma_wait3A_318 = arith.constant 0 : i32
      %dma_wait3A_319 = tpu.memref_slice %arg2[%mul3A_34, %mul3A_32, %dma_wait3A_317, %dma_wait3A_318] : memref<32x32x8x128xi32, #tpu.memory_space<hbm>> -> memref<2x16x8x128xi32, #tpu.memory_space<hbm>>
      tpu.wait_dma2 semaphore(%run_scoped3A : memref<!tpu.dma_semaphore, #tpu.memory_space<semaphore_mem>>) src(%dma_wait3A_319 : memref<2x16x8x128xi32, #tpu.memory_space<hbm>>) dst(%arg5 : memref<2x16x8x128xi32, #tpu.memory_space<vmem>>)
      tpu.yield
    }) : () -> ()
    %scan3A = arith.constant 0 : i32
    %scan3A_35 = arith.constant 0 : i32
    %scan3A_36 = arith.constant 128 : i32
    %scan3A_37 = arith.addi %scan3A_35, %scan3A_36 : i32
    %scan3A_38 = arith.constant 1 : i32
    scf.for %scan3A_308 = %scan3A_35 to %scan3A_37 step %scan3A_38  : i32 {
      %jit3A_309 = arith.constant 8 : i32
      %div3A_310 = arith.divsi %scan3A_308, %jit3A_309 : i32
      %sign3A_311 = arith.constant 0 : i32
      %sign3A_312 = arith.cmpi sgt, %scan3A_308, %sign3A_311 : i32
      %sign3A_313 = arith.extui %sign3A_312 : i1 to i32
      %sign3A_314 = arith.constant 0 : i32
      %sign3A_315 = arith.cmpi slt, %scan3A_308, %sign3A_314 : i32
      %sign3A_316 = arith.extui %sign3A_315 : i1 to i32
      %sign3A_317 = arith.subi %sign3A_313, %sign3A_316 : i32
      %sign3A_318 = arith.constant 0 : i32
      %sign3A_319 = arith.cmpi sgt, %jit3A_309, %sign3A_318 : i32
      %sign3A_320 = arith.extui %sign3A_319 : i1 to i32
      %sign3A_321 = arith.constant 0 : i32
      %sign3A_322 = arith.cmpi slt, %jit3A_309, %sign3A_321 : i32
      %sign3A_323 = arith.extui %sign3A_322 : i1 to i32
      %sign3A_324 = arith.subi %sign3A_320, %sign3A_323 : i32
      %ne3A_325 = arith.cmpi ne, %sign3A_317, %sign3A_324 : i32
      %rem3A_326 = arith.remsi %scan3A_308, %jit3A_309 : i32
      %ne3A_327 = arith.constant 0 : i32
      %ne3A_328 = arith.cmpi ne, %rem3A_326, %ne3A_327 : i32
      %and3A_329 = arith.andi %ne3A_325, %ne3A_328 : i1
      %sub3A_330 = arith.constant 1 : i32
      %sub3A_331 = arith.subi %div3A_310, %sub3A_330 : i32
      %select_n3A_332 = arith.select %and3A_329, %sub3A_331, %div3A_310 : i32
      %jit3A_333 = arith.constant 8 : i32
      %eq3A_334 = arith.constant 0 : i32
      %eq3A_335 = arith.cmpi eq, %jit3A_333, %eq3A_334 : i32
      %jit3A_336 = arith.constant 1 : i32
      %select_n3A_337 = arith.select %eq3A_335, %jit3A_336, %jit3A_333 : i32
      %rem3A_338 = arith.remsi %scan3A_308, %select_n3A_337 : i32
      %ne3A_339 = arith.constant 0 : i32
      %ne3A_340 = arith.cmpi ne, %rem3A_338, %ne3A_339 : i32
      %lt3A_341 = arith.constant 0 : i32
      %lt3A_342 = arith.cmpi slt, %rem3A_338, %lt3A_341 : i32
      %lt3A_343 = arith.constant 0 : i32
      %lt3A_344 = arith.cmpi slt, %select_n3A_337, %lt3A_343 : i32
      %ne3A_345 = arith.xori %lt3A_342, %lt3A_344 : i1
      %and3A_346 = arith.andi %ne3A_345, %ne3A_340 : i1
      %add3A_347 = arith.addi %rem3A_338, %select_n3A_337 : i32
      %select_n3A_348 = arith.select %and3A_346, %add3A_347, %rem3A_338 : i32
      %mul3A_349 = arith.constant 16 : i32
      %mul3A_350 = arith.muli %select_n3A_348, %mul3A_349 : i32
      %broadcast_in_dim3A = arith.constant -2128831035 : i32
      %broadcast_in_dim3A_351 = vector.broadcast %broadcast_in_dim3A : i32 to vector<16xi32>
      %get3A = arith.constant 0 : i32
      %get3A_352 = arith.constant 0 : i32
      %get3A_353 = arith.index_cast %get3A : i32 to index
      %get3A_354 = arith.index_cast %select_n3A_332 : i32 to index
      %get3A_355 = arith.index_cast %get3A_352 : i32 to index
      %get3A_356 = arith.index_cast %mul3A_350 : i32 to index
      %get3A_357 = tpu.vector_load %arg5[%get3A_353, %get3A_354, %get3A_355, %get3A_356] {strides = array<i32>} : memref<2x16x8x128xi32, #tpu.memory_space<vmem>>, vector<16xi32>,
      %bitcast3A = vector.bitcast %get3A_357 : vector<16xi32> to vector<16xi32>
      %xor3A = arith.xori %broadcast_in_dim3A_351, %bitcast3A : vector<16xi32>
      %mul3A_358 = arith.constant 16777619 : i32
      %mul3A_359 = vector.broadcast %mul3A_358 : i32 to vector<16xi32>
      %mul3A_360 = arith.muli %xor3A, %mul3A_359 : vector<16xi32>
      %get3A_361 = arith.constant 0 : i32
      %get3A_362 = arith.constant 1 : i32
      %get3A_363 = arith.index_cast %get3A_361 : i32 to index
      %get3A_364 = arith.index_cast %select_n3A_332 : i32 to index
      %get3A_365 = arith.index_cast %get3A_362 : i32 to index
      %get3A_366 = arith.index_cast %mul3A_350 : i32 to index
      %get3A_367 = tpu.vector_load %arg5[%get3A_363, %get3A_364, %get3A_365, %get3A_366] {strides = array<i32>} : memref<2x16x8x128xi32, #tpu.memory_space<vmem>>, vector<16xi32>,
      %bitcast3A_368 = vector.bitcast %get3A_367 : vector<16xi32> to vector<16xi32>
      %xor3A_369 = arith.xori %mul3A_360, %bitcast3A_368 : vector<16xi32>
      %mul3A_370 = arith.constant 16777619 : i32
      %mul3A_371 = vector.broadcast %mul3A_370 : i32 to vector<16xi32>
      %mul3A_372 = arith.muli %xor3A_369, %mul3A_371 : vector<16xi32>
      %get3A_373 = arith.constant 0 : i32
      %get3A_374 = arith.constant 2 : i32
      %get3A_375 = arith.index_cast %get3A_373 : i32 to index
      %get3A_376 = arith.index_cast %select_n3A_332 : i32 to index
      %get3A_377 = arith.index_cast %get3A_374 : i32 to index
      %get3A_378 = arith.index_cast %mul3A_350 : i32 to index
      %get3A_379 = tpu.vector_load %arg5[%get3A_375, %get3A_376, %get3A_377, %get3A_378] {strides = array<i32>} : memref<2x16x8x128xi32, #tpu.memory_space<vmem>>, vector<16xi32>,
      %bitcast3A_380 = vector.bitcast %get3A_379 : vector<16xi32> to vector<16xi32>
      %xor3A_381 = arith.xori %mul3A_372, %bitcast3A_380 : vector<16xi32>
      %mul3A_382 = arith.constant 16777619 : i32
      %mul3A_383 = vector.broadcast %mul3A_382 : i32 to vector<16xi32>
      %mul3A_384 = arith.muli %xor3A_381, %mul3A_383 : vector<16xi32>
      %get3A_385 = arith.constant 0 : i32
      %get3A_386 = arith.constant 3 : i32
      %get3A_387 = arith.index_cast %get3A_385 : i32 to index
      %get3A_388 = arith.index_cast %select_n3A_332 : i32 to index
      %get3A_389 = arith.index_cast %get3A_386 : i32 to index
      %get3A_390 = arith.index_cast %mul3A_350 : i32 to index
      %get3A_391 = tpu.vector_load %arg5[%get3A_387, %get3A_388, %get3A_389, %get3A_390] {strides = array<i32>} : memref<2x16x8x128xi32, #tpu.memory_space<vmem>>, vector<16xi32>,
      %bitcast3A_392 = vector.bitcast %get3A_391 : vector<16xi32> to vector<16xi32>
      %xor3A_393 = arith.xori %mul3A_384, %bitcast3A_392 : vector<16xi32>
      %mul3A_394 = arith.constant 16777619 : i32
      %mul3A_395 = vector.broadcast %mul3A_394 : i32 to vector<16xi32>
      %mul3A_396 = arith.muli %xor3A_393, %mul3A_395 : vector<16xi32>
      %get3A_397 = arith.constant 0 : i32
      %get3A_398 = arith.constant 4 : i32
      %get3A_399 = arith.index_cast %get3A_397 : i32 to index
      %get3A_400 = arith.index_cast %select_n3A_332 : i32 to index
      %get3A_401 = arith.index_cast %get3A_398 : i32 to index
      %get3A_402 = arith.index_cast %mul3A_350 : i32 to index
      %get3A_403 = tpu.vector_load %arg5[%get3A_399, %get3A_400, %get3A_401, %get3A_402] {strides = array<i32>} : memref<2x16x8x128xi32, #tpu.memory_space<vmem>>, vector<16xi32>,
      %bitcast3A_404 = vector.bitcast %get3A_403 : vector<16xi32> to vector<16xi32>
      %xor3A_405 = arith.xori %mul3A_396, %bitcast3A_404 : vector<16xi32>
      %mul3A_406 = arith.constant 16777619 : i32
      %mul3A_407 = vector.broadcast %mul3A_406 : i32 to vector<16xi32>
      %mul3A_408 = arith.muli %xor3A_405, %mul3A_407 : vector<16xi32>
      %get3A_409 = arith.constant 0 : i32
      %get3A_410 = arith.constant 5 : i32
      %get3A_411 = arith.index_cast %get3A_409 : i32 to index
      %get3A_412 = arith.index_cast %select_n3A_332 : i32 to index
      %get3A_413 = arith.index_cast %get3A_410 : i32 to index
      %get3A_414 = arith.index_cast %mul3A_350 : i32 to index
      %get3A_415 = tpu.vector_load %arg5[%get3A_411, %get3A_412, %get3A_413, %get3A_414] {strides = array<i32>} : memref<2x16x8x128xi32, #tpu.memory_space<vmem>>, vector<16xi32>,
      %bitcast3A_416 = vector.bitcast %get3A_415 : vector<16xi32> to vector<16xi32>
      %xor3A_417 = arith.xori %mul3A_408, %bitcast3A_416 : vector<16xi32>
      %mul3A_418 = arith.constant 16777619 : i32
      %mul3A_419 = vector.broadcast %mul3A_418 : i32 to vector<16xi32>
      %mul3A_420 = arith.muli %xor3A_417, %mul3A_419 : vector<16xi32>
      %get3A_421 = arith.constant 0 : i32
      %get3A_422 = arith.constant 6 : i32
      %get3A_423 = arith.index_cast %get3A_421 : i32 to index
      %get3A_424 = arith.index_cast %select_n3A_332 : i32 to index
      %get3A_425 = arith.index_cast %get3A_422 : i32 to index
      %get3A_426 = arith.index_cast %mul3A_350 : i32 to index
      %get3A_427 = tpu.vector_load %arg5[%get3A_423, %get3A_424, %get3A_425, %get3A_426] {strides = array<i32>} : memref<2x16x8x128xi32, #tpu.memory_space<vmem>>, vector<16xi32>,
      %bitcast3A_428 = vector.bitcast %get3A_427 : vector<16xi32> to vector<16xi32>
      %xor3A_429 = arith.xori %mul3A_420, %bitcast3A_428 : vector<16xi32>
      %mul3A_430 = arith.constant 16777619 : i32
      %mul3A_431 = vector.broadcast %mul3A_430 : i32 to vector<16xi32>
      %mul3A_432 = arith.muli %xor3A_429, %mul3A_431 : vector<16xi32>
      %get3A_433 = arith.constant 0 : i32
      %get3A_434 = arith.constant 7 : i32
      %get3A_435 = arith.index_cast %get3A_433 : i32 to index
      %get3A_436 = arith.index_cast %select_n3A_332 : i32 to index
      %get3A_437 = arith.index_cast %get3A_434 : i32 to index
      %get3A_438 = arith.index_cast %mul3A_350 : i32 to index
      %get3A_439 = tpu.vector_load %arg5[%get3A_435, %get3A_436, %get3A_437, %get3A_438] {strides = array<i32>} : memref<2x16x8x128xi32, #tpu.memory_space<vmem>>, vector<16xi32>,
      %bitcast3A_440 = vector.bitcast %get3A_439 : vector<16xi32> to vector<16xi32>
      %xor3A_441 = arith.xori %mul3A_432, %bitcast3A_440 : vector<16xi32>
      %mul3A_442 = arith.constant 16777619 : i32
      %mul3A_443 = vector.broadcast %mul3A_442 : i32 to vector<16xi32>
      %mul3A_444 = arith.muli %xor3A_441, %mul3A_443 : vector<16xi32>
      %get3A_445 = arith.constant 1 : i32
      %get3A_446 = arith.constant 0 : i32
      %get3A_447 = arith.index_cast %get3A_445 : i32 to index
      %get3A_448 = arith.index_cast %select_n3A_332 : i32 to index
      %get3A_449 = arith.index_cast %get3A_446 : i32 to index
      %get3A_450 = arith.index_cast %mul3A_350 : i32 to index
      %get3A_451 = tpu.vector_load %arg5[%get3A_447, %get3A_448, %get3A_449, %get3A_450] {strides = array<i32>} : memref<2x16x8x128xi32, #tpu.memory_space<vmem>>, vector<16xi32>,
      %bitcast3A_452 = vector.bitcast %get3A_451 : vector<16xi32> to vector<16xi32>
      %xor3A_453 = arith.xori %mul3A_444, %bitcast3A_452 : vector<16xi32>
      %mul3A_454 = arith.constant 16777619 : i32
      %mul3A_455 = vector.broadcast %mul3A_454 : i32 to vector<16xi32>
      %mul3A_456 = arith.muli %xor3A_453, %mul3A_455 : vector<16xi32>
      %get3A_457 = arith.constant 1 : i32
      %get3A_458 = arith.constant 1 : i32
      %get3A_459 = arith.index_cast %get3A_457 : i32 to index
      %get3A_460 = arith.index_cast %select_n3A_332 : i32 to index
      %get3A_461 = arith.index_cast %get3A_458 : i32 to index
      %get3A_462 = arith.index_cast %mul3A_350 : i32 to index
      %get3A_463 = tpu.vector_load %arg5[%get3A_459, %get3A_460, %get3A_461, %get3A_462] {strides = array<i32>} : memref<2x16x8x128xi32, #tpu.memory_space<vmem>>, vector<16xi32>,
      %bitcast3A_464 = vector.bitcast %get3A_463 : vector<16xi32> to vector<16xi32>
      %xor3A_465 = arith.xori %mul3A_456, %bitcast3A_464 : vector<16xi32>
      %mul3A_466 = arith.constant 16777619 : i32
      %mul3A_467 = vector.broadcast %mul3A_466 : i32 to vector<16xi32>
      %mul3A_468 = arith.muli %xor3A_465, %mul3A_467 : vector<16xi32>
      %get3A_469 = arith.constant 1 : i32
      %get3A_470 = arith.constant 2 : i32
      %get3A_471 = arith.index_cast %get3A_469 : i32 to index
      %get3A_472 = arith.index_cast %select_n3A_332 : i32 to index
      %get3A_473 = arith.index_cast %get3A_470 : i32 to index
      %get3A_474 = arith.index_cast %mul3A_350 : i32 to index
      %get3A_475 = tpu.vector_load %arg5[%get3A_471, %get3A_472, %get3A_473, %get3A_474] {strides = array<i32>} : memref<2x16x8x128xi32, #tpu.memory_space<vmem>>, vector<16xi32>,
      %bitcast3A_476 = vector.bitcast %get3A_475 : vector<16xi32> to vector<16xi32>
      %xor3A_477 = arith.xori %mul3A_468, %bitcast3A_476 : vector<16xi32>
      %mul3A_478 = arith.constant 16777619 : i32
      %mul3A_479 = vector.broadcast %mul3A_478 : i32 to vector<16xi32>
      %mul3A_480 = arith.muli %xor3A_477, %mul3A_479 : vector<16xi32>
      %get3A_481 = arith.constant 1 : i32
      %get3A_482 = arith.constant 3 : i32
      %get3A_483 = arith.index_cast %get3A_481 : i32 to index
      %get3A_484 = arith.index_cast %select_n3A_332 : i32 to index
      %get3A_485 = arith.index_cast %get3A_482 : i32 to index
      %get3A_486 = arith.index_cast %mul3A_350 : i32 to index
      %get3A_487 = tpu.vector_load %arg5[%get3A_483, %get3A_484, %get3A_485, %get3A_486] {strides = array<i32>} : memref<2x16x8x128xi32, #tpu.memory_space<vmem>>, vector<16xi32>,
      %bitcast3A_488 = vector.bitcast %get3A_487 : vector<16xi32> to vector<16xi32>
      %xor3A_489 = arith.xori %mul3A_480, %bitcast3A_488 : vector<16xi32>
      %mul3A_490 = arith.constant 16777619 : i32
      %mul3A_491 = vector.broadcast %mul3A_490 : i32 to vector<16xi32>
      %mul3A_492 = arith.muli %xor3A_489, %mul3A_491 : vector<16xi32>
      %get3A_493 = arith.constant 1 : i32
      %get3A_494 = arith.constant 4 : i32
      %get3A_495 = arith.index_cast %get3A_493 : i32 to index
      %get3A_496 = arith.index_cast %select_n3A_332 : i32 to index
      %get3A_497 = arith.index_cast %get3A_494 : i32 to index
      %get3A_498 = arith.index_cast %mul3A_350 : i32 to index
      %get3A_499 = tpu.vector_load %arg5[%get3A_495, %get3A_496, %get3A_497, %get3A_498] {strides = array<i32>} : memref<2x16x8x128xi32, #tpu.memory_space<vmem>>, vector<16xi32>,
      %bitcast3A_500 = vector.bitcast %get3A_499 : vector<16xi32> to vector<16xi32>
      %xor3A_501 = arith.xori %mul3A_492, %bitcast3A_500 : vector<16xi32>
      %mul3A_502 = arith.constant 16777619 : i32
      %mul3A_503 = vector.broadcast %mul3A_502 : i32 to vector<16xi32>
      %mul3A_504 = arith.muli %xor3A_501, %mul3A_503 : vector<16xi32>
      %get3A_505 = arith.constant 1 : i32
      %get3A_506 = arith.constant 5 : i32
      %get3A_507 = arith.index_cast %get3A_505 : i32 to index
      %get3A_508 = arith.index_cast %select_n3A_332 : i32 to index
      %get3A_509 = arith.index_cast %get3A_506 : i32 to index
      %get3A_510 = arith.index_cast %mul3A_350 : i32 to index
      %get3A_511 = tpu.vector_load %arg5[%get3A_507, %get3A_508, %get3A_509, %get3A_510] {strides = array<i32>} : memref<2x16x8x128xi32, #tpu.memory_space<vmem>>, vector<16xi32>,
      %bitcast3A_512 = vector.bitcast %get3A_511 : vector<16xi32> to vector<16xi32>
      %xor3A_513 = arith.xori %mul3A_504, %bitcast3A_512 : vector<16xi32>
      %mul3A_514 = arith.constant 16777619 : i32
      %mul3A_515 = vector.broadcast %mul3A_514 : i32 to vector<16xi32>
      %mul3A_516 = arith.muli %xor3A_513, %mul3A_515 : vector<16xi32>
      %get3A_517 = arith.constant 1 : i32
      %get3A_518 = arith.constant 6 : i32
      %get3A_519 = arith.index_cast %get3A_517 : i32 to index
      %get3A_520 = arith.index_cast %select_n3A_332 : i32 to index
      %get3A_521 = arith.index_cast %get3A_518 : i32 to index
      %get3A_522 = arith.index_cast %mul3A_350 : i32 to index
      %get3A_523 = tpu.vector_load %arg5[%get3A_519, %get3A_520, %get3A_521, %get3A_522] {strides = array<i32>} : memref<2x16x8x128xi32, #tpu.memory_space<vmem>>, vector<16xi32>,
      %bitcast3A_524 = vector.bitcast %get3A_523 : vector<16xi32> to vector<16xi32>
      %xor3A_525 = arith.xori %mul3A_516, %bitcast3A_524 : vector<16xi32>
      %mul3A_526 = arith.constant 16777619 : i32
      %mul3A_527 = vector.broadcast %mul3A_526 : i32 to vector<16xi32>
      %mul3A_528 = arith.muli %xor3A_525, %mul3A_527 : vector<16xi32>
      %get3A_529 = arith.constant 1 : i32
      %get3A_530 = arith.constant 7 : i32
      %get3A_531 = arith.index_cast %get3A_529 : i32 to index
      %get3A_532 = arith.index_cast %select_n3A_332 : i32 to index
      %get3A_533 = arith.index_cast %get3A_530 : i32 to index
      %get3A_534 = arith.index_cast %mul3A_350 : i32 to index
      %get3A_535 = tpu.vector_load %arg5[%get3A_531, %get3A_532, %get3A_533, %get3A_534] {strides = array<i32>} : memref<2x16x8x128xi32, #tpu.memory_space<vmem>>, vector<16xi32>,
      %bitcast3A_536 = vector.bitcast %get3A_535 : vector<16xi32> to vector<16xi32>
      %xor3A_537 = arith.xori %mul3A_528, %bitcast3A_536 : vector<16xi32>
      %mul3A_538 = arith.constant 16777619 : i32
      %mul3A_539 = vector.broadcast %mul3A_538 : i32 to vector<16xi32>
      %mul3A_540 = arith.muli %xor3A_537, %mul3A_539 : vector<16xi32>
      %jit3A_541 = arith.constant 100000 : i32
      %eq3A_542 = arith.constant 0 : i32
      %eq3A_543 = arith.cmpi eq, %jit3A_541, %eq3A_542 : i32
      %jit3A_544 = arith.constant 1 : i32
      %select_n3A_545 = arith.select %eq3A_543, %jit3A_544, %jit3A_541 : i32
      %rem3A_546 = vector.broadcast %select_n3A_545 : i32 to vector<16xi32>
      %rem3A_547 = arith.remui %mul3A_540, %rem3A_546 : vector<16xi32>
      %ne3A_548 = arith.constant 0 : i32
      %ne3A_549 = vector.broadcast %ne3A_548 : i32 to vector<16xi32>
      %ne3A_550 = arith.cmpi ne, %rem3A_547, %ne3A_549 : vector<16xi32>
      %lt3A_551 = arith.constant 0 : i32
      %lt3A_552 = vector.broadcast %lt3A_551 : i32 to vector<16xi32>
      %lt3A_553 = arith.cmpi ult, %rem3A_547, %lt3A_552 : vector<16xi32>
      %lt3A_554 = arith.constant 0 : i32
      %lt3A_555 = arith.cmpi ult, %select_n3A_545, %lt3A_554 : i32
      %ne3A_556 = vector.broadcast %lt3A_555 : i1 to vector<16xi1>
      %ne3A_557 = vector.broadcast %ne3A_556 : vector<16xi1> to vector<16xi1>
      %ne3A_558 = arith.xori %lt3A_553, %ne3A_557 : vector<16xi1>
      %and3A_559 = arith.andi %ne3A_558, %ne3A_550 : vector<16xi1>
      %add3A_560 = vector.broadcast %select_n3A_545 : i32 to vector<16xi32>
      %add3A_561 = arith.addi %rem3A_547, %add3A_560 : vector<16xi32>
      %select_n3A_562 = arith.select %and3A_559, %add3A_561, %rem3A_547 : vector<16xi1>, vector<16xi32>
      %bitcast3A_563 = vector.bitcast %select_n3A_562 : vector<16xi32> to vector<16xi32>
      %jit3A_564 = arith.constant 8 : i32
      %div3A_565 = arith.divsi %scan3A_308, %jit3A_564 : i32
      %sign3A_566 = arith.constant 0 : i32
      %sign3A_567 = arith.cmpi sgt, %scan3A_308, %sign3A_566 : i32
      %sign3A_568 = arith.extui %sign3A_567 : i1 to i32
      %sign3A_569 = arith.constant 0 : i32
      %sign3A_570 = arith.cmpi slt, %scan3A_308, %sign3A_569 : i32
      %sign3A_571 = arith.extui %sign3A_570 : i1 to i32
      %sign3A_572 = arith.subi %sign3A_568, %sign3A_571 : i32
      %sign3A_573 = arith.constant 0 : i32
      %sign3A_574 = arith.cmpi sgt, %jit3A_564, %sign3A_573 : i32
      %sign3A_575 = arith.extui %sign3A_574 : i1 to i32
      %sign3A_576 = arith.constant 0 : i32
      %sign3A_577 = arith.cmpi slt, %jit3A_564, %sign3A_576 : i32
      %sign3A_578 = arith.extui %sign3A_577 : i1 to i32
      %sign3A_579 = arith.subi %sign3A_575, %sign3A_578 : i32
      %ne3A_580 = arith.cmpi ne, %sign3A_572, %sign3A_579 : i32
      %rem3A_581 = arith.remsi %scan3A_308, %jit3A_564 : i32
      %ne3A_582 = arith.constant 0 : i32
      %ne3A_583 = arith.cmpi ne, %rem3A_581, %ne3A_582 : i32
      %and3A_584 = arith.andi %ne3A_580, %ne3A_583 : i1
      %sub3A_585 = arith.constant 1 : i32
      %sub3A_586 = arith.subi %div3A_565, %sub3A_585 : i32
      %select_n3A_587 = arith.select %and3A_584, %sub3A_586, %div3A_565 : i32
      %swap3A = arith.index_cast %select_n3A_587 : i32 to index
      %swap3A_588 = arith.index_cast %mul3A_350 : i32 to index
      %swap3A_589 = tpu.vector_load %arg6[%swap3A, %swap3A_588] {strides = array<i32>} : memref<16x128xi32, #tpu.memory_space<vmem>>, vector<16xi32>,
      tpu.vector_store %arg6[%swap3A, %swap3A_588], %bitcast3A_563 {strides = array<i32>} : memref<16x128xi32, #tpu.memory_space<vmem>>, vector<16xi32>,
    }
    %scan3A_39 = arith.constant 128 : i32
    %dma_start3A = arith.constant 0 : i32
    %dma_start3A_40 = arith.constant 0 : i32
    %dma_start3A_41 = arith.constant 0 : i32
    %dma_start3A_42 = tpu.memref_slice %arg7[%dma_start3A_40, %dma_start3A_41] : memref<256x64xf32, #tpu.memory_space<vmem>> -> memref<128x64xf32, #tpu.memory_space<vmem>>
    %dma_start3A_43 = arith.constant 0 : i32
    %dma_start3A_44 = tpu.memref_slice %arg6[%dma_start3A, %dma_start3A_43] : memref<16x128xi32, #tpu.memory_space<vmem>> -> memref<1x128xi32, #tpu.memory_space<vmem>>
    %dma_start3A_45 = tpu.memref_squeeze %dma_start3A_44 : memref<1x128xi32, #tpu.memory_space<vmem>> -> memref<128xi32, #tpu.memory_space<vmem>>
    %dma_start3A_46 = arith.constant 0 : i32
    %dma_start3A_47 = arith.constant 0 : i32
    %dma_start3A_48 = tpu.memref_slice %arg3[%dma_start3A_46, %dma_start3A_47] : memref<100352x64xf32, #tpu.memory_space<hbm>> -> memref<100352x64xf32, #tpu.memory_space<hbm>>
    tpu.enqueue_indirect_dma source(%dma_start3A_48 : memref<100352x64xf32, #tpu.memory_space<hbm>>) target(%dma_start3A_42 : memref<128x64xf32, #tpu.memory_space<vmem>>) offsets(%dma_start3A_45 : memref<128xi32, #tpu.memory_space<vmem>>) semaphore(%arg11 : memref<!tpu.dma_semaphore, #tpu.memory_space<semaphore_mem>>)
    %dma_start3A_49 = arith.constant 1 : i32
    %dma_start3A_50 = arith.constant 128 : i32
    %dma_start3A_51 = arith.constant 0 : i32
    %dma_start3A_52 = tpu.memref_slice %arg7[%dma_start3A_50, %dma_start3A_51] : memref<256x64xf32, #tpu.memory_space<vmem>> -> memref<128x64xf32, #tpu.memory_space<vmem>>
    %dma_start3A_53 = arith.constant 0 : i32
    %dma_start3A_54 = tpu.memref_slice %arg6[%dma_start3A_49, %dma_start3A_53] : memref<16x128xi32, #tpu.memory_space<vmem>> -> memref<1x128xi32, #tpu.memory_space<vmem>>
    %dma_start3A_55 = tpu.memref_squeeze %dma_start3A_54 : memref<1x128xi32, #tpu.memory_space<vmem>> -> memref<128xi32, #tpu.memory_space<vmem>>
    %dma_start3A_56 = arith.constant 0 : i32
    %dma_start3A_57 = arith.constant 0 : i32
    %dma_start3A_58 = tpu.memref_slice %arg3[%dma_start3A_56, %dma_start3A_57] : memref<100352x64xf32, #tpu.memory_space<hbm>> -> memref<100352x64xf32, #tpu.memory_space<hbm>>
    tpu.enqueue_indirect_dma source(%dma_start3A_58 : memref<100352x64xf32, #tpu.memory_space<hbm>>) target(%dma_start3A_52 : memref<128x64xf32, #tpu.memory_space<vmem>>) offsets(%dma_start3A_55 : memref<128xi32, #tpu.memory_space<vmem>>) semaphore(%arg11 : memref<!tpu.dma_semaphore, #tpu.memory_space<semaphore_mem>>)
    %dma_start3A_59 = arith.constant 2 : i32
    %dma_start3A_60 = arith.constant 0 : i32
    %dma_start3A_61 = arith.constant 0 : i32
    %dma_start3A_62 = tpu.memref_slice %arg8[%dma_start3A_60, %dma_start3A_61] : memref<256x64xf32, #tpu.memory_space<vmem>> -> memref<128x64xf32, #tpu.memory_space<vmem>>
    %dma_start3A_63 = arith.constant 0 : i32
    %dma_start3A_64 = tpu.memref_slice %arg6[%dma_start3A_59, %dma_start3A_63] : memref<16x128xi32, #tpu.memory_space<vmem>> -> memref<1x128xi32, #tpu.memory_space<vmem>>
    %dma_start3A_65 = tpu.memref_squeeze %dma_start3A_64 : memref<1x128xi32, #tpu.memory_space<vmem>> -> memref<128xi32, #tpu.memory_space<vmem>>
    %dma_start3A_66 = arith.constant 0 : i32
    %dma_start3A_67 = arith.constant 0 : i32
    %dma_start3A_68 = tpu.memref_slice %arg3[%dma_start3A_66, %dma_start3A_67] : memref<100352x64xf32, #tpu.memory_space<hbm>> -> memref<100352x64xf32, #tpu.memory_space<hbm>>
    tpu.enqueue_indirect_dma source(%dma_start3A_68 : memref<100352x64xf32, #tpu.memory_space<hbm>>) target(%dma_start3A_62 : memref<128x64xf32, #tpu.memory_space<vmem>>) offsets(%dma_start3A_65 : memref<128xi32, #tpu.memory_space<vmem>>) semaphore(%arg12 : memref<!tpu.dma_semaphore, #tpu.memory_space<semaphore_mem>>)
    %dma_start3A_69 = arith.constant 3 : i32
    %dma_start3A_70 = arith.constant 128 : i32
    %dma_start3A_71 = arith.constant 0 : i32
    %dma_start3A_72 = tpu.memref_slice %arg8[%dma_start3A_70, %dma_start3A_71] : memref<256x64xf32, #tpu.memory_space<vmem>> -> memref<128x64xf32, #tpu.memory_space<vmem>>
    %dma_start3A_73 = arith.constant 0 : i32
    %dma_start3A_74 = tpu.memref_slice %arg6[%dma_start3A_69, %dma_start3A_73] : memref<16x128xi32, #tpu.memory_space<vmem>> -> memref<1x128xi32, #tpu.memory_space<vmem>>
    %dma_start3A_75 = tpu.memref_squeeze %dma_start3A_74 : memref<1x128xi32, #tpu.memory_space<vmem>> -> memref<128xi32, #tpu.memory_space<vmem>>
    %dma_start3A_76 = arith.constant 0 : i32
    %dma_start3A_77 = arith.constant 0 : i32
    %dma_start3A_78 = tpu.memref_slice %arg3[%dma_start3A_76, %dma_start3A_77] : memref<100352x64xf32, #tpu.memory_space<hbm>> -> memref<100352x64xf32, #tpu.memory_space<hbm>>
    tpu.enqueue_indirect_dma source(%dma_start3A_78 : memref<100352x64xf32, #tpu.memory_space<hbm>>) target(%dma_start3A_72 : memref<128x64xf32, #tpu.memory_space<vmem>>) offsets(%dma_start3A_75 : memref<128xi32, #tpu.memory_space<vmem>>) semaphore(%arg12 : memref<!tpu.dma_semaphore, #tpu.memory_space<semaphore_mem>>)
    %dma_wait3A = arith.constant 0 : i32
    %dma_wait3A_79 = arith.constant 0 : i32
    %dma_wait3A_80 = arith.constant 0 : i32
    %dma_wait3A_81 = tpu.memref_slice %arg7[%dma_wait3A_79, %dma_wait3A_80] : memref<256x64xf32, #tpu.memory_space<vmem>> -> memref<128x64xf32, #tpu.memory_space<vmem>>
    %dma_wait3A_82 = arith.constant 0 : i32
    %dma_wait3A_83 = tpu.memref_slice %arg6[%dma_wait3A, %dma_wait3A_82] : memref<16x128xi32, #tpu.memory_space<vmem>> -> memref<1x128xi32, #tpu.memory_space<vmem>>
    %dma_wait3A_84 = tpu.memref_squeeze %dma_wait3A_83 : memref<1x128xi32, #tpu.memory_space<vmem>> -> memref<128xi32, #tpu.memory_space<vmem>>
    %dma_wait3A_85 = arith.constant 0 : i32
    %dma_wait3A_86 = arith.constant 0 : i32
    %dma_wait3A_87 = tpu.memref_slice %arg3[%dma_wait3A_85, %dma_wait3A_86] : memref<100352x64xf32, #tpu.memory_space<hbm>> -> memref<100352x64xf32, #tpu.memory_space<hbm>>
    tpu.wait_indirect_dma semaphore(%arg11 : memref<!tpu.dma_semaphore, #tpu.memory_space<semaphore_mem>>) src(%dma_wait3A_87 : memref<100352x64xf32, #tpu.memory_space<hbm>>) dst(%dma_wait3A_81 : memref<128x64xf32, #tpu.memory_space<vmem>>)
    %dma_wait3A_88 = arith.constant 1 : i32
    %dma_wait3A_89 = arith.constant 128 : i32
    %dma_wait3A_90 = arith.constant 0 : i32
    %dma_wait3A_91 = tpu.memref_slice %arg7[%dma_wait3A_89, %dma_wait3A_90] : memref<256x64xf32, #tpu.memory_space<vmem>> -> memref<128x64xf32, #tpu.memory_space<vmem>>
    %dma_wait3A_92 = arith.constant 0 : i32
    %dma_wait3A_93 = tpu.memref_slice %arg6[%dma_wait3A_88, %dma_wait3A_92] : memref<16x128xi32, #tpu.memory_space<vmem>> -> memref<1x128xi32, #tpu.memory_space<vmem>>
    %dma_wait3A_94 = tpu.memref_squeeze %dma_wait3A_93 : memref<1x128xi32, #tpu.memory_space<vmem>> -> memref<128xi32, #tpu.memory_space<vmem>>
    %dma_wait3A_95 = arith.constant 0 : i32
    %dma_wait3A_96 = arith.constant 0 : i32
    %dma_wait3A_97 = tpu.memref_slice %arg3[%dma_wait3A_95, %dma_wait3A_96] : memref<100352x64xf32, #tpu.memory_space<hbm>> -> memref<100352x64xf32, #tpu.memory_space<hbm>>
    tpu.wait_indirect_dma semaphore(%arg11 : memref<!tpu.dma_semaphore, #tpu.memory_space<semaphore_mem>>) src(%dma_wait3A_97 : memref<100352x64xf32, #tpu.memory_space<hbm>>) dst(%dma_wait3A_91 : memref<128x64xf32, #tpu.memory_space<vmem>>)
    %scan3A_98 = arith.constant 0 : i32
    %scan3A_99 = arith.constant 0 : i32
    %scan3A_100 = arith.constant 64 : i32
    %scan3A_101 = arith.addi %scan3A_99, %scan3A_100 : i32
    %scan3A_102 = arith.constant 1 : i32
    scf.for %scan3A_308 = %scan3A_99 to %scan3A_101 step %scan3A_102  : i32 {
      %broadcast_in_dim3A = vector.broadcast %scan3A_308 : i32 to vector<16xi32>
      %add3A_309 = arith.constant 0 : i32
      %add3A_310 = vector.broadcast %add3A_309 : i32 to vector<16xi32>
      %add3A_311 = arith.addi %iota3A, %add3A_310 : vector<16xi32>
      %gather3A = tpu.vector_load_idx %arg7[%add3A_311, %broadcast_in_dim3A] : memref<256x64xf32, #tpu.memory_space<vmem>>[vector<16xi32>, vector<16xi32>], vector<16xf32>,
      %jit3A_312 = arith.constant 8 : i32
      %div3A_313 = arith.divsi %scan3A_308, %jit3A_312 : i32
      %sign3A_314 = arith.constant 0 : i32
      %sign3A_315 = arith.cmpi sgt, %scan3A_308, %sign3A_314 : i32
      %sign3A_316 = arith.extui %sign3A_315 : i1 to i32
      %sign3A_317 = arith.constant 0 : i32
      %sign3A_318 = arith.cmpi slt, %scan3A_308, %sign3A_317 : i32
      %sign3A_319 = arith.extui %sign3A_318 : i1 to i32
      %sign3A_320 = arith.subi %sign3A_316, %sign3A_319 : i32
      %sign3A_321 = arith.constant 0 : i32
      %sign3A_322 = arith.cmpi sgt, %jit3A_312, %sign3A_321 : i32
      %sign3A_323 = arith.extui %sign3A_322 : i1 to i32
      %sign3A_324 = arith.constant 0 : i32
      %sign3A_325 = arith.cmpi slt, %jit3A_312, %sign3A_324 : i32
      %sign3A_326 = arith.extui %sign3A_325 : i1 to i32
      %sign3A_327 = arith.subi %sign3A_323, %sign3A_326 : i32
      %ne3A_328 = arith.cmpi ne, %sign3A_320, %sign3A_327 : i32
      %rem3A_329 = arith.remsi %scan3A_308, %jit3A_312 : i32
      %ne3A_330 = arith.constant 0 : i32
      %ne3A_331 = arith.cmpi ne, %rem3A_329, %ne3A_330 : i32
      %and3A_332 = arith.andi %ne3A_328, %ne3A_331 : i1
      %sub3A_333 = arith.constant 1 : i32
      %sub3A_334 = arith.subi %div3A_313, %sub3A_333 : i32
      %select_n3A_335 = arith.select %and3A_332, %sub3A_334, %div3A_313 : i32
      %jit3A_336 = arith.constant 8 : i32
      %eq3A_337 = arith.constant 0 : i32
      %eq3A_338 = arith.cmpi eq, %jit3A_336, %eq3A_337 : i32
      %jit3A_339 = arith.constant 1 : i32
      %select_n3A_340 = arith.select %eq3A_338, %jit3A_339, %jit3A_336 : i32
      %rem3A_341 = arith.remsi %scan3A_308, %select_n3A_340 : i32
      %ne3A_342 = arith.constant 0 : i32
      %ne3A_343 = arith.cmpi ne, %rem3A_341, %ne3A_342 : i32
      %lt3A_344 = arith.constant 0 : i32
      %lt3A_345 = arith.cmpi slt, %rem3A_341, %lt3A_344 : i32
      %lt3A_346 = arith.constant 0 : i32
      %lt3A_347 = arith.cmpi slt, %select_n3A_340, %lt3A_346 : i32
      %ne3A_348 = arith.xori %lt3A_345, %lt3A_347 : i1
      %and3A_349 = arith.andi %ne3A_348, %ne3A_343 : i1
      %add3A_350 = arith.addi %rem3A_341, %select_n3A_340 : i32
      %select_n3A_351 = arith.select %and3A_349, %add3A_350, %rem3A_341 : i32
      %swap3A = arith.constant 0 : i32
      %swap3A_352 = arith.index_cast %select_n3A_335 : i32 to index
      %swap3A_353 = arith.index_cast %swap3A : i32 to index
      %swap3A_354 = arith.index_cast %select_n3A_351 : i32 to index
      %swap3A_355 = arith.constant 0 : index
      %swap3A_356 = tpu.vector_load %arg9[%swap3A_352, %swap3A_353, %swap3A_354, %swap3A_355] {strides = array<i32>} : memref<8x2x8x128xf32, #tpu.memory_space<vmem>>, vector<16xf32>,
      tpu.vector_store %arg9[%swap3A_352, %swap3A_353, %swap3A_354, %swap3A_355], %gather3A {strides = array<i32>} : memref<8x2x8x128xf32, #tpu.memory_space<vmem>>, vector<16xf32>,
      %add3A_357 = arith.constant 16 : i32
      %add3A_358 = vector.broadcast %add3A_357 : i32 to vector<16xi32>
      %add3A_359 = arith.addi %iota3A, %add3A_358 : vector<16xi32>
      %gather3A_360 = tpu.vector_load_idx %arg7[%add3A_359, %broadcast_in_dim3A] : memref<256x64xf32, #tpu.memory_space<vmem>>[vector<16xi32>, vector<16xi32>], vector<16xf32>,
      %jit3A_361 = arith.constant 8 : i32
      %div3A_362 = arith.divsi %scan3A_308, %jit3A_361 : i32
      %sign3A_363 = arith.constant 0 : i32
      %sign3A_364 = arith.cmpi sgt, %scan3A_308, %sign3A_363 : i32
      %sign3A_365 = arith.extui %sign3A_364 : i1 to i32
      %sign3A_366 = arith.constant 0 : i32
      %sign3A_367 = arith.cmpi slt, %scan3A_308, %sign3A_366 : i32
      %sign3A_368 = arith.extui %sign3A_367 : i1 to i32
      %sign3A_369 = arith.subi %sign3A_365, %sign3A_368 : i32
      %sign3A_370 = arith.constant 0 : i32
      %sign3A_371 = arith.cmpi sgt, %jit3A_361, %sign3A_370 : i32
      %sign3A_372 = arith.extui %sign3A_371 : i1 to i32
      %sign3A_373 = arith.constant 0 : i32
      %sign3A_374 = arith.cmpi slt, %jit3A_361, %sign3A_373 : i32
      %sign3A_375 = arith.extui %sign3A_374 : i1 to i32
      %sign3A_376 = arith.subi %sign3A_372, %sign3A_375 : i32
      %ne3A_377 = arith.cmpi ne, %sign3A_369, %sign3A_376 : i32
      %rem3A_378 = arith.remsi %scan3A_308, %jit3A_361 : i32
      %ne3A_379 = arith.constant 0 : i32
      %ne3A_380 = arith.cmpi ne, %rem3A_378, %ne3A_379 : i32
      %and3A_381 = arith.andi %ne3A_377, %ne3A_380 : i1
      %sub3A_382 = arith.constant 1 : i32
      %sub3A_383 = arith.subi %div3A_362, %sub3A_382 : i32
      %select_n3A_384 = arith.select %and3A_381, %sub3A_383, %div3A_362 : i32
      %jit3A_385 = arith.constant 8 : i32
      %eq3A_386 = arith.constant 0 : i32
      %eq3A_387 = arith.cmpi eq, %jit3A_385, %eq3A_386 : i32
      %jit3A_388 = arith.constant 1 : i32
      %select_n3A_389 = arith.select %eq3A_387, %jit3A_388, %jit3A_385 : i32
      %rem3A_390 = arith.remsi %scan3A_308, %select_n3A_389 : i32
      %ne3A_391 = arith.constant 0 : i32
      %ne3A_392 = arith.cmpi ne, %rem3A_390, %ne3A_391 : i32
      %lt3A_393 = arith.constant 0 : i32
      %lt3A_394 = arith.cmpi slt, %rem3A_390, %lt3A_393 : i32
      %lt3A_395 = arith.constant 0 : i32
      %lt3A_396 = arith.cmpi slt, %select_n3A_389, %lt3A_395 : i32
      %ne3A_397 = arith.xori %lt3A_394, %lt3A_396 : i1
      %and3A_398 = arith.andi %ne3A_397, %ne3A_392 : i1
      %add3A_399 = arith.addi %rem3A_390, %select_n3A_389 : i32
      %select_n3A_400 = arith.select %and3A_398, %add3A_399, %rem3A_390 : i32
      %swap3A_401 = arith.constant 0 : i32
      %swap3A_402 = arith.index_cast %select_n3A_384 : i32 to index
      %swap3A_403 = arith.index_cast %swap3A_401 : i32 to index
      %swap3A_404 = arith.index_cast %select_n3A_400 : i32 to index
      %swap3A_405 = arith.constant 16 : index
      %swap3A_406 = tpu.vector_load %arg9[%swap3A_402, %swap3A_403, %swap3A_404, %swap3A_405] {strides = array<i32>} : memref<8x2x8x128xf32, #tpu.memory_space<vmem>>, vector<16xf32>,
      tpu.vector_store %arg9[%swap3A_402, %swap3A_403, %swap3A_404, %swap3A_405], %gather3A_360 {strides = array<i32>} : memref<8x2x8x128xf32, #tpu.memory_space<vmem>>, vector<16xf32>,
      %add3A_407 = arith.constant 32 : i32
      %add3A_408 = vector.broadcast %add3A_407 : i32 to vector<16xi32>
      %add3A_409 = arith.addi %iota3A, %add3A_408 : vector<16xi32>
      %gather3A_410 = tpu.vector_load_idx %arg7[%add3A_409, %broadcast_in_dim3A] : memref<256x64xf32, #tpu.memory_space<vmem>>[vector<16xi32>, vector<16xi32>], vector<16xf32>,
      %jit3A_411 = arith.constant 8 : i32
      %div3A_412 = arith.divsi %scan3A_308, %jit3A_411 : i32
      %sign3A_413 = arith.constant 0 : i32
      %sign3A_414 = arith.cmpi sgt, %scan3A_308, %sign3A_413 : i32
      %sign3A_415 = arith.extui %sign3A_414 : i1 to i32
      %sign3A_416 = arith.constant 0 : i32
      %sign3A_417 = arith.cmpi slt, %scan3A_308, %sign3A_416 : i32
      %sign3A_418 = arith.extui %sign3A_417 : i1 to i32
      %sign3A_419 = arith.subi %sign3A_415, %sign3A_418 : i32
      %sign3A_420 = arith.constant 0 : i32
      %sign3A_421 = arith.cmpi sgt, %jit3A_411, %sign3A_420 : i32
      %sign3A_422 = arith.extui %sign3A_421 : i1 to i32
      %sign3A_423 = arith.constant 0 : i32
      %sign3A_424 = arith.cmpi slt, %jit3A_411, %sign3A_423 : i32
      %sign3A_425 = arith.extui %sign3A_424 : i1 to i32
      %sign3A_426 = arith.subi %sign3A_422, %sign3A_425 : i32
      %ne3A_427 = arith.cmpi ne, %sign3A_419, %sign3A_426 : i32
      %rem3A_428 = arith.remsi %scan3A_308, %jit3A_411 : i32
      %ne3A_429 = arith.constant 0 : i32
      %ne3A_430 = arith.cmpi ne, %rem3A_428, %ne3A_429 : i32
      %and3A_431 = arith.andi %ne3A_427, %ne3A_430 : i1
      %sub3A_432 = arith.constant 1 : i32
      %sub3A_433 = arith.subi %div3A_412, %sub3A_432 : i32
      %select_n3A_434 = arith.select %and3A_431, %sub3A_433, %div3A_412 : i32
      %jit3A_435 = arith.constant 8 : i32
      %eq3A_436 = arith.constant 0 : i32
      %eq3A_437 = arith.cmpi eq, %jit3A_435, %eq3A_436 : i32
      %jit3A_438 = arith.constant 1 : i32
      %select_n3A_439 = arith.select %eq3A_437, %jit3A_438, %jit3A_435 : i32
      %rem3A_440 = arith.remsi %scan3A_308, %select_n3A_439 : i32
      %ne3A_441 = arith.constant 0 : i32
      %ne3A_442 = arith.cmpi ne, %rem3A_440, %ne3A_441 : i32
      %lt3A_443 = arith.constant 0 : i32
      %lt3A_444 = arith.cmpi slt, %rem3A_440, %lt3A_443 : i32
      %lt3A_445 = arith.constant 0 : i32
      %lt3A_446 = arith.cmpi slt, %select_n3A_439, %lt3A_445 : i32
      %ne3A_447 = arith.xori %lt3A_444, %lt3A_446 : i1
      %and3A_448 = arith.andi %ne3A_447, %ne3A_442 : i1
      %add3A_449 = arith.addi %rem3A_440, %select_n3A_439 : i32
      %select_n3A_450 = arith.select %and3A_448, %add3A_449, %rem3A_440 : i32
      %swap3A_451 = arith.constant 0 : i32
      %swap3A_452 = arith.index_cast %select_n3A_434 : i32 to index
      %swap3A_453 = arith.index_cast %swap3A_451 : i32 to index
      %swap3A_454 = arith.index_cast %select_n3A_450 : i32 to index
      %swap3A_455 = arith.constant 32 : index
      %swap3A_456 = tpu.vector_load %arg9[%swap3A_452, %swap3A_453, %swap3A_454, %swap3A_455] {strides = array<i32>} : memref<8x2x8x128xf32, #tpu.memory_space<vmem>>, vector<16xf32>,
      tpu.vector_store %arg9[%swap3A_452, %swap3A_453, %swap3A_454, %swap3A_455], %gather3A_410 {strides = array<i32>} : memref<8x2x8x128xf32, #tpu.memory_space<vmem>>, vector<16xf32>,
      %add3A_457 = arith.constant 48 : i32
      %add3A_458 = vector.broadcast %add3A_457 : i32 to vector<16xi32>
      %add3A_459 = arith.addi %iota3A, %add3A_458 : vector<16xi32>
      %gather3A_460 = tpu.vector_load_idx %arg7[%add3A_459, %broadcast_in_dim3A] : memref<256x64xf32, #tpu.memory_space<vmem>>[vector<16xi32>, vector<16xi32>], vector<16xf32>,
      %jit3A_461 = arith.constant 8 : i32
      %div3A_462 = arith.divsi %scan3A_308, %jit3A_461 : i32
      %sign3A_463 = arith.constant 0 : i32
      %sign3A_464 = arith.cmpi sgt, %scan3A_308, %sign3A_463 : i32
      %sign3A_465 = arith.extui %sign3A_464 : i1 to i32
      %sign3A_466 = arith.constant 0 : i32
      %sign3A_467 = arith.cmpi slt, %scan3A_308, %sign3A_466 : i32
      %sign3A_468 = arith.extui %sign3A_467 : i1 to i32
      %sign3A_469 = arith.subi %sign3A_465, %sign3A_468 : i32
      %sign3A_470 = arith.constant 0 : i32
      %sign3A_471 = arith.cmpi sgt, %jit3A_461, %sign3A_470 : i32
      %sign3A_472 = arith.extui %sign3A_471 : i1 to i32
      %sign3A_473 = arith.constant 0 : i32
      %sign3A_474 = arith.cmpi slt, %jit3A_461, %sign3A_473 : i32
      %sign3A_475 = arith.extui %sign3A_474 : i1 to i32
      %sign3A_476 = arith.subi %sign3A_472, %sign3A_475 : i32
      %ne3A_477 = arith.cmpi ne, %sign3A_469, %sign3A_476 : i32
      %rem3A_478 = arith.remsi %scan3A_308, %jit3A_461 : i32
      %ne3A_479 = arith.constant 0 : i32
      %ne3A_480 = arith.cmpi ne, %rem3A_478, %ne3A_479 : i32
      %and3A_481 = arith.andi %ne3A_477, %ne3A_480 : i1
      %sub3A_482 = arith.constant 1 : i32
      %sub3A_483 = arith.subi %div3A_462, %sub3A_482 : i32
      %select_n3A_484 = arith.select %and3A_481, %sub3A_483, %div3A_462 : i32
      %jit3A_485 = arith.constant 8 : i32
      %eq3A_486 = arith.constant 0 : i32
      %eq3A_487 = arith.cmpi eq, %jit3A_485, %eq3A_486 : i32
      %jit3A_488 = arith.constant 1 : i32
      %select_n3A_489 = arith.select %eq3A_487, %jit3A_488, %jit3A_485 : i32
      %rem3A_490 = arith.remsi %scan3A_308, %select_n3A_489 : i32
      %ne3A_491 = arith.constant 0 : i32
      %ne3A_492 = arith.cmpi ne, %rem3A_490, %ne3A_491 : i32
      %lt3A_493 = arith.constant 0 : i32
      %lt3A_494 = arith.cmpi slt, %rem3A_490, %lt3A_493 : i32
      %lt3A_495 = arith.constant 0 : i32
      %lt3A_496 = arith.cmpi slt, %select_n3A_489, %lt3A_495 : i32
      %ne3A_497 = arith.xori %lt3A_494, %lt3A_496 : i1
      %and3A_498 = arith.andi %ne3A_497, %ne3A_492 : i1
      %add3A_499 = arith.addi %rem3A_490, %select_n3A_489 : i32
      %select_n3A_500 = arith.select %and3A_498, %add3A_499, %rem3A_490 : i32
      %swap3A_501 = arith.constant 0 : i32
      %swap3A_502 = arith.index_cast %select_n3A_484 : i32 to index
      %swap3A_503 = arith.index_cast %swap3A_501 : i32 to index
      %swap3A_504 = arith.index_cast %select_n3A_500 : i32 to index
      %swap3A_505 = arith.constant 48 : index
      %swap3A_506 = tpu.vector_load %arg9[%swap3A_502, %swap3A_503, %swap3A_504, %swap3A_505] {strides = array<i32>} : memref<8x2x8x128xf32, #tpu.memory_space<vmem>>, vector<16xf32>,
      tpu.vector_store %arg9[%swap3A_502, %swap3A_503, %swap3A_504, %swap3A_505], %gather3A_460 {strides = array<i32>} : memref<8x2x8x128xf32, #tpu.memory_space<vmem>>, vector<16xf32>,
      %add3A_507 = arith.constant 64 : i32
      %add3A_508 = vector.broadcast %add3A_507 : i32 to vector<16xi32>
      %add3A_509 = arith.addi %iota3A, %add3A_508 : vector<16xi32>
      %gather3A_510 = tpu.vector_load_idx %arg7[%add3A_509, %broadcast_in_dim3A] : memref<256x64xf32, #tpu.memory_space<vmem>>[vector<16xi32>, vector<16xi32>], vector<16xf32>,
      %jit3A_511 = arith.constant 8 : i32
      %div3A_512 = arith.divsi %scan3A_308, %jit3A_511 : i32
      %sign3A_513 = arith.constant 0 : i32
      %sign3A_514 = arith.cmpi sgt, %scan3A_308, %sign3A_513 : i32
      %sign3A_515 = arith.extui %sign3A_514 : i1 to i32
      %sign3A_516 = arith.constant 0 : i32
      %sign3A_517 = arith.cmpi slt, %scan3A_308, %sign3A_516 : i32
      %sign3A_518 = arith.extui %sign3A_517 : i1 to i32
      %sign3A_519 = arith.subi %sign3A_515, %sign3A_518 : i32
      %sign3A_520 = arith.constant 0 : i32
      %sign3A_521 = arith.cmpi sgt, %jit3A_511, %sign3A_520 : i32
      %sign3A_522 = arith.extui %sign3A_521 : i1 to i32
      %sign3A_523 = arith.constant 0 : i32
      %sign3A_524 = arith.cmpi slt, %jit3A_511, %sign3A_523 : i32
      %sign3A_525 = arith.extui %sign3A_524 : i1 to i32
      %sign3A_526 = arith.subi %sign3A_522, %sign3A_525 : i32
      %ne3A_527 = arith.cmpi ne, %sign3A_519, %sign3A_526 : i32
      %rem3A_528 = arith.remsi %scan3A_308, %jit3A_511 : i32
      %ne3A_529 = arith.constant 0 : i32
      %ne3A_530 = arith.cmpi ne, %rem3A_528, %ne3A_529 : i32
      %and3A_531 = arith.andi %ne3A_527, %ne3A_530 : i1
      %sub3A_532 = arith.constant 1 : i32
      %sub3A_533 = arith.subi %div3A_512, %sub3A_532 : i32
      %select_n3A_534 = arith.select %and3A_531, %sub3A_533, %div3A_512 : i32
      %jit3A_535 = arith.constant 8 : i32
      %eq3A_536 = arith.constant 0 : i32
      %eq3A_537 = arith.cmpi eq, %jit3A_535, %eq3A_536 : i32
      %jit3A_538 = arith.constant 1 : i32
      %select_n3A_539 = arith.select %eq3A_537, %jit3A_538, %jit3A_535 : i32
      %rem3A_540 = arith.remsi %scan3A_308, %select_n3A_539 : i32
      %ne3A_541 = arith.constant 0 : i32
      %ne3A_542 = arith.cmpi ne, %rem3A_540, %ne3A_541 : i32
      %lt3A_543 = arith.constant 0 : i32
      %lt3A_544 = arith.cmpi slt, %rem3A_540, %lt3A_543 : i32
      %lt3A_545 = arith.constant 0 : i32
      %lt3A_546 = arith.cmpi slt, %select_n3A_539, %lt3A_545 : i32
      %ne3A_547 = arith.xori %lt3A_544, %lt3A_546 : i1
      %and3A_548 = arith.andi %ne3A_547, %ne3A_542 : i1
      %add3A_549 = arith.addi %rem3A_540, %select_n3A_539 : i32
      %select_n3A_550 = arith.select %and3A_548, %add3A_549, %rem3A_540 : i32
      %swap3A_551 = arith.constant 0 : i32
      %swap3A_552 = arith.index_cast %select_n3A_534 : i32 to index
      %swap3A_553 = arith.index_cast %swap3A_551 : i32 to index
      %swap3A_554 = arith.index_cast %select_n3A_550 : i32 to index
      %swap3A_555 = arith.constant 64 : index
      %swap3A_556 = tpu.vector_load %arg9[%swap3A_552, %swap3A_553, %swap3A_554, %swap3A_555] {strides = array<i32>} : memref<8x2x8x128xf32, #tpu.memory_space<vmem>>, vector<16xf32>,
      tpu.vector_store %arg9[%swap3A_552, %swap3A_553, %swap3A_554, %swap3A_555], %gather3A_510 {strides = array<i32>} : memref<8x2x8x128xf32, #tpu.memory_space<vmem>>, vector<16xf32>,
      %add3A_557 = arith.constant 80 : i32
      %add3A_558 = vector.broadcast %add3A_557 : i32 to vector<16xi32>
      %add3A_559 = arith.addi %iota3A, %add3A_558 : vector<16xi32>
      %gather3A_560 = tpu.vector_load_idx %arg7[%add3A_559, %broadcast_in_dim3A] : memref<256x64xf32, #tpu.memory_space<vmem>>[vector<16xi32>, vector<16xi32>], vector<16xf32>,
      %jit3A_561 = arith.constant 8 : i32
      %div3A_562 = arith.divsi %scan3A_308, %jit3A_561 : i32
      %sign3A_563 = arith.constant 0 : i32
      %sign3A_564 = arith.cmpi sgt, %scan3A_308, %sign3A_563 : i32
      %sign3A_565 = arith.extui %sign3A_564 : i1 to i32
      %sign3A_566 = arith.constant 0 : i32
      %sign3A_567 = arith.cmpi slt, %scan3A_308, %sign3A_566 : i32
      %sign3A_568 = arith.extui %sign3A_567 : i1 to i32
      %sign3A_569 = arith.subi %sign3A_565, %sign3A_568 : i32
      %sign3A_570 = arith.constant 0 : i32
      %sign3A_571 = arith.cmpi sgt, %jit3A_561, %sign3A_570 : i32
      %sign3A_572 = arith.extui %sign3A_571 : i1 to i32
      %sign3A_573 = arith.constant 0 : i32
      %sign3A_574 = arith.cmpi slt, %jit3A_561, %sign3A_573 : i32
      %sign3A_575 = arith.extui %sign3A_574 : i1 to i32
      %sign3A_576 = arith.subi %sign3A_572, %sign3A_575 : i32
      %ne3A_577 = arith.cmpi ne, %sign3A_569, %sign3A_576 : i32
      %rem3A_578 = arith.remsi %scan3A_308, %jit3A_561 : i32
      %ne3A_579 = arith.constant 0 : i32
      %ne3A_580 = arith.cmpi ne, %rem3A_578, %ne3A_579 : i32
      %and3A_581 = arith.andi %ne3A_577, %ne3A_580 : i1
      %sub3A_582 = arith.constant 1 : i32
      %sub3A_583 = arith.subi %div3A_562, %sub3A_582 : i32
      %select_n3A_584 = arith.select %and3A_581, %sub3A_583, %div3A_562 : i32
      %jit3A_585 = arith.constant 8 : i32
      %eq3A_586 = arith.constant 0 : i32
      %eq3A_587 = arith.cmpi eq, %jit3A_585, %eq3A_586 : i32
      %jit3A_588 = arith.constant 1 : i32
      %select_n3A_589 = arith.select %eq3A_587, %jit3A_588, %jit3A_585 : i32
      %rem3A_590 = arith.remsi %scan3A_308, %select_n3A_589 : i32
      %ne3A_591 = arith.constant 0 : i32
      %ne3A_592 = arith.cmpi ne, %rem3A_590, %ne3A_591 : i32
      %lt3A_593 = arith.constant 0 : i32
      %lt3A_594 = arith.cmpi slt, %rem3A_590, %lt3A_593 : i32
      %lt3A_595 = arith.constant 0 : i32
      %lt3A_596 = arith.cmpi slt, %select_n3A_589, %lt3A_595 : i32
      %ne3A_597 = arith.xori %lt3A_594, %lt3A_596 : i1
      %and3A_598 = arith.andi %ne3A_597, %ne3A_592 : i1
      %add3A_599 = arith.addi %rem3A_590, %select_n3A_589 : i32
      %select_n3A_600 = arith.select %and3A_598, %add3A_599, %rem3A_590 : i32
      %swap3A_601 = arith.constant 0 : i32
      %swap3A_602 = arith.index_cast %select_n3A_584 : i32 to index
      %swap3A_603 = arith.index_cast %swap3A_601 : i32 to index
      %swap3A_604 = arith.index_cast %select_n3A_600 : i32 to index
      %swap3A_605 = arith.constant 80 : index
      %swap3A_606 = tpu.vector_load %arg9[%swap3A_602, %swap3A_603, %swap3A_604, %swap3A_605] {strides = array<i32>} : memref<8x2x8x128xf32, #tpu.memory_space<vmem>>, vector<16xf32>,
      tpu.vector_store %arg9[%swap3A_602, %swap3A_603, %swap3A_604, %swap3A_605], %gather3A_560 {strides = array<i32>} : memref<8x2x8x128xf32, #tpu.memory_space<vmem>>, vector<16xf32>,
      %add3A_607 = arith.constant 96 : i32
      %add3A_608 = vector.broadcast %add3A_607 : i32 to vector<16xi32>
      %add3A_609 = arith.addi %iota3A, %add3A_608 : vector<16xi32>
      %gather3A_610 = tpu.vector_load_idx %arg7[%add3A_609, %broadcast_in_dim3A] : memref<256x64xf32, #tpu.memory_space<vmem>>[vector<16xi32>, vector<16xi32>], vector<16xf32>,
      %jit3A_611 = arith.constant 8 : i32
      %div3A_612 = arith.divsi %scan3A_308, %jit3A_611 : i32
      %sign3A_613 = arith.constant 0 : i32
      %sign3A_614 = arith.cmpi sgt, %scan3A_308, %sign3A_613 : i32
      %sign3A_615 = arith.extui %sign3A_614 : i1 to i32
      %sign3A_616 = arith.constant 0 : i32
      %sign3A_617 = arith.cmpi slt, %scan3A_308, %sign3A_616 : i32
      %sign3A_618 = arith.extui %sign3A_617 : i1 to i32
      %sign3A_619 = arith.subi %sign3A_615, %sign3A_618 : i32
      %sign3A_620 = arith.constant 0 : i32
      %sign3A_621 = arith.cmpi sgt, %jit3A_611, %sign3A_620 : i32
      %sign3A_622 = arith.extui %sign3A_621 : i1 to i32
      %sign3A_623 = arith.constant 0 : i32
      %sign3A_624 = arith.cmpi slt, %jit3A_611, %sign3A_623 : i32
      %sign3A_625 = arith.extui %sign3A_624 : i1 to i32
      %sign3A_626 = arith.subi %sign3A_622, %sign3A_625 : i32
      %ne3A_627 = arith.cmpi ne, %sign3A_619, %sign3A_626 : i32
      %rem3A_628 = arith.remsi %scan3A_308, %jit3A_611 : i32
      %ne3A_629 = arith.constant 0 : i32
      %ne3A_630 = arith.cmpi ne, %rem3A_628, %ne3A_629 : i32
      %and3A_631 = arith.andi %ne3A_627, %ne3A_630 : i1
      %sub3A_632 = arith.constant 1 : i32
      %sub3A_633 = arith.subi %div3A_612, %sub3A_632 : i32
      %select_n3A_634 = arith.select %and3A_631, %sub3A_633, %div3A_612 : i32
      %jit3A_635 = arith.constant 8 : i32
      %eq3A_636 = arith.constant 0 : i32
      %eq3A_637 = arith.cmpi eq, %jit3A_635, %eq3A_636 : i32
      %jit3A_638 = arith.constant 1 : i32
      %select_n3A_639 = arith.select %eq3A_637, %jit3A_638, %jit3A_635 : i32
      %rem3A_640 = arith.remsi %scan3A_308, %select_n3A_639 : i32
      %ne3A_641 = arith.constant 0 : i32
      %ne3A_642 = arith.cmpi ne, %rem3A_640, %ne3A_641 : i32
      %lt3A_643 = arith.constant 0 : i32
      %lt3A_644 = arith.cmpi slt, %rem3A_640, %lt3A_643 : i32
      %lt3A_645 = arith.constant 0 : i32
      %lt3A_646 = arith.cmpi slt, %select_n3A_639, %lt3A_645 : i32
      %ne3A_647 = arith.xori %lt3A_644, %lt3A_646 : i1
      %and3A_648 = arith.andi %ne3A_647, %ne3A_642 : i1
      %add3A_649 = arith.addi %rem3A_640, %select_n3A_639 : i32
      %select_n3A_650 = arith.select %and3A_648, %add3A_649, %rem3A_640 : i32
      %swap3A_651 = arith.constant 0 : i32
      %swap3A_652 = arith.index_cast %select_n3A_634 : i32 to index
      %swap3A_653 = arith.index_cast %swap3A_651 : i32 to index
      %swap3A_654 = arith.index_cast %select_n3A_650 : i32 to index
      %swap3A_655 = arith.constant 96 : index
      %swap3A_656 = tpu.vector_load %arg9[%swap3A_652, %swap3A_653, %swap3A_654, %swap3A_655] {strides = array<i32>} : memref<8x2x8x128xf32, #tpu.memory_space<vmem>>, vector<16xf32>,
      tpu.vector_store %arg9[%swap3A_652, %swap3A_653, %swap3A_654, %swap3A_655], %gather3A_610 {strides = array<i32>} : memref<8x2x8x128xf32, #tpu.memory_space<vmem>>, vector<16xf32>,
      %add3A_657 = arith.constant 112 : i32
      %add3A_658 = vector.broadcast %add3A_657 : i32 to vector<16xi32>
      %add3A_659 = arith.addi %iota3A, %add3A_658 : vector<16xi32>
      %gather3A_660 = tpu.vector_load_idx %arg7[%add3A_659, %broadcast_in_dim3A] : memref<256x64xf32, #tpu.memory_space<vmem>>[vector<16xi32>, vector<16xi32>], vector<16xf32>,
      %jit3A_661 = arith.constant 8 : i32
      %div3A_662 = arith.divsi %scan3A_308, %jit3A_661 : i32
      %sign3A_663 = arith.constant 0 : i32
      %sign3A_664 = arith.cmpi sgt, %scan3A_308, %sign3A_663 : i32
      %sign3A_665 = arith.extui %sign3A_664 : i1 to i32
      %sign3A_666 = arith.constant 0 : i32
      %sign3A_667 = arith.cmpi slt, %scan3A_308, %sign3A_666 : i32
      %sign3A_668 = arith.extui %sign3A_667 : i1 to i32
      %sign3A_669 = arith.subi %sign3A_665, %sign3A_668 : i32
      %sign3A_670 = arith.constant 0 : i32
      %sign3A_671 = arith.cmpi sgt, %jit3A_661, %sign3A_670 : i32
      %sign3A_672 = arith.extui %sign3A_671 : i1 to i32
      %sign3A_673 = arith.constant 0 : i32
      %sign3A_674 = arith.cmpi slt, %jit3A_661, %sign3A_673 : i32
      %sign3A_675 = arith.extui %sign3A_674 : i1 to i32
      %sign3A_676 = arith.subi %sign3A_672, %sign3A_675 : i32
      %ne3A_677 = arith.cmpi ne, %sign3A_669, %sign3A_676 : i32
      %rem3A_678 = arith.remsi %scan3A_308, %jit3A_661 : i32
      %ne3A_679 = arith.constant 0 : i32
      %ne3A_680 = arith.cmpi ne, %rem3A_678, %ne3A_679 : i32
      %and3A_681 = arith.andi %ne3A_677, %ne3A_680 : i1
      %sub3A_682 = arith.constant 1 : i32
      %sub3A_683 = arith.subi %div3A_662, %sub3A_682 : i32
      %select_n3A_684 = arith.select %and3A_681, %sub3A_683, %div3A_662 : i32
      %jit3A_685 = arith.constant 8 : i32
      %eq3A_686 = arith.constant 0 : i32
      %eq3A_687 = arith.cmpi eq, %jit3A_685, %eq3A_686 : i32
      %jit3A_688 = arith.constant 1 : i32
      %select_n3A_689 = arith.select %eq3A_687, %jit3A_688, %jit3A_685 : i32
      %rem3A_690 = arith.remsi %scan3A_308, %select_n3A_689 : i32
      %ne3A_691 = arith.constant 0 : i32
      %ne3A_692 = arith.cmpi ne, %rem3A_690, %ne3A_691 : i32
      %lt3A_693 = arith.constant 0 : i32
      %lt3A_694 = arith.cmpi slt, %rem3A_690, %lt3A_693 : i32
      %lt3A_695 = arith.constant 0 : i32
      %lt3A_696 = arith.cmpi slt, %select_n3A_689, %lt3A_695 : i32
      %ne3A_697 = arith.xori %lt3A_694, %lt3A_696 : i1
      %and3A_698 = arith.andi %ne3A_697, %ne3A_692 : i1
      %add3A_699 = arith.addi %rem3A_690, %select_n3A_689 : i32
      %select_n3A_700 = arith.select %and3A_698, %add3A_699, %rem3A_690 : i32
      %swap3A_701 = arith.constant 0 : i32
      %swap3A_702 = arith.index_cast %select_n3A_684 : i32 to index
      %swap3A_703 = arith.index_cast %swap3A_701 : i32 to index
      %swap3A_704 = arith.index_cast %select_n3A_700 : i32 to index
      %swap3A_705 = arith.constant 112 : index
      %swap3A_706 = tpu.vector_load %arg9[%swap3A_702, %swap3A_703, %swap3A_704, %swap3A_705] {strides = array<i32>} : memref<8x2x8x128xf32, #tpu.memory_space<vmem>>, vector<16xf32>,
      tpu.vector_store %arg9[%swap3A_702, %swap3A_703, %swap3A_704, %swap3A_705], %gather3A_660 {strides = array<i32>} : memref<8x2x8x128xf32, #tpu.memory_space<vmem>>, vector<16xf32>,
      %add3A_707 = arith.constant 128 : i32
      %add3A_708 = vector.broadcast %add3A_707 : i32 to vector<16xi32>
      %add3A_709 = arith.addi %iota3A, %add3A_708 : vector<16xi32>
      %gather3A_710 = tpu.vector_load_idx %arg7[%add3A_709, %broadcast_in_dim3A] : memref<256x64xf32, #tpu.memory_space<vmem>>[vector<16xi32>, vector<16xi32>], vector<16xf32>,
      %jit3A_711 = arith.constant 8 : i32
      %div3A_712 = arith.divsi %scan3A_308, %jit3A_711 : i32
      %sign3A_713 = arith.constant 0 : i32
      %sign3A_714 = arith.cmpi sgt, %scan3A_308, %sign3A_713 : i32
      %sign3A_715 = arith.extui %sign3A_714 : i1 to i32
      %sign3A_716 = arith.constant 0 : i32
      %sign3A_717 = arith.cmpi slt, %scan3A_308, %sign3A_716 : i32
      %sign3A_718 = arith.extui %sign3A_717 : i1 to i32
      %sign3A_719 = arith.subi %sign3A_715, %sign3A_718 : i32
      %sign3A_720 = arith.constant 0 : i32
      %sign3A_721 = arith.cmpi sgt, %jit3A_711, %sign3A_720 : i32
      %sign3A_722 = arith.extui %sign3A_721 : i1 to i32
      %sign3A_723 = arith.constant 0 : i32
      %sign3A_724 = arith.cmpi slt, %jit3A_711, %sign3A_723 : i32
      %sign3A_725 = arith.extui %sign3A_724 : i1 to i32
      %sign3A_726 = arith.subi %sign3A_722, %sign3A_725 : i32
      %ne3A_727 = arith.cmpi ne, %sign3A_719, %sign3A_726 : i32
      %rem3A_728 = arith.remsi %scan3A_308, %jit3A_711 : i32
      %ne3A_729 = arith.constant 0 : i32
      %ne3A_730 = arith.cmpi ne, %rem3A_728, %ne3A_729 : i32
      %and3A_731 = arith.andi %ne3A_727, %ne3A_730 : i1
      %sub3A_732 = arith.constant 1 : i32
      %sub3A_733 = arith.subi %div3A_712, %sub3A_732 : i32
      %select_n3A_734 = arith.select %and3A_731, %sub3A_733, %div3A_712 : i32
      %jit3A_735 = arith.constant 8 : i32
      %eq3A_736 = arith.constant 0 : i32
      %eq3A_737 = arith.cmpi eq, %jit3A_735, %eq3A_736 : i32
      %jit3A_738 = arith.constant 1 : i32
      %select_n3A_739 = arith.select %eq3A_737, %jit3A_738, %jit3A_735 : i32
      %rem3A_740 = arith.remsi %scan3A_308, %select_n3A_739 : i32
      %ne3A_741 = arith.constant 0 : i32
      %ne3A_742 = arith.cmpi ne, %rem3A_740, %ne3A_741 : i32
      %lt3A_743 = arith.constant 0 : i32
      %lt3A_744 = arith.cmpi slt, %rem3A_740, %lt3A_743 : i32
      %lt3A_745 = arith.constant 0 : i32
      %lt3A_746 = arith.cmpi slt, %select_n3A_739, %lt3A_745 : i32
      %ne3A_747 = arith.xori %lt3A_744, %lt3A_746 : i1
      %and3A_748 = arith.andi %ne3A_747, %ne3A_742 : i1
      %add3A_749 = arith.addi %rem3A_740, %select_n3A_739 : i32
      %select_n3A_750 = arith.select %and3A_748, %add3A_749, %rem3A_740 : i32
      %swap3A_751 = arith.constant 1 : i32
      %swap3A_752 = arith.index_cast %select_n3A_734 : i32 to index
      %swap3A_753 = arith.index_cast %swap3A_751 : i32 to index
      %swap3A_754 = arith.index_cast %select_n3A_750 : i32 to index
      %swap3A_755 = arith.constant 0 : index
      %swap3A_756 = tpu.vector_load %arg9[%swap3A_752, %swap3A_753, %swap3A_754, %swap3A_755] {strides = array<i32>} : memref<8x2x8x128xf32, #tpu.memory_space<vmem>>, vector<16xf32>,
      tpu.vector_store %arg9[%swap3A_752, %swap3A_753, %swap3A_754, %swap3A_755], %gather3A_710 {strides = array<i32>} : memref<8x2x8x128xf32, #tpu.memory_space<vmem>>, vector<16xf32>,
      %add3A_757 = arith.constant 144 : i32
      %add3A_758 = vector.broadcast %add3A_757 : i32 to vector<16xi32>
      %add3A_759 = arith.addi %iota3A, %add3A_758 : vector<16xi32>
      %gather3A_760 = tpu.vector_load_idx %arg7[%add3A_759, %broadcast_in_dim3A] : memref<256x64xf32, #tpu.memory_space<vmem>>[vector<16xi32>, vector<16xi32>], vector<16xf32>,
      %jit3A_761 = arith.constant 8 : i32
      %div3A_762 = arith.divsi %scan3A_308, %jit3A_761 : i32
      %sign3A_763 = arith.constant 0 : i32
      %sign3A_764 = arith.cmpi sgt, %scan3A_308, %sign3A_763 : i32
      %sign3A_765 = arith.extui %sign3A_764 : i1 to i32
      %sign3A_766 = arith.constant 0 : i32
      %sign3A_767 = arith.cmpi slt, %scan3A_308, %sign3A_766 : i32
      %sign3A_768 = arith.extui %sign3A_767 : i1 to i32
      %sign3A_769 = arith.subi %sign3A_765, %sign3A_768 : i32
      %sign3A_770 = arith.constant 0 : i32
      %sign3A_771 = arith.cmpi sgt, %jit3A_761, %sign3A_770 : i32
      %sign3A_772 = arith.extui %sign3A_771 : i1 to i32
      %sign3A_773 = arith.constant 0 : i32
      %sign3A_774 = arith.cmpi slt, %jit3A_761, %sign3A_773 : i32
      %sign3A_775 = arith.extui %sign3A_774 : i1 to i32
      %sign3A_776 = arith.subi %sign3A_772, %sign3A_775 : i32
      %ne3A_777 = arith.cmpi ne, %sign3A_769, %sign3A_776 : i32
      %rem3A_778 = arith.remsi %scan3A_308, %jit3A_761 : i32
      %ne3A_779 = arith.constant 0 : i32
      %ne3A_780 = arith.cmpi ne, %rem3A_778, %ne3A_779 : i32
      %and3A_781 = arith.andi %ne3A_777, %ne3A_780 : i1
      %sub3A_782 = arith.constant 1 : i32
      %sub3A_783 = arith.subi %div3A_762, %sub3A_782 : i32
      %select_n3A_784 = arith.select %and3A_781, %sub3A_783, %div3A_762 : i32
      %jit3A_785 = arith.constant 8 : i32
      %eq3A_786 = arith.constant 0 : i32
      %eq3A_787 = arith.cmpi eq, %jit3A_785, %eq3A_786 : i32
      %jit3A_788 = arith.constant 1 : i32
      %select_n3A_789 = arith.select %eq3A_787, %jit3A_788, %jit3A_785 : i32
      %rem3A_790 = arith.remsi %scan3A_308, %select_n3A_789 : i32
      %ne3A_791 = arith.constant 0 : i32
      %ne3A_792 = arith.cmpi ne, %rem3A_790, %ne3A_791 : i32
      %lt3A_793 = arith.constant 0 : i32
      %lt3A_794 = arith.cmpi slt, %rem3A_790, %lt3A_793 : i32
      %lt3A_795 = arith.constant 0 : i32
      %lt3A_796 = arith.cmpi slt, %select_n3A_789, %lt3A_795 : i32
      %ne3A_797 = arith.xori %lt3A_794, %lt3A_796 : i1
      %and3A_798 = arith.andi %ne3A_797, %ne3A_792 : i1
      %add3A_799 = arith.addi %rem3A_790, %select_n3A_789 : i32
      %select_n3A_800 = arith.select %and3A_798, %add3A_799, %rem3A_790 : i32
      %swap3A_801 = arith.constant 1 : i32
      %swap3A_802 = arith.index_cast %select_n3A_784 : i32 to index
      %swap3A_803 = arith.index_cast %swap3A_801 : i32 to index
      %swap3A_804 = arith.index_cast %select_n3A_800 : i32 to index
      %swap3A_805 = arith.constant 16 : index
      %swap3A_806 = tpu.vector_load %arg9[%swap3A_802, %swap3A_803, %swap3A_804, %swap3A_805] {strides = array<i32>} : memref<8x2x8x128xf32, #tpu.memory_space<vmem>>, vector<16xf32>,
      tpu.vector_store %arg9[%swap3A_802, %swap3A_803, %swap3A_804, %swap3A_805], %gather3A_760 {strides = array<i32>} : memref<8x2x8x128xf32, #tpu.memory_space<vmem>>, vector<16xf32>,
      %add3A_807 = arith.constant 160 : i32
      %add3A_808 = vector.broadcast %add3A_807 : i32 to vector<16xi32>
      %add3A_809 = arith.addi %iota3A, %add3A_808 : vector<16xi32>
      %gather3A_810 = tpu.vector_load_idx %arg7[%add3A_809, %broadcast_in_dim3A] : memref<256x64xf32, #tpu.memory_space<vmem>>[vector<16xi32>, vector<16xi32>], vector<16xf32>,
      %jit3A_811 = arith.constant 8 : i32
      %div3A_812 = arith.divsi %scan3A_308, %jit3A_811 : i32
      %sign3A_813 = arith.constant 0 : i32
      %sign3A_814 = arith.cmpi sgt, %scan3A_308, %sign3A_813 : i32
      %sign3A_815 = arith.extui %sign3A_814 : i1 to i32
      %sign3A_816 = arith.constant 0 : i32
      %sign3A_817 = arith.cmpi slt, %scan3A_308, %sign3A_816 : i32
      %sign3A_818 = arith.extui %sign3A_817 : i1 to i32
      %sign3A_819 = arith.subi %sign3A_815, %sign3A_818 : i32
      %sign3A_820 = arith.constant 0 : i32
      %sign3A_821 = arith.cmpi sgt, %jit3A_811, %sign3A_820 : i32
      %sign3A_822 = arith.extui %sign3A_821 : i1 to i32
      %sign3A_823 = arith.constant 0 : i32
      %sign3A_824 = arith.cmpi slt, %jit3A_811, %sign3A_823 : i32
      %sign3A_825 = arith.extui %sign3A_824 : i1 to i32
      %sign3A_826 = arith.subi %sign3A_822, %sign3A_825 : i32
      %ne3A_827 = arith.cmpi ne, %sign3A_819, %sign3A_826 : i32
      %rem3A_828 = arith.remsi %scan3A_308, %jit3A_811 : i32
      %ne3A_829 = arith.constant 0 : i32
      %ne3A_830 = arith.cmpi ne, %rem3A_828, %ne3A_829 : i32
      %and3A_831 = arith.andi %ne3A_827, %ne3A_830 : i1
      %sub3A_832 = arith.constant 1 : i32
      %sub3A_833 = arith.subi %div3A_812, %sub3A_832 : i32
      %select_n3A_834 = arith.select %and3A_831, %sub3A_833, %div3A_812 : i32
      %jit3A_835 = arith.constant 8 : i32
      %eq3A_836 = arith.constant 0 : i32
      %eq3A_837 = arith.cmpi eq, %jit3A_835, %eq3A_836 : i32
      %jit3A_838 = arith.constant 1 : i32
      %select_n3A_839 = arith.select %eq3A_837, %jit3A_838, %jit3A_835 : i32
      %rem3A_840 = arith.remsi %scan3A_308, %select_n3A_839 : i32
      %ne3A_841 = arith.constant 0 : i32
      %ne3A_842 = arith.cmpi ne, %rem3A_840, %ne3A_841 : i32
      %lt3A_843 = arith.constant 0 : i32
      %lt3A_844 = arith.cmpi slt, %rem3A_840, %lt3A_843 : i32
      %lt3A_845 = arith.constant 0 : i32
      %lt3A_846 = arith.cmpi slt, %select_n3A_839, %lt3A_845 : i32
      %ne3A_847 = arith.xori %lt3A_844, %lt3A_846 : i1
      %and3A_848 = arith.andi %ne3A_847, %ne3A_842 : i1
      %add3A_849 = arith.addi %rem3A_840, %select_n3A_839 : i32
      %select_n3A_850 = arith.select %and3A_848, %add3A_849, %rem3A_840 : i32
      %swap3A_851 = arith.constant 1 : i32
      %swap3A_852 = arith.index_cast %select_n3A_834 : i32 to index
      %swap3A_853 = arith.index_cast %swap3A_851 : i32 to index
      %swap3A_854 = arith.index_cast %select_n3A_850 : i32 to index
      %swap3A_855 = arith.constant 32 : index
      %swap3A_856 = tpu.vector_load %arg9[%swap3A_852, %swap3A_853, %swap3A_854, %swap3A_855] {strides = array<i32>} : memref<8x2x8x128xf32, #tpu.memory_space<vmem>>, vector<16xf32>,
      tpu.vector_store %arg9[%swap3A_852, %swap3A_853, %swap3A_854, %swap3A_855], %gather3A_810 {strides = array<i32>} : memref<8x2x8x128xf32, #tpu.memory_space<vmem>>, vector<16xf32>,
      %add3A_857 = arith.constant 176 : i32
      %add3A_858 = vector.broadcast %add3A_857 : i32 to vector<16xi32>
      %add3A_859 = arith.addi %iota3A, %add3A_858 : vector<16xi32>
      %gather3A_860 = tpu.vector_load_idx %arg7[%add3A_859, %broadcast_in_dim3A] : memref<256x64xf32, #tpu.memory_space<vmem>>[vector<16xi32>, vector<16xi32>], vector<16xf32>,
      %jit3A_861 = arith.constant 8 : i32
      %div3A_862 = arith.divsi %scan3A_308, %jit3A_861 : i32
      %sign3A_863 = arith.constant 0 : i32
      %sign3A_864 = arith.cmpi sgt, %scan3A_308, %sign3A_863 : i32
      %sign3A_865 = arith.extui %sign3A_864 : i1 to i32
      %sign3A_866 = arith.constant 0 : i32
      %sign3A_867 = arith.cmpi slt, %scan3A_308, %sign3A_866 : i32
      %sign3A_868 = arith.extui %sign3A_867 : i1 to i32
      %sign3A_869 = arith.subi %sign3A_865, %sign3A_868 : i32
      %sign3A_870 = arith.constant 0 : i32
      %sign3A_871 = arith.cmpi sgt, %jit3A_861, %sign3A_870 : i32
      %sign3A_872 = arith.extui %sign3A_871 : i1 to i32
      %sign3A_873 = arith.constant 0 : i32
      %sign3A_874 = arith.cmpi slt, %jit3A_861, %sign3A_873 : i32
      %sign3A_875 = arith.extui %sign3A_874 : i1 to i32
      %sign3A_876 = arith.subi %sign3A_872, %sign3A_875 : i32
      %ne3A_877 = arith.cmpi ne, %sign3A_869, %sign3A_876 : i32
      %rem3A_878 = arith.remsi %scan3A_308, %jit3A_861 : i32
      %ne3A_879 = arith.constant 0 : i32
      %ne3A_880 = arith.cmpi ne, %rem3A_878, %ne3A_879 : i32
      %and3A_881 = arith.andi %ne3A_877, %ne3A_880 : i1
      %sub3A_882 = arith.constant 1 : i32
      %sub3A_883 = arith.subi %div3A_862, %sub3A_882 : i32
      %select_n3A_884 = arith.select %and3A_881, %sub3A_883, %div3A_862 : i32
      %jit3A_885 = arith.constant 8 : i32
      %eq3A_886 = arith.constant 0 : i32
      %eq3A_887 = arith.cmpi eq, %jit3A_885, %eq3A_886 : i32
      %jit3A_888 = arith.constant 1 : i32
      %select_n3A_889 = arith.select %eq3A_887, %jit3A_888, %jit3A_885 : i32
      %rem3A_890 = arith.remsi %scan3A_308, %select_n3A_889 : i32
      %ne3A_891 = arith.constant 0 : i32
      %ne3A_892 = arith.cmpi ne, %rem3A_890, %ne3A_891 : i32
      %lt3A_893 = arith.constant 0 : i32
      %lt3A_894 = arith.cmpi slt, %rem3A_890, %lt3A_893 : i32
      %lt3A_895 = arith.constant 0 : i32
      %lt3A_896 = arith.cmpi slt, %select_n3A_889, %lt3A_895 : i32
      %ne3A_897 = arith.xori %lt3A_894, %lt3A_896 : i1
      %and3A_898 = arith.andi %ne3A_897, %ne3A_892 : i1
      %add3A_899 = arith.addi %rem3A_890, %select_n3A_889 : i32
      %select_n3A_900 = arith.select %and3A_898, %add3A_899, %rem3A_890 : i32
      %swap3A_901 = arith.constant 1 : i32
      %swap3A_902 = arith.index_cast %select_n3A_884 : i32 to index
      %swap3A_903 = arith.index_cast %swap3A_901 : i32 to index
      %swap3A_904 = arith.index_cast %select_n3A_900 : i32 to index
      %swap3A_905 = arith.constant 48 : index
      %swap3A_906 = tpu.vector_load %arg9[%swap3A_902, %swap3A_903, %swap3A_904, %swap3A_905] {strides = array<i32>} : memref<8x2x8x128xf32, #tpu.memory_space<vmem>>, vector<16xf32>,
      tpu.vector_store %arg9[%swap3A_902, %swap3A_903, %swap3A_904, %swap3A_905], %gather3A_860 {strides = array<i32>} : memref<8x2x8x128xf32, #tpu.memory_space<vmem>>, vector<16xf32>,
      %add3A_907 = arith.constant 192 : i32
      %add3A_908 = vector.broadcast %add3A_907 : i32 to vector<16xi32>
      %add3A_909 = arith.addi %iota3A, %add3A_908 : vector<16xi32>
      %gather3A_910 = tpu.vector_load_idx %arg7[%add3A_909, %broadcast_in_dim3A] : memref<256x64xf32, #tpu.memory_space<vmem>>[vector<16xi32>, vector<16xi32>], vector<16xf32>,
      %jit3A_911 = arith.constant 8 : i32
      %div3A_912 = arith.divsi %scan3A_308, %jit3A_911 : i32
      %sign3A_913 = arith.constant 0 : i32
      %sign3A_914 = arith.cmpi sgt, %scan3A_308, %sign3A_913 : i32
      %sign3A_915 = arith.extui %sign3A_914 : i1 to i32
      %sign3A_916 = arith.constant 0 : i32
      %sign3A_917 = arith.cmpi slt, %scan3A_308, %sign3A_916 : i32
      %sign3A_918 = arith.extui %sign3A_917 : i1 to i32
      %sign3A_919 = arith.subi %sign3A_915, %sign3A_918 : i32
      %sign3A_920 = arith.constant 0 : i32
      %sign3A_921 = arith.cmpi sgt, %jit3A_911, %sign3A_920 : i32
      %sign3A_922 = arith.extui %sign3A_921 : i1 to i32
      %sign3A_923 = arith.constant 0 : i32
      %sign3A_924 = arith.cmpi slt, %jit3A_911, %sign3A_923 : i32
      %sign3A_925 = arith.extui %sign3A_924 : i1 to i32
      %sign3A_926 = arith.subi %sign3A_922, %sign3A_925 : i32
      %ne3A_927 = arith.cmpi ne, %sign3A_919, %sign3A_926 : i32
      %rem3A_928 = arith.remsi %scan3A_308, %jit3A_911 : i32
      %ne3A_929 = arith.constant 0 : i32
      %ne3A_930 = arith.cmpi ne, %rem3A_928, %ne3A_929 : i32
      %and3A_931 = arith.andi %ne3A_927, %ne3A_930 : i1
      %sub3A_932 = arith.constant 1 : i32
      %sub3A_933 = arith.subi %div3A_912, %sub3A_932 : i32
      %select_n3A_934 = arith.select %and3A_931, %sub3A_933, %div3A_912 : i32
      %jit3A_935 = arith.constant 8 : i32
      %eq3A_936 = arith.constant 0 : i32
      %eq3A_937 = arith.cmpi eq, %jit3A_935, %eq3A_936 : i32
      %jit3A_938 = arith.constant 1 : i32
      %select_n3A_939 = arith.select %eq3A_937, %jit3A_938, %jit3A_935 : i32
      %rem3A_940 = arith.remsi %scan3A_308, %select_n3A_939 : i32
      %ne3A_941 = arith.constant 0 : i32
      %ne3A_942 = arith.cmpi ne, %rem3A_940, %ne3A_941 : i32
      %lt3A_943 = arith.constant 0 : i32
      %lt3A_944 = arith.cmpi slt, %rem3A_940, %lt3A_943 : i32
      %lt3A_945 = arith.constant 0 : i32
      %lt3A_946 = arith.cmpi slt, %select_n3A_939, %lt3A_945 : i32
      %ne3A_947 = arith.xori %lt3A_944, %lt3A_946 : i1
      %and3A_948 = arith.andi %ne3A_947, %ne3A_942 : i1
      %add3A_949 = arith.addi %rem3A_940, %select_n3A_939 : i32
      %select_n3A_950 = arith.select %and3A_948, %add3A_949, %rem3A_940 : i32
      %swap3A_951 = arith.constant 1 : i32
      %swap3A_952 = arith.index_cast %select_n3A_934 : i32 to index
      %swap3A_953 = arith.index_cast %swap3A_951 : i32 to index
      %swap3A_954 = arith.index_cast %select_n3A_950 : i32 to index
      %swap3A_955 = arith.constant 64 : index
      %swap3A_956 = tpu.vector_load %arg9[%swap3A_952, %swap3A_953, %swap3A_954, %swap3A_955] {strides = array<i32>} : memref<8x2x8x128xf32, #tpu.memory_space<vmem>>, vector<16xf32>,
      tpu.vector_store %arg9[%swap3A_952, %swap3A_953, %swap3A_954, %swap3A_955], %gather3A_910 {strides = array<i32>} : memref<8x2x8x128xf32, #tpu.memory_space<vmem>>, vector<16xf32>,
      %add3A_957 = arith.constant 208 : i32
      %add3A_958 = vector.broadcast %add3A_957 : i32 to vector<16xi32>
      %add3A_959 = arith.addi %iota3A, %add3A_958 : vector<16xi32>
      %gather3A_960 = tpu.vector_load_idx %arg7[%add3A_959, %broadcast_in_dim3A] : memref<256x64xf32, #tpu.memory_space<vmem>>[vector<16xi32>, vector<16xi32>], vector<16xf32>,
      %jit3A_961 = arith.constant 8 : i32
      %div3A_962 = arith.divsi %scan3A_308, %jit3A_961 : i32
      %sign3A_963 = arith.constant 0 : i32
      %sign3A_964 = arith.cmpi sgt, %scan3A_308, %sign3A_963 : i32
      %sign3A_965 = arith.extui %sign3A_964 : i1 to i32
      %sign3A_966 = arith.constant 0 : i32
      %sign3A_967 = arith.cmpi slt, %scan3A_308, %sign3A_966 : i32
      %sign3A_968 = arith.extui %sign3A_967 : i1 to i32
      %sign3A_969 = arith.subi %sign3A_965, %sign3A_968 : i32
      %sign3A_970 = arith.constant 0 : i32
      %sign3A_971 = arith.cmpi sgt, %jit3A_961, %sign3A_970 : i32
      %sign3A_972 = arith.extui %sign3A_971 : i1 to i32
      %sign3A_973 = arith.constant 0 : i32
      %sign3A_974 = arith.cmpi slt, %jit3A_961, %sign3A_973 : i32
      %sign3A_975 = arith.extui %sign3A_974 : i1 to i32
      %sign3A_976 = arith.subi %sign3A_972, %sign3A_975 : i32
      %ne3A_977 = arith.cmpi ne, %sign3A_969, %sign3A_976 : i32
      %rem3A_978 = arith.remsi %scan3A_308, %jit3A_961 : i32
      %ne3A_979 = arith.constant 0 : i32
      %ne3A_980 = arith.cmpi ne, %rem3A_978, %ne3A_979 : i32
      %and3A_981 = arith.andi %ne3A_977, %ne3A_980 : i1
      %sub3A_982 = arith.constant 1 : i32
      %sub3A_983 = arith.subi %div3A_962, %sub3A_982 : i32
      %select_n3A_984 = arith.select %and3A_981, %sub3A_983, %div3A_962 : i32
      %jit3A_985 = arith.constant 8 : i32
      %eq3A_986 = arith.constant 0 : i32
      %eq3A_987 = arith.cmpi eq, %jit3A_985, %eq3A_986 : i32
      %jit3A_988 = arith.constant 1 : i32
      %select_n3A_989 = arith.select %eq3A_987, %jit3A_988, %jit3A_985 : i32
      %rem3A_990 = arith.remsi %scan3A_308, %select_n3A_989 : i32
      %ne3A_991 = arith.constant 0 : i32
      %ne3A_992 = arith.cmpi ne, %rem3A_990, %ne3A_991 : i32
      %lt3A_993 = arith.constant 0 : i32
      %lt3A_994 = arith.cmpi slt, %rem3A_990, %lt3A_993 : i32
      %lt3A_995 = arith.constant 0 : i32
      %lt3A_996 = arith.cmpi slt, %select_n3A_989, %lt3A_995 : i32
      %ne3A_997 = arith.xori %lt3A_994, %lt3A_996 : i1
      %and3A_998 = arith.andi %ne3A_997, %ne3A_992 : i1
      %add3A_999 = arith.addi %rem3A_990, %select_n3A_989 : i32
      %select_n3A_1000 = arith.select %and3A_998, %add3A_999, %rem3A_990 : i32
      %swap3A_1001 = arith.constant 1 : i32
      %swap3A_1002 = arith.index_cast %select_n3A_984 : i32 to index
      %swap3A_1003 = arith.index_cast %swap3A_1001 : i32 to index
      %swap3A_1004 = arith.index_cast %select_n3A_1000 : i32 to index
      %swap3A_1005 = arith.constant 80 : index
      %swap3A_1006 = tpu.vector_load %arg9[%swap3A_1002, %swap3A_1003, %swap3A_1004, %swap3A_1005] {strides = array<i32>} : memref<8x2x8x128xf32, #tpu.memory_space<vmem>>, vector<16xf32>,
      tpu.vector_store %arg9[%swap3A_1002, %swap3A_1003, %swap3A_1004, %swap3A_1005], %gather3A_960 {strides = array<i32>} : memref<8x2x8x128xf32, #tpu.memory_space<vmem>>, vector<16xf32>,
      %add3A_1007 = arith.constant 224 : i32
      %add3A_1008 = vector.broadcast %add3A_1007 : i32 to vector<16xi32>
      %add3A_1009 = arith.addi %iota3A, %add3A_1008 : vector<16xi32>
      %gather3A_1010 = tpu.vector_load_idx %arg7[%add3A_1009, %broadcast_in_dim3A] : memref<256x64xf32, #tpu.memory_space<vmem>>[vector<16xi32>, vector<16xi32>], vector<16xf32>,
      %jit3A_1011 = arith.constant 8 : i32
      %div3A_1012 = arith.divsi %scan3A_308, %jit3A_1011 : i32
      %sign3A_1013 = arith.constant 0 : i32
      %sign3A_1014 = arith.cmpi sgt, %scan3A_308, %sign3A_1013 : i32
      %sign3A_1015 = arith.extui %sign3A_1014 : i1 to i32
      %sign3A_1016 = arith.constant 0 : i32
      %sign3A_1017 = arith.cmpi slt, %scan3A_308, %sign3A_1016 : i32
      %sign3A_1018 = arith.extui %sign3A_1017 : i1 to i32
      %sign3A_1019 = arith.subi %sign3A_1015, %sign3A_1018 : i32
      %sign3A_1020 = arith.constant 0 : i32
      %sign3A_1021 = arith.cmpi sgt, %jit3A_1011, %sign3A_1020 : i32
      %sign3A_1022 = arith.extui %sign3A_1021 : i1 to i32
      %sign3A_1023 = arith.constant 0 : i32
      %sign3A_1024 = arith.cmpi slt, %jit3A_1011, %sign3A_1023 : i32
      %sign3A_1025 = arith.extui %sign3A_1024 : i1 to i32
      %sign3A_1026 = arith.subi %sign3A_1022, %sign3A_1025 : i32
      %ne3A_1027 = arith.cmpi ne, %sign3A_1019, %sign3A_1026 : i32
      %rem3A_1028 = arith.remsi %scan3A_308, %jit3A_1011 : i32
      %ne3A_1029 = arith.constant 0 : i32
      %ne3A_1030 = arith.cmpi ne, %rem3A_1028, %ne3A_1029 : i32
      %and3A_1031 = arith.andi %ne3A_1027, %ne3A_1030 : i1
      %sub3A_1032 = arith.constant 1 : i32
      %sub3A_1033 = arith.subi %div3A_1012, %sub3A_1032 : i32
      %select_n3A_1034 = arith.select %and3A_1031, %sub3A_1033, %div3A_1012 : i32
      %jit3A_1035 = arith.constant 8 : i32
      %eq3A_1036 = arith.constant 0 : i32
      %eq3A_1037 = arith.cmpi eq, %jit3A_1035, %eq3A_1036 : i32
      %jit3A_1038 = arith.constant 1 : i32
      %select_n3A_1039 = arith.select %eq3A_1037, %jit3A_1038, %jit3A_1035 : i32
      %rem3A_1040 = arith.remsi %scan3A_308, %select_n3A_1039 : i32
      %ne3A_1041 = arith.constant 0 : i32
      %ne3A_1042 = arith.cmpi ne, %rem3A_1040, %ne3A_1041 : i32
      %lt3A_1043 = arith.constant 0 : i32
      %lt3A_1044 = arith.cmpi slt, %rem3A_1040, %lt3A_1043 : i32
      %lt3A_1045 = arith.constant 0 : i32
      %lt3A_1046 = arith.cmpi slt, %select_n3A_1039, %lt3A_1045 : i32
      %ne3A_1047 = arith.xori %lt3A_1044, %lt3A_1046 : i1
      %and3A_1048 = arith.andi %ne3A_1047, %ne3A_1042 : i1
      %add3A_1049 = arith.addi %rem3A_1040, %select_n3A_1039 : i32
      %select_n3A_1050 = arith.select %and3A_1048, %add3A_1049, %rem3A_1040 : i32
      %swap3A_1051 = arith.constant 1 : i32
      %swap3A_1052 = arith.index_cast %select_n3A_1034 : i32 to index
      %swap3A_1053 = arith.index_cast %swap3A_1051 : i32 to index
      %swap3A_1054 = arith.index_cast %select_n3A_1050 : i32 to index
      %swap3A_1055 = arith.constant 96 : index
      %swap3A_1056 = tpu.vector_load %arg9[%swap3A_1052, %swap3A_1053, %swap3A_1054, %swap3A_1055] {strides = array<i32>} : memref<8x2x8x128xf32, #tpu.memory_space<vmem>>, vector<16xf32>,
      tpu.vector_store %arg9[%swap3A_1052, %swap3A_1053, %swap3A_1054, %swap3A_1055], %gather3A_1010 {strides = array<i32>} : memref<8x2x8x128xf32, #tpu.memory_space<vmem>>, vector<16xf32>,
      %add3A_1057 = arith.constant 240 : i32
      %add3A_1058 = vector.broadcast %add3A_1057 : i32 to vector<16xi32>
      %add3A_1059 = arith.addi %iota3A, %add3A_1058 : vector<16xi32>
      %gather3A_1060 = tpu.vector_load_idx %arg7[%add3A_1059, %broadcast_in_dim3A] : memref<256x64xf32, #tpu.memory_space<vmem>>[vector<16xi32>, vector<16xi32>], vector<16xf32>,
      %jit3A_1061 = arith.constant 8 : i32
      %div3A_1062 = arith.divsi %scan3A_308, %jit3A_1061 : i32
      %sign3A_1063 = arith.constant 0 : i32
      %sign3A_1064 = arith.cmpi sgt, %scan3A_308, %sign3A_1063 : i32
      %sign3A_1065 = arith.extui %sign3A_1064 : i1 to i32
      %sign3A_1066 = arith.constant 0 : i32
      %sign3A_1067 = arith.cmpi slt, %scan3A_308, %sign3A_1066 : i32
      %sign3A_1068 = arith.extui %sign3A_1067 : i1 to i32
      %sign3A_1069 = arith.subi %sign3A_1065, %sign3A_1068 : i32
      %sign3A_1070 = arith.constant 0 : i32
      %sign3A_1071 = arith.cmpi sgt, %jit3A_1061, %sign3A_1070 : i32
      %sign3A_1072 = arith.extui %sign3A_1071 : i1 to i32
      %sign3A_1073 = arith.constant 0 : i32
      %sign3A_1074 = arith.cmpi slt, %jit3A_1061, %sign3A_1073 : i32
      %sign3A_1075 = arith.extui %sign3A_1074 : i1 to i32
      %sign3A_1076 = arith.subi %sign3A_1072, %sign3A_1075 : i32
      %ne3A_1077 = arith.cmpi ne, %sign3A_1069, %sign3A_1076 : i32
      %rem3A_1078 = arith.remsi %scan3A_308, %jit3A_1061 : i32
      %ne3A_1079 = arith.constant 0 : i32
      %ne3A_1080 = arith.cmpi ne, %rem3A_1078, %ne3A_1079 : i32
      %and3A_1081 = arith.andi %ne3A_1077, %ne3A_1080 : i1
      %sub3A_1082 = arith.constant 1 : i32
      %sub3A_1083 = arith.subi %div3A_1062, %sub3A_1082 : i32
      %select_n3A_1084 = arith.select %and3A_1081, %sub3A_1083, %div3A_1062 : i32
      %jit3A_1085 = arith.constant 8 : i32
      %eq3A_1086 = arith.constant 0 : i32
      %eq3A_1087 = arith.cmpi eq, %jit3A_1085, %eq3A_1086 : i32
      %jit3A_1088 = arith.constant 1 : i32
      %select_n3A_1089 = arith.select %eq3A_1087, %jit3A_1088, %jit3A_1085 : i32
      %rem3A_1090 = arith.remsi %scan3A_308, %select_n3A_1089 : i32
      %ne3A_1091 = arith.constant 0 : i32
      %ne3A_1092 = arith.cmpi ne, %rem3A_1090, %ne3A_1091 : i32
      %lt3A_1093 = arith.constant 0 : i32
      %lt3A_1094 = arith.cmpi slt, %rem3A_1090, %lt3A_1093 : i32
      %lt3A_1095 = arith.constant 0 : i32
      %lt3A_1096 = arith.cmpi slt, %select_n3A_1089, %lt3A_1095 : i32
      %ne3A_1097 = arith.xori %lt3A_1094, %lt3A_1096 : i1
      %and3A_1098 = arith.andi %ne3A_1097, %ne3A_1092 : i1
      %add3A_1099 = arith.addi %rem3A_1090, %select_n3A_1089 : i32
      %select_n3A_1100 = arith.select %and3A_1098, %add3A_1099, %rem3A_1090 : i32
      %swap3A_1101 = arith.constant 1 : i32
      %swap3A_1102 = arith.index_cast %select_n3A_1084 : i32 to index
      %swap3A_1103 = arith.index_cast %swap3A_1101 : i32 to index
      %swap3A_1104 = arith.index_cast %select_n3A_1100 : i32 to index
      %swap3A_1105 = arith.constant 112 : index
      %swap3A_1106 = tpu.vector_load %arg9[%swap3A_1102, %swap3A_1103, %swap3A_1104, %swap3A_1105] {strides = array<i32>} : memref<8x2x8x128xf32, #tpu.memory_space<vmem>>, vector<16xf32>,
      tpu.vector_store %arg9[%swap3A_1102, %swap3A_1103, %swap3A_1104, %swap3A_1105], %gather3A_1060 {strides = array<i32>} : memref<8x2x8x128xf32, #tpu.memory_space<vmem>>, vector<16xf32>,
    }
    %scan3A_103 = arith.constant 64 : i32
    %dma_start3A_104 = arith.constant 4 : i32
    %dma_start3A_105 = arith.constant 0 : i32
    %dma_start3A_106 = arith.constant 0 : i32
    %dma_start3A_107 = tpu.memref_slice %arg7[%dma_start3A_105, %dma_start3A_106] : memref<256x64xf32, #tpu.memory_space<vmem>> -> memref<128x64xf32, #tpu.memory_space<vmem>>
    %dma_start3A_108 = arith.constant 0 : i32
    %dma_start3A_109 = tpu.memref_slice %arg6[%dma_start3A_104, %dma_start3A_108] : memref<16x128xi32, #tpu.memory_space<vmem>> -> memref<1x128xi32, #tpu.memory_space<vmem>>
    %dma_start3A_110 = tpu.memref_squeeze %dma_start3A_109 : memref<1x128xi32, #tpu.memory_space<vmem>> -> memref<128xi32, #tpu.memory_space<vmem>>
    %dma_start3A_111 = arith.constant 0 : i32
    %dma_start3A_112 = arith.constant 0 : i32
    %dma_start3A_113 = tpu.memref_slice %arg3[%dma_start3A_111, %dma_start3A_112] : memref<100352x64xf32, #tpu.memory_space<hbm>> -> memref<100352x64xf32, #tpu.memory_space<hbm>>
    tpu.enqueue_indirect_dma source(%dma_start3A_113 : memref<100352x64xf32, #tpu.memory_space<hbm>>) target(%dma_start3A_107 : memref<128x64xf32, #tpu.memory_space<vmem>>) offsets(%dma_start3A_110 : memref<128xi32, #tpu.memory_space<vmem>>) semaphore(%arg11 : memref<!tpu.dma_semaphore, #tpu.memory_space<semaphore_mem>>)
    %dma_start3A_114 = arith.constant 5 : i32
    %dma_start3A_115 = arith.constant 128 : i32
    %dma_start3A_116 = arith.constant 0 : i32
    %dma_start3A_117 = tpu.memref_slice %arg7[%dma_start3A_115, %dma_start3A_116] : memref<256x64xf32, #tpu.memory_space<vmem>> -> memref<128x64xf32, #tpu.memory_space<vmem>>
    %dma_start3A_118 = arith.constant 0 : i32
    %dma_start3A_119 = tpu.memref_slice %arg6[%dma_start3A_114, %dma_start3A_118] : memref<16x128xi32, #tpu.memory_space<vmem>> -> memref<1x128xi32, #tpu.memory_space<vmem>>
    %dma_start3A_120 = tpu.memref_squeeze %dma_start3A_119 : memref<1x128xi32, #tpu.memory_space<vmem>> -> memref<128xi32, #tpu.memory_space<vmem>>
    %dma_start3A_121 = arith.constant 0 : i32
    %dma_start3A_122 = arith.constant 0 : i32
    %dma_start3A_123 = tpu.memref_slice %arg3[%dma_start3A_121, %dma_start3A_122] : memref<100352x64xf32, #tpu.memory_space<hbm>> -> memref<100352x64xf32, #tpu.memory_space<hbm>>
    tpu.enqueue_indirect_dma source(%dma_start3A_123 : memref<100352x64xf32, #tpu.memory_space<hbm>>) target(%dma_start3A_117 : memref<128x64xf32, #tpu.memory_space<vmem>>) offsets(%dma_start3A_120 : memref<128xi32, #tpu.memory_space<vmem>>) semaphore(%arg11 : memref<!tpu.dma_semaphore, #tpu.memory_space<semaphore_mem>>)
    %mul3A_124 = arith.constant 8 : i32
    %mul3A_125 = arith.muli %select_n3A, %mul3A_124 : i32
    %add3A_126 = arith.constant 0 : i32
    %add3A_127 = arith.addi %mul3A_32, %add3A_126 : i32
    %dma_start3A_128 = arith.constant 0 : i32
    %dma_start3A_129 = arith.constant 0 : i32
    %dma_start3A_130 = tpu.memref_slice %arg4[%mul3A_125, %add3A_127, %dma_start3A_128, %dma_start3A_129] : memref<128x32x8x128xf32, #tpu.memory_space<hbm>> -> memref<8x2x8x128xf32, #tpu.memory_space<hbm>>
    %dma_start3A_131 = arith.constant 0 : i32
    %dma_start3A_132 = arith.constant 0 : i32
    %dma_start3A_133 = tpu.memref_slice %arg4[%mul3A_125, %add3A_127, %dma_start3A_131, %dma_start3A_132] : memref<128x32x8x128xf32, #tpu.memory_space<hbm>> -> memref<8x2x8x128xf32, #tpu.memory_space<hbm>>
    tpu.enqueue_dma source(%arg9 : memref<8x2x8x128xf32, #tpu.memory_space<vmem>>) target(%dma_start3A_133 : memref<8x2x8x128xf32, #tpu.memory_space<hbm>>) target_semaphore(%arg13 : memref<!tpu.dma_semaphore, #tpu.memory_space<semaphore_mem>>)
    %dma_wait3A_134 = arith.constant 2 : i32
    %dma_wait3A_135 = arith.constant 0 : i32
    %dma_wait3A_136 = arith.constant 0 : i32
    %dma_wait3A_137 = tpu.memref_slice %arg8[%dma_wait3A_135, %dma_wait3A_136] : memref<256x64xf32, #tpu.memory_space<vmem>> -> memref<128x64xf32, #tpu.memory_space<vmem>>
    %dma_wait3A_138 = arith.constant 0 : i32
    %dma_wait3A_139 = tpu.memref_slice %arg6[%dma_wait3A_134, %dma_wait3A_138] : memref<16x128xi32, #tpu.memory_space<vmem>> -> memref<1x128xi32, #tpu.memory_space<vmem>>
    %dma_wait3A_140 = tpu.memref_squeeze %dma_wait3A_139 : memref<1x128xi32, #tpu.memory_space<vmem>> -> memref<128xi32, #tpu.memory_space<vmem>>
    %dma_wait3A_141 = arith.constant 0 : i32
    %dma_wait3A_142 = arith.constant 0 : i32
    %dma_wait3A_143 = tpu.memref_slice %arg3[%dma_wait3A_141, %dma_wait3A_142] : memref<100352x64xf32, #tpu.memory_space<hbm>> -> memref<100352x64xf32, #tpu.memory_space<hbm>>
    tpu.wait_indirect_dma semaphore(%arg12 : memref<!tpu.dma_semaphore, #tpu.memory_space<semaphore_mem>>) src(%dma_wait3A_143 : memref<100352x64xf32, #tpu.memory_space<hbm>>) dst(%dma_wait3A_137 : memref<128x64xf32, #tpu.memory_space<vmem>>)
    %dma_wait3A_144 = arith.constant 3 : i32
    %dma_wait3A_145 = arith.constant 128 : i32
    %dma_wait3A_146 = arith.constant 0 : i32
    %dma_wait3A_147 = tpu.memref_slice %arg8[%dma_wait3A_145, %dma_wait3A_146] : memref<256x64xf32, #tpu.memory_space<vmem>> -> memref<128x64xf32, #tpu.memory_space<vmem>>
    %dma_wait3A_148 = arith.constant 0 : i32
    %dma_wait3A_149 = tpu.memref_slice %arg6[%dma_wait3A_144, %dma_wait3A_148] : memref<16x128xi32, #tpu.memory_space<vmem>> -> memref<1x128xi32, #tpu.memory_space<vmem>>
    %dma_wait3A_150 = tpu.memref_squeeze %dma_wait3A_149 : memref<1x128xi32, #tpu.memory_space<vmem>> -> memref<128xi32, #tpu.memory_space<vmem>>
    %dma_wait3A_151 = arith.constant 0 : i32
    %dma_wait3A_152 = arith.constant 0 : i32
    %dma_wait3A_153 = tpu.memref_slice %arg3[%dma_wait3A_151, %dma_wait3A_152] : memref<100352x64xf32, #tpu.memory_space<hbm>> -> memref<100352x64xf32, #tpu.memory_space<hbm>>
    tpu.wait_indirect_dma semaphore(%arg12 : memref<!tpu.dma_semaphore, #tpu.memory_space<semaphore_mem>>) src(%dma_wait3A_153 : memref<100352x64xf32, #tpu.memory_space<hbm>>) dst(%dma_wait3A_147 : memref<128x64xf32, #tpu.memory_space<vmem>>)
    %scan3A_154 = arith.constant 0 : i32
    %scan3A_155 = arith.constant 0 : i32
    %scan3A_156 = arith.constant 64 : i32
    %scan3A_157 = arith.addi %scan3A_155, %scan3A_156 : i32
    %scan3A_158 = arith.constant 1 : i32
    scf.for %scan3A_308 = %scan3A_155 to %scan3A_157 step %scan3A_158  : i32 {
      %broadcast_in_dim3A = vector.broadcast %scan3A_308 : i32 to vector<16xi32>
      %add3A_309 = arith.constant 0 : i32
      %add3A_310 = vector.broadcast %add3A_309 : i32 to vector<16xi32>
      %add3A_311 = arith.addi %iota3A, %add3A_310 : vector<16xi32>
      %gather3A = tpu.vector_load_idx %arg8[%add3A_311, %broadcast_in_dim3A] : memref<256x64xf32, #tpu.memory_space<vmem>>[vector<16xi32>, vector<16xi32>], vector<16xf32>,
      %jit3A_312 = arith.constant 8 : i32
      %div3A_313 = arith.divsi %scan3A_308, %jit3A_312 : i32
      %sign3A_314 = arith.constant 0 : i32
      %sign3A_315 = arith.cmpi sgt, %scan3A_308, %sign3A_314 : i32
      %sign3A_316 = arith.extui %sign3A_315 : i1 to i32
      %sign3A_317 = arith.constant 0 : i32
      %sign3A_318 = arith.cmpi slt, %scan3A_308, %sign3A_317 : i32
      %sign3A_319 = arith.extui %sign3A_318 : i1 to i32
      %sign3A_320 = arith.subi %sign3A_316, %sign3A_319 : i32
      %sign3A_321 = arith.constant 0 : i32
      %sign3A_322 = arith.cmpi sgt, %jit3A_312, %sign3A_321 : i32
      %sign3A_323 = arith.extui %sign3A_322 : i1 to i32
      %sign3A_324 = arith.constant 0 : i32
      %sign3A_325 = arith.cmpi slt, %jit3A_312, %sign3A_324 : i32
      %sign3A_326 = arith.extui %sign3A_325 : i1 to i32
      %sign3A_327 = arith.subi %sign3A_323, %sign3A_326 : i32
      %ne3A_328 = arith.cmpi ne, %sign3A_320, %sign3A_327 : i32
      %rem3A_329 = arith.remsi %scan3A_308, %jit3A_312 : i32
      %ne3A_330 = arith.constant 0 : i32
      %ne3A_331 = arith.cmpi ne, %rem3A_329, %ne3A_330 : i32
      %and3A_332 = arith.andi %ne3A_328, %ne3A_331 : i1
      %sub3A_333 = arith.constant 1 : i32
      %sub3A_334 = arith.subi %div3A_313, %sub3A_333 : i32
      %select_n3A_335 = arith.select %and3A_332, %sub3A_334, %div3A_313 : i32
      %jit3A_336 = arith.constant 8 : i32
      %eq3A_337 = arith.constant 0 : i32
      %eq3A_338 = arith.cmpi eq, %jit3A_336, %eq3A_337 : i32
      %jit3A_339 = arith.constant 1 : i32
      %select_n3A_340 = arith.select %eq3A_338, %jit3A_339, %jit3A_336 : i32
      %rem3A_341 = arith.remsi %scan3A_308, %select_n3A_340 : i32
      %ne3A_342 = arith.constant 0 : i32
      %ne3A_343 = arith.cmpi ne, %rem3A_341, %ne3A_342 : i32
      %lt3A_344 = arith.constant 0 : i32
      %lt3A_345 = arith.cmpi slt, %rem3A_341, %lt3A_344 : i32
      %lt3A_346 = arith.constant 0 : i32
      %lt3A_347 = arith.cmpi slt, %select_n3A_340, %lt3A_346 : i32
      %ne3A_348 = arith.xori %lt3A_345, %lt3A_347 : i1
      %and3A_349 = arith.andi %ne3A_348, %ne3A_343 : i1
      %add3A_350 = arith.addi %rem3A_341, %select_n3A_340 : i32
      %select_n3A_351 = arith.select %and3A_349, %add3A_350, %rem3A_341 : i32
      %swap3A = arith.constant 0 : i32
      %swap3A_352 = arith.index_cast %select_n3A_335 : i32 to index
      %swap3A_353 = arith.index_cast %swap3A : i32 to index
      %swap3A_354 = arith.index_cast %select_n3A_351 : i32 to index
      %swap3A_355 = arith.constant 0 : index
      %swap3A_356 = tpu.vector_load %arg10[%swap3A_352, %swap3A_353, %swap3A_354, %swap3A_355] {strides = array<i32>} : memref<8x2x8x128xf32, #tpu.memory_space<vmem>>, vector<16xf32>,
      tpu.vector_store %arg10[%swap3A_352, %swap3A_353, %swap3A_354, %swap3A_355], %gather3A {strides = array<i32>} : memref<8x2x8x128xf32, #tpu.memory_space<vmem>>, vector<16xf32>,
      %add3A_357 = arith.constant 16 : i32
      %add3A_358 = vector.broadcast %add3A_357 : i32 to vector<16xi32>
      %add3A_359 = arith.addi %iota3A, %add3A_358 : vector<16xi32>
      %gather3A_360 = tpu.vector_load_idx %arg8[%add3A_359, %broadcast_in_dim3A] : memref<256x64xf32, #tpu.memory_space<vmem>>[vector<16xi32>, vector<16xi32>], vector<16xf32>,
      %jit3A_361 = arith.constant 8 : i32
      %div3A_362 = arith.divsi %scan3A_308, %jit3A_361 : i32
      %sign3A_363 = arith.constant 0 : i32
      %sign3A_364 = arith.cmpi sgt, %scan3A_308, %sign3A_363 : i32
      %sign3A_365 = arith.extui %sign3A_364 : i1 to i32
      %sign3A_366 = arith.constant 0 : i32
      %sign3A_367 = arith.cmpi slt, %scan3A_308, %sign3A_366 : i32
      %sign3A_368 = arith.extui %sign3A_367 : i1 to i32
      %sign3A_369 = arith.subi %sign3A_365, %sign3A_368 : i32
      %sign3A_370 = arith.constant 0 : i32
      %sign3A_371 = arith.cmpi sgt, %jit3A_361, %sign3A_370 : i32
      %sign3A_372 = arith.extui %sign3A_371 : i1 to i32
      %sign3A_373 = arith.constant 0 : i32
      %sign3A_374 = arith.cmpi slt, %jit3A_361, %sign3A_373 : i32
      %sign3A_375 = arith.extui %sign3A_374 : i1 to i32
      %sign3A_376 = arith.subi %sign3A_372, %sign3A_375 : i32
      %ne3A_377 = arith.cmpi ne, %sign3A_369, %sign3A_376 : i32
      %rem3A_378 = arith.remsi %scan3A_308, %jit3A_361 : i32
      %ne3A_379 = arith.constant 0 : i32
      %ne3A_380 = arith.cmpi ne, %rem3A_378, %ne3A_379 : i32
      %and3A_381 = arith.andi %ne3A_377, %ne3A_380 : i1
      %sub3A_382 = arith.constant 1 : i32
      %sub3A_383 = arith.subi %div3A_362, %sub3A_382 : i32
      %select_n3A_384 = arith.select %and3A_381, %sub3A_383, %div3A_362 : i32
      %jit3A_385 = arith.constant 8 : i32
      %eq3A_386 = arith.constant 0 : i32
      %eq3A_387 = arith.cmpi eq, %jit3A_385, %eq3A_386 : i32
      %jit3A_388 = arith.constant 1 : i32
      %select_n3A_389 = arith.select %eq3A_387, %jit3A_388, %jit3A_385 : i32
      %rem3A_390 = arith.remsi %scan3A_308, %select_n3A_389 : i32
      %ne3A_391 = arith.constant 0 : i32
      %ne3A_392 = arith.cmpi ne, %rem3A_390, %ne3A_391 : i32
      %lt3A_393 = arith.constant 0 : i32
      %lt3A_394 = arith.cmpi slt, %rem3A_390, %lt3A_393 : i32
      %lt3A_395 = arith.constant 0 : i32
      %lt3A_396 = arith.cmpi slt, %select_n3A_389, %lt3A_395 : i32
      %ne3A_397 = arith.xori %lt3A_394, %lt3A_396 : i1
      %and3A_398 = arith.andi %ne3A_397, %ne3A_392 : i1
      %add3A_399 = arith.addi %rem3A_390, %select_n3A_389 : i32
      %select_n3A_400 = arith.select %and3A_398, %add3A_399, %rem3A_390 : i32
      %swap3A_401 = arith.constant 0 : i32
      %swap3A_402 = arith.index_cast %select_n3A_384 : i32 to index
      %swap3A_403 = arith.index_cast %swap3A_401 : i32 to index
      %swap3A_404 = arith.index_cast %select_n3A_400 : i32 to index
      %swap3A_405 = arith.constant 16 : index
      %swap3A_406 = tpu.vector_load %arg10[%swap3A_402, %swap3A_403, %swap3A_404, %swap3A_405] {strides = array<i32>} : memref<8x2x8x128xf32, #tpu.memory_space<vmem>>, vector<16xf32>,
      tpu.vector_store %arg10[%swap3A_402, %swap3A_403, %swap3A_404, %swap3A_405], %gather3A_360 {strides = array<i32>} : memref<8x2x8x128xf32, #tpu.memory_space<vmem>>, vector<16xf32>,
      %add3A_407 = arith.constant 32 : i32
      %add3A_408 = vector.broadcast %add3A_407 : i32 to vector<16xi32>
      %add3A_409 = arith.addi %iota3A, %add3A_408 : vector<16xi32>
      %gather3A_410 = tpu.vector_load_idx %arg8[%add3A_409, %broadcast_in_dim3A] : memref<256x64xf32, #tpu.memory_space<vmem>>[vector<16xi32>, vector<16xi32>], vector<16xf32>,
      %jit3A_411 = arith.constant 8 : i32
      %div3A_412 = arith.divsi %scan3A_308, %jit3A_411 : i32
      %sign3A_413 = arith.constant 0 : i32
      %sign3A_414 = arith.cmpi sgt, %scan3A_308, %sign3A_413 : i32
      %sign3A_415 = arith.extui %sign3A_414 : i1 to i32
      %sign3A_416 = arith.constant 0 : i32
      %sign3A_417 = arith.cmpi slt, %scan3A_308, %sign3A_416 : i32
      %sign3A_418 = arith.extui %sign3A_417 : i1 to i32
      %sign3A_419 = arith.subi %sign3A_415, %sign3A_418 : i32
      %sign3A_420 = arith.constant 0 : i32
      %sign3A_421 = arith.cmpi sgt, %jit3A_411, %sign3A_420 : i32
      %sign3A_422 = arith.extui %sign3A_421 : i1 to i32
      %sign3A_423 = arith.constant 0 : i32
      %sign3A_424 = arith.cmpi slt, %jit3A_411, %sign3A_423 : i32
      %sign3A_425 = arith.extui %sign3A_424 : i1 to i32
      %sign3A_426 = arith.subi %sign3A_422, %sign3A_425 : i32
      %ne3A_427 = arith.cmpi ne, %sign3A_419, %sign3A_426 : i32
      %rem3A_428 = arith.remsi %scan3A_308, %jit3A_411 : i32
      %ne3A_429 = arith.constant 0 : i32
      %ne3A_430 = arith.cmpi ne, %rem3A_428, %ne3A_429 : i32
      %and3A_431 = arith.andi %ne3A_427, %ne3A_430 : i1
      %sub3A_432 = arith.constant 1 : i32
      %sub3A_433 = arith.subi %div3A_412, %sub3A_432 : i32
      %select_n3A_434 = arith.select %and3A_431, %sub3A_433, %div3A_412 : i32
      %jit3A_435 = arith.constant 8 : i32
      %eq3A_436 = arith.constant 0 : i32
      %eq3A_437 = arith.cmpi eq, %jit3A_435, %eq3A_436 : i32
      %jit3A_438 = arith.constant 1 : i32
      %select_n3A_439 = arith.select %eq3A_437, %jit3A_438, %jit3A_435 : i32
      %rem3A_440 = arith.remsi %scan3A_308, %select_n3A_439 : i32
      %ne3A_441 = arith.constant 0 : i32
      %ne3A_442 = arith.cmpi ne, %rem3A_440, %ne3A_441 : i32
      %lt3A_443 = arith.constant 0 : i32
      %lt3A_444 = arith.cmpi slt, %rem3A_440, %lt3A_443 : i32
      %lt3A_445 = arith.constant 0 : i32
      %lt3A_446 = arith.cmpi slt, %select_n3A_439, %lt3A_445 : i32
      %ne3A_447 = arith.xori %lt3A_444, %lt3A_446 : i1
      %and3A_448 = arith.andi %ne3A_447, %ne3A_442 : i1
      %add3A_449 = arith.addi %rem3A_440, %select_n3A_439 : i32
      %select_n3A_450 = arith.select %and3A_448, %add3A_449, %rem3A_440 : i32
      %swap3A_451 = arith.constant 0 : i32
      %swap3A_452 = arith.index_cast %select_n3A_434 : i32 to index
      %swap3A_453 = arith.index_cast %swap3A_451 : i32 to index
      %swap3A_454 = arith.index_cast %select_n3A_450 : i32 to index
      %swap3A_455 = arith.constant 32 : index
      %swap3A_456 = tpu.vector_load %arg10[%swap3A_452, %swap3A_453, %swap3A_454, %swap3A_455] {strides = array<i32>} : memref<8x2x8x128xf32, #tpu.memory_space<vmem>>, vector<16xf32>,
      tpu.vector_store %arg10[%swap3A_452, %swap3A_453, %swap3A_454, %swap3A_455], %gather3A_410 {strides = array<i32>} : memref<8x2x8x128xf32, #tpu.memory_space<vmem>>, vector<16xf32>,
      %add3A_457 = arith.constant 48 : i32
      %add3A_458 = vector.broadcast %add3A_457 : i32 to vector<16xi32>
      %add3A_459 = arith.addi %iota3A, %add3A_458 : vector<16xi32>
      %gather3A_460 = tpu.vector_load_idx %arg8[%add3A_459, %broadcast_in_dim3A] : memref<256x64xf32, #tpu.memory_space<vmem>>[vector<16xi32>, vector<16xi32>], vector<16xf32>,
      %jit3A_461 = arith.constant 8 : i32
      %div3A_462 = arith.divsi %scan3A_308, %jit3A_461 : i32
      %sign3A_463 = arith.constant 0 : i32
      %sign3A_464 = arith.cmpi sgt, %scan3A_308, %sign3A_463 : i32
      %sign3A_465 = arith.extui %sign3A_464 : i1 to i32
      %sign3A_466 = arith.constant 0 : i32
      %sign3A_467 = arith.cmpi slt, %scan3A_308, %sign3A_466 : i32
      %sign3A_468 = arith.extui %sign3A_467 : i1 to i32
      %sign3A_469 = arith.subi %sign3A_465, %sign3A_468 : i32
      %sign3A_470 = arith.constant 0 : i32
      %sign3A_471 = arith.cmpi sgt, %jit3A_461, %sign3A_470 : i32
      %sign3A_472 = arith.extui %sign3A_471 : i1 to i32
      %sign3A_473 = arith.constant 0 : i32
      %sign3A_474 = arith.cmpi slt, %jit3A_461, %sign3A_473 : i32
      %sign3A_475 = arith.extui %sign3A_474 : i1 to i32
      %sign3A_476 = arith.subi %sign3A_472, %sign3A_475 : i32
      %ne3A_477 = arith.cmpi ne, %sign3A_469, %sign3A_476 : i32
      %rem3A_478 = arith.remsi %scan3A_308, %jit3A_461 : i32
      %ne3A_479 = arith.constant 0 : i32
      %ne3A_480 = arith.cmpi ne, %rem3A_478, %ne3A_479 : i32
      %and3A_481 = arith.andi %ne3A_477, %ne3A_480 : i1
      %sub3A_482 = arith.constant 1 : i32
      %sub3A_483 = arith.subi %div3A_462, %sub3A_482 : i32
      %select_n3A_484 = arith.select %and3A_481, %sub3A_483, %div3A_462 : i32
      %jit3A_485 = arith.constant 8 : i32
      %eq3A_486 = arith.constant 0 : i32
      %eq3A_487 = arith.cmpi eq, %jit3A_485, %eq3A_486 : i32
      %jit3A_488 = arith.constant 1 : i32
      %select_n3A_489 = arith.select %eq3A_487, %jit3A_488, %jit3A_485 : i32
      %rem3A_490 = arith.remsi %scan3A_308, %select_n3A_489 : i32
      %ne3A_491 = arith.constant 0 : i32
      %ne3A_492 = arith.cmpi ne, %rem3A_490, %ne3A_491 : i32
      %lt3A_493 = arith.constant 0 : i32
      %lt3A_494 = arith.cmpi slt, %rem3A_490, %lt3A_493 : i32
      %lt3A_495 = arith.constant 0 : i32
      %lt3A_496 = arith.cmpi slt, %select_n3A_489, %lt3A_495 : i32
      %ne3A_497 = arith.xori %lt3A_494, %lt3A_496 : i1
      %and3A_498 = arith.andi %ne3A_497, %ne3A_492 : i1
      %add3A_499 = arith.addi %rem3A_490, %select_n3A_489 : i32
      %select_n3A_500 = arith.select %and3A_498, %add3A_499, %rem3A_490 : i32
      %swap3A_501 = arith.constant 0 : i32
      %swap3A_502 = arith.index_cast %select_n3A_484 : i32 to index
      %swap3A_503 = arith.index_cast %swap3A_501 : i32 to index
      %swap3A_504 = arith.index_cast %select_n3A_500 : i32 to index
      %swap3A_505 = arith.constant 48 : index
      %swap3A_506 = tpu.vector_load %arg10[%swap3A_502, %swap3A_503, %swap3A_504, %swap3A_505] {strides = array<i32>} : memref<8x2x8x128xf32, #tpu.memory_space<vmem>>, vector<16xf32>,
      tpu.vector_store %arg10[%swap3A_502, %swap3A_503, %swap3A_504, %swap3A_505], %gather3A_460 {strides = array<i32>} : memref<8x2x8x128xf32, #tpu.memory_space<vmem>>, vector<16xf32>,
      %add3A_507 = arith.constant 64 : i32
      %add3A_508 = vector.broadcast %add3A_507 : i32 to vector<16xi32>
      %add3A_509 = arith.addi %iota3A, %add3A_508 : vector<16xi32>
      %gather3A_510 = tpu.vector_load_idx %arg8[%add3A_509, %broadcast_in_dim3A] : memref<256x64xf32, #tpu.memory_space<vmem>>[vector<16xi32>, vector<16xi32>], vector<16xf32>,
      %jit3A_511 = arith.constant 8 : i32
      %div3A_512 = arith.divsi %scan3A_308, %jit3A_511 : i32
      %sign3A_513 = arith.constant 0 : i32
      %sign3A_514 = arith.cmpi sgt, %scan3A_308, %sign3A_513 : i32
      %sign3A_515 = arith.extui %sign3A_514 : i1 to i32
      %sign3A_516 = arith.constant 0 : i32
      %sign3A_517 = arith.cmpi slt, %scan3A_308, %sign3A_516 : i32
      %sign3A_518 = arith.extui %sign3A_517 : i1 to i32
      %sign3A_519 = arith.subi %sign3A_515, %sign3A_518 : i32
      %sign3A_520 = arith.constant 0 : i32
      %sign3A_521 = arith.cmpi sgt, %jit3A_511, %sign3A_520 : i32
      %sign3A_522 = arith.extui %sign3A_521 : i1 to i32
      %sign3A_523 = arith.constant 0 : i32
      %sign3A_524 = arith.cmpi slt, %jit3A_511, %sign3A_523 : i32
      %sign3A_525 = arith.extui %sign3A_524 : i1 to i32
      %sign3A_526 = arith.subi %sign3A_522, %sign3A_525 : i32
      %ne3A_527 = arith.cmpi ne, %sign3A_519, %sign3A_526 : i32
      %rem3A_528 = arith.remsi %scan3A_308, %jit3A_511 : i32
      %ne3A_529 = arith.constant 0 : i32
      %ne3A_530 = arith.cmpi ne, %rem3A_528, %ne3A_529 : i32
      %and3A_531 = arith.andi %ne3A_527, %ne3A_530 : i1
      %sub3A_532 = arith.constant 1 : i32
      %sub3A_533 = arith.subi %div3A_512, %sub3A_532 : i32
      %select_n3A_534 = arith.select %and3A_531, %sub3A_533, %div3A_512 : i32
      %jit3A_535 = arith.constant 8 : i32
      %eq3A_536 = arith.constant 0 : i32
      %eq3A_537 = arith.cmpi eq, %jit3A_535, %eq3A_536 : i32
      %jit3A_538 = arith.constant 1 : i32
      %select_n3A_539 = arith.select %eq3A_537, %jit3A_538, %jit3A_535 : i32
      %rem3A_540 = arith.remsi %scan3A_308, %select_n3A_539 : i32
      %ne3A_541 = arith.constant 0 : i32
      %ne3A_542 = arith.cmpi ne, %rem3A_540, %ne3A_541 : i32
      %lt3A_543 = arith.constant 0 : i32
      %lt3A_544 = arith.cmpi slt, %rem3A_540, %lt3A_543 : i32
      %lt3A_545 = arith.constant 0 : i32
      %lt3A_546 = arith.cmpi slt, %select_n3A_539, %lt3A_545 : i32
      %ne3A_547 = arith.xori %lt3A_544, %lt3A_546 : i1
      %and3A_548 = arith.andi %ne3A_547, %ne3A_542 : i1
      %add3A_549 = arith.addi %rem3A_540, %select_n3A_539 : i32
      %select_n3A_550 = arith.select %and3A_548, %add3A_549, %rem3A_540 : i32
      %swap3A_551 = arith.constant 0 : i32
      %swap3A_552 = arith.index_cast %select_n3A_534 : i32 to index
      %swap3A_553 = arith.index_cast %swap3A_551 : i32 to index
      %swap3A_554 = arith.index_cast %select_n3A_550 : i32 to index
      %swap3A_555 = arith.constant 64 : index
      %swap3A_556 = tpu.vector_load %arg10[%swap3A_552, %swap3A_553, %swap3A_554, %swap3A_555] {strides = array<i32>} : memref<8x2x8x128xf32, #tpu.memory_space<vmem>>, vector<16xf32>,
      tpu.vector_store %arg10[%swap3A_552, %swap3A_553, %swap3A_554, %swap3A_555], %gather3A_510 {strides = array<i32>} : memref<8x2x8x128xf32, #tpu.memory_space<vmem>>, vector<16xf32>,
      %add3A_557 = arith.constant 80 : i32
      %add3A_558 = vector.broadcast %add3A_557 : i32 to vector<16xi32>
      %add3A_559 = arith.addi %iota3A, %add3A_558 : vector<16xi32>
      %gather3A_560 = tpu.vector_load_idx %arg8[%add3A_559, %broadcast_in_dim3A] : memref<256x64xf32, #tpu.memory_space<vmem>>[vector<16xi32>, vector<16xi32>], vector<16xf32>,
      %jit3A_561 = arith.constant 8 : i32
      %div3A_562 = arith.divsi %scan3A_308, %jit3A_561 : i32
      %sign3A_563 = arith.constant 0 : i32
      %sign3A_564 = arith.cmpi sgt, %scan3A_308, %sign3A_563 : i32
      %sign3A_565 = arith.extui %sign3A_564 : i1 to i32
      %sign3A_566 = arith.constant 0 : i32
      %sign3A_567 = arith.cmpi slt, %scan3A_308, %sign3A_566 : i32
      %sign3A_568 = arith.extui %sign3A_567 : i1 to i32
      %sign3A_569 = arith.subi %sign3A_565, %sign3A_568 : i32
      %sign3A_570 = arith.constant 0 : i32
      %sign3A_571 = arith.cmpi sgt, %jit3A_561, %sign3A_570 : i32
      %sign3A_572 = arith.extui %sign3A_571 : i1 to i32
      %sign3A_573 = arith.constant 0 : i32
      %sign3A_574 = arith.cmpi slt, %jit3A_561, %sign3A_573 : i32
      %sign3A_575 = arith.extui %sign3A_574 : i1 to i32
      %sign3A_576 = arith.subi %sign3A_572, %sign3A_575 : i32
      %ne3A_577 = arith.cmpi ne, %sign3A_569, %sign3A_576 : i32
      %rem3A_578 = arith.remsi %scan3A_308, %jit3A_561 : i32
      %ne3A_579 = arith.constant 0 : i32
      %ne3A_580 = arith.cmpi ne, %rem3A_578, %ne3A_579 : i32
      %and3A_581 = arith.andi %ne3A_577, %ne3A_580 : i1
      %sub3A_582 = arith.constant 1 : i32
      %sub3A_583 = arith.subi %div3A_562, %sub3A_582 : i32
      %select_n3A_584 = arith.select %and3A_581, %sub3A_583, %div3A_562 : i32
      %jit3A_585 = arith.constant 8 : i32
      %eq3A_586 = arith.constant 0 : i32
      %eq3A_587 = arith.cmpi eq, %jit3A_585, %eq3A_586 : i32
      %jit3A_588 = arith.constant 1 : i32
      %select_n3A_589 = arith.select %eq3A_587, %jit3A_588, %jit3A_585 : i32
      %rem3A_590 = arith.remsi %scan3A_308, %select_n3A_589 : i32
      %ne3A_591 = arith.constant 0 : i32
      %ne3A_592 = arith.cmpi ne, %rem3A_590, %ne3A_591 : i32
      %lt3A_593 = arith.constant 0 : i32
      %lt3A_594 = arith.cmpi slt, %rem3A_590, %lt3A_593 : i32
      %lt3A_595 = arith.constant 0 : i32
      %lt3A_596 = arith.cmpi slt, %select_n3A_589, %lt3A_595 : i32
      %ne3A_597 = arith.xori %lt3A_594, %lt3A_596 : i1
      %and3A_598 = arith.andi %ne3A_597, %ne3A_592 : i1
      %add3A_599 = arith.addi %rem3A_590, %select_n3A_589 : i32
      %select_n3A_600 = arith.select %and3A_598, %add3A_599, %rem3A_590 : i32
      %swap3A_601 = arith.constant 0 : i32
      %swap3A_602 = arith.index_cast %select_n3A_584 : i32 to index
      %swap3A_603 = arith.index_cast %swap3A_601 : i32 to index
      %swap3A_604 = arith.index_cast %select_n3A_600 : i32 to index
      %swap3A_605 = arith.constant 80 : index
      %swap3A_606 = tpu.vector_load %arg10[%swap3A_602, %swap3A_603, %swap3A_604, %swap3A_605] {strides = array<i32>} : memref<8x2x8x128xf32, #tpu.memory_space<vmem>>, vector<16xf32>,
      tpu.vector_store %arg10[%swap3A_602, %swap3A_603, %swap3A_604, %swap3A_605], %gather3A_560 {strides = array<i32>} : memref<8x2x8x128xf32, #tpu.memory_space<vmem>>, vector<16xf32>,
      %add3A_607 = arith.constant 96 : i32
      %add3A_608 = vector.broadcast %add3A_607 : i32 to vector<16xi32>
      %add3A_609 = arith.addi %iota3A, %add3A_608 : vector<16xi32>
      %gather3A_610 = tpu.vector_load_idx %arg8[%add3A_609, %broadcast_in_dim3A] : memref<256x64xf32, #tpu.memory_space<vmem>>[vector<16xi32>, vector<16xi32>], vector<16xf32>,
      %jit3A_611 = arith.constant 8 : i32
      %div3A_612 = arith.divsi %scan3A_308, %jit3A_611 : i32
      %sign3A_613 = arith.constant 0 : i32
      %sign3A_614 = arith.cmpi sgt, %scan3A_308, %sign3A_613 : i32
      %sign3A_615 = arith.extui %sign3A_614 : i1 to i32
      %sign3A_616 = arith.constant 0 : i32
      %sign3A_617 = arith.cmpi slt, %scan3A_308, %sign3A_616 : i32
      %sign3A_618 = arith.extui %sign3A_617 : i1 to i32
      %sign3A_619 = arith.subi %sign3A_615, %sign3A_618 : i32
      %sign3A_620 = arith.constant 0 : i32
      %sign3A_621 = arith.cmpi sgt, %jit3A_611, %sign3A_620 : i32
      %sign3A_622 = arith.extui %sign3A_621 : i1 to i32
      %sign3A_623 = arith.constant 0 : i32
      %sign3A_624 = arith.cmpi slt, %jit3A_611, %sign3A_623 : i32
      %sign3A_625 = arith.extui %sign3A_624 : i1 to i32
      %sign3A_626 = arith.subi %sign3A_622, %sign3A_625 : i32
      %ne3A_627 = arith.cmpi ne, %sign3A_619, %sign3A_626 : i32
      %rem3A_628 = arith.remsi %scan3A_308, %jit3A_611 : i32
      %ne3A_629 = arith.constant 0 : i32
      %ne3A_630 = arith.cmpi ne, %rem3A_628, %ne3A_629 : i32
      %and3A_631 = arith.andi %ne3A_627, %ne3A_630 : i1
      %sub3A_632 = arith.constant 1 : i32
      %sub3A_633 = arith.subi %div3A_612, %sub3A_632 : i32
      %select_n3A_634 = arith.select %and3A_631, %sub3A_633, %div3A_612 : i32
      %jit3A_635 = arith.constant 8 : i32
      %eq3A_636 = arith.constant 0 : i32
      %eq3A_637 = arith.cmpi eq, %jit3A_635, %eq3A_636 : i32
      %jit3A_638 = arith.constant 1 : i32
      %select_n3A_639 = arith.select %eq3A_637, %jit3A_638, %jit3A_635 : i32
      %rem3A_640 = arith.remsi %scan3A_308, %select_n3A_639 : i32
      %ne3A_641 = arith.constant 0 : i32
      %ne3A_642 = arith.cmpi ne, %rem3A_640, %ne3A_641 : i32
      %lt3A_643 = arith.constant 0 : i32
      %lt3A_644 = arith.cmpi slt, %rem3A_640, %lt3A_643 : i32
      %lt3A_645 = arith.constant 0 : i32
      %lt3A_646 = arith.cmpi slt, %select_n3A_639, %lt3A_645 : i32
      %ne3A_647 = arith.xori %lt3A_644, %lt3A_646 : i1
      %and3A_648 = arith.andi %ne3A_647, %ne3A_642 : i1
      %add3A_649 = arith.addi %rem3A_640, %select_n3A_639 : i32
      %select_n3A_650 = arith.select %and3A_648, %add3A_649, %rem3A_640 : i32
      %swap3A_651 = arith.constant 0 : i32
      %swap3A_652 = arith.index_cast %select_n3A_634 : i32 to index
      %swap3A_653 = arith.index_cast %swap3A_651 : i32 to index
      %swap3A_654 = arith.index_cast %select_n3A_650 : i32 to index
      %swap3A_655 = arith.constant 96 : index
      %swap3A_656 = tpu.vector_load %arg10[%swap3A_652, %swap3A_653, %swap3A_654, %swap3A_655] {strides = array<i32>} : memref<8x2x8x128xf32, #tpu.memory_space<vmem>>, vector<16xf32>,
      tpu.vector_store %arg10[%swap3A_652, %swap3A_653, %swap3A_654, %swap3A_655], %gather3A_610 {strides = array<i32>} : memref<8x2x8x128xf32, #tpu.memory_space<vmem>>, vector<16xf32>,
      %add3A_657 = arith.constant 112 : i32
      %add3A_658 = vector.broadcast %add3A_657 : i32 to vector<16xi32>
      %add3A_659 = arith.addi %iota3A, %add3A_658 : vector<16xi32>
      %gather3A_660 = tpu.vector_load_idx %arg8[%add3A_659, %broadcast_in_dim3A] : memref<256x64xf32, #tpu.memory_space<vmem>>[vector<16xi32>, vector<16xi32>], vector<16xf32>,
      %jit3A_661 = arith.constant 8 : i32
      %div3A_662 = arith.divsi %scan3A_308, %jit3A_661 : i32
      %sign3A_663 = arith.constant 0 : i32
      %sign3A_664 = arith.cmpi sgt, %scan3A_308, %sign3A_663 : i32
      %sign3A_665 = arith.extui %sign3A_664 : i1 to i32
      %sign3A_666 = arith.constant 0 : i32
      %sign3A_667 = arith.cmpi slt, %scan3A_308, %sign3A_666 : i32
      %sign3A_668 = arith.extui %sign3A_667 : i1 to i32
      %sign3A_669 = arith.subi %sign3A_665, %sign3A_668 : i32
      %sign3A_670 = arith.constant 0 : i32
      %sign3A_671 = arith.cmpi sgt, %jit3A_661, %sign3A_670 : i32
      %sign3A_672 = arith.extui %sign3A_671 : i1 to i32
      %sign3A_673 = arith.constant 0 : i32
      %sign3A_674 = arith.cmpi slt, %jit3A_661, %sign3A_673 : i32
      %sign3A_675 = arith.extui %sign3A_674 : i1 to i32
      %sign3A_676 = arith.subi %sign3A_672, %sign3A_675 : i32
      %ne3A_677 = arith.cmpi ne, %sign3A_669, %sign3A_676 : i32
      %rem3A_678 = arith.remsi %scan3A_308, %jit3A_661 : i32
      %ne3A_679 = arith.constant 0 : i32
      %ne3A_680 = arith.cmpi ne, %rem3A_678, %ne3A_679 : i32
      %and3A_681 = arith.andi %ne3A_677, %ne3A_680 : i1
      %sub3A_682 = arith.constant 1 : i32
      %sub3A_683 = arith.subi %div3A_662, %sub3A_682 : i32
      %select_n3A_684 = arith.select %and3A_681, %sub3A_683, %div3A_662 : i32
      %jit3A_685 = arith.constant 8 : i32
      %eq3A_686 = arith.constant 0 : i32
      %eq3A_687 = arith.cmpi eq, %jit3A_685, %eq3A_686 : i32
      %jit3A_688 = arith.constant 1 : i32
      %select_n3A_689 = arith.select %eq3A_687, %jit3A_688, %jit3A_685 : i32
      %rem3A_690 = arith.remsi %scan3A_308, %select_n3A_689 : i32
      %ne3A_691 = arith.constant 0 : i32
      %ne3A_692 = arith.cmpi ne, %rem3A_690, %ne3A_691 : i32
      %lt3A_693 = arith.constant 0 : i32
      %lt3A_694 = arith.cmpi slt, %rem3A_690, %lt3A_693 : i32
      %lt3A_695 = arith.constant 0 : i32
      %lt3A_696 = arith.cmpi slt, %select_n3A_689, %lt3A_695 : i32
      %ne3A_697 = arith.xori %lt3A_694, %lt3A_696 : i1
      %and3A_698 = arith.andi %ne3A_697, %ne3A_692 : i1
      %add3A_699 = arith.addi %rem3A_690, %select_n3A_689 : i32
      %select_n3A_700 = arith.select %and3A_698, %add3A_699, %rem3A_690 : i32
      %swap3A_701 = arith.constant 0 : i32
      %swap3A_702 = arith.index_cast %select_n3A_684 : i32 to index
      %swap3A_703 = arith.index_cast %swap3A_701 : i32 to index
      %swap3A_704 = arith.index_cast %select_n3A_700 : i32 to index
      %swap3A_705 = arith.constant 112 : index
      %swap3A_706 = tpu.vector_load %arg10[%swap3A_702, %swap3A_703, %swap3A_704, %swap3A_705] {strides = array<i32>} : memref<8x2x8x128xf32, #tpu.memory_space<vmem>>, vector<16xf32>,
      tpu.vector_store %arg10[%swap3A_702, %swap3A_703, %swap3A_704, %swap3A_705], %gather3A_660 {strides = array<i32>} : memref<8x2x8x128xf32, #tpu.memory_space<vmem>>, vector<16xf32>,
      %add3A_707 = arith.constant 128 : i32
      %add3A_708 = vector.broadcast %add3A_707 : i32 to vector<16xi32>
      %add3A_709 = arith.addi %iota3A, %add3A_708 : vector<16xi32>
      %gather3A_710 = tpu.vector_load_idx %arg8[%add3A_709, %broadcast_in_dim3A] : memref<256x64xf32, #tpu.memory_space<vmem>>[vector<16xi32>, vector<16xi32>], vector<16xf32>,
      %jit3A_711 = arith.constant 8 : i32
      %div3A_712 = arith.divsi %scan3A_308, %jit3A_711 : i32
      %sign3A_713 = arith.constant 0 : i32
      %sign3A_714 = arith.cmpi sgt, %scan3A_308, %sign3A_713 : i32
      %sign3A_715 = arith.extui %sign3A_714 : i1 to i32
      %sign3A_716 = arith.constant 0 : i32
      %sign3A_717 = arith.cmpi slt, %scan3A_308, %sign3A_716 : i32
      %sign3A_718 = arith.extui %sign3A_717 : i1 to i32
      %sign3A_719 = arith.subi %sign3A_715, %sign3A_718 : i32
      %sign3A_720 = arith.constant 0 : i32
      %sign3A_721 = arith.cmpi sgt, %jit3A_711, %sign3A_720 : i32
      %sign3A_722 = arith.extui %sign3A_721 : i1 to i32
      %sign3A_723 = arith.constant 0 : i32
      %sign3A_724 = arith.cmpi slt, %jit3A_711, %sign3A_723 : i32
      %sign3A_725 = arith.extui %sign3A_724 : i1 to i32
      %sign3A_726 = arith.subi %sign3A_722, %sign3A_725 : i32
      %ne3A_727 = arith.cmpi ne, %sign3A_719, %sign3A_726 : i32
      %rem3A_728 = arith.remsi %scan3A_308, %jit3A_711 : i32
      %ne3A_729 = arith.constant 0 : i32
      %ne3A_730 = arith.cmpi ne, %rem3A_728, %ne3A_729 : i32
      %and3A_731 = arith.andi %ne3A_727, %ne3A_730 : i1
      %sub3A_732 = arith.constant 1 : i32
      %sub3A_733 = arith.subi %div3A_712, %sub3A_732 : i32
      %select_n3A_734 = arith.select %and3A_731, %sub3A_733, %div3A_712 : i32
      %jit3A_735 = arith.constant 8 : i32
      %eq3A_736 = arith.constant 0 : i32
      %eq3A_737 = arith.cmpi eq, %jit3A_735, %eq3A_736 : i32
      %jit3A_738 = arith.constant 1 : i32
      %select_n3A_739 = arith.select %eq3A_737, %jit3A_738, %jit3A_735 : i32
      %rem3A_740 = arith.remsi %scan3A_308, %select_n3A_739 : i32
      %ne3A_741 = arith.constant 0 : i32
      %ne3A_742 = arith.cmpi ne, %rem3A_740, %ne3A_741 : i32
      %lt3A_743 = arith.constant 0 : i32
      %lt3A_744 = arith.cmpi slt, %rem3A_740, %lt3A_743 : i32
      %lt3A_745 = arith.constant 0 : i32
      %lt3A_746 = arith.cmpi slt, %select_n3A_739, %lt3A_745 : i32
      %ne3A_747 = arith.xori %lt3A_744, %lt3A_746 : i1
      %and3A_748 = arith.andi %ne3A_747, %ne3A_742 : i1
      %add3A_749 = arith.addi %rem3A_740, %select_n3A_739 : i32
      %select_n3A_750 = arith.select %and3A_748, %add3A_749, %rem3A_740 : i32
      %swap3A_751 = arith.constant 1 : i32
      %swap3A_752 = arith.index_cast %select_n3A_734 : i32 to index
      %swap3A_753 = arith.index_cast %swap3A_751 : i32 to index
      %swap3A_754 = arith.index_cast %select_n3A_750 : i32 to index
      %swap3A_755 = arith.constant 0 : index
      %swap3A_756 = tpu.vector_load %arg10[%swap3A_752, %swap3A_753, %swap3A_754, %swap3A_755] {strides = array<i32>} : memref<8x2x8x128xf32, #tpu.memory_space<vmem>>, vector<16xf32>,
      tpu.vector_store %arg10[%swap3A_752, %swap3A_753, %swap3A_754, %swap3A_755], %gather3A_710 {strides = array<i32>} : memref<8x2x8x128xf32, #tpu.memory_space<vmem>>, vector<16xf32>,
      %add3A_757 = arith.constant 144 : i32
      %add3A_758 = vector.broadcast %add3A_757 : i32 to vector<16xi32>
      %add3A_759 = arith.addi %iota3A, %add3A_758 : vector<16xi32>
      %gather3A_760 = tpu.vector_load_idx %arg8[%add3A_759, %broadcast_in_dim3A] : memref<256x64xf32, #tpu.memory_space<vmem>>[vector<16xi32>, vector<16xi32>], vector<16xf32>,
      %jit3A_761 = arith.constant 8 : i32
      %div3A_762 = arith.divsi %scan3A_308, %jit3A_761 : i32
      %sign3A_763 = arith.constant 0 : i32
      %sign3A_764 = arith.cmpi sgt, %scan3A_308, %sign3A_763 : i32
      %sign3A_765 = arith.extui %sign3A_764 : i1 to i32
      %sign3A_766 = arith.constant 0 : i32
      %sign3A_767 = arith.cmpi slt, %scan3A_308, %sign3A_766 : i32
      %sign3A_768 = arith.extui %sign3A_767 : i1 to i32
      %sign3A_769 = arith.subi %sign3A_765, %sign3A_768 : i32
      %sign3A_770 = arith.constant 0 : i32
      %sign3A_771 = arith.cmpi sgt, %jit3A_761, %sign3A_770 : i32
      %sign3A_772 = arith.extui %sign3A_771 : i1 to i32
      %sign3A_773 = arith.constant 0 : i32
      %sign3A_774 = arith.cmpi slt, %jit3A_761, %sign3A_773 : i32
      %sign3A_775 = arith.extui %sign3A_774 : i1 to i32
      %sign3A_776 = arith.subi %sign3A_772, %sign3A_775 : i32
      %ne3A_777 = arith.cmpi ne, %sign3A_769, %sign3A_776 : i32
      %rem3A_778 = arith.remsi %scan3A_308, %jit3A_761 : i32
      %ne3A_779 = arith.constant 0 : i32
      %ne3A_780 = arith.cmpi ne, %rem3A_778, %ne3A_779 : i32
      %and3A_781 = arith.andi %ne3A_777, %ne3A_780 : i1
      %sub3A_782 = arith.constant 1 : i32
      %sub3A_783 = arith.subi %div3A_762, %sub3A_782 : i32
      %select_n3A_784 = arith.select %and3A_781, %sub3A_783, %div3A_762 : i32
      %jit3A_785 = arith.constant 8 : i32
      %eq3A_786 = arith.constant 0 : i32
      %eq3A_787 = arith.cmpi eq, %jit3A_785, %eq3A_786 : i32
      %jit3A_788 = arith.constant 1 : i32
      %select_n3A_789 = arith.select %eq3A_787, %jit3A_788, %jit3A_785 : i32
      %rem3A_790 = arith.remsi %scan3A_308, %select_n3A_789 : i32
      %ne3A_791 = arith.constant 0 : i32
      %ne3A_792 = arith.cmpi ne, %rem3A_790, %ne3A_791 : i32
      %lt3A_793 = arith.constant 0 : i32
      %lt3A_794 = arith.cmpi slt, %rem3A_790, %lt3A_793 : i32
      %lt3A_795 = arith.constant 0 : i32
      %lt3A_796 = arith.cmpi slt, %select_n3A_789, %lt3A_795 : i32
      %ne3A_797 = arith.xori %lt3A_794, %lt3A_796 : i1
      %and3A_798 = arith.andi %ne3A_797, %ne3A_792 : i1
      %add3A_799 = arith.addi %rem3A_790, %select_n3A_789 : i32
      %select_n3A_800 = arith.select %and3A_798, %add3A_799, %rem3A_790 : i32
      %swap3A_801 = arith.constant 1 : i32
      %swap3A_802 = arith.index_cast %select_n3A_784 : i32 to index
      %swap3A_803 = arith.index_cast %swap3A_801 : i32 to index
      %swap3A_804 = arith.index_cast %select_n3A_800 : i32 to index
      %swap3A_805 = arith.constant 16 : index
      %swap3A_806 = tpu.vector_load %arg10[%swap3A_802, %swap3A_803, %swap3A_804, %swap3A_805] {strides = array<i32>} : memref<8x2x8x128xf32, #tpu.memory_space<vmem>>, vector<16xf32>,
      tpu.vector_store %arg10[%swap3A_802, %swap3A_803, %swap3A_804, %swap3A_805], %gather3A_760 {strides = array<i32>} : memref<8x2x8x128xf32, #tpu.memory_space<vmem>>, vector<16xf32>,
      %add3A_807 = arith.constant 160 : i32
      %add3A_808 = vector.broadcast %add3A_807 : i32 to vector<16xi32>
      %add3A_809 = arith.addi %iota3A, %add3A_808 : vector<16xi32>
      %gather3A_810 = tpu.vector_load_idx %arg8[%add3A_809, %broadcast_in_dim3A] : memref<256x64xf32, #tpu.memory_space<vmem>>[vector<16xi32>, vector<16xi32>], vector<16xf32>,
      %jit3A_811 = arith.constant 8 : i32
      %div3A_812 = arith.divsi %scan3A_308, %jit3A_811 : i32
      %sign3A_813 = arith.constant 0 : i32
      %sign3A_814 = arith.cmpi sgt, %scan3A_308, %sign3A_813 : i32
      %sign3A_815 = arith.extui %sign3A_814 : i1 to i32
      %sign3A_816 = arith.constant 0 : i32
      %sign3A_817 = arith.cmpi slt, %scan3A_308, %sign3A_816 : i32
      %sign3A_818 = arith.extui %sign3A_817 : i1 to i32
      %sign3A_819 = arith.subi %sign3A_815, %sign3A_818 : i32
      %sign3A_820 = arith.constant 0 : i32
      %sign3A_821 = arith.cmpi sgt, %jit3A_811, %sign3A_820 : i32
      %sign3A_822 = arith.extui %sign3A_821 : i1 to i32
      %sign3A_823 = arith.constant 0 : i32
      %sign3A_824 = arith.cmpi slt, %jit3A_811, %sign3A_823 : i32
      %sign3A_825 = arith.extui %sign3A_824 : i1 to i32
      %sign3A_826 = arith.subi %sign3A_822, %sign3A_825 : i32
      %ne3A_827 = arith.cmpi ne, %sign3A_819, %sign3A_826 : i32
      %rem3A_828 = arith.remsi %scan3A_308, %jit3A_811 : i32
      %ne3A_829 = arith.constant 0 : i32
      %ne3A_830 = arith.cmpi ne, %rem3A_828, %ne3A_829 : i32
      %and3A_831 = arith.andi %ne3A_827, %ne3A_830 : i1
      %sub3A_832 = arith.constant 1 : i32
      %sub3A_833 = arith.subi %div3A_812, %sub3A_832 : i32
      %select_n3A_834 = arith.select %and3A_831, %sub3A_833, %div3A_812 : i32
      %jit3A_835 = arith.constant 8 : i32
      %eq3A_836 = arith.constant 0 : i32
      %eq3A_837 = arith.cmpi eq, %jit3A_835, %eq3A_836 : i32
      %jit3A_838 = arith.constant 1 : i32
      %select_n3A_839 = arith.select %eq3A_837, %jit3A_838, %jit3A_835 : i32
      %rem3A_840 = arith.remsi %scan3A_308, %select_n3A_839 : i32
      %ne3A_841 = arith.constant 0 : i32
      %ne3A_842 = arith.cmpi ne, %rem3A_840, %ne3A_841 : i32
      %lt3A_843 = arith.constant 0 : i32
      %lt3A_844 = arith.cmpi slt, %rem3A_840, %lt3A_843 : i32
      %lt3A_845 = arith.constant 0 : i32
      %lt3A_846 = arith.cmpi slt, %select_n3A_839, %lt3A_845 : i32
      %ne3A_847 = arith.xori %lt3A_844, %lt3A_846 : i1
      %and3A_848 = arith.andi %ne3A_847, %ne3A_842 : i1
      %add3A_849 = arith.addi %rem3A_840, %select_n3A_839 : i32
      %select_n3A_850 = arith.select %and3A_848, %add3A_849, %rem3A_840 : i32
      %swap3A_851 = arith.constant 1 : i32
      %swap3A_852 = arith.index_cast %select_n3A_834 : i32 to index
      %swap3A_853 = arith.index_cast %swap3A_851 : i32 to index
      %swap3A_854 = arith.index_cast %select_n3A_850 : i32 to index
      %swap3A_855 = arith.constant 32 : index
      %swap3A_856 = tpu.vector_load %arg10[%swap3A_852, %swap3A_853, %swap3A_854, %swap3A_855] {strides = array<i32>} : memref<8x2x8x128xf32, #tpu.memory_space<vmem>>, vector<16xf32>,
      tpu.vector_store %arg10[%swap3A_852, %swap3A_853, %swap3A_854, %swap3A_855], %gather3A_810 {strides = array<i32>} : memref<8x2x8x128xf32, #tpu.memory_space<vmem>>, vector<16xf32>,
      %add3A_857 = arith.constant 176 : i32
      %add3A_858 = vector.broadcast %add3A_857 : i32 to vector<16xi32>
      %add3A_859 = arith.addi %iota3A, %add3A_858 : vector<16xi32>
      %gather3A_860 = tpu.vector_load_idx %arg8[%add3A_859, %broadcast_in_dim3A] : memref<256x64xf32, #tpu.memory_space<vmem>>[vector<16xi32>, vector<16xi32>], vector<16xf32>,
      %jit3A_861 = arith.constant 8 : i32
      %div3A_862 = arith.divsi %scan3A_308, %jit3A_861 : i32
      %sign3A_863 = arith.constant 0 : i32
      %sign3A_864 = arith.cmpi sgt, %scan3A_308, %sign3A_863 : i32
      %sign3A_865 = arith.extui %sign3A_864 : i1 to i32
      %sign3A_866 = arith.constant 0 : i32
      %sign3A_867 = arith.cmpi slt, %scan3A_308, %sign3A_866 : i32
      %sign3A_868 = arith.extui %sign3A_867 : i1 to i32
      %sign3A_869 = arith.subi %sign3A_865, %sign3A_868 : i32
      %sign3A_870 = arith.constant 0 : i32
      %sign3A_871 = arith.cmpi sgt, %jit3A_861, %sign3A_870 : i32
      %sign3A_872 = arith.extui %sign3A_871 : i1 to i32
      %sign3A_873 = arith.constant 0 : i32
      %sign3A_874 = arith.cmpi slt, %jit3A_861, %sign3A_873 : i32
      %sign3A_875 = arith.extui %sign3A_874 : i1 to i32
      %sign3A_876 = arith.subi %sign3A_872, %sign3A_875 : i32
      %ne3A_877 = arith.cmpi ne, %sign3A_869, %sign3A_876 : i32
      %rem3A_878 = arith.remsi %scan3A_308, %jit3A_861 : i32
      %ne3A_879 = arith.constant 0 : i32
      %ne3A_880 = arith.cmpi ne, %rem3A_878, %ne3A_879 : i32
      %and3A_881 = arith.andi %ne3A_877, %ne3A_880 : i1
      %sub3A_882 = arith.constant 1 : i32
      %sub3A_883 = arith.subi %div3A_862, %sub3A_882 : i32
      %select_n3A_884 = arith.select %and3A_881, %sub3A_883, %div3A_862 : i32
      %jit3A_885 = arith.constant 8 : i32
      %eq3A_886 = arith.constant 0 : i32
      %eq3A_887 = arith.cmpi eq, %jit3A_885, %eq3A_886 : i32
      %jit3A_888 = arith.constant 1 : i32
      %select_n3A_889 = arith.select %eq3A_887, %jit3A_888, %jit3A_885 : i32
      %rem3A_890 = arith.remsi %scan3A_308, %select_n3A_889 : i32
      %ne3A_891 = arith.constant 0 : i32
      %ne3A_892 = arith.cmpi ne, %rem3A_890, %ne3A_891 : i32
      %lt3A_893 = arith.constant 0 : i32
      %lt3A_894 = arith.cmpi slt, %rem3A_890, %lt3A_893 : i32
      %lt3A_895 = arith.constant 0 : i32
      %lt3A_896 = arith.cmpi slt, %select_n3A_889, %lt3A_895 : i32
      %ne3A_897 = arith.xori %lt3A_894, %lt3A_896 : i1
      %and3A_898 = arith.andi %ne3A_897, %ne3A_892 : i1
      %add3A_899 = arith.addi %rem3A_890, %select_n3A_889 : i32
      %select_n3A_900 = arith.select %and3A_898, %add3A_899, %rem3A_890 : i32
      %swap3A_901 = arith.constant 1 : i32
      %swap3A_902 = arith.index_cast %select_n3A_884 : i32 to index
      %swap3A_903 = arith.index_cast %swap3A_901 : i32 to index
      %swap3A_904 = arith.index_cast %select_n3A_900 : i32 to index
      %swap3A_905 = arith.constant 48 : index
      %swap3A_906 = tpu.vector_load %arg10[%swap3A_902, %swap3A_903, %swap3A_904, %swap3A_905] {strides = array<i32>} : memref<8x2x8x128xf32, #tpu.memory_space<vmem>>, vector<16xf32>,
      tpu.vector_store %arg10[%swap3A_902, %swap3A_903, %swap3A_904, %swap3A_905], %gather3A_860 {strides = array<i32>} : memref<8x2x8x128xf32, #tpu.memory_space<vmem>>, vector<16xf32>,
      %add3A_907 = arith.constant 192 : i32
      %add3A_908 = vector.broadcast %add3A_907 : i32 to vector<16xi32>
      %add3A_909 = arith.addi %iota3A, %add3A_908 : vector<16xi32>
      %gather3A_910 = tpu.vector_load_idx %arg8[%add3A_909, %broadcast_in_dim3A] : memref<256x64xf32, #tpu.memory_space<vmem>>[vector<16xi32>, vector<16xi32>], vector<16xf32>,
      %jit3A_911 = arith.constant 8 : i32
      %div3A_912 = arith.divsi %scan3A_308, %jit3A_911 : i32
      %sign3A_913 = arith.constant 0 : i32
      %sign3A_914 = arith.cmpi sgt, %scan3A_308, %sign3A_913 : i32
      %sign3A_915 = arith.extui %sign3A_914 : i1 to i32
      %sign3A_916 = arith.constant 0 : i32
      %sign3A_917 = arith.cmpi slt, %scan3A_308, %sign3A_916 : i32
      %sign3A_918 = arith.extui %sign3A_917 : i1 to i32
      %sign3A_919 = arith.subi %sign3A_915, %sign3A_918 : i32
      %sign3A_920 = arith.constant 0 : i32
      %sign3A_921 = arith.cmpi sgt, %jit3A_911, %sign3A_920 : i32
      %sign3A_922 = arith.extui %sign3A_921 : i1 to i32
      %sign3A_923 = arith.constant 0 : i32
      %sign3A_924 = arith.cmpi slt, %jit3A_911, %sign3A_923 : i32
      %sign3A_925 = arith.extui %sign3A_924 : i1 to i32
      %sign3A_926 = arith.subi %sign3A_922, %sign3A_925 : i32
      %ne3A_927 = arith.cmpi ne, %sign3A_919, %sign3A_926 : i32
      %rem3A_928 = arith.remsi %scan3A_308, %jit3A_911 : i32
      %ne3A_929 = arith.constant 0 : i32
      %ne3A_930 = arith.cmpi ne, %rem3A_928, %ne3A_929 : i32
      %and3A_931 = arith.andi %ne3A_927, %ne3A_930 : i1
      %sub3A_932 = arith.constant 1 : i32
      %sub3A_933 = arith.subi %div3A_912, %sub3A_932 : i32
      %select_n3A_934 = arith.select %and3A_931, %sub3A_933, %div3A_912 : i32
      %jit3A_935 = arith.constant 8 : i32
      %eq3A_936 = arith.constant 0 : i32
      %eq3A_937 = arith.cmpi eq, %jit3A_935, %eq3A_936 : i32
      %jit3A_938 = arith.constant 1 : i32
      %select_n3A_939 = arith.select %eq3A_937, %jit3A_938, %jit3A_935 : i32
      %rem3A_940 = arith.remsi %scan3A_308, %select_n3A_939 : i32
      %ne3A_941 = arith.constant 0 : i32
      %ne3A_942 = arith.cmpi ne, %rem3A_940, %ne3A_941 : i32
      %lt3A_943 = arith.constant 0 : i32
      %lt3A_944 = arith.cmpi slt, %rem3A_940, %lt3A_943 : i32
      %lt3A_945 = arith.constant 0 : i32
      %lt3A_946 = arith.cmpi slt, %select_n3A_939, %lt3A_945 : i32
      %ne3A_947 = arith.xori %lt3A_944, %lt3A_946 : i1
      %and3A_948 = arith.andi %ne3A_947, %ne3A_942 : i1
      %add3A_949 = arith.addi %rem3A_940, %select_n3A_939 : i32
      %select_n3A_950 = arith.select %and3A_948, %add3A_949, %rem3A_940 : i32
      %swap3A_951 = arith.constant 1 : i32
      %swap3A_952 = arith.index_cast %select_n3A_934 : i32 to index
      %swap3A_953 = arith.index_cast %swap3A_951 : i32 to index
      %swap3A_954 = arith.index_cast %select_n3A_950 : i32 to index
      %swap3A_955 = arith.constant 64 : index
      %swap3A_956 = tpu.vector_load %arg10[%swap3A_952, %swap3A_953, %swap3A_954, %swap3A_955] {strides = array<i32>} : memref<8x2x8x128xf32, #tpu.memory_space<vmem>>, vector<16xf32>,
      tpu.vector_store %arg10[%swap3A_952, %swap3A_953, %swap3A_954, %swap3A_955], %gather3A_910 {strides = array<i32>} : memref<8x2x8x128xf32, #tpu.memory_space<vmem>>, vector<16xf32>,
      %add3A_957 = arith.constant 208 : i32
      %add3A_958 = vector.broadcast %add3A_957 : i32 to vector<16xi32>
      %add3A_959 = arith.addi %iota3A, %add3A_958 : vector<16xi32>
      %gather3A_960 = tpu.vector_load_idx %arg8[%add3A_959, %broadcast_in_dim3A] : memref<256x64xf32, #tpu.memory_space<vmem>>[vector<16xi32>, vector<16xi32>], vector<16xf32>,
      %jit3A_961 = arith.constant 8 : i32
      %div3A_962 = arith.divsi %scan3A_308, %jit3A_961 : i32
      %sign3A_963 = arith.constant 0 : i32
      %sign3A_964 = arith.cmpi sgt, %scan3A_308, %sign3A_963 : i32
      %sign3A_965 = arith.extui %sign3A_964 : i1 to i32
      %sign3A_966 = arith.constant 0 : i32
      %sign3A_967 = arith.cmpi slt, %scan3A_308, %sign3A_966 : i32
      %sign3A_968 = arith.extui %sign3A_967 : i1 to i32
      %sign3A_969 = arith.subi %sign3A_965, %sign3A_968 : i32
      %sign3A_970 = arith.constant 0 : i32
      %sign3A_971 = arith.cmpi sgt, %jit3A_961, %sign3A_970 : i32
      %sign3A_972 = arith.extui %sign3A_971 : i1 to i32
      %sign3A_973 = arith.constant 0 : i32
      %sign3A_974 = arith.cmpi slt, %jit3A_961, %sign3A_973 : i32
      %sign3A_975 = arith.extui %sign3A_974 : i1 to i32
      %sign3A_976 = arith.subi %sign3A_972, %sign3A_975 : i32
      %ne3A_977 = arith.cmpi ne, %sign3A_969, %sign3A_976 : i32
      %rem3A_978 = arith.remsi %scan3A_308, %jit3A_961 : i32
      %ne3A_979 = arith.constant 0 : i32
      %ne3A_980 = arith.cmpi ne, %rem3A_978, %ne3A_979 : i32
      %and3A_981 = arith.andi %ne3A_977, %ne3A_980 : i1
      %sub3A_982 = arith.constant 1 : i32
      %sub3A_983 = arith.subi %div3A_962, %sub3A_982 : i32
      %select_n3A_984 = arith.select %and3A_981, %sub3A_983, %div3A_962 : i32
      %jit3A_985 = arith.constant 8 : i32
      %eq3A_986 = arith.constant 0 : i32
      %eq3A_987 = arith.cmpi eq, %jit3A_985, %eq3A_986 : i32
      %jit3A_988 = arith.constant 1 : i32
      %select_n3A_989 = arith.select %eq3A_987, %jit3A_988, %jit3A_985 : i32
      %rem3A_990 = arith.remsi %scan3A_308, %select_n3A_989 : i32
      %ne3A_991 = arith.constant 0 : i32
      %ne3A_992 = arith.cmpi ne, %rem3A_990, %ne3A_991 : i32
      %lt3A_993 = arith.constant 0 : i32
      %lt3A_994 = arith.cmpi slt, %rem3A_990, %lt3A_993 : i32
      %lt3A_995 = arith.constant 0 : i32
      %lt3A_996 = arith.cmpi slt, %select_n3A_989, %lt3A_995 : i32
      %ne3A_997 = arith.xori %lt3A_994, %lt3A_996 : i1
      %and3A_998 = arith.andi %ne3A_997, %ne3A_992 : i1
      %add3A_999 = arith.addi %rem3A_990, %select_n3A_989 : i32
      %select_n3A_1000 = arith.select %and3A_998, %add3A_999, %rem3A_990 : i32
      %swap3A_1001 = arith.constant 1 : i32
      %swap3A_1002 = arith.index_cast %select_n3A_984 : i32 to index
      %swap3A_1003 = arith.index_cast %swap3A_1001 : i32 to index
      %swap3A_1004 = arith.index_cast %select_n3A_1000 : i32 to index
      %swap3A_1005 = arith.constant 80 : index
      %swap3A_1006 = tpu.vector_load %arg10[%swap3A_1002, %swap3A_1003, %swap3A_1004, %swap3A_1005] {strides = array<i32>} : memref<8x2x8x128xf32, #tpu.memory_space<vmem>>, vector<16xf32>,
      tpu.vector_store %arg10[%swap3A_1002, %swap3A_1003, %swap3A_1004, %swap3A_1005], %gather3A_960 {strides = array<i32>} : memref<8x2x8x128xf32, #tpu.memory_space<vmem>>, vector<16xf32>,
      %add3A_1007 = arith.constant 224 : i32
      %add3A_1008 = vector.broadcast %add3A_1007 : i32 to vector<16xi32>
      %add3A_1009 = arith.addi %iota3A, %add3A_1008 : vector<16xi32>
      %gather3A_1010 = tpu.vector_load_idx %arg8[%add3A_1009, %broadcast_in_dim3A] : memref<256x64xf32, #tpu.memory_space<vmem>>[vector<16xi32>, vector<16xi32>], vector<16xf32>,
      %jit3A_1011 = arith.constant 8 : i32
      %div3A_1012 = arith.divsi %scan3A_308, %jit3A_1011 : i32
      %sign3A_1013 = arith.constant 0 : i32
      %sign3A_1014 = arith.cmpi sgt, %scan3A_308, %sign3A_1013 : i32
      %sign3A_1015 = arith.extui %sign3A_1014 : i1 to i32
      %sign3A_1016 = arith.constant 0 : i32
      %sign3A_1017 = arith.cmpi slt, %scan3A_308, %sign3A_1016 : i32
      %sign3A_1018 = arith.extui %sign3A_1017 : i1 to i32
      %sign3A_1019 = arith.subi %sign3A_1015, %sign3A_1018 : i32
      %sign3A_1020 = arith.constant 0 : i32
      %sign3A_1021 = arith.cmpi sgt, %jit3A_1011, %sign3A_1020 : i32
      %sign3A_1022 = arith.extui %sign3A_1021 : i1 to i32
      %sign3A_1023 = arith.constant 0 : i32
      %sign3A_1024 = arith.cmpi slt, %jit3A_1011, %sign3A_1023 : i32
      %sign3A_1025 = arith.extui %sign3A_1024 : i1 to i32
      %sign3A_1026 = arith.subi %sign3A_1022, %sign3A_1025 : i32
      %ne3A_1027 = arith.cmpi ne, %sign3A_1019, %sign3A_1026 : i32
      %rem3A_1028 = arith.remsi %scan3A_308, %jit3A_1011 : i32
      %ne3A_1029 = arith.constant 0 : i32
      %ne3A_1030 = arith.cmpi ne, %rem3A_1028, %ne3A_1029 : i32
      %and3A_1031 = arith.andi %ne3A_1027, %ne3A_1030 : i1
      %sub3A_1032 = arith.constant 1 : i32
      %sub3A_1033 = arith.subi %div3A_1012, %sub3A_1032 : i32
      %select_n3A_1034 = arith.select %and3A_1031, %sub3A_1033, %div3A_1012 : i32
      %jit3A_1035 = arith.constant 8 : i32
      %eq3A_1036 = arith.constant 0 : i32
      %eq3A_1037 = arith.cmpi eq, %jit3A_1035, %eq3A_1036 : i32
      %jit3A_1038 = arith.constant 1 : i32
      %select_n3A_1039 = arith.select %eq3A_1037, %jit3A_1038, %jit3A_1035 : i32
      %rem3A_1040 = arith.remsi %scan3A_308, %select_n3A_1039 : i32
      %ne3A_1041 = arith.constant 0 : i32
      %ne3A_1042 = arith.cmpi ne, %rem3A_1040, %ne3A_1041 : i32
      %lt3A_1043 = arith.constant 0 : i32
      %lt3A_1044 = arith.cmpi slt, %rem3A_1040, %lt3A_1043 : i32
      %lt3A_1045 = arith.constant 0 : i32
      %lt3A_1046 = arith.cmpi slt, %select_n3A_1039, %lt3A_1045 : i32
      %ne3A_1047 = arith.xori %lt3A_1044, %lt3A_1046 : i1
      %and3A_1048 = arith.andi %ne3A_1047, %ne3A_1042 : i1
      %add3A_1049 = arith.addi %rem3A_1040, %select_n3A_1039 : i32
      %select_n3A_1050 = arith.select %and3A_1048, %add3A_1049, %rem3A_1040 : i32
      %swap3A_1051 = arith.constant 1 : i32
      %swap3A_1052 = arith.index_cast %select_n3A_1034 : i32 to index
      %swap3A_1053 = arith.index_cast %swap3A_1051 : i32 to index
      %swap3A_1054 = arith.index_cast %select_n3A_1050 : i32 to index
      %swap3A_1055 = arith.constant 96 : index
      %swap3A_1056 = tpu.vector_load %arg10[%swap3A_1052, %swap3A_1053, %swap3A_1054, %swap3A_1055] {strides = array<i32>} : memref<8x2x8x128xf32, #tpu.memory_space<vmem>>, vector<16xf32>,
      tpu.vector_store %arg10[%swap3A_1052, %swap3A_1053, %swap3A_1054, %swap3A_1055], %gather3A_1010 {strides = array<i32>} : memref<8x2x8x128xf32, #tpu.memory_space<vmem>>, vector<16xf32>,
      %add3A_1057 = arith.constant 240 : i32
      %add3A_1058 = vector.broadcast %add3A_1057 : i32 to vector<16xi32>
      %add3A_1059 = arith.addi %iota3A, %add3A_1058 : vector<16xi32>
      %gather3A_1060 = tpu.vector_load_idx %arg8[%add3A_1059, %broadcast_in_dim3A] : memref<256x64xf32, #tpu.memory_space<vmem>>[vector<16xi32>, vector<16xi32>], vector<16xf32>,
      %jit3A_1061 = arith.constant 8 : i32
      %div3A_1062 = arith.divsi %scan3A_308, %jit3A_1061 : i32
      %sign3A_1063 = arith.constant 0 : i32
      %sign3A_1064 = arith.cmpi sgt, %scan3A_308, %sign3A_1063 : i32
      %sign3A_1065 = arith.extui %sign3A_1064 : i1 to i32
      %sign3A_1066 = arith.constant 0 : i32
      %sign3A_1067 = arith.cmpi slt, %scan3A_308, %sign3A_1066 : i32
      %sign3A_1068 = arith.extui %sign3A_1067 : i1 to i32
      %sign3A_1069 = arith.subi %sign3A_1065, %sign3A_1068 : i32
      %sign3A_1070 = arith.constant 0 : i32
      %sign3A_1071 = arith.cmpi sgt, %jit3A_1061, %sign3A_1070 : i32
      %sign3A_1072 = arith.extui %sign3A_1071 : i1 to i32
      %sign3A_1073 = arith.constant 0 : i32
      %sign3A_1074 = arith.cmpi slt, %jit3A_1061, %sign3A_1073 : i32
      %sign3A_1075 = arith.extui %sign3A_1074 : i1 to i32
      %sign3A_1076 = arith.subi %sign3A_1072, %sign3A_1075 : i32
      %ne3A_1077 = arith.cmpi ne, %sign3A_1069, %sign3A_1076 : i32
      %rem3A_1078 = arith.remsi %scan3A_308, %jit3A_1061 : i32
      %ne3A_1079 = arith.constant 0 : i32
      %ne3A_1080 = arith.cmpi ne, %rem3A_1078, %ne3A_1079 : i32
      %and3A_1081 = arith.andi %ne3A_1077, %ne3A_1080 : i1
      %sub3A_1082 = arith.constant 1 : i32
      %sub3A_1083 = arith.subi %div3A_1062, %sub3A_1082 : i32
      %select_n3A_1084 = arith.select %and3A_1081, %sub3A_1083, %div3A_1062 : i32
      %jit3A_1085 = arith.constant 8 : i32
      %eq3A_1086 = arith.constant 0 : i32
      %eq3A_1087 = arith.cmpi eq, %jit3A_1085, %eq3A_1086 : i32
      %jit3A_1088 = arith.constant 1 : i32
      %select_n3A_1089 = arith.select %eq3A_1087, %jit3A_1088, %jit3A_1085 : i32
      %rem3A_1090 = arith.remsi %scan3A_308, %select_n3A_1089 : i32
      %ne3A_1091 = arith.constant 0 : i32
      %ne3A_1092 = arith.cmpi ne, %rem3A_1090, %ne3A_1091 : i32
      %lt3A_1093 = arith.constant 0 : i32
      %lt3A_1094 = arith.cmpi slt, %rem3A_1090, %lt3A_1093 : i32
      %lt3A_1095 = arith.constant 0 : i32
      %lt3A_1096 = arith.cmpi slt, %select_n3A_1089, %lt3A_1095 : i32
      %ne3A_1097 = arith.xori %lt3A_1094, %lt3A_1096 : i1
      %and3A_1098 = arith.andi %ne3A_1097, %ne3A_1092 : i1
      %add3A_1099 = arith.addi %rem3A_1090, %select_n3A_1089 : i32
      %select_n3A_1100 = arith.select %and3A_1098, %add3A_1099, %rem3A_1090 : i32
      %swap3A_1101 = arith.constant 1 : i32
      %swap3A_1102 = arith.index_cast %select_n3A_1084 : i32 to index
      %swap3A_1103 = arith.index_cast %swap3A_1101 : i32 to index
      %swap3A_1104 = arith.index_cast %select_n3A_1100 : i32 to index
      %swap3A_1105 = arith.constant 112 : index
      %swap3A_1106 = tpu.vector_load %arg10[%swap3A_1102, %swap3A_1103, %swap3A_1104, %swap3A_1105] {strides = array<i32>} : memref<8x2x8x128xf32, #tpu.memory_space<vmem>>, vector<16xf32>,
      tpu.vector_store %arg10[%swap3A_1102, %swap3A_1103, %swap3A_1104, %swap3A_1105], %gather3A_1060 {strides = array<i32>} : memref<8x2x8x128xf32, #tpu.memory_space<vmem>>, vector<16xf32>,
    }
    %scan3A_159 = arith.constant 64 : i32
    %dma_start3A_160 = arith.constant 6 : i32
    %dma_start3A_161 = arith.constant 0 : i32
    %dma_start3A_162 = arith.constant 0 : i32
    %dma_start3A_163 = tpu.memref_slice %arg8[%dma_start3A_161, %dma_start3A_162] : memref<256x64xf32, #tpu.memory_space<vmem>> -> memref<128x64xf32, #tpu.memory_space<vmem>>
    %dma_start3A_164 = arith.constant 0 : i32
    %dma_start3A_165 = tpu.memref_slice %arg6[%dma_start3A_160, %dma_start3A_164] : memref<16x128xi32, #tpu.memory_space<vmem>> -> memref<1x128xi32, #tpu.memory_space<vmem>>
    %dma_start3A_166 = tpu.memref_squeeze %dma_start3A_165 : memref<1x128xi32, #tpu.memory_space<vmem>> -> memref<128xi32, #tpu.memory_space<vmem>>
    %dma_start3A_167 = arith.constant 0 : i32
    %dma_start3A_168 = arith.constant 0 : i32
    %dma_start3A_169 = tpu.memref_slice %arg3[%dma_start3A_167, %dma_start3A_168] : memref<100352x64xf32, #tpu.memory_space<hbm>> -> memref<100352x64xf32, #tpu.memory_space<hbm>>
    tpu.enqueue_indirect_dma source(%dma_start3A_169 : memref<100352x64xf32, #tpu.memory_space<hbm>>) target(%dma_start3A_163 : memref<128x64xf32, #tpu.memory_space<vmem>>) offsets(%dma_start3A_166 : memref<128xi32, #tpu.memory_space<vmem>>) semaphore(%arg12 : memref<!tpu.dma_semaphore, #tpu.memory_space<semaphore_mem>>)
    %dma_start3A_170 = arith.constant 7 : i32
    %dma_start3A_171 = arith.constant 128 : i32
    %dma_start3A_172 = arith.constant 0 : i32
    %dma_start3A_173 = tpu.memref_slice %arg8[%dma_start3A_171, %dma_start3A_172] : memref<256x64xf32, #tpu.memory_space<vmem>> -> memref<128x64xf32, #tpu.memory_space<vmem>>
    %dma_start3A_174 = arith.constant 0 : i32
    %dma_start3A_175 = tpu.memref_slice %arg6[%dma_start3A_170, %dma_start3A_174] : memref<16x128xi32, #tpu.memory_space<vmem>> -> memref<1x128xi32, #tpu.memory_space<vmem>>
    %dma_start3A_176 = tpu.memref_squeeze %dma_start3A_175 : memref<1x128xi32, #tpu.memory_space<vmem>> -> memref<128xi32, #tpu.memory_space<vmem>>
    %dma_start3A_177 = arith.constant 0 : i32
    %dma_start3A_178 = arith.constant 0 : i32
    %dma_start3A_179 = tpu.memref_slice %arg3[%dma_start3A_177, %dma_start3A_178] : memref<100352x64xf32, #tpu.memory_space<hbm>> -> memref<100352x64xf32, #tpu.memory_space<hbm>>
    tpu.enqueue_indirect_dma source(%dma_start3A_179 : memref<100352x64xf32, #tpu.memory_space<hbm>>) target(%dma_start3A_173 : memref<128x64xf32, #tpu.memory_space<vmem>>) offsets(%dma_start3A_176 : memref<128xi32, #tpu.memory_space<vmem>>) semaphore(%arg12 : memref<!tpu.dma_semaphore, #tpu.memory_space<semaphore_mem>>)
    %mul3A_180 = arith.constant 8 : i32
    %mul3A_181 = arith.muli %select_n3A, %mul3A_180 : i32
    %add3A_182 = arith.constant 2 : i32
    %add3A_183 = arith.addi %mul3A_32, %add3A_182 : i32
    %dma_start3A_184 = arith.constant 0 : i32
    %dma_start3A_185 = arith.constant 0 : i32
    %dma_start3A_186 = tpu.memref_slice %arg4[%mul3A_181, %add3A_183, %dma_start3A_184, %dma_start3A_185] : memref<128x32x8x128xf32, #tpu.memory_space<hbm>> -> memref<8x2x8x128xf32, #tpu.memory_space<hbm>>
    %dma_start3A_187 = arith.constant 0 : i32
    %dma_start3A_188 = arith.constant 0 : i32
    %dma_start3A_189 = tpu.memref_slice %arg4[%mul3A_181, %add3A_183, %dma_start3A_187, %dma_start3A_188] : memref<128x32x8x128xf32, #tpu.memory_space<hbm>> -> memref<8x2x8x128xf32, #tpu.memory_space<hbm>>
    tpu.enqueue_dma source(%arg10 : memref<8x2x8x128xf32, #tpu.memory_space<vmem>>) target(%dma_start3A_189 : memref<8x2x8x128xf32, #tpu.memory_space<hbm>>) target_semaphore(%arg14 : memref<!tpu.dma_semaphore, #tpu.memory_space<semaphore_mem>>)
    %scan3A_190 = arith.constant 0 : i32
    %scan3A_191 = arith.constant 0 : i32
    %scan3A_192 = arith.constant 2 : i32
    %scan3A_193 = arith.addi %scan3A_191, %scan3A_192 : i32
    %scan3A_194 = arith.constant 1 : i32
    scf.for %scan3A_308 = %scan3A_191 to %scan3A_193 step %scan3A_194  : i32 {
      %mul3A_309 = arith.constant 2 : i32
      %mul3A_310 = arith.muli %scan3A_308, %mul3A_309 : i32
      %add3A_311 = arith.constant 2 : i32
      %add3A_312 = arith.addi %add3A_311, %mul3A_310 : i32
      %add3A_313 = arith.constant 0 : i32
      %add3A_314 = arith.addi %add3A_312, %add3A_313 : i32
      %mul3A_315 = arith.constant 2 : i32
      %mul3A_316 = arith.muli %add3A_314, %mul3A_315 : i32
      %add3A_317 = arith.constant 0 : i32
      %add3A_318 = arith.addi %mul3A_316, %add3A_317 : i32
      %dma_wait3A_319 = arith.constant 0 : i32
      %dma_wait3A_320 = arith.constant 0 : i32
      %dma_wait3A_321 = tpu.memref_slice %arg7[%dma_wait3A_319, %dma_wait3A_320] : memref<256x64xf32, #tpu.memory_space<vmem>> -> memref<128x64xf32, #tpu.memory_space<vmem>>
      %dma_wait3A_322 = arith.constant 0 : i32
      %dma_wait3A_323 = tpu.memref_slice %arg6[%add3A_318, %dma_wait3A_322] : memref<16x128xi32, #tpu.memory_space<vmem>> -> memref<1x128xi32, #tpu.memory_space<vmem>>
      %dma_wait3A_324 = tpu.memref_squeeze %dma_wait3A_323 : memref<1x128xi32, #tpu.memory_space<vmem>> -> memref<128xi32, #tpu.memory_space<vmem>>
      %dma_wait3A_325 = arith.constant 0 : i32
      %dma_wait3A_326 = arith.constant 0 : i32
      %dma_wait3A_327 = tpu.memref_slice %arg3[%dma_wait3A_325, %dma_wait3A_326] : memref<100352x64xf32, #tpu.memory_space<hbm>> -> memref<100352x64xf32, #tpu.memory_space<hbm>>
      tpu.wait_indirect_dma semaphore(%arg11 : memref<!tpu.dma_semaphore, #tpu.memory_space<semaphore_mem>>) src(%dma_wait3A_327 : memref<100352x64xf32, #tpu.memory_space<hbm>>) dst(%dma_wait3A_321 : memref<128x64xf32, #tpu.memory_space<vmem>>)
      %mul3A_328 = arith.constant 2 : i32
      %mul3A_329 = arith.muli %add3A_314, %mul3A_328 : i32
      %add3A_330 = arith.constant 1 : i32
      %add3A_331 = arith.addi %mul3A_329, %add3A_330 : i32
      %dma_wait3A_332 = arith.constant 128 : i32
      %dma_wait3A_333 = arith.constant 0 : i32
      %dma_wait3A_334 = tpu.memref_slice %arg7[%dma_wait3A_332, %dma_wait3A_333] : memref<256x64xf32, #tpu.memory_space<vmem>> -> memref<128x64xf32, #tpu.memory_space<vmem>>
      %dma_wait3A_335 = arith.constant 0 : i32
      %dma_wait3A_336 = tpu.memref_slice %arg6[%add3A_331, %dma_wait3A_335] : memref<16x128xi32, #tpu.memory_space<vmem>> -> memref<1x128xi32, #tpu.memory_space<vmem>>
      %dma_wait3A_337 = tpu.memref_squeeze %dma_wait3A_336 : memref<1x128xi32, #tpu.memory_space<vmem>> -> memref<128xi32, #tpu.memory_space<vmem>>
      %dma_wait3A_338 = arith.constant 0 : i32
      %dma_wait3A_339 = arith.constant 0 : i32
      %dma_wait3A_340 = tpu.memref_slice %arg3[%dma_wait3A_338, %dma_wait3A_339] : memref<100352x64xf32, #tpu.memory_space<hbm>> -> memref<100352x64xf32, #tpu.memory_space<hbm>>
      tpu.wait_indirect_dma semaphore(%arg11 : memref<!tpu.dma_semaphore, #tpu.memory_space<semaphore_mem>>) src(%dma_wait3A_340 : memref<100352x64xf32, #tpu.memory_space<hbm>>) dst(%dma_wait3A_334 : memref<128x64xf32, #tpu.memory_space<vmem>>)
      %add3A_341 = arith.constant 0 : i32
      %add3A_342 = arith.addi %add3A_312, %add3A_341 : i32
      %sub3A_343 = arith.constant 2 : i32
      %sub3A_344 = arith.subi %add3A_342, %sub3A_343 : i32
      %mul3A_345 = arith.constant 8 : i32
      %mul3A_346 = arith.muli %select_n3A, %mul3A_345 : i32
      %mul3A_347 = arith.constant 2 : i32
      %mul3A_348 = arith.muli %sub3A_344, %mul3A_347 : i32
      %add3A_349 = arith.addi %mul3A_32, %mul3A_348 : i32
      %dma_wait3A_350 = arith.constant 0 : i32
      %dma_wait3A_351 = arith.constant 0 : i32
      %dma_wait3A_352 = tpu.memref_slice %arg4[%mul3A_346, %add3A_349, %dma_wait3A_350, %dma_wait3A_351] : memref<128x32x8x128xf32, #tpu.memory_space<hbm>> -> memref<8x2x8x128xf32, #tpu.memory_space<hbm>>
      %dma_wait3A_353 = arith.constant 0 : i32
      %dma_wait3A_354 = arith.constant 0 : i32
      %dma_wait3A_355 = tpu.memref_slice %arg4[%mul3A_346, %add3A_349, %dma_wait3A_353, %dma_wait3A_354] : memref<128x32x8x128xf32, #tpu.memory_space<hbm>> -> memref<8x2x8x128xf32, #tpu.memory_space<hbm>>
      tpu.wait_dma2 semaphore(%arg13 : memref<!tpu.dma_semaphore, #tpu.memory_space<semaphore_mem>>) src(%arg9 : memref<8x2x8x128xf32, #tpu.memory_space<vmem>>) dst(%dma_wait3A_355 : memref<8x2x8x128xf32, #tpu.memory_space<hbm>>)
      %scan3A_356 = arith.constant 0 : i32
      %scan3A_357 = arith.constant 0 : i32
      %scan3A_358 = arith.constant 64 : i32
      %scan3A_359 = arith.addi %scan3A_357, %scan3A_358 : i32
      %scan3A_360 = arith.constant 1 : i32
      scf.for %scan3A_497 = %scan3A_357 to %scan3A_359 step %scan3A_360  : i32 {
        %broadcast_in_dim3A = vector.broadcast %scan3A_497 : i32 to vector<16xi32>
        %add3A_498 = arith.constant 0 : i32
        %add3A_499 = vector.broadcast %add3A_498 : i32 to vector<16xi32>
        %add3A_500 = arith.addi %iota3A, %add3A_499 : vector<16xi32>
        %gather3A = tpu.vector_load_idx %arg7[%add3A_500, %broadcast_in_dim3A] : memref<256x64xf32, #tpu.memory_space<vmem>>[vector<16xi32>, vector<16xi32>], vector<16xf32>,
        %jit3A_501 = arith.constant 8 : i32
        %div3A_502 = arith.divsi %scan3A_497, %jit3A_501 : i32
        %sign3A_503 = arith.constant 0 : i32
        %sign3A_504 = arith.cmpi sgt, %scan3A_497, %sign3A_503 : i32
        %sign3A_505 = arith.extui %sign3A_504 : i1 to i32
        %sign3A_506 = arith.constant 0 : i32
        %sign3A_507 = arith.cmpi slt, %scan3A_497, %sign3A_506 : i32
        %sign3A_508 = arith.extui %sign3A_507 : i1 to i32
        %sign3A_509 = arith.subi %sign3A_505, %sign3A_508 : i32
        %sign3A_510 = arith.constant 0 : i32
        %sign3A_511 = arith.cmpi sgt, %jit3A_501, %sign3A_510 : i32
        %sign3A_512 = arith.extui %sign3A_511 : i1 to i32
        %sign3A_513 = arith.constant 0 : i32
        %sign3A_514 = arith.cmpi slt, %jit3A_501, %sign3A_513 : i32
        %sign3A_515 = arith.extui %sign3A_514 : i1 to i32
        %sign3A_516 = arith.subi %sign3A_512, %sign3A_515 : i32
        %ne3A_517 = arith.cmpi ne, %sign3A_509, %sign3A_516 : i32
        %rem3A_518 = arith.remsi %scan3A_497, %jit3A_501 : i32
        %ne3A_519 = arith.constant 0 : i32
        %ne3A_520 = arith.cmpi ne, %rem3A_518, %ne3A_519 : i32
        %and3A_521 = arith.andi %ne3A_517, %ne3A_520 : i1
        %sub3A_522 = arith.constant 1 : i32
        %sub3A_523 = arith.subi %div3A_502, %sub3A_522 : i32
        %select_n3A_524 = arith.select %and3A_521, %sub3A_523, %div3A_502 : i32
        %jit3A_525 = arith.constant 8 : i32
        %eq3A_526 = arith.constant 0 : i32
        %eq3A_527 = arith.cmpi eq, %jit3A_525, %eq3A_526 : i32
        %jit3A_528 = arith.constant 1 : i32
        %select_n3A_529 = arith.select %eq3A_527, %jit3A_528, %jit3A_525 : i32
        %rem3A_530 = arith.remsi %scan3A_497, %select_n3A_529 : i32
        %ne3A_531 = arith.constant 0 : i32
        %ne3A_532 = arith.cmpi ne, %rem3A_530, %ne3A_531 : i32
        %lt3A_533 = arith.constant 0 : i32
        %lt3A_534 = arith.cmpi slt, %rem3A_530, %lt3A_533 : i32
        %lt3A_535 = arith.constant 0 : i32
        %lt3A_536 = arith.cmpi slt, %select_n3A_529, %lt3A_535 : i32
        %ne3A_537 = arith.xori %lt3A_534, %lt3A_536 : i1
        %and3A_538 = arith.andi %ne3A_537, %ne3A_532 : i1
        %add3A_539 = arith.addi %rem3A_530, %select_n3A_529 : i32
        %select_n3A_540 = arith.select %and3A_538, %add3A_539, %rem3A_530 : i32
        %swap3A = arith.constant 0 : i32
        %swap3A_541 = arith.index_cast %select_n3A_524 : i32 to index
        %swap3A_542 = arith.index_cast %swap3A : i32 to index
        %swap3A_543 = arith.index_cast %select_n3A_540 : i32 to index
        %swap3A_544 = arith.constant 0 : index
        %swap3A_545 = tpu.vector_load %arg9[%swap3A_541, %swap3A_542, %swap3A_543, %swap3A_544] {strides = array<i32>} : memref<8x2x8x128xf32, #tpu.memory_space<vmem>>, vector<16xf32>,
        tpu.vector_store %arg9[%swap3A_541, %swap3A_542, %swap3A_543, %swap3A_544], %gather3A {strides = array<i32>} : memref<8x2x8x128xf32, #tpu.memory_space<vmem>>, vector<16xf32>,
        %add3A_546 = arith.constant 16 : i32
        %add3A_547 = vector.broadcast %add3A_546 : i32 to vector<16xi32>
        %add3A_548 = arith.addi %iota3A, %add3A_547 : vector<16xi32>
        %gather3A_549 = tpu.vector_load_idx %arg7[%add3A_548, %broadcast_in_dim3A] : memref<256x64xf32, #tpu.memory_space<vmem>>[vector<16xi32>, vector<16xi32>], vector<16xf32>,
        %jit3A_550 = arith.constant 8 : i32
        %div3A_551 = arith.divsi %scan3A_497, %jit3A_550 : i32
        %sign3A_552 = arith.constant 0 : i32
        %sign3A_553 = arith.cmpi sgt, %scan3A_497, %sign3A_552 : i32
        %sign3A_554 = arith.extui %sign3A_553 : i1 to i32
        %sign3A_555 = arith.constant 0 : i32
        %sign3A_556 = arith.cmpi slt, %scan3A_497, %sign3A_555 : i32
        %sign3A_557 = arith.extui %sign3A_556 : i1 to i32
        %sign3A_558 = arith.subi %sign3A_554, %sign3A_557 : i32
        %sign3A_559 = arith.constant 0 : i32
        %sign3A_560 = arith.cmpi sgt, %jit3A_550, %sign3A_559 : i32
        %sign3A_561 = arith.extui %sign3A_560 : i1 to i32
        %sign3A_562 = arith.constant 0 : i32
        %sign3A_563 = arith.cmpi slt, %jit3A_550, %sign3A_562 : i32
        %sign3A_564 = arith.extui %sign3A_563 : i1 to i32
        %sign3A_565 = arith.subi %sign3A_561, %sign3A_564 : i32
        %ne3A_566 = arith.cmpi ne, %sign3A_558, %sign3A_565 : i32
        %rem3A_567 = arith.remsi %scan3A_497, %jit3A_550 : i32
        %ne3A_568 = arith.constant 0 : i32
        %ne3A_569 = arith.cmpi ne, %rem3A_567, %ne3A_568 : i32
        %and3A_570 = arith.andi %ne3A_566, %ne3A_569 : i1
        %sub3A_571 = arith.constant 1 : i32
        %sub3A_572 = arith.subi %div3A_551, %sub3A_571 : i32
        %select_n3A_573 = arith.select %and3A_570, %sub3A_572, %div3A_551 : i32
        %jit3A_574 = arith.constant 8 : i32
        %eq3A_575 = arith.constant 0 : i32
        %eq3A_576 = arith.cmpi eq, %jit3A_574, %eq3A_575 : i32
        %jit3A_577 = arith.constant 1 : i32
        %select_n3A_578 = arith.select %eq3A_576, %jit3A_577, %jit3A_574 : i32
        %rem3A_579 = arith.remsi %scan3A_497, %select_n3A_578 : i32
        %ne3A_580 = arith.constant 0 : i32
        %ne3A_581 = arith.cmpi ne, %rem3A_579, %ne3A_580 : i32
        %lt3A_582 = arith.constant 0 : i32
        %lt3A_583 = arith.cmpi slt, %rem3A_579, %lt3A_582 : i32
        %lt3A_584 = arith.constant 0 : i32
        %lt3A_585 = arith.cmpi slt, %select_n3A_578, %lt3A_584 : i32
        %ne3A_586 = arith.xori %lt3A_583, %lt3A_585 : i1
        %and3A_587 = arith.andi %ne3A_586, %ne3A_581 : i1
        %add3A_588 = arith.addi %rem3A_579, %select_n3A_578 : i32
        %select_n3A_589 = arith.select %and3A_587, %add3A_588, %rem3A_579 : i32
        %swap3A_590 = arith.constant 0 : i32
        %swap3A_591 = arith.index_cast %select_n3A_573 : i32 to index
        %swap3A_592 = arith.index_cast %swap3A_590 : i32 to index
        %swap3A_593 = arith.index_cast %select_n3A_589 : i32 to index
        %swap3A_594 = arith.constant 16 : index
        %swap3A_595 = tpu.vector_load %arg9[%swap3A_591, %swap3A_592, %swap3A_593, %swap3A_594] {strides = array<i32>} : memref<8x2x8x128xf32, #tpu.memory_space<vmem>>, vector<16xf32>,
        tpu.vector_store %arg9[%swap3A_591, %swap3A_592, %swap3A_593, %swap3A_594], %gather3A_549 {strides = array<i32>} : memref<8x2x8x128xf32, #tpu.memory_space<vmem>>, vector<16xf32>,
        %add3A_596 = arith.constant 32 : i32
        %add3A_597 = vector.broadcast %add3A_596 : i32 to vector<16xi32>
        %add3A_598 = arith.addi %iota3A, %add3A_597 : vector<16xi32>
        %gather3A_599 = tpu.vector_load_idx %arg7[%add3A_598, %broadcast_in_dim3A] : memref<256x64xf32, #tpu.memory_space<vmem>>[vector<16xi32>, vector<16xi32>], vector<16xf32>,
        %jit3A_600 = arith.constant 8 : i32
        %div3A_601 = arith.divsi %scan3A_497, %jit3A_600 : i32
        %sign3A_602 = arith.constant 0 : i32
        %sign3A_603 = arith.cmpi sgt, %scan3A_497, %sign3A_602 : i32
        %sign3A_604 = arith.extui %sign3A_603 : i1 to i32
        %sign3A_605 = arith.constant 0 : i32
        %sign3A_606 = arith.cmpi slt, %scan3A_497, %sign3A_605 : i32
        %sign3A_607 = arith.extui %sign3A_606 : i1 to i32
        %sign3A_608 = arith.subi %sign3A_604, %sign3A_607 : i32
        %sign3A_609 = arith.constant 0 : i32
        %sign3A_610 = arith.cmpi sgt, %jit3A_600, %sign3A_609 : i32
        %sign3A_611 = arith.extui %sign3A_610 : i1 to i32
        %sign3A_612 = arith.constant 0 : i32
        %sign3A_613 = arith.cmpi slt, %jit3A_600, %sign3A_612 : i32
        %sign3A_614 = arith.extui %sign3A_613 : i1 to i32
        %sign3A_615 = arith.subi %sign3A_611, %sign3A_614 : i32
        %ne3A_616 = arith.cmpi ne, %sign3A_608, %sign3A_615 : i32
        %rem3A_617 = arith.remsi %scan3A_497, %jit3A_600 : i32
        %ne3A_618 = arith.constant 0 : i32
        %ne3A_619 = arith.cmpi ne, %rem3A_617, %ne3A_618 : i32
        %and3A_620 = arith.andi %ne3A_616, %ne3A_619 : i1
        %sub3A_621 = arith.constant 1 : i32
        %sub3A_622 = arith.subi %div3A_601, %sub3A_621 : i32
        %select_n3A_623 = arith.select %and3A_620, %sub3A_622, %div3A_601 : i32
        %jit3A_624 = arith.constant 8 : i32
        %eq3A_625 = arith.constant 0 : i32
        %eq3A_626 = arith.cmpi eq, %jit3A_624, %eq3A_625 : i32
        %jit3A_627 = arith.constant 1 : i32
        %select_n3A_628 = arith.select %eq3A_626, %jit3A_627, %jit3A_624 : i32
        %rem3A_629 = arith.remsi %scan3A_497, %select_n3A_628 : i32
        %ne3A_630 = arith.constant 0 : i32
        %ne3A_631 = arith.cmpi ne, %rem3A_629, %ne3A_630 : i32
        %lt3A_632 = arith.constant 0 : i32
        %lt3A_633 = arith.cmpi slt, %rem3A_629, %lt3A_632 : i32
        %lt3A_634 = arith.constant 0 : i32
        %lt3A_635 = arith.cmpi slt, %select_n3A_628, %lt3A_634 : i32
        %ne3A_636 = arith.xori %lt3A_633, %lt3A_635 : i1
        %and3A_637 = arith.andi %ne3A_636, %ne3A_631 : i1
        %add3A_638 = arith.addi %rem3A_629, %select_n3A_628 : i32
        %select_n3A_639 = arith.select %and3A_637, %add3A_638, %rem3A_629 : i32
        %swap3A_640 = arith.constant 0 : i32
        %swap3A_641 = arith.index_cast %select_n3A_623 : i32 to index
        %swap3A_642 = arith.index_cast %swap3A_640 : i32 to index
        %swap3A_643 = arith.index_cast %select_n3A_639 : i32 to index
        %swap3A_644 = arith.constant 32 : index
        %swap3A_645 = tpu.vector_load %arg9[%swap3A_641, %swap3A_642, %swap3A_643, %swap3A_644] {strides = array<i32>} : memref<8x2x8x128xf32, #tpu.memory_space<vmem>>, vector<16xf32>,
        tpu.vector_store %arg9[%swap3A_641, %swap3A_642, %swap3A_643, %swap3A_644], %gather3A_599 {strides = array<i32>} : memref<8x2x8x128xf32, #tpu.memory_space<vmem>>, vector<16xf32>,
        %add3A_646 = arith.constant 48 : i32
        %add3A_647 = vector.broadcast %add3A_646 : i32 to vector<16xi32>
        %add3A_648 = arith.addi %iota3A, %add3A_647 : vector<16xi32>
        %gather3A_649 = tpu.vector_load_idx %arg7[%add3A_648, %broadcast_in_dim3A] : memref<256x64xf32, #tpu.memory_space<vmem>>[vector<16xi32>, vector<16xi32>], vector<16xf32>,
        %jit3A_650 = arith.constant 8 : i32
        %div3A_651 = arith.divsi %scan3A_497, %jit3A_650 : i32
        %sign3A_652 = arith.constant 0 : i32
        %sign3A_653 = arith.cmpi sgt, %scan3A_497, %sign3A_652 : i32
        %sign3A_654 = arith.extui %sign3A_653 : i1 to i32
        %sign3A_655 = arith.constant 0 : i32
        %sign3A_656 = arith.cmpi slt, %scan3A_497, %sign3A_655 : i32
        %sign3A_657 = arith.extui %sign3A_656 : i1 to i32
        %sign3A_658 = arith.subi %sign3A_654, %sign3A_657 : i32
        %sign3A_659 = arith.constant 0 : i32
        %sign3A_660 = arith.cmpi sgt, %jit3A_650, %sign3A_659 : i32
        %sign3A_661 = arith.extui %sign3A_660 : i1 to i32
        %sign3A_662 = arith.constant 0 : i32
        %sign3A_663 = arith.cmpi slt, %jit3A_650, %sign3A_662 : i32
        %sign3A_664 = arith.extui %sign3A_663 : i1 to i32
        %sign3A_665 = arith.subi %sign3A_661, %sign3A_664 : i32
        %ne3A_666 = arith.cmpi ne, %sign3A_658, %sign3A_665 : i32
        %rem3A_667 = arith.remsi %scan3A_497, %jit3A_650 : i32
        %ne3A_668 = arith.constant 0 : i32
        %ne3A_669 = arith.cmpi ne, %rem3A_667, %ne3A_668 : i32
        %and3A_670 = arith.andi %ne3A_666, %ne3A_669 : i1
        %sub3A_671 = arith.constant 1 : i32
        %sub3A_672 = arith.subi %div3A_651, %sub3A_671 : i32
        %select_n3A_673 = arith.select %and3A_670, %sub3A_672, %div3A_651 : i32
        %jit3A_674 = arith.constant 8 : i32
        %eq3A_675 = arith.constant 0 : i32
        %eq3A_676 = arith.cmpi eq, %jit3A_674, %eq3A_675 : i32
        %jit3A_677 = arith.constant 1 : i32
        %select_n3A_678 = arith.select %eq3A_676, %jit3A_677, %jit3A_674 : i32
        %rem3A_679 = arith.remsi %scan3A_497, %select_n3A_678 : i32
        %ne3A_680 = arith.constant 0 : i32
        %ne3A_681 = arith.cmpi ne, %rem3A_679, %ne3A_680 : i32
        %lt3A_682 = arith.constant 0 : i32
        %lt3A_683 = arith.cmpi slt, %rem3A_679, %lt3A_682 : i32
        %lt3A_684 = arith.constant 0 : i32
        %lt3A_685 = arith.cmpi slt, %select_n3A_678, %lt3A_684 : i32
        %ne3A_686 = arith.xori %lt3A_683, %lt3A_685 : i1
        %and3A_687 = arith.andi %ne3A_686, %ne3A_681 : i1
        %add3A_688 = arith.addi %rem3A_679, %select_n3A_678 : i32
        %select_n3A_689 = arith.select %and3A_687, %add3A_688, %rem3A_679 : i32
        %swap3A_690 = arith.constant 0 : i32
        %swap3A_691 = arith.index_cast %select_n3A_673 : i32 to index
        %swap3A_692 = arith.index_cast %swap3A_690 : i32 to index
        %swap3A_693 = arith.index_cast %select_n3A_689 : i32 to index
        %swap3A_694 = arith.constant 48 : index
        %swap3A_695 = tpu.vector_load %arg9[%swap3A_691, %swap3A_692, %swap3A_693, %swap3A_694] {strides = array<i32>} : memref<8x2x8x128xf32, #tpu.memory_space<vmem>>, vector<16xf32>,
        tpu.vector_store %arg9[%swap3A_691, %swap3A_692, %swap3A_693, %swap3A_694], %gather3A_649 {strides = array<i32>} : memref<8x2x8x128xf32, #tpu.memory_space<vmem>>, vector<16xf32>,
        %add3A_696 = arith.constant 64 : i32
        %add3A_697 = vector.broadcast %add3A_696 : i32 to vector<16xi32>
        %add3A_698 = arith.addi %iota3A, %add3A_697 : vector<16xi32>
        %gather3A_699 = tpu.vector_load_idx %arg7[%add3A_698, %broadcast_in_dim3A] : memref<256x64xf32, #tpu.memory_space<vmem>>[vector<16xi32>, vector<16xi32>], vector<16xf32>,
        %jit3A_700 = arith.constant 8 : i32
        %div3A_701 = arith.divsi %scan3A_497, %jit3A_700 : i32
        %sign3A_702 = arith.constant 0 : i32
        %sign3A_703 = arith.cmpi sgt, %scan3A_497, %sign3A_702 : i32
        %sign3A_704 = arith.extui %sign3A_703 : i1 to i32
        %sign3A_705 = arith.constant 0 : i32
        %sign3A_706 = arith.cmpi slt, %scan3A_497, %sign3A_705 : i32
        %sign3A_707 = arith.extui %sign3A_706 : i1 to i32
        %sign3A_708 = arith.subi %sign3A_704, %sign3A_707 : i32
        %sign3A_709 = arith.constant 0 : i32
        %sign3A_710 = arith.cmpi sgt, %jit3A_700, %sign3A_709 : i32
        %sign3A_711 = arith.extui %sign3A_710 : i1 to i32
        %sign3A_712 = arith.constant 0 : i32
        %sign3A_713 = arith.cmpi slt, %jit3A_700, %sign3A_712 : i32
        %sign3A_714 = arith.extui %sign3A_713 : i1 to i32
        %sign3A_715 = arith.subi %sign3A_711, %sign3A_714 : i32
        %ne3A_716 = arith.cmpi ne, %sign3A_708, %sign3A_715 : i32
        %rem3A_717 = arith.remsi %scan3A_497, %jit3A_700 : i32
        %ne3A_718 = arith.constant 0 : i32
        %ne3A_719 = arith.cmpi ne, %rem3A_717, %ne3A_718 : i32
        %and3A_720 = arith.andi %ne3A_716, %ne3A_719 : i1
        %sub3A_721 = arith.constant 1 : i32
        %sub3A_722 = arith.subi %div3A_701, %sub3A_721 : i32
        %select_n3A_723 = arith.select %and3A_720, %sub3A_722, %div3A_701 : i32
        %jit3A_724 = arith.constant 8 : i32
        %eq3A_725 = arith.constant 0 : i32
        %eq3A_726 = arith.cmpi eq, %jit3A_724, %eq3A_725 : i32
        %jit3A_727 = arith.constant 1 : i32
        %select_n3A_728 = arith.select %eq3A_726, %jit3A_727, %jit3A_724 : i32
        %rem3A_729 = arith.remsi %scan3A_497, %select_n3A_728 : i32
        %ne3A_730 = arith.constant 0 : i32
        %ne3A_731 = arith.cmpi ne, %rem3A_729, %ne3A_730 : i32
        %lt3A_732 = arith.constant 0 : i32
        %lt3A_733 = arith.cmpi slt, %rem3A_729, %lt3A_732 : i32
        %lt3A_734 = arith.constant 0 : i32
        %lt3A_735 = arith.cmpi slt, %select_n3A_728, %lt3A_734 : i32
        %ne3A_736 = arith.xori %lt3A_733, %lt3A_735 : i1
        %and3A_737 = arith.andi %ne3A_736, %ne3A_731 : i1
        %add3A_738 = arith.addi %rem3A_729, %select_n3A_728 : i32
        %select_n3A_739 = arith.select %and3A_737, %add3A_738, %rem3A_729 : i32
        %swap3A_740 = arith.constant 0 : i32
        %swap3A_741 = arith.index_cast %select_n3A_723 : i32 to index
        %swap3A_742 = arith.index_cast %swap3A_740 : i32 to index
        %swap3A_743 = arith.index_cast %select_n3A_739 : i32 to index
        %swap3A_744 = arith.constant 64 : index
        %swap3A_745 = tpu.vector_load %arg9[%swap3A_741, %swap3A_742, %swap3A_743, %swap3A_744] {strides = array<i32>} : memref<8x2x8x128xf32, #tpu.memory_space<vmem>>, vector<16xf32>,
        tpu.vector_store %arg9[%swap3A_741, %swap3A_742, %swap3A_743, %swap3A_744], %gather3A_699 {strides = array<i32>} : memref<8x2x8x128xf32, #tpu.memory_space<vmem>>, vector<16xf32>,
        %add3A_746 = arith.constant 80 : i32
        %add3A_747 = vector.broadcast %add3A_746 : i32 to vector<16xi32>
        %add3A_748 = arith.addi %iota3A, %add3A_747 : vector<16xi32>
        %gather3A_749 = tpu.vector_load_idx %arg7[%add3A_748, %broadcast_in_dim3A] : memref<256x64xf32, #tpu.memory_space<vmem>>[vector<16xi32>, vector<16xi32>], vector<16xf32>,
        %jit3A_750 = arith.constant 8 : i32
        %div3A_751 = arith.divsi %scan3A_497, %jit3A_750 : i32
        %sign3A_752 = arith.constant 0 : i32
        %sign3A_753 = arith.cmpi sgt, %scan3A_497, %sign3A_752 : i32
        %sign3A_754 = arith.extui %sign3A_753 : i1 to i32
        %sign3A_755 = arith.constant 0 : i32
        %sign3A_756 = arith.cmpi slt, %scan3A_497, %sign3A_755 : i32
        %sign3A_757 = arith.extui %sign3A_756 : i1 to i32
        %sign3A_758 = arith.subi %sign3A_754, %sign3A_757 : i32
        %sign3A_759 = arith.constant 0 : i32
        %sign3A_760 = arith.cmpi sgt, %jit3A_750, %sign3A_759 : i32
        %sign3A_761 = arith.extui %sign3A_760 : i1 to i32
        %sign3A_762 = arith.constant 0 : i32
        %sign3A_763 = arith.cmpi slt, %jit3A_750, %sign3A_762 : i32
        %sign3A_764 = arith.extui %sign3A_763 : i1 to i32
        %sign3A_765 = arith.subi %sign3A_761, %sign3A_764 : i32
        %ne3A_766 = arith.cmpi ne, %sign3A_758, %sign3A_765 : i32
        %rem3A_767 = arith.remsi %scan3A_497, %jit3A_750 : i32
        %ne3A_768 = arith.constant 0 : i32
        %ne3A_769 = arith.cmpi ne, %rem3A_767, %ne3A_768 : i32
        %and3A_770 = arith.andi %ne3A_766, %ne3A_769 : i1
        %sub3A_771 = arith.constant 1 : i32
        %sub3A_772 = arith.subi %div3A_751, %sub3A_771 : i32
        %select_n3A_773 = arith.select %and3A_770, %sub3A_772, %div3A_751 : i32
        %jit3A_774 = arith.constant 8 : i32
        %eq3A_775 = arith.constant 0 : i32
        %eq3A_776 = arith.cmpi eq, %jit3A_774, %eq3A_775 : i32
        %jit3A_777 = arith.constant 1 : i32
        %select_n3A_778 = arith.select %eq3A_776, %jit3A_777, %jit3A_774 : i32
        %rem3A_779 = arith.remsi %scan3A_497, %select_n3A_778 : i32
        %ne3A_780 = arith.constant 0 : i32
        %ne3A_781 = arith.cmpi ne, %rem3A_779, %ne3A_780 : i32
        %lt3A_782 = arith.constant 0 : i32
        %lt3A_783 = arith.cmpi slt, %rem3A_779, %lt3A_782 : i32
        %lt3A_784 = arith.constant 0 : i32
        %lt3A_785 = arith.cmpi slt, %select_n3A_778, %lt3A_784 : i32
        %ne3A_786 = arith.xori %lt3A_783, %lt3A_785 : i1
        %and3A_787 = arith.andi %ne3A_786, %ne3A_781 : i1
        %add3A_788 = arith.addi %rem3A_779, %select_n3A_778 : i32
        %select_n3A_789 = arith.select %and3A_787, %add3A_788, %rem3A_779 : i32
        %swap3A_790 = arith.constant 0 : i32
        %swap3A_791 = arith.index_cast %select_n3A_773 : i32 to index
        %swap3A_792 = arith.index_cast %swap3A_790 : i32 to index
        %swap3A_793 = arith.index_cast %select_n3A_789 : i32 to index
        %swap3A_794 = arith.constant 80 : index
        %swap3A_795 = tpu.vector_load %arg9[%swap3A_791, %swap3A_792, %swap3A_793, %swap3A_794] {strides = array<i32>} : memref<8x2x8x128xf32, #tpu.memory_space<vmem>>, vector<16xf32>,
        tpu.vector_store %arg9[%swap3A_791, %swap3A_792, %swap3A_793, %swap3A_794], %gather3A_749 {strides = array<i32>} : memref<8x2x8x128xf32, #tpu.memory_space<vmem>>, vector<16xf32>,
        %add3A_796 = arith.constant 96 : i32
        %add3A_797 = vector.broadcast %add3A_796 : i32 to vector<16xi32>
        %add3A_798 = arith.addi %iota3A, %add3A_797 : vector<16xi32>
        %gather3A_799 = tpu.vector_load_idx %arg7[%add3A_798, %broadcast_in_dim3A] : memref<256x64xf32, #tpu.memory_space<vmem>>[vector<16xi32>, vector<16xi32>], vector<16xf32>,
        %jit3A_800 = arith.constant 8 : i32
        %div3A_801 = arith.divsi %scan3A_497, %jit3A_800 : i32
        %sign3A_802 = arith.constant 0 : i32
        %sign3A_803 = arith.cmpi sgt, %scan3A_497, %sign3A_802 : i32
        %sign3A_804 = arith.extui %sign3A_803 : i1 to i32
        %sign3A_805 = arith.constant 0 : i32
        %sign3A_806 = arith.cmpi slt, %scan3A_497, %sign3A_805 : i32
        %sign3A_807 = arith.extui %sign3A_806 : i1 to i32
        %sign3A_808 = arith.subi %sign3A_804, %sign3A_807 : i32
        %sign3A_809 = arith.constant 0 : i32
        %sign3A_810 = arith.cmpi sgt, %jit3A_800, %sign3A_809 : i32
        %sign3A_811 = arith.extui %sign3A_810 : i1 to i32
        %sign3A_812 = arith.constant 0 : i32
        %sign3A_813 = arith.cmpi slt, %jit3A_800, %sign3A_812 : i32
        %sign3A_814 = arith.extui %sign3A_813 : i1 to i32
        %sign3A_815 = arith.subi %sign3A_811, %sign3A_814 : i32
        %ne3A_816 = arith.cmpi ne, %sign3A_808, %sign3A_815 : i32
        %rem3A_817 = arith.remsi %scan3A_497, %jit3A_800 : i32
        %ne3A_818 = arith.constant 0 : i32
        %ne3A_819 = arith.cmpi ne, %rem3A_817, %ne3A_818 : i32
        %and3A_820 = arith.andi %ne3A_816, %ne3A_819 : i1
        %sub3A_821 = arith.constant 1 : i32
        %sub3A_822 = arith.subi %div3A_801, %sub3A_821 : i32
        %select_n3A_823 = arith.select %and3A_820, %sub3A_822, %div3A_801 : i32
        %jit3A_824 = arith.constant 8 : i32
        %eq3A_825 = arith.constant 0 : i32
        %eq3A_826 = arith.cmpi eq, %jit3A_824, %eq3A_825 : i32
        %jit3A_827 = arith.constant 1 : i32
        %select_n3A_828 = arith.select %eq3A_826, %jit3A_827, %jit3A_824 : i32
        %rem3A_829 = arith.remsi %scan3A_497, %select_n3A_828 : i32
        %ne3A_830 = arith.constant 0 : i32
        %ne3A_831 = arith.cmpi ne, %rem3A_829, %ne3A_830 : i32
        %lt3A_832 = arith.constant 0 : i32
        %lt3A_833 = arith.cmpi slt, %rem3A_829, %lt3A_832 : i32
        %lt3A_834 = arith.constant 0 : i32
        %lt3A_835 = arith.cmpi slt, %select_n3A_828, %lt3A_834 : i32
        %ne3A_836 = arith.xori %lt3A_833, %lt3A_835 : i1
        %and3A_837 = arith.andi %ne3A_836, %ne3A_831 : i1
        %add3A_838 = arith.addi %rem3A_829, %select_n3A_828 : i32
        %select_n3A_839 = arith.select %and3A_837, %add3A_838, %rem3A_829 : i32
        %swap3A_840 = arith.constant 0 : i32
        %swap3A_841 = arith.index_cast %select_n3A_823 : i32 to index
        %swap3A_842 = arith.index_cast %swap3A_840 : i32 to index
        %swap3A_843 = arith.index_cast %select_n3A_839 : i32 to index
        %swap3A_844 = arith.constant 96 : index
        %swap3A_845 = tpu.vector_load %arg9[%swap3A_841, %swap3A_842, %swap3A_843, %swap3A_844] {strides = array<i32>} : memref<8x2x8x128xf32, #tpu.memory_space<vmem>>, vector<16xf32>,
        tpu.vector_store %arg9[%swap3A_841, %swap3A_842, %swap3A_843, %swap3A_844], %gather3A_799 {strides = array<i32>} : memref<8x2x8x128xf32, #tpu.memory_space<vmem>>, vector<16xf32>,
        %add3A_846 = arith.constant 112 : i32
        %add3A_847 = vector.broadcast %add3A_846 : i32 to vector<16xi32>
        %add3A_848 = arith.addi %iota3A, %add3A_847 : vector<16xi32>
        %gather3A_849 = tpu.vector_load_idx %arg7[%add3A_848, %broadcast_in_dim3A] : memref<256x64xf32, #tpu.memory_space<vmem>>[vector<16xi32>, vector<16xi32>], vector<16xf32>,
        %jit3A_850 = arith.constant 8 : i32
        %div3A_851 = arith.divsi %scan3A_497, %jit3A_850 : i32
        %sign3A_852 = arith.constant 0 : i32
        %sign3A_853 = arith.cmpi sgt, %scan3A_497, %sign3A_852 : i32
        %sign3A_854 = arith.extui %sign3A_853 : i1 to i32
        %sign3A_855 = arith.constant 0 : i32
        %sign3A_856 = arith.cmpi slt, %scan3A_497, %sign3A_855 : i32
        %sign3A_857 = arith.extui %sign3A_856 : i1 to i32
        %sign3A_858 = arith.subi %sign3A_854, %sign3A_857 : i32
        %sign3A_859 = arith.constant 0 : i32
        %sign3A_860 = arith.cmpi sgt, %jit3A_850, %sign3A_859 : i32
        %sign3A_861 = arith.extui %sign3A_860 : i1 to i32
        %sign3A_862 = arith.constant 0 : i32
        %sign3A_863 = arith.cmpi slt, %jit3A_850, %sign3A_862 : i32
        %sign3A_864 = arith.extui %sign3A_863 : i1 to i32
        %sign3A_865 = arith.subi %sign3A_861, %sign3A_864 : i32
        %ne3A_866 = arith.cmpi ne, %sign3A_858, %sign3A_865 : i32
        %rem3A_867 = arith.remsi %scan3A_497, %jit3A_850 : i32
        %ne3A_868 = arith.constant 0 : i32
        %ne3A_869 = arith.cmpi ne, %rem3A_867, %ne3A_868 : i32
        %and3A_870 = arith.andi %ne3A_866, %ne3A_869 : i1
        %sub3A_871 = arith.constant 1 : i32
        %sub3A_872 = arith.subi %div3A_851, %sub3A_871 : i32
        %select_n3A_873 = arith.select %and3A_870, %sub3A_872, %div3A_851 : i32
        %jit3A_874 = arith.constant 8 : i32
        %eq3A_875 = arith.constant 0 : i32
        %eq3A_876 = arith.cmpi eq, %jit3A_874, %eq3A_875 : i32
        %jit3A_877 = arith.constant 1 : i32
        %select_n3A_878 = arith.select %eq3A_876, %jit3A_877, %jit3A_874 : i32
        %rem3A_879 = arith.remsi %scan3A_497, %select_n3A_878 : i32
        %ne3A_880 = arith.constant 0 : i32
        %ne3A_881 = arith.cmpi ne, %rem3A_879, %ne3A_880 : i32
        %lt3A_882 = arith.constant 0 : i32
        %lt3A_883 = arith.cmpi slt, %rem3A_879, %lt3A_882 : i32
        %lt3A_884 = arith.constant 0 : i32
        %lt3A_885 = arith.cmpi slt, %select_n3A_878, %lt3A_884 : i32
        %ne3A_886 = arith.xori %lt3A_883, %lt3A_885 : i1
        %and3A_887 = arith.andi %ne3A_886, %ne3A_881 : i1
        %add3A_888 = arith.addi %rem3A_879, %select_n3A_878 : i32
        %select_n3A_889 = arith.select %and3A_887, %add3A_888, %rem3A_879 : i32
        %swap3A_890 = arith.constant 0 : i32
        %swap3A_891 = arith.index_cast %select_n3A_873 : i32 to index
        %swap3A_892 = arith.index_cast %swap3A_890 : i32 to index
        %swap3A_893 = arith.index_cast %select_n3A_889 : i32 to index
        %swap3A_894 = arith.constant 112 : index
        %swap3A_895 = tpu.vector_load %arg9[%swap3A_891, %swap3A_892, %swap3A_893, %swap3A_894] {strides = array<i32>} : memref<8x2x8x128xf32, #tpu.memory_space<vmem>>, vector<16xf32>,
        tpu.vector_store %arg9[%swap3A_891, %swap3A_892, %swap3A_893, %swap3A_894], %gather3A_849 {strides = array<i32>} : memref<8x2x8x128xf32, #tpu.memory_space<vmem>>, vector<16xf32>,
        %add3A_896 = arith.constant 128 : i32
        %add3A_897 = vector.broadcast %add3A_896 : i32 to vector<16xi32>
        %add3A_898 = arith.addi %iota3A, %add3A_897 : vector<16xi32>
        %gather3A_899 = tpu.vector_load_idx %arg7[%add3A_898, %broadcast_in_dim3A] : memref<256x64xf32, #tpu.memory_space<vmem>>[vector<16xi32>, vector<16xi32>], vector<16xf32>,
        %jit3A_900 = arith.constant 8 : i32
        %div3A_901 = arith.divsi %scan3A_497, %jit3A_900 : i32
        %sign3A_902 = arith.constant 0 : i32
        %sign3A_903 = arith.cmpi sgt, %scan3A_497, %sign3A_902 : i32
        %sign3A_904 = arith.extui %sign3A_903 : i1 to i32
        %sign3A_905 = arith.constant 0 : i32
        %sign3A_906 = arith.cmpi slt, %scan3A_497, %sign3A_905 : i32
        %sign3A_907 = arith.extui %sign3A_906 : i1 to i32
        %sign3A_908 = arith.subi %sign3A_904, %sign3A_907 : i32
        %sign3A_909 = arith.constant 0 : i32
        %sign3A_910 = arith.cmpi sgt, %jit3A_900, %sign3A_909 : i32
        %sign3A_911 = arith.extui %sign3A_910 : i1 to i32
        %sign3A_912 = arith.constant 0 : i32
        %sign3A_913 = arith.cmpi slt, %jit3A_900, %sign3A_912 : i32
        %sign3A_914 = arith.extui %sign3A_913 : i1 to i32
        %sign3A_915 = arith.subi %sign3A_911, %sign3A_914 : i32
        %ne3A_916 = arith.cmpi ne, %sign3A_908, %sign3A_915 : i32
        %rem3A_917 = arith.remsi %scan3A_497, %jit3A_900 : i32
        %ne3A_918 = arith.constant 0 : i32
        %ne3A_919 = arith.cmpi ne, %rem3A_917, %ne3A_918 : i32
        %and3A_920 = arith.andi %ne3A_916, %ne3A_919 : i1
        %sub3A_921 = arith.constant 1 : i32
        %sub3A_922 = arith.subi %div3A_901, %sub3A_921 : i32
        %select_n3A_923 = arith.select %and3A_920, %sub3A_922, %div3A_901 : i32
        %jit3A_924 = arith.constant 8 : i32
        %eq3A_925 = arith.constant 0 : i32
        %eq3A_926 = arith.cmpi eq, %jit3A_924, %eq3A_925 : i32
        %jit3A_927 = arith.constant 1 : i32
        %select_n3A_928 = arith.select %eq3A_926, %jit3A_927, %jit3A_924 : i32
        %rem3A_929 = arith.remsi %scan3A_497, %select_n3A_928 : i32
        %ne3A_930 = arith.constant 0 : i32
        %ne3A_931 = arith.cmpi ne, %rem3A_929, %ne3A_930 : i32
        %lt3A_932 = arith.constant 0 : i32
        %lt3A_933 = arith.cmpi slt, %rem3A_929, %lt3A_932 : i32
        %lt3A_934 = arith.constant 0 : i32
        %lt3A_935 = arith.cmpi slt, %select_n3A_928, %lt3A_934 : i32
        %ne3A_936 = arith.xori %lt3A_933, %lt3A_935 : i1
        %and3A_937 = arith.andi %ne3A_936, %ne3A_931 : i1
        %add3A_938 = arith.addi %rem3A_929, %select_n3A_928 : i32
        %select_n3A_939 = arith.select %and3A_937, %add3A_938, %rem3A_929 : i32
        %swap3A_940 = arith.constant 1 : i32
        %swap3A_941 = arith.index_cast %select_n3A_923 : i32 to index
        %swap3A_942 = arith.index_cast %swap3A_940 : i32 to index
        %swap3A_943 = arith.index_cast %select_n3A_939 : i32 to index
        %swap3A_944 = arith.constant 0 : index
        %swap3A_945 = tpu.vector_load %arg9[%swap3A_941, %swap3A_942, %swap3A_943, %swap3A_944] {strides = array<i32>} : memref<8x2x8x128xf32, #tpu.memory_space<vmem>>, vector<16xf32>,
        tpu.vector_store %arg9[%swap3A_941, %swap3A_942, %swap3A_943, %swap3A_944], %gather3A_899 {strides = array<i32>} : memref<8x2x8x128xf32, #tpu.memory_space<vmem>>, vector<16xf32>,
        %add3A_946 = arith.constant 144 : i32
        %add3A_947 = vector.broadcast %add3A_946 : i32 to vector<16xi32>
        %add3A_948 = arith.addi %iota3A, %add3A_947 : vector<16xi32>
        %gather3A_949 = tpu.vector_load_idx %arg7[%add3A_948, %broadcast_in_dim3A] : memref<256x64xf32, #tpu.memory_space<vmem>>[vector<16xi32>, vector<16xi32>], vector<16xf32>,
        %jit3A_950 = arith.constant 8 : i32
        %div3A_951 = arith.divsi %scan3A_497, %jit3A_950 : i32
        %sign3A_952 = arith.constant 0 : i32
        %sign3A_953 = arith.cmpi sgt, %scan3A_497, %sign3A_952 : i32
        %sign3A_954 = arith.extui %sign3A_953 : i1 to i32
        %sign3A_955 = arith.constant 0 : i32
        %sign3A_956 = arith.cmpi slt, %scan3A_497, %sign3A_955 : i32
        %sign3A_957 = arith.extui %sign3A_956 : i1 to i32
        %sign3A_958 = arith.subi %sign3A_954, %sign3A_957 : i32
        %sign3A_959 = arith.constant 0 : i32
        %sign3A_960 = arith.cmpi sgt, %jit3A_950, %sign3A_959 : i32
        %sign3A_961 = arith.extui %sign3A_960 : i1 to i32
        %sign3A_962 = arith.constant 0 : i32
        %sign3A_963 = arith.cmpi slt, %jit3A_950, %sign3A_962 : i32
        %sign3A_964 = arith.extui %sign3A_963 : i1 to i32
        %sign3A_965 = arith.subi %sign3A_961, %sign3A_964 : i32
        %ne3A_966 = arith.cmpi ne, %sign3A_958, %sign3A_965 : i32
        %rem3A_967 = arith.remsi %scan3A_497, %jit3A_950 : i32
        %ne3A_968 = arith.constant 0 : i32
        %ne3A_969 = arith.cmpi ne, %rem3A_967, %ne3A_968 : i32
        %and3A_970 = arith.andi %ne3A_966, %ne3A_969 : i1
        %sub3A_971 = arith.constant 1 : i32
        %sub3A_972 = arith.subi %div3A_951, %sub3A_971 : i32
        %select_n3A_973 = arith.select %and3A_970, %sub3A_972, %div3A_951 : i32
        %jit3A_974 = arith.constant 8 : i32
        %eq3A_975 = arith.constant 0 : i32
        %eq3A_976 = arith.cmpi eq, %jit3A_974, %eq3A_975 : i32
        %jit3A_977 = arith.constant 1 : i32
        %select_n3A_978 = arith.select %eq3A_976, %jit3A_977, %jit3A_974 : i32
        %rem3A_979 = arith.remsi %scan3A_497, %select_n3A_978 : i32
        %ne3A_980 = arith.constant 0 : i32
        %ne3A_981 = arith.cmpi ne, %rem3A_979, %ne3A_980 : i32
        %lt3A_982 = arith.constant 0 : i32
        %lt3A_983 = arith.cmpi slt, %rem3A_979, %lt3A_982 : i32
        %lt3A_984 = arith.constant 0 : i32
        %lt3A_985 = arith.cmpi slt, %select_n3A_978, %lt3A_984 : i32
        %ne3A_986 = arith.xori %lt3A_983, %lt3A_985 : i1
        %and3A_987 = arith.andi %ne3A_986, %ne3A_981 : i1
        %add3A_988 = arith.addi %rem3A_979, %select_n3A_978 : i32
        %select_n3A_989 = arith.select %and3A_987, %add3A_988, %rem3A_979 : i32
        %swap3A_990 = arith.constant 1 : i32
        %swap3A_991 = arith.index_cast %select_n3A_973 : i32 to index
        %swap3A_992 = arith.index_cast %swap3A_990 : i32 to index
        %swap3A_993 = arith.index_cast %select_n3A_989 : i32 to index
        %swap3A_994 = arith.constant 16 : index
        %swap3A_995 = tpu.vector_load %arg9[%swap3A_991, %swap3A_992, %swap3A_993, %swap3A_994] {strides = array<i32>} : memref<8x2x8x128xf32, #tpu.memory_space<vmem>>, vector<16xf32>,
        tpu.vector_store %arg9[%swap3A_991, %swap3A_992, %swap3A_993, %swap3A_994], %gather3A_949 {strides = array<i32>} : memref<8x2x8x128xf32, #tpu.memory_space<vmem>>, vector<16xf32>,
        %add3A_996 = arith.constant 160 : i32
        %add3A_997 = vector.broadcast %add3A_996 : i32 to vector<16xi32>
        %add3A_998 = arith.addi %iota3A, %add3A_997 : vector<16xi32>
        %gather3A_999 = tpu.vector_load_idx %arg7[%add3A_998, %broadcast_in_dim3A] : memref<256x64xf32, #tpu.memory_space<vmem>>[vector<16xi32>, vector<16xi32>], vector<16xf32>,
        %jit3A_1000 = arith.constant 8 : i32
        %div3A_1001 = arith.divsi %scan3A_497, %jit3A_1000 : i32
        %sign3A_1002 = arith.constant 0 : i32
        %sign3A_1003 = arith.cmpi sgt, %scan3A_497, %sign3A_1002 : i32
        %sign3A_1004 = arith.extui %sign3A_1003 : i1 to i32
        %sign3A_1005 = arith.constant 0 : i32
        %sign3A_1006 = arith.cmpi slt, %scan3A_497, %sign3A_1005 : i32
        %sign3A_1007 = arith.extui %sign3A_1006 : i1 to i32
        %sign3A_1008 = arith.subi %sign3A_1004, %sign3A_1007 : i32
        %sign3A_1009 = arith.constant 0 : i32
        %sign3A_1010 = arith.cmpi sgt, %jit3A_1000, %sign3A_1009 : i32
        %sign3A_1011 = arith.extui %sign3A_1010 : i1 to i32
        %sign3A_1012 = arith.constant 0 : i32
        %sign3A_1013 = arith.cmpi slt, %jit3A_1000, %sign3A_1012 : i32
        %sign3A_1014 = arith.extui %sign3A_1013 : i1 to i32
        %sign3A_1015 = arith.subi %sign3A_1011, %sign3A_1014 : i32
        %ne3A_1016 = arith.cmpi ne, %sign3A_1008, %sign3A_1015 : i32
        %rem3A_1017 = arith.remsi %scan3A_497, %jit3A_1000 : i32
        %ne3A_1018 = arith.constant 0 : i32
        %ne3A_1019 = arith.cmpi ne, %rem3A_1017, %ne3A_1018 : i32
        %and3A_1020 = arith.andi %ne3A_1016, %ne3A_1019 : i1
        %sub3A_1021 = arith.constant 1 : i32
        %sub3A_1022 = arith.subi %div3A_1001, %sub3A_1021 : i32
        %select_n3A_1023 = arith.select %and3A_1020, %sub3A_1022, %div3A_1001 : i32
        %jit3A_1024 = arith.constant 8 : i32
        %eq3A_1025 = arith.constant 0 : i32
        %eq3A_1026 = arith.cmpi eq, %jit3A_1024, %eq3A_1025 : i32
        %jit3A_1027 = arith.constant 1 : i32
        %select_n3A_1028 = arith.select %eq3A_1026, %jit3A_1027, %jit3A_1024 : i32
        %rem3A_1029 = arith.remsi %scan3A_497, %select_n3A_1028 : i32
        %ne3A_1030 = arith.constant 0 : i32
        %ne3A_1031 = arith.cmpi ne, %rem3A_1029, %ne3A_1030 : i32
        %lt3A_1032 = arith.constant 0 : i32
        %lt3A_1033 = arith.cmpi slt, %rem3A_1029, %lt3A_1032 : i32
        %lt3A_1034 = arith.constant 0 : i32
        %lt3A_1035 = arith.cmpi slt, %select_n3A_1028, %lt3A_1034 : i32
        %ne3A_1036 = arith.xori %lt3A_1033, %lt3A_1035 : i1
        %and3A_1037 = arith.andi %ne3A_1036, %ne3A_1031 : i1
        %add3A_1038 = arith.addi %rem3A_1029, %select_n3A_1028 : i32
        %select_n3A_1039 = arith.select %and3A_1037, %add3A_1038, %rem3A_1029 : i32
        %swap3A_1040 = arith.constant 1 : i32
        %swap3A_1041 = arith.index_cast %select_n3A_1023 : i32 to index
        %swap3A_1042 = arith.index_cast %swap3A_1040 : i32 to index
        %swap3A_1043 = arith.index_cast %select_n3A_1039 : i32 to index
        %swap3A_1044 = arith.constant 32 : index
        %swap3A_1045 = tpu.vector_load %arg9[%swap3A_1041, %swap3A_1042, %swap3A_1043, %swap3A_1044] {strides = array<i32>} : memref<8x2x8x128xf32, #tpu.memory_space<vmem>>, vector<16xf32>,
        tpu.vector_store %arg9[%swap3A_1041, %swap3A_1042, %swap3A_1043, %swap3A_1044], %gather3A_999 {strides = array<i32>} : memref<8x2x8x128xf32, #tpu.memory_space<vmem>>, vector<16xf32>,
        %add3A_1046 = arith.constant 176 : i32
        %add3A_1047 = vector.broadcast %add3A_1046 : i32 to vector<16xi32>
        %add3A_1048 = arith.addi %iota3A, %add3A_1047 : vector<16xi32>
        %gather3A_1049 = tpu.vector_load_idx %arg7[%add3A_1048, %broadcast_in_dim3A] : memref<256x64xf32, #tpu.memory_space<vmem>>[vector<16xi32>, vector<16xi32>], vector<16xf32>,
        %jit3A_1050 = arith.constant 8 : i32
        %div3A_1051 = arith.divsi %scan3A_497, %jit3A_1050 : i32
        %sign3A_1052 = arith.constant 0 : i32
        %sign3A_1053 = arith.cmpi sgt, %scan3A_497, %sign3A_1052 : i32
        %sign3A_1054 = arith.extui %sign3A_1053 : i1 to i32
        %sign3A_1055 = arith.constant 0 : i32
        %sign3A_1056 = arith.cmpi slt, %scan3A_497, %sign3A_1055 : i32
        %sign3A_1057 = arith.extui %sign3A_1056 : i1 to i32
        %sign3A_1058 = arith.subi %sign3A_1054, %sign3A_1057 : i32
        %sign3A_1059 = arith.constant 0 : i32
        %sign3A_1060 = arith.cmpi sgt, %jit3A_1050, %sign3A_1059 : i32
        %sign3A_1061 = arith.extui %sign3A_1060 : i1 to i32
        %sign3A_1062 = arith.constant 0 : i32
        %sign3A_1063 = arith.cmpi slt, %jit3A_1050, %sign3A_1062 : i32
        %sign3A_1064 = arith.extui %sign3A_1063 : i1 to i32
        %sign3A_1065 = arith.subi %sign3A_1061, %sign3A_1064 : i32
        %ne3A_1066 = arith.cmpi ne, %sign3A_1058, %sign3A_1065 : i32
        %rem3A_1067 = arith.remsi %scan3A_497, %jit3A_1050 : i32
        %ne3A_1068 = arith.constant 0 : i32
        %ne3A_1069 = arith.cmpi ne, %rem3A_1067, %ne3A_1068 : i32
        %and3A_1070 = arith.andi %ne3A_1066, %ne3A_1069 : i1
        %sub3A_1071 = arith.constant 1 : i32
        %sub3A_1072 = arith.subi %div3A_1051, %sub3A_1071 : i32
        %select_n3A_1073 = arith.select %and3A_1070, %sub3A_1072, %div3A_1051 : i32
        %jit3A_1074 = arith.constant 8 : i32
        %eq3A_1075 = arith.constant 0 : i32
        %eq3A_1076 = arith.cmpi eq, %jit3A_1074, %eq3A_1075 : i32
        %jit3A_1077 = arith.constant 1 : i32
        %select_n3A_1078 = arith.select %eq3A_1076, %jit3A_1077, %jit3A_1074 : i32
        %rem3A_1079 = arith.remsi %scan3A_497, %select_n3A_1078 : i32
        %ne3A_1080 = arith.constant 0 : i32
        %ne3A_1081 = arith.cmpi ne, %rem3A_1079, %ne3A_1080 : i32
        %lt3A_1082 = arith.constant 0 : i32
        %lt3A_1083 = arith.cmpi slt, %rem3A_1079, %lt3A_1082 : i32
        %lt3A_1084 = arith.constant 0 : i32
        %lt3A_1085 = arith.cmpi slt, %select_n3A_1078, %lt3A_1084 : i32
        %ne3A_1086 = arith.xori %lt3A_1083, %lt3A_1085 : i1
        %and3A_1087 = arith.andi %ne3A_1086, %ne3A_1081 : i1
        %add3A_1088 = arith.addi %rem3A_1079, %select_n3A_1078 : i32
        %select_n3A_1089 = arith.select %and3A_1087, %add3A_1088, %rem3A_1079 : i32
        %swap3A_1090 = arith.constant 1 : i32
        %swap3A_1091 = arith.index_cast %select_n3A_1073 : i32 to index
        %swap3A_1092 = arith.index_cast %swap3A_1090 : i32 to index
        %swap3A_1093 = arith.index_cast %select_n3A_1089 : i32 to index
        %swap3A_1094 = arith.constant 48 : index
        %swap3A_1095 = tpu.vector_load %arg9[%swap3A_1091, %swap3A_1092, %swap3A_1093, %swap3A_1094] {strides = array<i32>} : memref<8x2x8x128xf32, #tpu.memory_space<vmem>>, vector<16xf32>,
        tpu.vector_store %arg9[%swap3A_1091, %swap3A_1092, %swap3A_1093, %swap3A_1094], %gather3A_1049 {strides = array<i32>} : memref<8x2x8x128xf32, #tpu.memory_space<vmem>>, vector<16xf32>,
        %add3A_1096 = arith.constant 192 : i32
        %add3A_1097 = vector.broadcast %add3A_1096 : i32 to vector<16xi32>
        %add3A_1098 = arith.addi %iota3A, %add3A_1097 : vector<16xi32>
        %gather3A_1099 = tpu.vector_load_idx %arg7[%add3A_1098, %broadcast_in_dim3A] : memref<256x64xf32, #tpu.memory_space<vmem>>[vector<16xi32>, vector<16xi32>], vector<16xf32>,
        %jit3A_1100 = arith.constant 8 : i32
        %div3A_1101 = arith.divsi %scan3A_497, %jit3A_1100 : i32
        %sign3A_1102 = arith.constant 0 : i32
        %sign3A_1103 = arith.cmpi sgt, %scan3A_497, %sign3A_1102 : i32
        %sign3A_1104 = arith.extui %sign3A_1103 : i1 to i32
        %sign3A_1105 = arith.constant 0 : i32
        %sign3A_1106 = arith.cmpi slt, %scan3A_497, %sign3A_1105 : i32
        %sign3A_1107 = arith.extui %sign3A_1106 : i1 to i32
        %sign3A_1108 = arith.subi %sign3A_1104, %sign3A_1107 : i32
        %sign3A_1109 = arith.constant 0 : i32
        %sign3A_1110 = arith.cmpi sgt, %jit3A_1100, %sign3A_1109 : i32
        %sign3A_1111 = arith.extui %sign3A_1110 : i1 to i32
        %sign3A_1112 = arith.constant 0 : i32
        %sign3A_1113 = arith.cmpi slt, %jit3A_1100, %sign3A_1112 : i32
        %sign3A_1114 = arith.extui %sign3A_1113 : i1 to i32
        %sign3A_1115 = arith.subi %sign3A_1111, %sign3A_1114 : i32
        %ne3A_1116 = arith.cmpi ne, %sign3A_1108, %sign3A_1115 : i32
        %rem3A_1117 = arith.remsi %scan3A_497, %jit3A_1100 : i32
        %ne3A_1118 = arith.constant 0 : i32
        %ne3A_1119 = arith.cmpi ne, %rem3A_1117, %ne3A_1118 : i32
        %and3A_1120 = arith.andi %ne3A_1116, %ne3A_1119 : i1
        %sub3A_1121 = arith.constant 1 : i32
        %sub3A_1122 = arith.subi %div3A_1101, %sub3A_1121 : i32
        %select_n3A_1123 = arith.select %and3A_1120, %sub3A_1122, %div3A_1101 : i32
        %jit3A_1124 = arith.constant 8 : i32
        %eq3A_1125 = arith.constant 0 : i32
        %eq3A_1126 = arith.cmpi eq, %jit3A_1124, %eq3A_1125 : i32
        %jit3A_1127 = arith.constant 1 : i32
        %select_n3A_1128 = arith.select %eq3A_1126, %jit3A_1127, %jit3A_1124 : i32
        %rem3A_1129 = arith.remsi %scan3A_497, %select_n3A_1128 : i32
        %ne3A_1130 = arith.constant 0 : i32
        %ne3A_1131 = arith.cmpi ne, %rem3A_1129, %ne3A_1130 : i32
        %lt3A_1132 = arith.constant 0 : i32
        %lt3A_1133 = arith.cmpi slt, %rem3A_1129, %lt3A_1132 : i32
        %lt3A_1134 = arith.constant 0 : i32
        %lt3A_1135 = arith.cmpi slt, %select_n3A_1128, %lt3A_1134 : i32
        %ne3A_1136 = arith.xori %lt3A_1133, %lt3A_1135 : i1
        %and3A_1137 = arith.andi %ne3A_1136, %ne3A_1131 : i1
        %add3A_1138 = arith.addi %rem3A_1129, %select_n3A_1128 : i32
        %select_n3A_1139 = arith.select %and3A_1137, %add3A_1138, %rem3A_1129 : i32
        %swap3A_1140 = arith.constant 1 : i32
        %swap3A_1141 = arith.index_cast %select_n3A_1123 : i32 to index
        %swap3A_1142 = arith.index_cast %swap3A_1140 : i32 to index
        %swap3A_1143 = arith.index_cast %select_n3A_1139 : i32 to index
        %swap3A_1144 = arith.constant 64 : index
        %swap3A_1145 = tpu.vector_load %arg9[%swap3A_1141, %swap3A_1142, %swap3A_1143, %swap3A_1144] {strides = array<i32>} : memref<8x2x8x128xf32, #tpu.memory_space<vmem>>, vector<16xf32>,
        tpu.vector_store %arg9[%swap3A_1141, %swap3A_1142, %swap3A_1143, %swap3A_1144], %gather3A_1099 {strides = array<i32>} : memref<8x2x8x128xf32, #tpu.memory_space<vmem>>, vector<16xf32>,
        %add3A_1146 = arith.constant 208 : i32
        %add3A_1147 = vector.broadcast %add3A_1146 : i32 to vector<16xi32>
        %add3A_1148 = arith.addi %iota3A, %add3A_1147 : vector<16xi32>
        %gather3A_1149 = tpu.vector_load_idx %arg7[%add3A_1148, %broadcast_in_dim3A] : memref<256x64xf32, #tpu.memory_space<vmem>>[vector<16xi32>, vector<16xi32>], vector<16xf32>,
        %jit3A_1150 = arith.constant 8 : i32
        %div3A_1151 = arith.divsi %scan3A_497, %jit3A_1150 : i32
        %sign3A_1152 = arith.constant 0 : i32
        %sign3A_1153 = arith.cmpi sgt, %scan3A_497, %sign3A_1152 : i32
        %sign3A_1154 = arith.extui %sign3A_1153 : i1 to i32
        %sign3A_1155 = arith.constant 0 : i32
        %sign3A_1156 = arith.cmpi slt, %scan3A_497, %sign3A_1155 : i32
        %sign3A_1157 = arith.extui %sign3A_1156 : i1 to i32
        %sign3A_1158 = arith.subi %sign3A_1154, %sign3A_1157 : i32
        %sign3A_1159 = arith.constant 0 : i32
        %sign3A_1160 = arith.cmpi sgt, %jit3A_1150, %sign3A_1159 : i32
        %sign3A_1161 = arith.extui %sign3A_1160 : i1 to i32
        %sign3A_1162 = arith.constant 0 : i32
        %sign3A_1163 = arith.cmpi slt, %jit3A_1150, %sign3A_1162 : i32
        %sign3A_1164 = arith.extui %sign3A_1163 : i1 to i32
        %sign3A_1165 = arith.subi %sign3A_1161, %sign3A_1164 : i32
        %ne3A_1166 = arith.cmpi ne, %sign3A_1158, %sign3A_1165 : i32
        %rem3A_1167 = arith.remsi %scan3A_497, %jit3A_1150 : i32
        %ne3A_1168 = arith.constant 0 : i32
        %ne3A_1169 = arith.cmpi ne, %rem3A_1167, %ne3A_1168 : i32
        %and3A_1170 = arith.andi %ne3A_1166, %ne3A_1169 : i1
        %sub3A_1171 = arith.constant 1 : i32
        %sub3A_1172 = arith.subi %div3A_1151, %sub3A_1171 : i32
        %select_n3A_1173 = arith.select %and3A_1170, %sub3A_1172, %div3A_1151 : i32
        %jit3A_1174 = arith.constant 8 : i32
        %eq3A_1175 = arith.constant 0 : i32
        %eq3A_1176 = arith.cmpi eq, %jit3A_1174, %eq3A_1175 : i32
        %jit3A_1177 = arith.constant 1 : i32
        %select_n3A_1178 = arith.select %eq3A_1176, %jit3A_1177, %jit3A_1174 : i32
        %rem3A_1179 = arith.remsi %scan3A_497, %select_n3A_1178 : i32
        %ne3A_1180 = arith.constant 0 : i32
        %ne3A_1181 = arith.cmpi ne, %rem3A_1179, %ne3A_1180 : i32
        %lt3A_1182 = arith.constant 0 : i32
        %lt3A_1183 = arith.cmpi slt, %rem3A_1179, %lt3A_1182 : i32
        %lt3A_1184 = arith.constant 0 : i32
        %lt3A_1185 = arith.cmpi slt, %select_n3A_1178, %lt3A_1184 : i32
        %ne3A_1186 = arith.xori %lt3A_1183, %lt3A_1185 : i1
        %and3A_1187 = arith.andi %ne3A_1186, %ne3A_1181 : i1
        %add3A_1188 = arith.addi %rem3A_1179, %select_n3A_1178 : i32
        %select_n3A_1189 = arith.select %and3A_1187, %add3A_1188, %rem3A_1179 : i32
        %swap3A_1190 = arith.constant 1 : i32
        %swap3A_1191 = arith.index_cast %select_n3A_1173 : i32 to index
        %swap3A_1192 = arith.index_cast %swap3A_1190 : i32 to index
        %swap3A_1193 = arith.index_cast %select_n3A_1189 : i32 to index
        %swap3A_1194 = arith.constant 80 : index
        %swap3A_1195 = tpu.vector_load %arg9[%swap3A_1191, %swap3A_1192, %swap3A_1193, %swap3A_1194] {strides = array<i32>} : memref<8x2x8x128xf32, #tpu.memory_space<vmem>>, vector<16xf32>,
        tpu.vector_store %arg9[%swap3A_1191, %swap3A_1192, %swap3A_1193, %swap3A_1194], %gather3A_1149 {strides = array<i32>} : memref<8x2x8x128xf32, #tpu.memory_space<vmem>>, vector<16xf32>,
        %add3A_1196 = arith.constant 224 : i32
        %add3A_1197 = vector.broadcast %add3A_1196 : i32 to vector<16xi32>
        %add3A_1198 = arith.addi %iota3A, %add3A_1197 : vector<16xi32>
        %gather3A_1199 = tpu.vector_load_idx %arg7[%add3A_1198, %broadcast_in_dim3A] : memref<256x64xf32, #tpu.memory_space<vmem>>[vector<16xi32>, vector<16xi32>], vector<16xf32>,
        %jit3A_1200 = arith.constant 8 : i32
        %div3A_1201 = arith.divsi %scan3A_497, %jit3A_1200 : i32
        %sign3A_1202 = arith.constant 0 : i32
        %sign3A_1203 = arith.cmpi sgt, %scan3A_497, %sign3A_1202 : i32
        %sign3A_1204 = arith.extui %sign3A_1203 : i1 to i32
        %sign3A_1205 = arith.constant 0 : i32
        %sign3A_1206 = arith.cmpi slt, %scan3A_497, %sign3A_1205 : i32
        %sign3A_1207 = arith.extui %sign3A_1206 : i1 to i32
        %sign3A_1208 = arith.subi %sign3A_1204, %sign3A_1207 : i32
        %sign3A_1209 = arith.constant 0 : i32
        %sign3A_1210 = arith.cmpi sgt, %jit3A_1200, %sign3A_1209 : i32
        %sign3A_1211 = arith.extui %sign3A_1210 : i1 to i32
        %sign3A_1212 = arith.constant 0 : i32
        %sign3A_1213 = arith.cmpi slt, %jit3A_1200, %sign3A_1212 : i32
        %sign3A_1214 = arith.extui %sign3A_1213 : i1 to i32
        %sign3A_1215 = arith.subi %sign3A_1211, %sign3A_1214 : i32
        %ne3A_1216 = arith.cmpi ne, %sign3A_1208, %sign3A_1215 : i32
        %rem3A_1217 = arith.remsi %scan3A_497, %jit3A_1200 : i32
        %ne3A_1218 = arith.constant 0 : i32
        %ne3A_1219 = arith.cmpi ne, %rem3A_1217, %ne3A_1218 : i32
        %and3A_1220 = arith.andi %ne3A_1216, %ne3A_1219 : i1
        %sub3A_1221 = arith.constant 1 : i32
        %sub3A_1222 = arith.subi %div3A_1201, %sub3A_1221 : i32
        %select_n3A_1223 = arith.select %and3A_1220, %sub3A_1222, %div3A_1201 : i32
        %jit3A_1224 = arith.constant 8 : i32
        %eq3A_1225 = arith.constant 0 : i32
        %eq3A_1226 = arith.cmpi eq, %jit3A_1224, %eq3A_1225 : i32
        %jit3A_1227 = arith.constant 1 : i32
        %select_n3A_1228 = arith.select %eq3A_1226, %jit3A_1227, %jit3A_1224 : i32
        %rem3A_1229 = arith.remsi %scan3A_497, %select_n3A_1228 : i32
        %ne3A_1230 = arith.constant 0 : i32
        %ne3A_1231 = arith.cmpi ne, %rem3A_1229, %ne3A_1230 : i32
        %lt3A_1232 = arith.constant 0 : i32
        %lt3A_1233 = arith.cmpi slt, %rem3A_1229, %lt3A_1232 : i32
        %lt3A_1234 = arith.constant 0 : i32
        %lt3A_1235 = arith.cmpi slt, %select_n3A_1228, %lt3A_1234 : i32
        %ne3A_1236 = arith.xori %lt3A_1233, %lt3A_1235 : i1
        %and3A_1237 = arith.andi %ne3A_1236, %ne3A_1231 : i1
        %add3A_1238 = arith.addi %rem3A_1229, %select_n3A_1228 : i32
        %select_n3A_1239 = arith.select %and3A_1237, %add3A_1238, %rem3A_1229 : i32
        %swap3A_1240 = arith.constant 1 : i32
        %swap3A_1241 = arith.index_cast %select_n3A_1223 : i32 to index
        %swap3A_1242 = arith.index_cast %swap3A_1240 : i32 to index
        %swap3A_1243 = arith.index_cast %select_n3A_1239 : i32 to index
        %swap3A_1244 = arith.constant 96 : index
        %swap3A_1245 = tpu.vector_load %arg9[%swap3A_1241, %swap3A_1242, %swap3A_1243, %swap3A_1244] {strides = array<i32>} : memref<8x2x8x128xf32, #tpu.memory_space<vmem>>, vector<16xf32>,
        tpu.vector_store %arg9[%swap3A_1241, %swap3A_1242, %swap3A_1243, %swap3A_1244], %gather3A_1199 {strides = array<i32>} : memref<8x2x8x128xf32, #tpu.memory_space<vmem>>, vector<16xf32>,
        %add3A_1246 = arith.constant 240 : i32
        %add3A_1247 = vector.broadcast %add3A_1246 : i32 to vector<16xi32>
        %add3A_1248 = arith.addi %iota3A, %add3A_1247 : vector<16xi32>
        %gather3A_1249 = tpu.vector_load_idx %arg7[%add3A_1248, %broadcast_in_dim3A] : memref<256x64xf32, #tpu.memory_space<vmem>>[vector<16xi32>, vector<16xi32>], vector<16xf32>,
        %jit3A_1250 = arith.constant 8 : i32
        %div3A_1251 = arith.divsi %scan3A_497, %jit3A_1250 : i32
        %sign3A_1252 = arith.constant 0 : i32
        %sign3A_1253 = arith.cmpi sgt, %scan3A_497, %sign3A_1252 : i32
        %sign3A_1254 = arith.extui %sign3A_1253 : i1 to i32
        %sign3A_1255 = arith.constant 0 : i32
        %sign3A_1256 = arith.cmpi slt, %scan3A_497, %sign3A_1255 : i32
        %sign3A_1257 = arith.extui %sign3A_1256 : i1 to i32
        %sign3A_1258 = arith.subi %sign3A_1254, %sign3A_1257 : i32
        %sign3A_1259 = arith.constant 0 : i32
        %sign3A_1260 = arith.cmpi sgt, %jit3A_1250, %sign3A_1259 : i32
        %sign3A_1261 = arith.extui %sign3A_1260 : i1 to i32
        %sign3A_1262 = arith.constant 0 : i32
        %sign3A_1263 = arith.cmpi slt, %jit3A_1250, %sign3A_1262 : i32
        %sign3A_1264 = arith.extui %sign3A_1263 : i1 to i32
        %sign3A_1265 = arith.subi %sign3A_1261, %sign3A_1264 : i32
        %ne3A_1266 = arith.cmpi ne, %sign3A_1258, %sign3A_1265 : i32
        %rem3A_1267 = arith.remsi %scan3A_497, %jit3A_1250 : i32
        %ne3A_1268 = arith.constant 0 : i32
        %ne3A_1269 = arith.cmpi ne, %rem3A_1267, %ne3A_1268 : i32
        %and3A_1270 = arith.andi %ne3A_1266, %ne3A_1269 : i1
        %sub3A_1271 = arith.constant 1 : i32
        %sub3A_1272 = arith.subi %div3A_1251, %sub3A_1271 : i32
        %select_n3A_1273 = arith.select %and3A_1270, %sub3A_1272, %div3A_1251 : i32
        %jit3A_1274 = arith.constant 8 : i32
        %eq3A_1275 = arith.constant 0 : i32
        %eq3A_1276 = arith.cmpi eq, %jit3A_1274, %eq3A_1275 : i32
        %jit3A_1277 = arith.constant 1 : i32
        %select_n3A_1278 = arith.select %eq3A_1276, %jit3A_1277, %jit3A_1274 : i32
        %rem3A_1279 = arith.remsi %scan3A_497, %select_n3A_1278 : i32
        %ne3A_1280 = arith.constant 0 : i32
        %ne3A_1281 = arith.cmpi ne, %rem3A_1279, %ne3A_1280 : i32
        %lt3A_1282 = arith.constant 0 : i32
        %lt3A_1283 = arith.cmpi slt, %rem3A_1279, %lt3A_1282 : i32
        %lt3A_1284 = arith.constant 0 : i32
        %lt3A_1285 = arith.cmpi slt, %select_n3A_1278, %lt3A_1284 : i32
        %ne3A_1286 = arith.xori %lt3A_1283, %lt3A_1285 : i1
        %and3A_1287 = arith.andi %ne3A_1286, %ne3A_1281 : i1
        %add3A_1288 = arith.addi %rem3A_1279, %select_n3A_1278 : i32
        %select_n3A_1289 = arith.select %and3A_1287, %add3A_1288, %rem3A_1279 : i32
        %swap3A_1290 = arith.constant 1 : i32
        %swap3A_1291 = arith.index_cast %select_n3A_1273 : i32 to index
        %swap3A_1292 = arith.index_cast %swap3A_1290 : i32 to index
        %swap3A_1293 = arith.index_cast %select_n3A_1289 : i32 to index
        %swap3A_1294 = arith.constant 112 : index
        %swap3A_1295 = tpu.vector_load %arg9[%swap3A_1291, %swap3A_1292, %swap3A_1293, %swap3A_1294] {strides = array<i32>} : memref<8x2x8x128xf32, #tpu.memory_space<vmem>>, vector<16xf32>,
        tpu.vector_store %arg9[%swap3A_1291, %swap3A_1292, %swap3A_1293, %swap3A_1294], %gather3A_1249 {strides = array<i32>} : memref<8x2x8x128xf32, #tpu.memory_space<vmem>>, vector<16xf32>,
      }
      %scan3A_361 = arith.constant 64 : i32
      %add3A_362 = arith.constant 0 : i32
      %add3A_363 = arith.addi %add3A_312, %add3A_362 : i32
      %add3A_364 = arith.constant 2 : i32
      %add3A_365 = arith.addi %add3A_363, %add3A_364 : i32
      %mul3A_366 = arith.constant 2 : i32
      %mul3A_367 = arith.muli %add3A_365, %mul3A_366 : i32
      %add3A_368 = arith.constant 0 : i32
      %add3A_369 = arith.addi %mul3A_367, %add3A_368 : i32
      %dma_start3A_370 = arith.constant 0 : i32
      %dma_start3A_371 = arith.constant 0 : i32
      %dma_start3A_372 = tpu.memref_slice %arg7[%dma_start3A_370, %dma_start3A_371] : memref<256x64xf32, #tpu.memory_space<vmem>> -> memref<128x64xf32, #tpu.memory_space<vmem>>
      %dma_start3A_373 = arith.constant 0 : i32
      %dma_start3A_374 = tpu.memref_slice %arg6[%add3A_369, %dma_start3A_373] : memref<16x128xi32, #tpu.memory_space<vmem>> -> memref<1x128xi32, #tpu.memory_space<vmem>>
      %dma_start3A_375 = tpu.memref_squeeze %dma_start3A_374 : memref<1x128xi32, #tpu.memory_space<vmem>> -> memref<128xi32, #tpu.memory_space<vmem>>
      %dma_start3A_376 = arith.constant 0 : i32
      %dma_start3A_377 = arith.constant 0 : i32
      %dma_start3A_378 = tpu.memref_slice %arg3[%dma_start3A_376, %dma_start3A_377] : memref<100352x64xf32, #tpu.memory_space<hbm>> -> memref<100352x64xf32, #tpu.memory_space<hbm>>
      tpu.enqueue_indirect_dma source(%dma_start3A_378 : memref<100352x64xf32, #tpu.memory_space<hbm>>) target(%dma_start3A_372 : memref<128x64xf32, #tpu.memory_space<vmem>>) offsets(%dma_start3A_375 : memref<128xi32, #tpu.memory_space<vmem>>) semaphore(%arg11 : memref<!tpu.dma_semaphore, #tpu.memory_space<semaphore_mem>>)
      %mul3A_379 = arith.constant 2 : i32
      %mul3A_380 = arith.muli %add3A_365, %mul3A_379 : i32
      %add3A_381 = arith.constant 1 : i32
      %add3A_382 = arith.addi %mul3A_380, %add3A_381 : i32
      %dma_start3A_383 = arith.constant 128 : i32
      %dma_start3A_384 = arith.constant 0 : i32
      %dma_start3A_385 = tpu.memref_slice %arg7[%dma_start3A_383, %dma_start3A_384] : memref<256x64xf32, #tpu.memory_space<vmem>> -> memref<128x64xf32, #tpu.memory_space<vmem>>
      %dma_start3A_386 = arith.constant 0 : i32
      %dma_start3A_387 = tpu.memref_slice %arg6[%add3A_382, %dma_start3A_386] : memref<16x128xi32, #tpu.memory_space<vmem>> -> memref<1x128xi32, #tpu.memory_space<vmem>>
      %dma_start3A_388 = tpu.memref_squeeze %dma_start3A_387 : memref<1x128xi32, #tpu.memory_space<vmem>> -> memref<128xi32, #tpu.memory_space<vmem>>
      %dma_start3A_389 = arith.constant 0 : i32
      %dma_start3A_390 = arith.constant 0 : i32
      %dma_start3A_391 = tpu.memref_slice %arg3[%dma_start3A_389, %dma_start3A_390] : memref<100352x64xf32, #tpu.memory_space<hbm>> -> memref<100352x64xf32, #tpu.memory_space<hbm>>
      tpu.enqueue_indirect_dma source(%dma_start3A_391 : memref<100352x64xf32, #tpu.memory_space<hbm>>) target(%dma_start3A_385 : memref<128x64xf32, #tpu.memory_space<vmem>>) offsets(%dma_start3A_388 : memref<128xi32, #tpu.memory_space<vmem>>) semaphore(%arg11 : memref<!tpu.dma_semaphore, #tpu.memory_space<semaphore_mem>>)
      %add3A_392 = arith.constant 0 : i32
      %add3A_393 = arith.addi %add3A_312, %add3A_392 : i32
      %mul3A_394 = arith.constant 8 : i32
      %mul3A_395 = arith.muli %select_n3A, %mul3A_394 : i32
      %mul3A_396 = arith.constant 2 : i32
      %mul3A_397 = arith.muli %add3A_393, %mul3A_396 : i32
      %add3A_398 = arith.addi %mul3A_32, %mul3A_397 : i32
      %dma_start3A_399 = arith.constant 0 : i32
      %dma_start3A_400 = arith.constant 0 : i32
      %dma_start3A_401 = tpu.memref_slice %arg4[%mul3A_395, %add3A_398, %dma_start3A_399, %dma_start3A_400] : memref<128x32x8x128xf32, #tpu.memory_space<hbm>> -> memref<8x2x8x128xf32, #tpu.memory_space<hbm>>
      %dma_start3A_402 = arith.constant 0 : i32
      %dma_start3A_403 = arith.constant 0 : i32
      %dma_start3A_404 = tpu.memref_slice %arg4[%mul3A_395, %add3A_398, %dma_start3A_402, %dma_start3A_403] : memref<128x32x8x128xf32, #tpu.memory_space<hbm>> -> memref<8x2x8x128xf32, #tpu.memory_space<hbm>>
      tpu.enqueue_dma source(%arg9 : memref<8x2x8x128xf32, #tpu.memory_space<vmem>>) target(%dma_start3A_404 : memref<8x2x8x128xf32, #tpu.memory_space<hbm>>) target_semaphore(%arg13 : memref<!tpu.dma_semaphore, #tpu.memory_space<semaphore_mem>>)
      %add3A_405 = arith.constant 1 : i32
      %add3A_406 = arith.addi %add3A_312, %add3A_405 : i32
      %mul3A_407 = arith.constant 2 : i32
      %mul3A_408 = arith.muli %add3A_406, %mul3A_407 : i32
      %add3A_409 = arith.constant 0 : i32
      %add3A_410 = arith.addi %mul3A_408, %add3A_409 : i32
      %dma_wait3A_411 = arith.constant 0 : i32
      %dma_wait3A_412 = arith.constant 0 : i32
      %dma_wait3A_413 = tpu.memref_slice %arg8[%dma_wait3A_411, %dma_wait3A_412] : memref<256x64xf32, #tpu.memory_space<vmem>> -> memref<128x64xf32, #tpu.memory_space<vmem>>
      %dma_wait3A_414 = arith.constant 0 : i32
      %dma_wait3A_415 = tpu.memref_slice %arg6[%add3A_410, %dma_wait3A_414] : memref<16x128xi32, #tpu.memory_space<vmem>> -> memref<1x128xi32, #tpu.memory_space<vmem>>
      %dma_wait3A_416 = tpu.memref_squeeze %dma_wait3A_415 : memref<1x128xi32, #tpu.memory_space<vmem>> -> memref<128xi32, #tpu.memory_space<vmem>>
      %dma_wait3A_417 = arith.constant 0 : i32
      %dma_wait3A_418 = arith.constant 0 : i32
      %dma_wait3A_419 = tpu.memref_slice %arg3[%dma_wait3A_417, %dma_wait3A_418] : memref<100352x64xf32, #tpu.memory_space<hbm>> -> memref<100352x64xf32, #tpu.memory_space<hbm>>
      tpu.wait_indirect_dma semaphore(%arg12 : memref<!tpu.dma_semaphore, #tpu.memory_space<semaphore_mem>>) src(%dma_wait3A_419 : memref<100352x64xf32, #tpu.memory_space<hbm>>) dst(%dma_wait3A_413 : memref<128x64xf32, #tpu.memory_space<vmem>>)
      %mul3A_420 = arith.constant 2 : i32
      %mul3A_421 = arith.muli %add3A_406, %mul3A_420 : i32
      %add3A_422 = arith.constant 1 : i32
      %add3A_423 = arith.addi %mul3A_421, %add3A_422 : i32
      %dma_wait3A_424 = arith.constant 128 : i32
      %dma_wait3A_425 = arith.constant 0 : i32
      %dma_wait3A_426 = tpu.memref_slice %arg8[%dma_wait3A_424, %dma_wait3A_425] : memref<256x64xf32, #tpu.memory_space<vmem>> -> memref<128x64xf32, #tpu.memory_space<vmem>>
      %dma_wait3A_427 = arith.constant 0 : i32
      %dma_wait3A_428 = tpu.memref_slice %arg6[%add3A_423, %dma_wait3A_427] : memref<16x128xi32, #tpu.memory_space<vmem>> -> memref<1x128xi32, #tpu.memory_space<vmem>>
      %dma_wait3A_429 = tpu.memref_squeeze %dma_wait3A_428 : memref<1x128xi32, #tpu.memory_space<vmem>> -> memref<128xi32, #tpu.memory_space<vmem>>
      %dma_wait3A_430 = arith.constant 0 : i32
      %dma_wait3A_431 = arith.constant 0 : i32
      %dma_wait3A_432 = tpu.memref_slice %arg3[%dma_wait3A_430, %dma_wait3A_431] : memref<100352x64xf32, #tpu.memory_space<hbm>> -> memref<100352x64xf32, #tpu.memory_space<hbm>>
      tpu.wait_indirect_dma semaphore(%arg12 : memref<!tpu.dma_semaphore, #tpu.memory_space<semaphore_mem>>) src(%dma_wait3A_432 : memref<100352x64xf32, #tpu.memory_space<hbm>>) dst(%dma_wait3A_426 : memref<128x64xf32, #tpu.memory_space<vmem>>)
      %add3A_433 = arith.constant 1 : i32
      %add3A_434 = arith.addi %add3A_312, %add3A_433 : i32
      %sub3A_435 = arith.constant 2 : i32
      %sub3A_436 = arith.subi %add3A_434, %sub3A_435 : i32
      %mul3A_437 = arith.constant 8 : i32
      %mul3A_438 = arith.muli %select_n3A, %mul3A_437 : i32
      %mul3A_439 = arith.constant 2 : i32
      %mul3A_440 = arith.muli %sub3A_436, %mul3A_439 : i32
      %add3A_441 = arith.addi %mul3A_32, %mul3A_440 : i32
      %dma_wait3A_442 = arith.constant 0 : i32
      %dma_wait3A_443 = arith.constant 0 : i32
      %dma_wait3A_444 = tpu.memref_slice %arg4[%mul3A_438, %add3A_441, %dma_wait3A_442, %dma_wait3A_443] : memref<128x32x8x128xf32, #tpu.memory_space<hbm>> -> memref<8x2x8x128xf32, #tpu.memory_space<hbm>>
      %dma_wait3A_445 = arith.constant 0 : i32
      %dma_wait3A_446 = arith.constant 0 : i32
      %dma_wait3A_447 = tpu.memref_slice %arg4[%mul3A_438, %add3A_441, %dma_wait3A_445, %dma_wait3A_446] : memref<128x32x8x128xf32, #tpu.memory_space<hbm>> -> memref<8x2x8x128xf32, #tpu.memory_space<hbm>>
      tpu.wait_dma2 semaphore(%arg14 : memref<!tpu.dma_semaphore, #tpu.memory_space<semaphore_mem>>) src(%arg10 : memref<8x2x8x128xf32, #tpu.memory_space<vmem>>) dst(%dma_wait3A_447 : memref<8x2x8x128xf32, #tpu.memory_space<hbm>>)
      %scan3A_448 = arith.constant 0 : i32
      %scan3A_449 = arith.constant 0 : i32
      %scan3A_450 = arith.constant 64 : i32
      %scan3A_451 = arith.addi %scan3A_449, %scan3A_450 : i32
      %scan3A_452 = arith.constant 1 : i32
      scf.for %scan3A_497 = %scan3A_449 to %scan3A_451 step %scan3A_452  : i32 {
        %broadcast_in_dim3A = vector.broadcast %scan3A_497 : i32 to vector<16xi32>
        %add3A_498 = arith.constant 0 : i32
        %add3A_499 = vector.broadcast %add3A_498 : i32 to vector<16xi32>
        %add3A_500 = arith.addi %iota3A, %add3A_499 : vector<16xi32>
        %gather3A = tpu.vector_load_idx %arg8[%add3A_500, %broadcast_in_dim3A] : memref<256x64xf32, #tpu.memory_space<vmem>>[vector<16xi32>, vector<16xi32>], vector<16xf32>,
        %jit3A_501 = arith.constant 8 : i32
        %div3A_502 = arith.divsi %scan3A_497, %jit3A_501 : i32
        %sign3A_503 = arith.constant 0 : i32
        %sign3A_504 = arith.cmpi sgt, %scan3A_497, %sign3A_503 : i32
        %sign3A_505 = arith.extui %sign3A_504 : i1 to i32
        %sign3A_506 = arith.constant 0 : i32
        %sign3A_507 = arith.cmpi slt, %scan3A_497, %sign3A_506 : i32
        %sign3A_508 = arith.extui %sign3A_507 : i1 to i32
        %sign3A_509 = arith.subi %sign3A_505, %sign3A_508 : i32
        %sign3A_510 = arith.constant 0 : i32
        %sign3A_511 = arith.cmpi sgt, %jit3A_501, %sign3A_510 : i32
        %sign3A_512 = arith.extui %sign3A_511 : i1 to i32
        %sign3A_513 = arith.constant 0 : i32
        %sign3A_514 = arith.cmpi slt, %jit3A_501, %sign3A_513 : i32
        %sign3A_515 = arith.extui %sign3A_514 : i1 to i32
        %sign3A_516 = arith.subi %sign3A_512, %sign3A_515 : i32
        %ne3A_517 = arith.cmpi ne, %sign3A_509, %sign3A_516 : i32
        %rem3A_518 = arith.remsi %scan3A_497, %jit3A_501 : i32
        %ne3A_519 = arith.constant 0 : i32
        %ne3A_520 = arith.cmpi ne, %rem3A_518, %ne3A_519 : i32
        %and3A_521 = arith.andi %ne3A_517, %ne3A_520 : i1
        %sub3A_522 = arith.constant 1 : i32
        %sub3A_523 = arith.subi %div3A_502, %sub3A_522 : i32
        %select_n3A_524 = arith.select %and3A_521, %sub3A_523, %div3A_502 : i32
        %jit3A_525 = arith.constant 8 : i32
        %eq3A_526 = arith.constant 0 : i32
        %eq3A_527 = arith.cmpi eq, %jit3A_525, %eq3A_526 : i32
        %jit3A_528 = arith.constant 1 : i32
        %select_n3A_529 = arith.select %eq3A_527, %jit3A_528, %jit3A_525 : i32
        %rem3A_530 = arith.remsi %scan3A_497, %select_n3A_529 : i32
        %ne3A_531 = arith.constant 0 : i32
        %ne3A_532 = arith.cmpi ne, %rem3A_530, %ne3A_531 : i32
        %lt3A_533 = arith.constant 0 : i32
        %lt3A_534 = arith.cmpi slt, %rem3A_530, %lt3A_533 : i32
        %lt3A_535 = arith.constant 0 : i32
        %lt3A_536 = arith.cmpi slt, %select_n3A_529, %lt3A_535 : i32
        %ne3A_537 = arith.xori %lt3A_534, %lt3A_536 : i1
        %and3A_538 = arith.andi %ne3A_537, %ne3A_532 : i1
        %add3A_539 = arith.addi %rem3A_530, %select_n3A_529 : i32
        %select_n3A_540 = arith.select %and3A_538, %add3A_539, %rem3A_530 : i32
        %swap3A = arith.constant 0 : i32
        %swap3A_541 = arith.index_cast %select_n3A_524 : i32 to index
        %swap3A_542 = arith.index_cast %swap3A : i32 to index
        %swap3A_543 = arith.index_cast %select_n3A_540 : i32 to index
        %swap3A_544 = arith.constant 0 : index
        %swap3A_545 = tpu.vector_load %arg10[%swap3A_541, %swap3A_542, %swap3A_543, %swap3A_544] {strides = array<i32>} : memref<8x2x8x128xf32, #tpu.memory_space<vmem>>, vector<16xf32>,
        tpu.vector_store %arg10[%swap3A_541, %swap3A_542, %swap3A_543, %swap3A_544], %gather3A {strides = array<i32>} : memref<8x2x8x128xf32, #tpu.memory_space<vmem>>, vector<16xf32>,
        %add3A_546 = arith.constant 16 : i32
        %add3A_547 = vector.broadcast %add3A_546 : i32 to vector<16xi32>
        %add3A_548 = arith.addi %iota3A, %add3A_547 : vector<16xi32>
        %gather3A_549 = tpu.vector_load_idx %arg8[%add3A_548, %broadcast_in_dim3A] : memref<256x64xf32, #tpu.memory_space<vmem>>[vector<16xi32>, vector<16xi32>], vector<16xf32>,
        %jit3A_550 = arith.constant 8 : i32
        %div3A_551 = arith.divsi %scan3A_497, %jit3A_550 : i32
        %sign3A_552 = arith.constant 0 : i32
        %sign3A_553 = arith.cmpi sgt, %scan3A_497, %sign3A_552 : i32
        %sign3A_554 = arith.extui %sign3A_553 : i1 to i32
        %sign3A_555 = arith.constant 0 : i32
        %sign3A_556 = arith.cmpi slt, %scan3A_497, %sign3A_555 : i32
        %sign3A_557 = arith.extui %sign3A_556 : i1 to i32
        %sign3A_558 = arith.subi %sign3A_554, %sign3A_557 : i32
        %sign3A_559 = arith.constant 0 : i32
        %sign3A_560 = arith.cmpi sgt, %jit3A_550, %sign3A_559 : i32
        %sign3A_561 = arith.extui %sign3A_560 : i1 to i32
        %sign3A_562 = arith.constant 0 : i32
        %sign3A_563 = arith.cmpi slt, %jit3A_550, %sign3A_562 : i32
        %sign3A_564 = arith.extui %sign3A_563 : i1 to i32
        %sign3A_565 = arith.subi %sign3A_561, %sign3A_564 : i32
        %ne3A_566 = arith.cmpi ne, %sign3A_558, %sign3A_565 : i32
        %rem3A_567 = arith.remsi %scan3A_497, %jit3A_550 : i32
        %ne3A_568 = arith.constant 0 : i32
        %ne3A_569 = arith.cmpi ne, %rem3A_567, %ne3A_568 : i32
        %and3A_570 = arith.andi %ne3A_566, %ne3A_569 : i1
        %sub3A_571 = arith.constant 1 : i32
        %sub3A_572 = arith.subi %div3A_551, %sub3A_571 : i32
        %select_n3A_573 = arith.select %and3A_570, %sub3A_572, %div3A_551 : i32
        %jit3A_574 = arith.constant 8 : i32
        %eq3A_575 = arith.constant 0 : i32
        %eq3A_576 = arith.cmpi eq, %jit3A_574, %eq3A_575 : i32
        %jit3A_577 = arith.constant 1 : i32
        %select_n3A_578 = arith.select %eq3A_576, %jit3A_577, %jit3A_574 : i32
        %rem3A_579 = arith.remsi %scan3A_497, %select_n3A_578 : i32
        %ne3A_580 = arith.constant 0 : i32
        %ne3A_581 = arith.cmpi ne, %rem3A_579, %ne3A_580 : i32
        %lt3A_582 = arith.constant 0 : i32
        %lt3A_583 = arith.cmpi slt, %rem3A_579, %lt3A_582 : i32
        %lt3A_584 = arith.constant 0 : i32
        %lt3A_585 = arith.cmpi slt, %select_n3A_578, %lt3A_584 : i32
        %ne3A_586 = arith.xori %lt3A_583, %lt3A_585 : i1
        %and3A_587 = arith.andi %ne3A_586, %ne3A_581 : i1
        %add3A_588 = arith.addi %rem3A_579, %select_n3A_578 : i32
        %select_n3A_589 = arith.select %and3A_587, %add3A_588, %rem3A_579 : i32
        %swap3A_590 = arith.constant 0 : i32
        %swap3A_591 = arith.index_cast %select_n3A_573 : i32 to index
        %swap3A_592 = arith.index_cast %swap3A_590 : i32 to index
        %swap3A_593 = arith.index_cast %select_n3A_589 : i32 to index
        %swap3A_594 = arith.constant 16 : index
        %swap3A_595 = tpu.vector_load %arg10[%swap3A_591, %swap3A_592, %swap3A_593, %swap3A_594] {strides = array<i32>} : memref<8x2x8x128xf32, #tpu.memory_space<vmem>>, vector<16xf32>,
        tpu.vector_store %arg10[%swap3A_591, %swap3A_592, %swap3A_593, %swap3A_594], %gather3A_549 {strides = array<i32>} : memref<8x2x8x128xf32, #tpu.memory_space<vmem>>, vector<16xf32>,
        %add3A_596 = arith.constant 32 : i32
        %add3A_597 = vector.broadcast %add3A_596 : i32 to vector<16xi32>
        %add3A_598 = arith.addi %iota3A, %add3A_597 : vector<16xi32>
        %gather3A_599 = tpu.vector_load_idx %arg8[%add3A_598, %broadcast_in_dim3A] : memref<256x64xf32, #tpu.memory_space<vmem>>[vector<16xi32>, vector<16xi32>], vector<16xf32>,
        %jit3A_600 = arith.constant 8 : i32
        %div3A_601 = arith.divsi %scan3A_497, %jit3A_600 : i32
        %sign3A_602 = arith.constant 0 : i32
        %sign3A_603 = arith.cmpi sgt, %scan3A_497, %sign3A_602 : i32
        %sign3A_604 = arith.extui %sign3A_603 : i1 to i32
        %sign3A_605 = arith.constant 0 : i32
        %sign3A_606 = arith.cmpi slt, %scan3A_497, %sign3A_605 : i32
        %sign3A_607 = arith.extui %sign3A_606 : i1 to i32
        %sign3A_608 = arith.subi %sign3A_604, %sign3A_607 : i32
        %sign3A_609 = arith.constant 0 : i32
        %sign3A_610 = arith.cmpi sgt, %jit3A_600, %sign3A_609 : i32
        %sign3A_611 = arith.extui %sign3A_610 : i1 to i32
        %sign3A_612 = arith.constant 0 : i32
        %sign3A_613 = arith.cmpi slt, %jit3A_600, %sign3A_612 : i32
        %sign3A_614 = arith.extui %sign3A_613 : i1 to i32
        %sign3A_615 = arith.subi %sign3A_611, %sign3A_614 : i32
        %ne3A_616 = arith.cmpi ne, %sign3A_608, %sign3A_615 : i32
        %rem3A_617 = arith.remsi %scan3A_497, %jit3A_600 : i32
        %ne3A_618 = arith.constant 0 : i32
        %ne3A_619 = arith.cmpi ne, %rem3A_617, %ne3A_618 : i32
        %and3A_620 = arith.andi %ne3A_616, %ne3A_619 : i1
        %sub3A_621 = arith.constant 1 : i32
        %sub3A_622 = arith.subi %div3A_601, %sub3A_621 : i32
        %select_n3A_623 = arith.select %and3A_620, %sub3A_622, %div3A_601 : i32
        %jit3A_624 = arith.constant 8 : i32
        %eq3A_625 = arith.constant 0 : i32
        %eq3A_626 = arith.cmpi eq, %jit3A_624, %eq3A_625 : i32
        %jit3A_627 = arith.constant 1 : i32
        %select_n3A_628 = arith.select %eq3A_626, %jit3A_627, %jit3A_624 : i32
        %rem3A_629 = arith.remsi %scan3A_497, %select_n3A_628 : i32
        %ne3A_630 = arith.constant 0 : i32
        %ne3A_631 = arith.cmpi ne, %rem3A_629, %ne3A_630 : i32
        %lt3A_632 = arith.constant 0 : i32
        %lt3A_633 = arith.cmpi slt, %rem3A_629, %lt3A_632 : i32
        %lt3A_634 = arith.constant 0 : i32
        %lt3A_635 = arith.cmpi slt, %select_n3A_628, %lt3A_634 : i32
        %ne3A_636 = arith.xori %lt3A_633, %lt3A_635 : i1
        %and3A_637 = arith.andi %ne3A_636, %ne3A_631 : i1
        %add3A_638 = arith.addi %rem3A_629, %select_n3A_628 : i32
        %select_n3A_639 = arith.select %and3A_637, %add3A_638, %rem3A_629 : i32
        %swap3A_640 = arith.constant 0 : i32
        %swap3A_641 = arith.index_cast %select_n3A_623 : i32 to index
        %swap3A_642 = arith.index_cast %swap3A_640 : i32 to index
        %swap3A_643 = arith.index_cast %select_n3A_639 : i32 to index
        %swap3A_644 = arith.constant 32 : index
        %swap3A_645 = tpu.vector_load %arg10[%swap3A_641, %swap3A_642, %swap3A_643, %swap3A_644] {strides = array<i32>} : memref<8x2x8x128xf32, #tpu.memory_space<vmem>>, vector<16xf32>,
        tpu.vector_store %arg10[%swap3A_641, %swap3A_642, %swap3A_643, %swap3A_644], %gather3A_599 {strides = array<i32>} : memref<8x2x8x128xf32, #tpu.memory_space<vmem>>, vector<16xf32>,
        %add3A_646 = arith.constant 48 : i32
        %add3A_647 = vector.broadcast %add3A_646 : i32 to vector<16xi32>
        %add3A_648 = arith.addi %iota3A, %add3A_647 : vector<16xi32>
        %gather3A_649 = tpu.vector_load_idx %arg8[%add3A_648, %broadcast_in_dim3A] : memref<256x64xf32, #tpu.memory_space<vmem>>[vector<16xi32>, vector<16xi32>], vector<16xf32>,
        %jit3A_650 = arith.constant 8 : i32
        %div3A_651 = arith.divsi %scan3A_497, %jit3A_650 : i32
        %sign3A_652 = arith.constant 0 : i32
        %sign3A_653 = arith.cmpi sgt, %scan3A_497, %sign3A_652 : i32
        %sign3A_654 = arith.extui %sign3A_653 : i1 to i32
        %sign3A_655 = arith.constant 0 : i32
        %sign3A_656 = arith.cmpi slt, %scan3A_497, %sign3A_655 : i32
        %sign3A_657 = arith.extui %sign3A_656 : i1 to i32
        %sign3A_658 = arith.subi %sign3A_654, %sign3A_657 : i32
        %sign3A_659 = arith.constant 0 : i32
        %sign3A_660 = arith.cmpi sgt, %jit3A_650, %sign3A_659 : i32
        %sign3A_661 = arith.extui %sign3A_660 : i1 to i32
        %sign3A_662 = arith.constant 0 : i32
        %sign3A_663 = arith.cmpi slt, %jit3A_650, %sign3A_662 : i32
        %sign3A_664 = arith.extui %sign3A_663 : i1 to i32
        %sign3A_665 = arith.subi %sign3A_661, %sign3A_664 : i32
        %ne3A_666 = arith.cmpi ne, %sign3A_658, %sign3A_665 : i32
        %rem3A_667 = arith.remsi %scan3A_497, %jit3A_650 : i32
        %ne3A_668 = arith.constant 0 : i32
        %ne3A_669 = arith.cmpi ne, %rem3A_667, %ne3A_668 : i32
        %and3A_670 = arith.andi %ne3A_666, %ne3A_669 : i1
        %sub3A_671 = arith.constant 1 : i32
        %sub3A_672 = arith.subi %div3A_651, %sub3A_671 : i32
        %select_n3A_673 = arith.select %and3A_670, %sub3A_672, %div3A_651 : i32
        %jit3A_674 = arith.constant 8 : i32
        %eq3A_675 = arith.constant 0 : i32
        %eq3A_676 = arith.cmpi eq, %jit3A_674, %eq3A_675 : i32
        %jit3A_677 = arith.constant 1 : i32
        %select_n3A_678 = arith.select %eq3A_676, %jit3A_677, %jit3A_674 : i32
        %rem3A_679 = arith.remsi %scan3A_497, %select_n3A_678 : i32
        %ne3A_680 = arith.constant 0 : i32
        %ne3A_681 = arith.cmpi ne, %rem3A_679, %ne3A_680 : i32
        %lt3A_682 = arith.constant 0 : i32
        %lt3A_683 = arith.cmpi slt, %rem3A_679, %lt3A_682 : i32
        %lt3A_684 = arith.constant 0 : i32
        %lt3A_685 = arith.cmpi slt, %select_n3A_678, %lt3A_684 : i32
        %ne3A_686 = arith.xori %lt3A_683, %lt3A_685 : i1
        %and3A_687 = arith.andi %ne3A_686, %ne3A_681 : i1
        %add3A_688 = arith.addi %rem3A_679, %select_n3A_678 : i32
        %select_n3A_689 = arith.select %and3A_687, %add3A_688, %rem3A_679 : i32
        %swap3A_690 = arith.constant 0 : i32
        %swap3A_691 = arith.index_cast %select_n3A_673 : i32 to index
        %swap3A_692 = arith.index_cast %swap3A_690 : i32 to index
        %swap3A_693 = arith.index_cast %select_n3A_689 : i32 to index
        %swap3A_694 = arith.constant 48 : index
        %swap3A_695 = tpu.vector_load %arg10[%swap3A_691, %swap3A_692, %swap3A_693, %swap3A_694] {strides = array<i32>} : memref<8x2x8x128xf32, #tpu.memory_space<vmem>>, vector<16xf32>,
        tpu.vector_store %arg10[%swap3A_691, %swap3A_692, %swap3A_693, %swap3A_694], %gather3A_649 {strides = array<i32>} : memref<8x2x8x128xf32, #tpu.memory_space<vmem>>, vector<16xf32>,
        %add3A_696 = arith.constant 64 : i32
        %add3A_697 = vector.broadcast %add3A_696 : i32 to vector<16xi32>
        %add3A_698 = arith.addi %iota3A, %add3A_697 : vector<16xi32>
        %gather3A_699 = tpu.vector_load_idx %arg8[%add3A_698, %broadcast_in_dim3A] : memref<256x64xf32, #tpu.memory_space<vmem>>[vector<16xi32>, vector<16xi32>], vector<16xf32>,
        %jit3A_700 = arith.constant 8 : i32
        %div3A_701 = arith.divsi %scan3A_497, %jit3A_700 : i32
        %sign3A_702 = arith.constant 0 : i32
        %sign3A_703 = arith.cmpi sgt, %scan3A_497, %sign3A_702 : i32
        %sign3A_704 = arith.extui %sign3A_703 : i1 to i32
        %sign3A_705 = arith.constant 0 : i32
        %sign3A_706 = arith.cmpi slt, %scan3A_497, %sign3A_705 : i32
        %sign3A_707 = arith.extui %sign3A_706 : i1 to i32
        %sign3A_708 = arith.subi %sign3A_704, %sign3A_707 : i32
        %sign3A_709 = arith.constant 0 : i32
        %sign3A_710 = arith.cmpi sgt, %jit3A_700, %sign3A_709 : i32
        %sign3A_711 = arith.extui %sign3A_710 : i1 to i32
        %sign3A_712 = arith.constant 0 : i32
        %sign3A_713 = arith.cmpi slt, %jit3A_700, %sign3A_712 : i32
        %sign3A_714 = arith.extui %sign3A_713 : i1 to i32
        %sign3A_715 = arith.subi %sign3A_711, %sign3A_714 : i32
        %ne3A_716 = arith.cmpi ne, %sign3A_708, %sign3A_715 : i32
        %rem3A_717 = arith.remsi %scan3A_497, %jit3A_700 : i32
        %ne3A_718 = arith.constant 0 : i32
        %ne3A_719 = arith.cmpi ne, %rem3A_717, %ne3A_718 : i32
        %and3A_720 = arith.andi %ne3A_716, %ne3A_719 : i1
        %sub3A_721 = arith.constant 1 : i32
        %sub3A_722 = arith.subi %div3A_701, %sub3A_721 : i32
        %select_n3A_723 = arith.select %and3A_720, %sub3A_722, %div3A_701 : i32
        %jit3A_724 = arith.constant 8 : i32
        %eq3A_725 = arith.constant 0 : i32
        %eq3A_726 = arith.cmpi eq, %jit3A_724, %eq3A_725 : i32
        %jit3A_727 = arith.constant 1 : i32
        %select_n3A_728 = arith.select %eq3A_726, %jit3A_727, %jit3A_724 : i32
        %rem3A_729 = arith.remsi %scan3A_497, %select_n3A_728 : i32
        %ne3A_730 = arith.constant 0 : i32
        %ne3A_731 = arith.cmpi ne, %rem3A_729, %ne3A_730 : i32
        %lt3A_732 = arith.constant 0 : i32
        %lt3A_733 = arith.cmpi slt, %rem3A_729, %lt3A_732 : i32
        %lt3A_734 = arith.constant 0 : i32
        %lt3A_735 = arith.cmpi slt, %select_n3A_728, %lt3A_734 : i32
        %ne3A_736 = arith.xori %lt3A_733, %lt3A_735 : i1
        %and3A_737 = arith.andi %ne3A_736, %ne3A_731 : i1
        %add3A_738 = arith.addi %rem3A_729, %select_n3A_728 : i32
        %select_n3A_739 = arith.select %and3A_737, %add3A_738, %rem3A_729 : i32
        %swap3A_740 = arith.constant 0 : i32
        %swap3A_741 = arith.index_cast %select_n3A_723 : i32 to index
        %swap3A_742 = arith.index_cast %swap3A_740 : i32 to index
        %swap3A_743 = arith.index_cast %select_n3A_739 : i32 to index
        %swap3A_744 = arith.constant 64 : index
        %swap3A_745 = tpu.vector_load %arg10[%swap3A_741, %swap3A_742, %swap3A_743, %swap3A_744] {strides = array<i32>} : memref<8x2x8x128xf32, #tpu.memory_space<vmem>>, vector<16xf32>,
        tpu.vector_store %arg10[%swap3A_741, %swap3A_742, %swap3A_743, %swap3A_744], %gather3A_699 {strides = array<i32>} : memref<8x2x8x128xf32, #tpu.memory_space<vmem>>, vector<16xf32>,
        %add3A_746 = arith.constant 80 : i32
        %add3A_747 = vector.broadcast %add3A_746 : i32 to vector<16xi32>
        %add3A_748 = arith.addi %iota3A, %add3A_747 : vector<16xi32>
        %gather3A_749 = tpu.vector_load_idx %arg8[%add3A_748, %broadcast_in_dim3A] : memref<256x64xf32, #tpu.memory_space<vmem>>[vector<16xi32>, vector<16xi32>], vector<16xf32>,
        %jit3A_750 = arith.constant 8 : i32
        %div3A_751 = arith.divsi %scan3A_497, %jit3A_750 : i32
        %sign3A_752 = arith.constant 0 : i32
        %sign3A_753 = arith.cmpi sgt, %scan3A_497, %sign3A_752 : i32
        %sign3A_754 = arith.extui %sign3A_753 : i1 to i32
        %sign3A_755 = arith.constant 0 : i32
        %sign3A_756 = arith.cmpi slt, %scan3A_497, %sign3A_755 : i32
        %sign3A_757 = arith.extui %sign3A_756 : i1 to i32
        %sign3A_758 = arith.subi %sign3A_754, %sign3A_757 : i32
        %sign3A_759 = arith.constant 0 : i32
        %sign3A_760 = arith.cmpi sgt, %jit3A_750, %sign3A_759 : i32
        %sign3A_761 = arith.extui %sign3A_760 : i1 to i32
        %sign3A_762 = arith.constant 0 : i32
        %sign3A_763 = arith.cmpi slt, %jit3A_750, %sign3A_762 : i32
        %sign3A_764 = arith.extui %sign3A_763 : i1 to i32
        %sign3A_765 = arith.subi %sign3A_761, %sign3A_764 : i32
        %ne3A_766 = arith.cmpi ne, %sign3A_758, %sign3A_765 : i32
        %rem3A_767 = arith.remsi %scan3A_497, %jit3A_750 : i32
        %ne3A_768 = arith.constant 0 : i32
        %ne3A_769 = arith.cmpi ne, %rem3A_767, %ne3A_768 : i32
        %and3A_770 = arith.andi %ne3A_766, %ne3A_769 : i1
        %sub3A_771 = arith.constant 1 : i32
        %sub3A_772 = arith.subi %div3A_751, %sub3A_771 : i32
        %select_n3A_773 = arith.select %and3A_770, %sub3A_772, %div3A_751 : i32
        %jit3A_774 = arith.constant 8 : i32
        %eq3A_775 = arith.constant 0 : i32
        %eq3A_776 = arith.cmpi eq, %jit3A_774, %eq3A_775 : i32
        %jit3A_777 = arith.constant 1 : i32
        %select_n3A_778 = arith.select %eq3A_776, %jit3A_777, %jit3A_774 : i32
        %rem3A_779 = arith.remsi %scan3A_497, %select_n3A_778 : i32
        %ne3A_780 = arith.constant 0 : i32
        %ne3A_781 = arith.cmpi ne, %rem3A_779, %ne3A_780 : i32
        %lt3A_782 = arith.constant 0 : i32
        %lt3A_783 = arith.cmpi slt, %rem3A_779, %lt3A_782 : i32
        %lt3A_784 = arith.constant 0 : i32
        %lt3A_785 = arith.cmpi slt, %select_n3A_778, %lt3A_784 : i32
        %ne3A_786 = arith.xori %lt3A_783, %lt3A_785 : i1
        %and3A_787 = arith.andi %ne3A_786, %ne3A_781 : i1
        %add3A_788 = arith.addi %rem3A_779, %select_n3A_778 : i32
        %select_n3A_789 = arith.select %and3A_787, %add3A_788, %rem3A_779 : i32
        %swap3A_790 = arith.constant 0 : i32
        %swap3A_791 = arith.index_cast %select_n3A_773 : i32 to index
        %swap3A_792 = arith.index_cast %swap3A_790 : i32 to index
        %swap3A_793 = arith.index_cast %select_n3A_789 : i32 to index
        %swap3A_794 = arith.constant 80 : index
        %swap3A_795 = tpu.vector_load %arg10[%swap3A_791, %swap3A_792, %swap3A_793, %swap3A_794] {strides = array<i32>} : memref<8x2x8x128xf32, #tpu.memory_space<vmem>>, vector<16xf32>,
        tpu.vector_store %arg10[%swap3A_791, %swap3A_792, %swap3A_793, %swap3A_794], %gather3A_749 {strides = array<i32>} : memref<8x2x8x128xf32, #tpu.memory_space<vmem>>, vector<16xf32>,
        %add3A_796 = arith.constant 96 : i32
        %add3A_797 = vector.broadcast %add3A_796 : i32 to vector<16xi32>
        %add3A_798 = arith.addi %iota3A, %add3A_797 : vector<16xi32>
        %gather3A_799 = tpu.vector_load_idx %arg8[%add3A_798, %broadcast_in_dim3A] : memref<256x64xf32, #tpu.memory_space<vmem>>[vector<16xi32>, vector<16xi32>], vector<16xf32>,
        %jit3A_800 = arith.constant 8 : i32
        %div3A_801 = arith.divsi %scan3A_497, %jit3A_800 : i32
        %sign3A_802 = arith.constant 0 : i32
        %sign3A_803 = arith.cmpi sgt, %scan3A_497, %sign3A_802 : i32
        %sign3A_804 = arith.extui %sign3A_803 : i1 to i32
        %sign3A_805 = arith.constant 0 : i32
        %sign3A_806 = arith.cmpi slt, %scan3A_497, %sign3A_805 : i32
        %sign3A_807 = arith.extui %sign3A_806 : i1 to i32
        %sign3A_808 = arith.subi %sign3A_804, %sign3A_807 : i32
        %sign3A_809 = arith.constant 0 : i32
        %sign3A_810 = arith.cmpi sgt, %jit3A_800, %sign3A_809 : i32
        %sign3A_811 = arith.extui %sign3A_810 : i1 to i32
        %sign3A_812 = arith.constant 0 : i32
        %sign3A_813 = arith.cmpi slt, %jit3A_800, %sign3A_812 : i32
        %sign3A_814 = arith.extui %sign3A_813 : i1 to i32
        %sign3A_815 = arith.subi %sign3A_811, %sign3A_814 : i32
        %ne3A_816 = arith.cmpi ne, %sign3A_808, %sign3A_815 : i32
        %rem3A_817 = arith.remsi %scan3A_497, %jit3A_800 : i32
        %ne3A_818 = arith.constant 0 : i32
        %ne3A_819 = arith.cmpi ne, %rem3A_817, %ne3A_818 : i32
        %and3A_820 = arith.andi %ne3A_816, %ne3A_819 : i1
        %sub3A_821 = arith.constant 1 : i32
        %sub3A_822 = arith.subi %div3A_801, %sub3A_821 : i32
        %select_n3A_823 = arith.select %and3A_820, %sub3A_822, %div3A_801 : i32
        %jit3A_824 = arith.constant 8 : i32
        %eq3A_825 = arith.constant 0 : i32
        %eq3A_826 = arith.cmpi eq, %jit3A_824, %eq3A_825 : i32
        %jit3A_827 = arith.constant 1 : i32
        %select_n3A_828 = arith.select %eq3A_826, %jit3A_827, %jit3A_824 : i32
        %rem3A_829 = arith.remsi %scan3A_497, %select_n3A_828 : i32
        %ne3A_830 = arith.constant 0 : i32
        %ne3A_831 = arith.cmpi ne, %rem3A_829, %ne3A_830 : i32
        %lt3A_832 = arith.constant 0 : i32
        %lt3A_833 = arith.cmpi slt, %rem3A_829, %lt3A_832 : i32
        %lt3A_834 = arith.constant 0 : i32
        %lt3A_835 = arith.cmpi slt, %select_n3A_828, %lt3A_834 : i32
        %ne3A_836 = arith.xori %lt3A_833, %lt3A_835 : i1
        %and3A_837 = arith.andi %ne3A_836, %ne3A_831 : i1
        %add3A_838 = arith.addi %rem3A_829, %select_n3A_828 : i32
        %select_n3A_839 = arith.select %and3A_837, %add3A_838, %rem3A_829 : i32
        %swap3A_840 = arith.constant 0 : i32
        %swap3A_841 = arith.index_cast %select_n3A_823 : i32 to index
        %swap3A_842 = arith.index_cast %swap3A_840 : i32 to index
        %swap3A_843 = arith.index_cast %select_n3A_839 : i32 to index
        %swap3A_844 = arith.constant 96 : index
        %swap3A_845 = tpu.vector_load %arg10[%swap3A_841, %swap3A_842, %swap3A_843, %swap3A_844] {strides = array<i32>} : memref<8x2x8x128xf32, #tpu.memory_space<vmem>>, vector<16xf32>,
        tpu.vector_store %arg10[%swap3A_841, %swap3A_842, %swap3A_843, %swap3A_844], %gather3A_799 {strides = array<i32>} : memref<8x2x8x128xf32, #tpu.memory_space<vmem>>, vector<16xf32>,
        %add3A_846 = arith.constant 112 : i32
        %add3A_847 = vector.broadcast %add3A_846 : i32 to vector<16xi32>
        %add3A_848 = arith.addi %iota3A, %add3A_847 : vector<16xi32>
        %gather3A_849 = tpu.vector_load_idx %arg8[%add3A_848, %broadcast_in_dim3A] : memref<256x64xf32, #tpu.memory_space<vmem>>[vector<16xi32>, vector<16xi32>], vector<16xf32>,
        %jit3A_850 = arith.constant 8 : i32
        %div3A_851 = arith.divsi %scan3A_497, %jit3A_850 : i32
        %sign3A_852 = arith.constant 0 : i32
        %sign3A_853 = arith.cmpi sgt, %scan3A_497, %sign3A_852 : i32
        %sign3A_854 = arith.extui %sign3A_853 : i1 to i32
        %sign3A_855 = arith.constant 0 : i32
        %sign3A_856 = arith.cmpi slt, %scan3A_497, %sign3A_855 : i32
        %sign3A_857 = arith.extui %sign3A_856 : i1 to i32
        %sign3A_858 = arith.subi %sign3A_854, %sign3A_857 : i32
        %sign3A_859 = arith.constant 0 : i32
        %sign3A_860 = arith.cmpi sgt, %jit3A_850, %sign3A_859 : i32
        %sign3A_861 = arith.extui %sign3A_860 : i1 to i32
        %sign3A_862 = arith.constant 0 : i32
        %sign3A_863 = arith.cmpi slt, %jit3A_850, %sign3A_862 : i32
        %sign3A_864 = arith.extui %sign3A_863 : i1 to i32
        %sign3A_865 = arith.subi %sign3A_861, %sign3A_864 : i32
        %ne3A_866 = arith.cmpi ne, %sign3A_858, %sign3A_865 : i32
        %rem3A_867 = arith.remsi %scan3A_497, %jit3A_850 : i32
        %ne3A_868 = arith.constant 0 : i32
        %ne3A_869 = arith.cmpi ne, %rem3A_867, %ne3A_868 : i32
        %and3A_870 = arith.andi %ne3A_866, %ne3A_869 : i1
        %sub3A_871 = arith.constant 1 : i32
        %sub3A_872 = arith.subi %div3A_851, %sub3A_871 : i32
        %select_n3A_873 = arith.select %and3A_870, %sub3A_872, %div3A_851 : i32
        %jit3A_874 = arith.constant 8 : i32
        %eq3A_875 = arith.constant 0 : i32
        %eq3A_876 = arith.cmpi eq, %jit3A_874, %eq3A_875 : i32
        %jit3A_877 = arith.constant 1 : i32
        %select_n3A_878 = arith.select %eq3A_876, %jit3A_877, %jit3A_874 : i32
        %rem3A_879 = arith.remsi %scan3A_497, %select_n3A_878 : i32
        %ne3A_880 = arith.constant 0 : i32
        %ne3A_881 = arith.cmpi ne, %rem3A_879, %ne3A_880 : i32
        %lt3A_882 = arith.constant 0 : i32
        %lt3A_883 = arith.cmpi slt, %rem3A_879, %lt3A_882 : i32
        %lt3A_884 = arith.constant 0 : i32
        %lt3A_885 = arith.cmpi slt, %select_n3A_878, %lt3A_884 : i32
        %ne3A_886 = arith.xori %lt3A_883, %lt3A_885 : i1
        %and3A_887 = arith.andi %ne3A_886, %ne3A_881 : i1
        %add3A_888 = arith.addi %rem3A_879, %select_n3A_878 : i32
        %select_n3A_889 = arith.select %and3A_887, %add3A_888, %rem3A_879 : i32
        %swap3A_890 = arith.constant 0 : i32
        %swap3A_891 = arith.index_cast %select_n3A_873 : i32 to index
        %swap3A_892 = arith.index_cast %swap3A_890 : i32 to index
        %swap3A_893 = arith.index_cast %select_n3A_889 : i32 to index
        %swap3A_894 = arith.constant 112 : index
        %swap3A_895 = tpu.vector_load %arg10[%swap3A_891, %swap3A_892, %swap3A_893, %swap3A_894] {strides = array<i32>} : memref<8x2x8x128xf32, #tpu.memory_space<vmem>>, vector<16xf32>,
        tpu.vector_store %arg10[%swap3A_891, %swap3A_892, %swap3A_893, %swap3A_894], %gather3A_849 {strides = array<i32>} : memref<8x2x8x128xf32, #tpu.memory_space<vmem>>, vector<16xf32>,
        %add3A_896 = arith.constant 128 : i32
        %add3A_897 = vector.broadcast %add3A_896 : i32 to vector<16xi32>
        %add3A_898 = arith.addi %iota3A, %add3A_897 : vector<16xi32>
        %gather3A_899 = tpu.vector_load_idx %arg8[%add3A_898, %broadcast_in_dim3A] : memref<256x64xf32, #tpu.memory_space<vmem>>[vector<16xi32>, vector<16xi32>], vector<16xf32>,
        %jit3A_900 = arith.constant 8 : i32
        %div3A_901 = arith.divsi %scan3A_497, %jit3A_900 : i32
        %sign3A_902 = arith.constant 0 : i32
        %sign3A_903 = arith.cmpi sgt, %scan3A_497, %sign3A_902 : i32
        %sign3A_904 = arith.extui %sign3A_903 : i1 to i32
        %sign3A_905 = arith.constant 0 : i32
        %sign3A_906 = arith.cmpi slt, %scan3A_497, %sign3A_905 : i32
        %sign3A_907 = arith.extui %sign3A_906 : i1 to i32
        %sign3A_908 = arith.subi %sign3A_904, %sign3A_907 : i32
        %sign3A_909 = arith.constant 0 : i32
        %sign3A_910 = arith.cmpi sgt, %jit3A_900, %sign3A_909 : i32
        %sign3A_911 = arith.extui %sign3A_910 : i1 to i32
        %sign3A_912 = arith.constant 0 : i32
        %sign3A_913 = arith.cmpi slt, %jit3A_900, %sign3A_912 : i32
        %sign3A_914 = arith.extui %sign3A_913 : i1 to i32
        %sign3A_915 = arith.subi %sign3A_911, %sign3A_914 : i32
        %ne3A_916 = arith.cmpi ne, %sign3A_908, %sign3A_915 : i32
        %rem3A_917 = arith.remsi %scan3A_497, %jit3A_900 : i32
        %ne3A_918 = arith.constant 0 : i32
        %ne3A_919 = arith.cmpi ne, %rem3A_917, %ne3A_918 : i32
        %and3A_920 = arith.andi %ne3A_916, %ne3A_919 : i1
        %sub3A_921 = arith.constant 1 : i32
        %sub3A_922 = arith.subi %div3A_901, %sub3A_921 : i32
        %select_n3A_923 = arith.select %and3A_920, %sub3A_922, %div3A_901 : i32
        %jit3A_924 = arith.constant 8 : i32
        %eq3A_925 = arith.constant 0 : i32
        %eq3A_926 = arith.cmpi eq, %jit3A_924, %eq3A_925 : i32
        %jit3A_927 = arith.constant 1 : i32
        %select_n3A_928 = arith.select %eq3A_926, %jit3A_927, %jit3A_924 : i32
        %rem3A_929 = arith.remsi %scan3A_497, %select_n3A_928 : i32
        %ne3A_930 = arith.constant 0 : i32
        %ne3A_931 = arith.cmpi ne, %rem3A_929, %ne3A_930 : i32
        %lt3A_932 = arith.constant 0 : i32
        %lt3A_933 = arith.cmpi slt, %rem3A_929, %lt3A_932 : i32
        %lt3A_934 = arith.constant 0 : i32
        %lt3A_935 = arith.cmpi slt, %select_n3A_928, %lt3A_934 : i32
        %ne3A_936 = arith.xori %lt3A_933, %lt3A_935 : i1
        %and3A_937 = arith.andi %ne3A_936, %ne3A_931 : i1
        %add3A_938 = arith.addi %rem3A_929, %select_n3A_928 : i32
        %select_n3A_939 = arith.select %and3A_937, %add3A_938, %rem3A_929 : i32
        %swap3A_940 = arith.constant 1 : i32
        %swap3A_941 = arith.index_cast %select_n3A_923 : i32 to index
        %swap3A_942 = arith.index_cast %swap3A_940 : i32 to index
        %swap3A_943 = arith.index_cast %select_n3A_939 : i32 to index
        %swap3A_944 = arith.constant 0 : index
        %swap3A_945 = tpu.vector_load %arg10[%swap3A_941, %swap3A_942, %swap3A_943, %swap3A_944] {strides = array<i32>} : memref<8x2x8x128xf32, #tpu.memory_space<vmem>>, vector<16xf32>,
        tpu.vector_store %arg10[%swap3A_941, %swap3A_942, %swap3A_943, %swap3A_944], %gather3A_899 {strides = array<i32>} : memref<8x2x8x128xf32, #tpu.memory_space<vmem>>, vector<16xf32>,
        %add3A_946 = arith.constant 144 : i32
        %add3A_947 = vector.broadcast %add3A_946 : i32 to vector<16xi32>
        %add3A_948 = arith.addi %iota3A, %add3A_947 : vector<16xi32>
        %gather3A_949 = tpu.vector_load_idx %arg8[%add3A_948, %broadcast_in_dim3A] : memref<256x64xf32, #tpu.memory_space<vmem>>[vector<16xi32>, vector<16xi32>], vector<16xf32>,
        %jit3A_950 = arith.constant 8 : i32
        %div3A_951 = arith.divsi %scan3A_497, %jit3A_950 : i32
        %sign3A_952 = arith.constant 0 : i32
        %sign3A_953 = arith.cmpi sgt, %scan3A_497, %sign3A_952 : i32
        %sign3A_954 = arith.extui %sign3A_953 : i1 to i32
        %sign3A_955 = arith.constant 0 : i32
        %sign3A_956 = arith.cmpi slt, %scan3A_497, %sign3A_955 : i32
        %sign3A_957 = arith.extui %sign3A_956 : i1 to i32
        %sign3A_958 = arith.subi %sign3A_954, %sign3A_957 : i32
        %sign3A_959 = arith.constant 0 : i32
        %sign3A_960 = arith.cmpi sgt, %jit3A_950, %sign3A_959 : i32
        %sign3A_961 = arith.extui %sign3A_960 : i1 to i32
        %sign3A_962 = arith.constant 0 : i32
        %sign3A_963 = arith.cmpi slt, %jit3A_950, %sign3A_962 : i32
        %sign3A_964 = arith.extui %sign3A_963 : i1 to i32
        %sign3A_965 = arith.subi %sign3A_961, %sign3A_964 : i32
        %ne3A_966 = arith.cmpi ne, %sign3A_958, %sign3A_965 : i32
        %rem3A_967 = arith.remsi %scan3A_497, %jit3A_950 : i32
        %ne3A_968 = arith.constant 0 : i32
        %ne3A_969 = arith.cmpi ne, %rem3A_967, %ne3A_968 : i32
        %and3A_970 = arith.andi %ne3A_966, %ne3A_969 : i1
        %sub3A_971 = arith.constant 1 : i32
        %sub3A_972 = arith.subi %div3A_951, %sub3A_971 : i32
        %select_n3A_973 = arith.select %and3A_970, %sub3A_972, %div3A_951 : i32
        %jit3A_974 = arith.constant 8 : i32
        %eq3A_975 = arith.constant 0 : i32
        %eq3A_976 = arith.cmpi eq, %jit3A_974, %eq3A_975 : i32
        %jit3A_977 = arith.constant 1 : i32
        %select_n3A_978 = arith.select %eq3A_976, %jit3A_977, %jit3A_974 : i32
        %rem3A_979 = arith.remsi %scan3A_497, %select_n3A_978 : i32
        %ne3A_980 = arith.constant 0 : i32
        %ne3A_981 = arith.cmpi ne, %rem3A_979, %ne3A_980 : i32
        %lt3A_982 = arith.constant 0 : i32
        %lt3A_983 = arith.cmpi slt, %rem3A_979, %lt3A_982 : i32
        %lt3A_984 = arith.constant 0 : i32
        %lt3A_985 = arith.cmpi slt, %select_n3A_978, %lt3A_984 : i32
        %ne3A_986 = arith.xori %lt3A_983, %lt3A_985 : i1
        %and3A_987 = arith.andi %ne3A_986, %ne3A_981 : i1
        %add3A_988 = arith.addi %rem3A_979, %select_n3A_978 : i32
        %select_n3A_989 = arith.select %and3A_987, %add3A_988, %rem3A_979 : i32
        %swap3A_990 = arith.constant 1 : i32
        %swap3A_991 = arith.index_cast %select_n3A_973 : i32 to index
        %swap3A_992 = arith.index_cast %swap3A_990 : i32 to index
        %swap3A_993 = arith.index_cast %select_n3A_989 : i32 to index
        %swap3A_994 = arith.constant 16 : index
        %swap3A_995 = tpu.vector_load %arg10[%swap3A_991, %swap3A_992, %swap3A_993, %swap3A_994] {strides = array<i32>} : memref<8x2x8x128xf32, #tpu.memory_space<vmem>>, vector<16xf32>,
        tpu.vector_store %arg10[%swap3A_991, %swap3A_992, %swap3A_993, %swap3A_994], %gather3A_949 {strides = array<i32>} : memref<8x2x8x128xf32, #tpu.memory_space<vmem>>, vector<16xf32>,
        %add3A_996 = arith.constant 160 : i32
        %add3A_997 = vector.broadcast %add3A_996 : i32 to vector<16xi32>
        %add3A_998 = arith.addi %iota3A, %add3A_997 : vector<16xi32>
        %gather3A_999 = tpu.vector_load_idx %arg8[%add3A_998, %broadcast_in_dim3A] : memref<256x64xf32, #tpu.memory_space<vmem>>[vector<16xi32>, vector<16xi32>], vector<16xf32>,
        %jit3A_1000 = arith.constant 8 : i32
        %div3A_1001 = arith.divsi %scan3A_497, %jit3A_1000 : i32
        %sign3A_1002 = arith.constant 0 : i32
        %sign3A_1003 = arith.cmpi sgt, %scan3A_497, %sign3A_1002 : i32
        %sign3A_1004 = arith.extui %sign3A_1003 : i1 to i32
        %sign3A_1005 = arith.constant 0 : i32
        %sign3A_1006 = arith.cmpi slt, %scan3A_497, %sign3A_1005 : i32
        %sign3A_1007 = arith.extui %sign3A_1006 : i1 to i32
        %sign3A_1008 = arith.subi %sign3A_1004, %sign3A_1007 : i32
        %sign3A_1009 = arith.constant 0 : i32
        %sign3A_1010 = arith.cmpi sgt, %jit3A_1000, %sign3A_1009 : i32
        %sign3A_1011 = arith.extui %sign3A_1010 : i1 to i32
        %sign3A_1012 = arith.constant 0 : i32
        %sign3A_1013 = arith.cmpi slt, %jit3A_1000, %sign3A_1012 : i32
        %sign3A_1014 = arith.extui %sign3A_1013 : i1 to i32
        %sign3A_1015 = arith.subi %sign3A_1011, %sign3A_1014 : i32
        %ne3A_1016 = arith.cmpi ne, %sign3A_1008, %sign3A_1015 : i32
        %rem3A_1017 = arith.remsi %scan3A_497, %jit3A_1000 : i32
        %ne3A_1018 = arith.constant 0 : i32
        %ne3A_1019 = arith.cmpi ne, %rem3A_1017, %ne3A_1018 : i32
        %and3A_1020 = arith.andi %ne3A_1016, %ne3A_1019 : i1
        %sub3A_1021 = arith.constant 1 : i32
        %sub3A_1022 = arith.subi %div3A_1001, %sub3A_1021 : i32
        %select_n3A_1023 = arith.select %and3A_1020, %sub3A_1022, %div3A_1001 : i32
        %jit3A_1024 = arith.constant 8 : i32
        %eq3A_1025 = arith.constant 0 : i32
        %eq3A_1026 = arith.cmpi eq, %jit3A_1024, %eq3A_1025 : i32
        %jit3A_1027 = arith.constant 1 : i32
        %select_n3A_1028 = arith.select %eq3A_1026, %jit3A_1027, %jit3A_1024 : i32
        %rem3A_1029 = arith.remsi %scan3A_497, %select_n3A_1028 : i32
        %ne3A_1030 = arith.constant 0 : i32
        %ne3A_1031 = arith.cmpi ne, %rem3A_1029, %ne3A_1030 : i32
        %lt3A_1032 = arith.constant 0 : i32
        %lt3A_1033 = arith.cmpi slt, %rem3A_1029, %lt3A_1032 : i32
        %lt3A_1034 = arith.constant 0 : i32
        %lt3A_1035 = arith.cmpi slt, %select_n3A_1028, %lt3A_1034 : i32
        %ne3A_1036 = arith.xori %lt3A_1033, %lt3A_1035 : i1
        %and3A_1037 = arith.andi %ne3A_1036, %ne3A_1031 : i1
        %add3A_1038 = arith.addi %rem3A_1029, %select_n3A_1028 : i32
        %select_n3A_1039 = arith.select %and3A_1037, %add3A_1038, %rem3A_1029 : i32
        %swap3A_1040 = arith.constant 1 : i32
        %swap3A_1041 = arith.index_cast %select_n3A_1023 : i32 to index
        %swap3A_1042 = arith.index_cast %swap3A_1040 : i32 to index
        %swap3A_1043 = arith.index_cast %select_n3A_1039 : i32 to index
        %swap3A_1044 = arith.constant 32 : index
        %swap3A_1045 = tpu.vector_load %arg10[%swap3A_1041, %swap3A_1042, %swap3A_1043, %swap3A_1044] {strides = array<i32>} : memref<8x2x8x128xf32, #tpu.memory_space<vmem>>, vector<16xf32>,
        tpu.vector_store %arg10[%swap3A_1041, %swap3A_1042, %swap3A_1043, %swap3A_1044], %gather3A_999 {strides = array<i32>} : memref<8x2x8x128xf32, #tpu.memory_space<vmem>>, vector<16xf32>,
        %add3A_1046 = arith.constant 176 : i32
        %add3A_1047 = vector.broadcast %add3A_1046 : i32 to vector<16xi32>
        %add3A_1048 = arith.addi %iota3A, %add3A_1047 : vector<16xi32>
        %gather3A_1049 = tpu.vector_load_idx %arg8[%add3A_1048, %broadcast_in_dim3A] : memref<256x64xf32, #tpu.memory_space<vmem>>[vector<16xi32>, vector<16xi32>], vector<16xf32>,
        %jit3A_1050 = arith.constant 8 : i32
        %div3A_1051 = arith.divsi %scan3A_497, %jit3A_1050 : i32
        %sign3A_1052 = arith.constant 0 : i32
        %sign3A_1053 = arith.cmpi sgt, %scan3A_497, %sign3A_1052 : i32
        %sign3A_1054 = arith.extui %sign3A_1053 : i1 to i32
        %sign3A_1055 = arith.constant 0 : i32
        %sign3A_1056 = arith.cmpi slt, %scan3A_497, %sign3A_1055 : i32
        %sign3A_1057 = arith.extui %sign3A_1056 : i1 to i32
        %sign3A_1058 = arith.subi %sign3A_1054, %sign3A_1057 : i32
        %sign3A_1059 = arith.constant 0 : i32
        %sign3A_1060 = arith.cmpi sgt, %jit3A_1050, %sign3A_1059 : i32
        %sign3A_1061 = arith.extui %sign3A_1060 : i1 to i32
        %sign3A_1062 = arith.constant 0 : i32
        %sign3A_1063 = arith.cmpi slt, %jit3A_1050, %sign3A_1062 : i32
        %sign3A_1064 = arith.extui %sign3A_1063 : i1 to i32
        %sign3A_1065 = arith.subi %sign3A_1061, %sign3A_1064 : i32
        %ne3A_1066 = arith.cmpi ne, %sign3A_1058, %sign3A_1065 : i32
        %rem3A_1067 = arith.remsi %scan3A_497, %jit3A_1050 : i32
        %ne3A_1068 = arith.constant 0 : i32
        %ne3A_1069 = arith.cmpi ne, %rem3A_1067, %ne3A_1068 : i32
        %and3A_1070 = arith.andi %ne3A_1066, %ne3A_1069 : i1
        %sub3A_1071 = arith.constant 1 : i32
        %sub3A_1072 = arith.subi %div3A_1051, %sub3A_1071 : i32
        %select_n3A_1073 = arith.select %and3A_1070, %sub3A_1072, %div3A_1051 : i32
        %jit3A_1074 = arith.constant 8 : i32
        %eq3A_1075 = arith.constant 0 : i32
        %eq3A_1076 = arith.cmpi eq, %jit3A_1074, %eq3A_1075 : i32
        %jit3A_1077 = arith.constant 1 : i32
        %select_n3A_1078 = arith.select %eq3A_1076, %jit3A_1077, %jit3A_1074 : i32
        %rem3A_1079 = arith.remsi %scan3A_497, %select_n3A_1078 : i32
        %ne3A_1080 = arith.constant 0 : i32
        %ne3A_1081 = arith.cmpi ne, %rem3A_1079, %ne3A_1080 : i32
        %lt3A_1082 = arith.constant 0 : i32
        %lt3A_1083 = arith.cmpi slt, %rem3A_1079, %lt3A_1082 : i32
        %lt3A_1084 = arith.constant 0 : i32
        %lt3A_1085 = arith.cmpi slt, %select_n3A_1078, %lt3A_1084 : i32
        %ne3A_1086 = arith.xori %lt3A_1083, %lt3A_1085 : i1
        %and3A_1087 = arith.andi %ne3A_1086, %ne3A_1081 : i1
        %add3A_1088 = arith.addi %rem3A_1079, %select_n3A_1078 : i32
        %select_n3A_1089 = arith.select %and3A_1087, %add3A_1088, %rem3A_1079 : i32
        %swap3A_1090 = arith.constant 1 : i32
        %swap3A_1091 = arith.index_cast %select_n3A_1073 : i32 to index
        %swap3A_1092 = arith.index_cast %swap3A_1090 : i32 to index
        %swap3A_1093 = arith.index_cast %select_n3A_1089 : i32 to index
        %swap3A_1094 = arith.constant 48 : index
        %swap3A_1095 = tpu.vector_load %arg10[%swap3A_1091, %swap3A_1092, %swap3A_1093, %swap3A_1094] {strides = array<i32>} : memref<8x2x8x128xf32, #tpu.memory_space<vmem>>, vector<16xf32>,
        tpu.vector_store %arg10[%swap3A_1091, %swap3A_1092, %swap3A_1093, %swap3A_1094], %gather3A_1049 {strides = array<i32>} : memref<8x2x8x128xf32, #tpu.memory_space<vmem>>, vector<16xf32>,
        %add3A_1096 = arith.constant 192 : i32
        %add3A_1097 = vector.broadcast %add3A_1096 : i32 to vector<16xi32>
        %add3A_1098 = arith.addi %iota3A, %add3A_1097 : vector<16xi32>
        %gather3A_1099 = tpu.vector_load_idx %arg8[%add3A_1098, %broadcast_in_dim3A] : memref<256x64xf32, #tpu.memory_space<vmem>>[vector<16xi32>, vector<16xi32>], vector<16xf32>,
        %jit3A_1100 = arith.constant 8 : i32
        %div3A_1101 = arith.divsi %scan3A_497, %jit3A_1100 : i32
        %sign3A_1102 = arith.constant 0 : i32
        %sign3A_1103 = arith.cmpi sgt, %scan3A_497, %sign3A_1102 : i32
        %sign3A_1104 = arith.extui %sign3A_1103 : i1 to i32
        %sign3A_1105 = arith.constant 0 : i32
        %sign3A_1106 = arith.cmpi slt, %scan3A_497, %sign3A_1105 : i32
        %sign3A_1107 = arith.extui %sign3A_1106 : i1 to i32
        %sign3A_1108 = arith.subi %sign3A_1104, %sign3A_1107 : i32
        %sign3A_1109 = arith.constant 0 : i32
        %sign3A_1110 = arith.cmpi sgt, %jit3A_1100, %sign3A_1109 : i32
        %sign3A_1111 = arith.extui %sign3A_1110 : i1 to i32
        %sign3A_1112 = arith.constant 0 : i32
        %sign3A_1113 = arith.cmpi slt, %jit3A_1100, %sign3A_1112 : i32
        %sign3A_1114 = arith.extui %sign3A_1113 : i1 to i32
        %sign3A_1115 = arith.subi %sign3A_1111, %sign3A_1114 : i32
        %ne3A_1116 = arith.cmpi ne, %sign3A_1108, %sign3A_1115 : i32
        %rem3A_1117 = arith.remsi %scan3A_497, %jit3A_1100 : i32
        %ne3A_1118 = arith.constant 0 : i32
        %ne3A_1119 = arith.cmpi ne, %rem3A_1117, %ne3A_1118 : i32
        %and3A_1120 = arith.andi %ne3A_1116, %ne3A_1119 : i1
        %sub3A_1121 = arith.constant 1 : i32
        %sub3A_1122 = arith.subi %div3A_1101, %sub3A_1121 : i32
        %select_n3A_1123 = arith.select %and3A_1120, %sub3A_1122, %div3A_1101 : i32
        %jit3A_1124 = arith.constant 8 : i32
        %eq3A_1125 = arith.constant 0 : i32
        %eq3A_1126 = arith.cmpi eq, %jit3A_1124, %eq3A_1125 : i32
        %jit3A_1127 = arith.constant 1 : i32
        %select_n3A_1128 = arith.select %eq3A_1126, %jit3A_1127, %jit3A_1124 : i32
        %rem3A_1129 = arith.remsi %scan3A_497, %select_n3A_1128 : i32
        %ne3A_1130 = arith.constant 0 : i32
        %ne3A_1131 = arith.cmpi ne, %rem3A_1129, %ne3A_1130 : i32
        %lt3A_1132 = arith.constant 0 : i32
        %lt3A_1133 = arith.cmpi slt, %rem3A_1129, %lt3A_1132 : i32
        %lt3A_1134 = arith.constant 0 : i32
        %lt3A_1135 = arith.cmpi slt, %select_n3A_1128, %lt3A_1134 : i32
        %ne3A_1136 = arith.xori %lt3A_1133, %lt3A_1135 : i1
        %and3A_1137 = arith.andi %ne3A_1136, %ne3A_1131 : i1
        %add3A_1138 = arith.addi %rem3A_1129, %select_n3A_1128 : i32
        %select_n3A_1139 = arith.select %and3A_1137, %add3A_1138, %rem3A_1129 : i32
        %swap3A_1140 = arith.constant 1 : i32
        %swap3A_1141 = arith.index_cast %select_n3A_1123 : i32 to index
        %swap3A_1142 = arith.index_cast %swap3A_1140 : i32 to index
        %swap3A_1143 = arith.index_cast %select_n3A_1139 : i32 to index
        %swap3A_1144 = arith.constant 64 : index
        %swap3A_1145 = tpu.vector_load %arg10[%swap3A_1141, %swap3A_1142, %swap3A_1143, %swap3A_1144] {strides = array<i32>} : memref<8x2x8x128xf32, #tpu.memory_space<vmem>>, vector<16xf32>,
        tpu.vector_store %arg10[%swap3A_1141, %swap3A_1142, %swap3A_1143, %swap3A_1144], %gather3A_1099 {strides = array<i32>} : memref<8x2x8x128xf32, #tpu.memory_space<vmem>>, vector<16xf32>,
        %add3A_1146 = arith.constant 208 : i32
        %add3A_1147 = vector.broadcast %add3A_1146 : i32 to vector<16xi32>
        %add3A_1148 = arith.addi %iota3A, %add3A_1147 : vector<16xi32>
        %gather3A_1149 = tpu.vector_load_idx %arg8[%add3A_1148, %broadcast_in_dim3A] : memref<256x64xf32, #tpu.memory_space<vmem>>[vector<16xi32>, vector<16xi32>], vector<16xf32>,
        %jit3A_1150 = arith.constant 8 : i32
        %div3A_1151 = arith.divsi %scan3A_497, %jit3A_1150 : i32
        %sign3A_1152 = arith.constant 0 : i32
        %sign3A_1153 = arith.cmpi sgt, %scan3A_497, %sign3A_1152 : i32
        %sign3A_1154 = arith.extui %sign3A_1153 : i1 to i32
        %sign3A_1155 = arith.constant 0 : i32
        %sign3A_1156 = arith.cmpi slt, %scan3A_497, %sign3A_1155 : i32
        %sign3A_1157 = arith.extui %sign3A_1156 : i1 to i32
        %sign3A_1158 = arith.subi %sign3A_1154, %sign3A_1157 : i32
        %sign3A_1159 = arith.constant 0 : i32
        %sign3A_1160 = arith.cmpi sgt, %jit3A_1150, %sign3A_1159 : i32
        %sign3A_1161 = arith.extui %sign3A_1160 : i1 to i32
        %sign3A_1162 = arith.constant 0 : i32
        %sign3A_1163 = arith.cmpi slt, %jit3A_1150, %sign3A_1162 : i32
        %sign3A_1164 = arith.extui %sign3A_1163 : i1 to i32
        %sign3A_1165 = arith.subi %sign3A_1161, %sign3A_1164 : i32
        %ne3A_1166 = arith.cmpi ne, %sign3A_1158, %sign3A_1165 : i32
        %rem3A_1167 = arith.remsi %scan3A_497, %jit3A_1150 : i32
        %ne3A_1168 = arith.constant 0 : i32
        %ne3A_1169 = arith.cmpi ne, %rem3A_1167, %ne3A_1168 : i32
        %and3A_1170 = arith.andi %ne3A_1166, %ne3A_1169 : i1
        %sub3A_1171 = arith.constant 1 : i32
        %sub3A_1172 = arith.subi %div3A_1151, %sub3A_1171 : i32
        %select_n3A_1173 = arith.select %and3A_1170, %sub3A_1172, %div3A_1151 : i32
        %jit3A_1174 = arith.constant 8 : i32
        %eq3A_1175 = arith.constant 0 : i32
        %eq3A_1176 = arith.cmpi eq, %jit3A_1174, %eq3A_1175 : i32
        %jit3A_1177 = arith.constant 1 : i32
        %select_n3A_1178 = arith.select %eq3A_1176, %jit3A_1177, %jit3A_1174 : i32
        %rem3A_1179 = arith.remsi %scan3A_497, %select_n3A_1178 : i32
        %ne3A_1180 = arith.constant 0 : i32
        %ne3A_1181 = arith.cmpi ne, %rem3A_1179, %ne3A_1180 : i32
        %lt3A_1182 = arith.constant 0 : i32
        %lt3A_1183 = arith.cmpi slt, %rem3A_1179, %lt3A_1182 : i32
        %lt3A_1184 = arith.constant 0 : i32
        %lt3A_1185 = arith.cmpi slt, %select_n3A_1178, %lt3A_1184 : i32
        %ne3A_1186 = arith.xori %lt3A_1183, %lt3A_1185 : i1
        %and3A_1187 = arith.andi %ne3A_1186, %ne3A_1181 : i1
        %add3A_1188 = arith.addi %rem3A_1179, %select_n3A_1178 : i32
        %select_n3A_1189 = arith.select %and3A_1187, %add3A_1188, %rem3A_1179 : i32
        %swap3A_1190 = arith.constant 1 : i32
        %swap3A_1191 = arith.index_cast %select_n3A_1173 : i32 to index
        %swap3A_1192 = arith.index_cast %swap3A_1190 : i32 to index
        %swap3A_1193 = arith.index_cast %select_n3A_1189 : i32 to index
        %swap3A_1194 = arith.constant 80 : index
        %swap3A_1195 = tpu.vector_load %arg10[%swap3A_1191, %swap3A_1192, %swap3A_1193, %swap3A_1194] {strides = array<i32>} : memref<8x2x8x128xf32, #tpu.memory_space<vmem>>, vector<16xf32>,
        tpu.vector_store %arg10[%swap3A_1191, %swap3A_1192, %swap3A_1193, %swap3A_1194], %gather3A_1149 {strides = array<i32>} : memref<8x2x8x128xf32, #tpu.memory_space<vmem>>, vector<16xf32>,
        %add3A_1196 = arith.constant 224 : i32
        %add3A_1197 = vector.broadcast %add3A_1196 : i32 to vector<16xi32>
        %add3A_1198 = arith.addi %iota3A, %add3A_1197 : vector<16xi32>
        %gather3A_1199 = tpu.vector_load_idx %arg8[%add3A_1198, %broadcast_in_dim3A] : memref<256x64xf32, #tpu.memory_space<vmem>>[vector<16xi32>, vector<16xi32>], vector<16xf32>,
        %jit3A_1200 = arith.constant 8 : i32
        %div3A_1201 = arith.divsi %scan3A_497, %jit3A_1200 : i32
        %sign3A_1202 = arith.constant 0 : i32
        %sign3A_1203 = arith.cmpi sgt, %scan3A_497, %sign3A_1202 : i32
        %sign3A_1204 = arith.extui %sign3A_1203 : i1 to i32
        %sign3A_1205 = arith.constant 0 : i32
        %sign3A_1206 = arith.cmpi slt, %scan3A_497, %sign3A_1205 : i32
        %sign3A_1207 = arith.extui %sign3A_1206 : i1 to i32
        %sign3A_1208 = arith.subi %sign3A_1204, %sign3A_1207 : i32
        %sign3A_1209 = arith.constant 0 : i32
        %sign3A_1210 = arith.cmpi sgt, %jit3A_1200, %sign3A_1209 : i32
        %sign3A_1211 = arith.extui %sign3A_1210 : i1 to i32
        %sign3A_1212 = arith.constant 0 : i32
        %sign3A_1213 = arith.cmpi slt, %jit3A_1200, %sign3A_1212 : i32
        %sign3A_1214 = arith.extui %sign3A_1213 : i1 to i32
        %sign3A_1215 = arith.subi %sign3A_1211, %sign3A_1214 : i32
        %ne3A_1216 = arith.cmpi ne, %sign3A_1208, %sign3A_1215 : i32
        %rem3A_1217 = arith.remsi %scan3A_497, %jit3A_1200 : i32
        %ne3A_1218 = arith.constant 0 : i32
        %ne3A_1219 = arith.cmpi ne, %rem3A_1217, %ne3A_1218 : i32
        %and3A_1220 = arith.andi %ne3A_1216, %ne3A_1219 : i1
        %sub3A_1221 = arith.constant 1 : i32
        %sub3A_1222 = arith.subi %div3A_1201, %sub3A_1221 : i32
        %select_n3A_1223 = arith.select %and3A_1220, %sub3A_1222, %div3A_1201 : i32
        %jit3A_1224 = arith.constant 8 : i32
        %eq3A_1225 = arith.constant 0 : i32
        %eq3A_1226 = arith.cmpi eq, %jit3A_1224, %eq3A_1225 : i32
        %jit3A_1227 = arith.constant 1 : i32
        %select_n3A_1228 = arith.select %eq3A_1226, %jit3A_1227, %jit3A_1224 : i32
        %rem3A_1229 = arith.remsi %scan3A_497, %select_n3A_1228 : i32
        %ne3A_1230 = arith.constant 0 : i32
        %ne3A_1231 = arith.cmpi ne, %rem3A_1229, %ne3A_1230 : i32
        %lt3A_1232 = arith.constant 0 : i32
        %lt3A_1233 = arith.cmpi slt, %rem3A_1229, %lt3A_1232 : i32
        %lt3A_1234 = arith.constant 0 : i32
        %lt3A_1235 = arith.cmpi slt, %select_n3A_1228, %lt3A_1234 : i32
        %ne3A_1236 = arith.xori %lt3A_1233, %lt3A_1235 : i1
        %and3A_1237 = arith.andi %ne3A_1236, %ne3A_1231 : i1
        %add3A_1238 = arith.addi %rem3A_1229, %select_n3A_1228 : i32
        %select_n3A_1239 = arith.select %and3A_1237, %add3A_1238, %rem3A_1229 : i32
        %swap3A_1240 = arith.constant 1 : i32
        %swap3A_1241 = arith.index_cast %select_n3A_1223 : i32 to index
        %swap3A_1242 = arith.index_cast %swap3A_1240 : i32 to index
        %swap3A_1243 = arith.index_cast %select_n3A_1239 : i32 to index
        %swap3A_1244 = arith.constant 96 : index
        %swap3A_1245 = tpu.vector_load %arg10[%swap3A_1241, %swap3A_1242, %swap3A_1243, %swap3A_1244] {strides = array<i32>} : memref<8x2x8x128xf32, #tpu.memory_space<vmem>>, vector<16xf32>,
        tpu.vector_store %arg10[%swap3A_1241, %swap3A_1242, %swap3A_1243, %swap3A_1244], %gather3A_1199 {strides = array<i32>} : memref<8x2x8x128xf32, #tpu.memory_space<vmem>>, vector<16xf32>,
        %add3A_1246 = arith.constant 240 : i32
        %add3A_1247 = vector.broadcast %add3A_1246 : i32 to vector<16xi32>
        %add3A_1248 = arith.addi %iota3A, %add3A_1247 : vector<16xi32>
        %gather3A_1249 = tpu.vector_load_idx %arg8[%add3A_1248, %broadcast_in_dim3A] : memref<256x64xf32, #tpu.memory_space<vmem>>[vector<16xi32>, vector<16xi32>], vector<16xf32>,
        %jit3A_1250 = arith.constant 8 : i32
        %div3A_1251 = arith.divsi %scan3A_497, %jit3A_1250 : i32
        %sign3A_1252 = arith.constant 0 : i32
        %sign3A_1253 = arith.cmpi sgt, %scan3A_497, %sign3A_1252 : i32
        %sign3A_1254 = arith.extui %sign3A_1253 : i1 to i32
        %sign3A_1255 = arith.constant 0 : i32
        %sign3A_1256 = arith.cmpi slt, %scan3A_497, %sign3A_1255 : i32
        %sign3A_1257 = arith.extui %sign3A_1256 : i1 to i32
        %sign3A_1258 = arith.subi %sign3A_1254, %sign3A_1257 : i32
        %sign3A_1259 = arith.constant 0 : i32
        %sign3A_1260 = arith.cmpi sgt, %jit3A_1250, %sign3A_1259 : i32
        %sign3A_1261 = arith.extui %sign3A_1260 : i1 to i32
        %sign3A_1262 = arith.constant 0 : i32
        %sign3A_1263 = arith.cmpi slt, %jit3A_1250, %sign3A_1262 : i32
        %sign3A_1264 = arith.extui %sign3A_1263 : i1 to i32
        %sign3A_1265 = arith.subi %sign3A_1261, %sign3A_1264 : i32
        %ne3A_1266 = arith.cmpi ne, %sign3A_1258, %sign3A_1265 : i32
        %rem3A_1267 = arith.remsi %scan3A_497, %jit3A_1250 : i32
        %ne3A_1268 = arith.constant 0 : i32
        %ne3A_1269 = arith.cmpi ne, %rem3A_1267, %ne3A_1268 : i32
        %and3A_1270 = arith.andi %ne3A_1266, %ne3A_1269 : i1
        %sub3A_1271 = arith.constant 1 : i32
        %sub3A_1272 = arith.subi %div3A_1251, %sub3A_1271 : i32
        %select_n3A_1273 = arith.select %and3A_1270, %sub3A_1272, %div3A_1251 : i32
        %jit3A_1274 = arith.constant 8 : i32
        %eq3A_1275 = arith.constant 0 : i32
        %eq3A_1276 = arith.cmpi eq, %jit3A_1274, %eq3A_1275 : i32
        %jit3A_1277 = arith.constant 1 : i32
        %select_n3A_1278 = arith.select %eq3A_1276, %jit3A_1277, %jit3A_1274 : i32
        %rem3A_1279 = arith.remsi %scan3A_497, %select_n3A_1278 : i32
        %ne3A_1280 = arith.constant 0 : i32
        %ne3A_1281 = arith.cmpi ne, %rem3A_1279, %ne3A_1280 : i32
        %lt3A_1282 = arith.constant 0 : i32
        %lt3A_1283 = arith.cmpi slt, %rem3A_1279, %lt3A_1282 : i32
        %lt3A_1284 = arith.constant 0 : i32
        %lt3A_1285 = arith.cmpi slt, %select_n3A_1278, %lt3A_1284 : i32
        %ne3A_1286 = arith.xori %lt3A_1283, %lt3A_1285 : i1
        %and3A_1287 = arith.andi %ne3A_1286, %ne3A_1281 : i1
        %add3A_1288 = arith.addi %rem3A_1279, %select_n3A_1278 : i32
        %select_n3A_1289 = arith.select %and3A_1287, %add3A_1288, %rem3A_1279 : i32
        %swap3A_1290 = arith.constant 1 : i32
        %swap3A_1291 = arith.index_cast %select_n3A_1273 : i32 to index
        %swap3A_1292 = arith.index_cast %swap3A_1290 : i32 to index
        %swap3A_1293 = arith.index_cast %select_n3A_1289 : i32 to index
        %swap3A_1294 = arith.constant 112 : index
        %swap3A_1295 = tpu.vector_load %arg10[%swap3A_1291, %swap3A_1292, %swap3A_1293, %swap3A_1294] {strides = array<i32>} : memref<8x2x8x128xf32, #tpu.memory_space<vmem>>, vector<16xf32>,
        tpu.vector_store %arg10[%swap3A_1291, %swap3A_1292, %swap3A_1293, %swap3A_1294], %gather3A_1249 {strides = array<i32>} : memref<8x2x8x128xf32, #tpu.memory_space<vmem>>, vector<16xf32>,
      }
      %scan3A_453 = arith.constant 64 : i32
      %add3A_454 = arith.constant 1 : i32
      %add3A_455 = arith.addi %add3A_312, %add3A_454 : i32
      %add3A_456 = arith.constant 2 : i32
      %add3A_457 = arith.addi %add3A_455, %add3A_456 : i32
      %mul3A_458 = arith.constant 2 : i32
      %mul3A_459 = arith.muli %add3A_457, %mul3A_458 : i32
      %add3A_460 = arith.constant 0 : i32
      %add3A_461 = arith.addi %mul3A_459, %add3A_460 : i32
      %dma_start3A_462 = arith.constant 0 : i32
      %dma_start3A_463 = arith.constant 0 : i32
      %dma_start3A_464 = tpu.memref_slice %arg8[%dma_start3A_462, %dma_start3A_463] : memref<256x64xf32, #tpu.memory_space<vmem>> -> memref<128x64xf32, #tpu.memory_space<vmem>>
      %dma_start3A_465 = arith.constant 0 : i32
      %dma_start3A_466 = tpu.memref_slice %arg6[%add3A_461, %dma_start3A_465] : memref<16x128xi32, #tpu.memory_space<vmem>> -> memref<1x128xi32, #tpu.memory_space<vmem>>
      %dma_start3A_467 = tpu.memref_squeeze %dma_start3A_466 : memref<1x128xi32, #tpu.memory_space<vmem>> -> memref<128xi32, #tpu.memory_space<vmem>>
      %dma_start3A_468 = arith.constant 0 : i32
      %dma_start3A_469 = arith.constant 0 : i32
      %dma_start3A_470 = tpu.memref_slice %arg3[%dma_start3A_468, %dma_start3A_469] : memref<100352x64xf32, #tpu.memory_space<hbm>> -> memref<100352x64xf32, #tpu.memory_space<hbm>>
      tpu.enqueue_indirect_dma source(%dma_start3A_470 : memref<100352x64xf32, #tpu.memory_space<hbm>>) target(%dma_start3A_464 : memref<128x64xf32, #tpu.memory_space<vmem>>) offsets(%dma_start3A_467 : memref<128xi32, #tpu.memory_space<vmem>>) semaphore(%arg12 : memref<!tpu.dma_semaphore, #tpu.memory_space<semaphore_mem>>)
      %mul3A_471 = arith.constant 2 : i32
      %mul3A_472 = arith.muli %add3A_457, %mul3A_471 : i32
      %add3A_473 = arith.constant 1 : i32
      %add3A_474 = arith.addi %mul3A_472, %add3A_473 : i32
      %dma_start3A_475 = arith.constant 128 : i32
      %dma_start3A_476 = arith.constant 0 : i32
      %dma_start3A_477 = tpu.memref_slice %arg8[%dma_start3A_475, %dma_start3A_476] : memref<256x64xf32, #tpu.memory_space<vmem>> -> memref<128x64xf32, #tpu.memory_space<vmem>>
      %dma_start3A_478 = arith.constant 0 : i32
      %dma_start3A_479 = tpu.memref_slice %arg6[%add3A_474, %dma_start3A_478] : memref<16x128xi32, #tpu.memory_space<vmem>> -> memref<1x128xi32, #tpu.memory_space<vmem>>
      %dma_start3A_480 = tpu.memref_squeeze %dma_start3A_479 : memref<1x128xi32, #tpu.memory_space<vmem>> -> memref<128xi32, #tpu.memory_space<vmem>>
      %dma_start3A_481 = arith.constant 0 : i32
      %dma_start3A_482 = arith.constant 0 : i32
      %dma_start3A_483 = tpu.memref_slice %arg3[%dma_start3A_481, %dma_start3A_482] : memref<100352x64xf32, #tpu.memory_space<hbm>> -> memref<100352x64xf32, #tpu.memory_space<hbm>>
      tpu.enqueue_indirect_dma source(%dma_start3A_483 : memref<100352x64xf32, #tpu.memory_space<hbm>>) target(%dma_start3A_477 : memref<128x64xf32, #tpu.memory_space<vmem>>) offsets(%dma_start3A_480 : memref<128xi32, #tpu.memory_space<vmem>>) semaphore(%arg12 : memref<!tpu.dma_semaphore, #tpu.memory_space<semaphore_mem>>)
      %add3A_484 = arith.constant 1 : i32
      %add3A_485 = arith.addi %add3A_312, %add3A_484 : i32
      %mul3A_486 = arith.constant 8 : i32
      %mul3A_487 = arith.muli %select_n3A, %mul3A_486 : i32
      %mul3A_488 = arith.constant 2 : i32
      %mul3A_489 = arith.muli %add3A_485, %mul3A_488 : i32
      %add3A_490 = arith.addi %mul3A_32, %mul3A_489 : i32
      %dma_start3A_491 = arith.constant 0 : i32
      %dma_start3A_492 = arith.constant 0 : i32
      %dma_start3A_493 = tpu.memref_slice %arg4[%mul3A_487, %add3A_490, %dma_start3A_491, %dma_start3A_492] : memref<128x32x8x128xf32, #tpu.memory_space<hbm>> -> memref<8x2x8x128xf32, #tpu.memory_space<hbm>>
      %dma_start3A_494 = arith.constant 0 : i32
      %dma_start3A_495 = arith.constant 0 : i32
      %dma_start3A_496 = tpu.memref_slice %arg4[%mul3A_487, %add3A_490, %dma_start3A_494, %dma_start3A_495] : memref<128x32x8x128xf32, #tpu.memory_space<hbm>> -> memref<8x2x8x128xf32, #tpu.memory_space<hbm>>
      tpu.enqueue_dma source(%arg10 : memref<8x2x8x128xf32, #tpu.memory_space<vmem>>) target(%dma_start3A_496 : memref<8x2x8x128xf32, #tpu.memory_space<hbm>>) target_semaphore(%arg14 : memref<!tpu.dma_semaphore, #tpu.memory_space<semaphore_mem>>)
    }
    %scan3A_195 = arith.constant 2 : i32
    %dma_wait3A_196 = arith.constant 12 : i32
    %dma_wait3A_197 = arith.constant 0 : i32
    %dma_wait3A_198 = arith.constant 0 : i32
    %dma_wait3A_199 = tpu.memref_slice %arg7[%dma_wait3A_197, %dma_wait3A_198] : memref<256x64xf32, #tpu.memory_space<vmem>> -> memref<128x64xf32, #tpu.memory_space<vmem>>
    %dma_wait3A_200 = arith.constant 0 : i32
    %dma_wait3A_201 = tpu.memref_slice %arg6[%dma_wait3A_196, %dma_wait3A_200] : memref<16x128xi32, #tpu.memory_space<vmem>> -> memref<1x128xi32, #tpu.memory_space<vmem>>
    %dma_wait3A_202 = tpu.memref_squeeze %dma_wait3A_201 : memref<1x128xi32, #tpu.memory_space<vmem>> -> memref<128xi32, #tpu.memory_space<vmem>>
    %dma_wait3A_203 = arith.constant 0 : i32
    %dma_wait3A_204 = arith.constant 0 : i32
    %dma_wait3A_205 = tpu.memref_slice %arg3[%dma_wait3A_203, %dma_wait3A_204] : memref<100352x64xf32, #tpu.memory_space<hbm>> -> memref<100352x64xf32, #tpu.memory_space<hbm>>
    tpu.wait_indirect_dma semaphore(%arg11 : memref<!tpu.dma_semaphore, #tpu.memory_space<semaphore_mem>>) src(%dma_wait3A_205 : memref<100352x64xf32, #tpu.memory_space<hbm>>) dst(%dma_wait3A_199 : memref<128x64xf32, #tpu.memory_space<vmem>>)
    %dma_wait3A_206 = arith.constant 13 : i32
    %dma_wait3A_207 = arith.constant 128 : i32
    %dma_wait3A_208 = arith.constant 0 : i32
    %dma_wait3A_209 = tpu.memref_slice %arg7[%dma_wait3A_207, %dma_wait3A_208] : memref<256x64xf32, #tpu.memory_space<vmem>> -> memref<128x64xf32, #tpu.memory_space<vmem>>
    %dma_wait3A_210 = arith.constant 0 : i32
    %dma_wait3A_211 = tpu.memref_slice %arg6[%dma_wait3A_206, %dma_wait3A_210] : memref<16x128xi32, #tpu.memory_space<vmem>> -> memref<1x128xi32, #tpu.memory_space<vmem>>
    %dma_wait3A_212 = tpu.memref_squeeze %dma_wait3A_211 : memref<1x128xi32, #tpu.memory_space<vmem>> -> memref<128xi32, #tpu.memory_space<vmem>>
    %dma_wait3A_213 = arith.constant 0 : i32
    %dma_wait3A_214 = arith.constant 0 : i32
    %dma_wait3A_215 = tpu.memref_slice %arg3[%dma_wait3A_213, %dma_wait3A_214] : memref<100352x64xf32, #tpu.memory_space<hbm>> -> memref<100352x64xf32, #tpu.memory_space<hbm>>
    tpu.wait_indirect_dma semaphore(%arg11 : memref<!tpu.dma_semaphore, #tpu.memory_space<semaphore_mem>>) src(%dma_wait3A_215 : memref<100352x64xf32, #tpu.memory_space<hbm>>) dst(%dma_wait3A_209 : memref<128x64xf32, #tpu.memory_space<vmem>>)
    %mul3A_216 = arith.constant 8 : i32
    %mul3A_217 = arith.muli %select_n3A, %mul3A_216 : i32
    %add3A_218 = arith.constant 8 : i32
    %add3A_219 = arith.addi %mul3A_32, %add3A_218 : i32
    %dma_wait3A_220 = arith.constant 0 : i32
    %dma_wait3A_221 = arith.constant 0 : i32
    %dma_wait3A_222 = tpu.memref_slice %arg4[%mul3A_217, %add3A_219, %dma_wait3A_220, %dma_wait3A_221] : memref<128x32x8x128xf32, #tpu.memory_space<hbm>> -> memref<8x2x8x128xf32, #tpu.memory_space<hbm>>
    %dma_wait3A_223 = arith.constant 0 : i32
    %dma_wait3A_224 = arith.constant 0 : i32
    %dma_wait3A_225 = tpu.memref_slice %arg4[%mul3A_217, %add3A_219, %dma_wait3A_223, %dma_wait3A_224] : memref<128x32x8x128xf32, #tpu.memory_space<hbm>> -> memref<8x2x8x128xf32, #tpu.memory_space<hbm>>
    tpu.wait_dma2 semaphore(%arg13 : memref<!tpu.dma_semaphore, #tpu.memory_space<semaphore_mem>>) src(%arg9 : memref<8x2x8x128xf32, #tpu.memory_space<vmem>>) dst(%dma_wait3A_225 : memref<8x2x8x128xf32, #tpu.memory_space<hbm>>)
    %scan3A_226 = arith.constant 0 : i32
    %scan3A_227 = arith.constant 0 : i32
    %scan3A_228 = arith.constant 64 : i32
    %scan3A_229 = arith.addi %scan3A_227, %scan3A_228 : i32
    %scan3A_230 = arith.constant 1 : i32
    scf.for %scan3A_308 = %scan3A_227 to %scan3A_229 step %scan3A_230  : i32 {
      %broadcast_in_dim3A = vector.broadcast %scan3A_308 : i32 to vector<16xi32>
      %add3A_309 = arith.constant 0 : i32
      %add3A_310 = vector.broadcast %add3A_309 : i32 to vector<16xi32>
      %add3A_311 = arith.addi %iota3A, %add3A_310 : vector<16xi32>
      %gather3A = tpu.vector_load_idx %arg7[%add3A_311, %broadcast_in_dim3A] : memref<256x64xf32, #tpu.memory_space<vmem>>[vector<16xi32>, vector<16xi32>], vector<16xf32>,
      %jit3A_312 = arith.constant 8 : i32
      %div3A_313 = arith.divsi %scan3A_308, %jit3A_312 : i32
      %sign3A_314 = arith.constant 0 : i32
      %sign3A_315 = arith.cmpi sgt, %scan3A_308, %sign3A_314 : i32
      %sign3A_316 = arith.extui %sign3A_315 : i1 to i32
      %sign3A_317 = arith.constant 0 : i32
      %sign3A_318 = arith.cmpi slt, %scan3A_308, %sign3A_317 : i32
      %sign3A_319 = arith.extui %sign3A_318 : i1 to i32
      %sign3A_320 = arith.subi %sign3A_316, %sign3A_319 : i32
      %sign3A_321 = arith.constant 0 : i32
      %sign3A_322 = arith.cmpi sgt, %jit3A_312, %sign3A_321 : i32
      %sign3A_323 = arith.extui %sign3A_322 : i1 to i32
      %sign3A_324 = arith.constant 0 : i32
      %sign3A_325 = arith.cmpi slt, %jit3A_312, %sign3A_324 : i32
      %sign3A_326 = arith.extui %sign3A_325 : i1 to i32
      %sign3A_327 = arith.subi %sign3A_323, %sign3A_326 : i32
      %ne3A_328 = arith.cmpi ne, %sign3A_320, %sign3A_327 : i32
      %rem3A_329 = arith.remsi %scan3A_308, %jit3A_312 : i32
      %ne3A_330 = arith.constant 0 : i32
      %ne3A_331 = arith.cmpi ne, %rem3A_329, %ne3A_330 : i32
      %and3A_332 = arith.andi %ne3A_328, %ne3A_331 : i1
      %sub3A_333 = arith.constant 1 : i32
      %sub3A_334 = arith.subi %div3A_313, %sub3A_333 : i32
      %select_n3A_335 = arith.select %and3A_332, %sub3A_334, %div3A_313 : i32
      %jit3A_336 = arith.constant 8 : i32
      %eq3A_337 = arith.constant 0 : i32
      %eq3A_338 = arith.cmpi eq, %jit3A_336, %eq3A_337 : i32
      %jit3A_339 = arith.constant 1 : i32
      %select_n3A_340 = arith.select %eq3A_338, %jit3A_339, %jit3A_336 : i32
      %rem3A_341 = arith.remsi %scan3A_308, %select_n3A_340 : i32
      %ne3A_342 = arith.constant 0 : i32
      %ne3A_343 = arith.cmpi ne, %rem3A_341, %ne3A_342 : i32
      %lt3A_344 = arith.constant 0 : i32
      %lt3A_345 = arith.cmpi slt, %rem3A_341, %lt3A_344 : i32
      %lt3A_346 = arith.constant 0 : i32
      %lt3A_347 = arith.cmpi slt, %select_n3A_340, %lt3A_346 : i32
      %ne3A_348 = arith.xori %lt3A_345, %lt3A_347 : i1
      %and3A_349 = arith.andi %ne3A_348, %ne3A_343 : i1
      %add3A_350 = arith.addi %rem3A_341, %select_n3A_340 : i32
      %select_n3A_351 = arith.select %and3A_349, %add3A_350, %rem3A_341 : i32
      %swap3A = arith.constant 0 : i32
      %swap3A_352 = arith.index_cast %select_n3A_335 : i32 to index
      %swap3A_353 = arith.index_cast %swap3A : i32 to index
      %swap3A_354 = arith.index_cast %select_n3A_351 : i32 to index
      %swap3A_355 = arith.constant 0 : index
      %swap3A_356 = tpu.vector_load %arg9[%swap3A_352, %swap3A_353, %swap3A_354, %swap3A_355] {strides = array<i32>} : memref<8x2x8x128xf32, #tpu.memory_space<vmem>>, vector<16xf32>,
      tpu.vector_store %arg9[%swap3A_352, %swap3A_353, %swap3A_354, %swap3A_355], %gather3A {strides = array<i32>} : memref<8x2x8x128xf32, #tpu.memory_space<vmem>>, vector<16xf32>,
      %add3A_357 = arith.constant 16 : i32
      %add3A_358 = vector.broadcast %add3A_357 : i32 to vector<16xi32>
      %add3A_359 = arith.addi %iota3A, %add3A_358 : vector<16xi32>
      %gather3A_360 = tpu.vector_load_idx %arg7[%add3A_359, %broadcast_in_dim3A] : memref<256x64xf32, #tpu.memory_space<vmem>>[vector<16xi32>, vector<16xi32>], vector<16xf32>,
      %jit3A_361 = arith.constant 8 : i32
      %div3A_362 = arith.divsi %scan3A_308, %jit3A_361 : i32
      %sign3A_363 = arith.constant 0 : i32
      %sign3A_364 = arith.cmpi sgt, %scan3A_308, %sign3A_363 : i32
      %sign3A_365 = arith.extui %sign3A_364 : i1 to i32
      %sign3A_366 = arith.constant 0 : i32
      %sign3A_367 = arith.cmpi slt, %scan3A_308, %sign3A_366 : i32
      %sign3A_368 = arith.extui %sign3A_367 : i1 to i32
      %sign3A_369 = arith.subi %sign3A_365, %sign3A_368 : i32
      %sign3A_370 = arith.constant 0 : i32
      %sign3A_371 = arith.cmpi sgt, %jit3A_361, %sign3A_370 : i32
      %sign3A_372 = arith.extui %sign3A_371 : i1 to i32
      %sign3A_373 = arith.constant 0 : i32
      %sign3A_374 = arith.cmpi slt, %jit3A_361, %sign3A_373 : i32
      %sign3A_375 = arith.extui %sign3A_374 : i1 to i32
      %sign3A_376 = arith.subi %sign3A_372, %sign3A_375 : i32
      %ne3A_377 = arith.cmpi ne, %sign3A_369, %sign3A_376 : i32
      %rem3A_378 = arith.remsi %scan3A_308, %jit3A_361 : i32
      %ne3A_379 = arith.constant 0 : i32
      %ne3A_380 = arith.cmpi ne, %rem3A_378, %ne3A_379 : i32
      %and3A_381 = arith.andi %ne3A_377, %ne3A_380 : i1
      %sub3A_382 = arith.constant 1 : i32
      %sub3A_383 = arith.subi %div3A_362, %sub3A_382 : i32
      %select_n3A_384 = arith.select %and3A_381, %sub3A_383, %div3A_362 : i32
      %jit3A_385 = arith.constant 8 : i32
      %eq3A_386 = arith.constant 0 : i32
      %eq3A_387 = arith.cmpi eq, %jit3A_385, %eq3A_386 : i32
      %jit3A_388 = arith.constant 1 : i32
      %select_n3A_389 = arith.select %eq3A_387, %jit3A_388, %jit3A_385 : i32
      %rem3A_390 = arith.remsi %scan3A_308, %select_n3A_389 : i32
      %ne3A_391 = arith.constant 0 : i32
      %ne3A_392 = arith.cmpi ne, %rem3A_390, %ne3A_391 : i32
      %lt3A_393 = arith.constant 0 : i32
      %lt3A_394 = arith.cmpi slt, %rem3A_390, %lt3A_393 : i32
      %lt3A_395 = arith.constant 0 : i32
      %lt3A_396 = arith.cmpi slt, %select_n3A_389, %lt3A_395 : i32
      %ne3A_397 = arith.xori %lt3A_394, %lt3A_396 : i1
      %and3A_398 = arith.andi %ne3A_397, %ne3A_392 : i1
      %add3A_399 = arith.addi %rem3A_390, %select_n3A_389 : i32
      %select_n3A_400 = arith.select %and3A_398, %add3A_399, %rem3A_390 : i32
      %swap3A_401 = arith.constant 0 : i32
      %swap3A_402 = arith.index_cast %select_n3A_384 : i32 to index
      %swap3A_403 = arith.index_cast %swap3A_401 : i32 to index
      %swap3A_404 = arith.index_cast %select_n3A_400 : i32 to index
      %swap3A_405 = arith.constant 16 : index
      %swap3A_406 = tpu.vector_load %arg9[%swap3A_402, %swap3A_403, %swap3A_404, %swap3A_405] {strides = array<i32>} : memref<8x2x8x128xf32, #tpu.memory_space<vmem>>, vector<16xf32>,
      tpu.vector_store %arg9[%swap3A_402, %swap3A_403, %swap3A_404, %swap3A_405], %gather3A_360 {strides = array<i32>} : memref<8x2x8x128xf32, #tpu.memory_space<vmem>>, vector<16xf32>,
      %add3A_407 = arith.constant 32 : i32
      %add3A_408 = vector.broadcast %add3A_407 : i32 to vector<16xi32>
      %add3A_409 = arith.addi %iota3A, %add3A_408 : vector<16xi32>
      %gather3A_410 = tpu.vector_load_idx %arg7[%add3A_409, %broadcast_in_dim3A] : memref<256x64xf32, #tpu.memory_space<vmem>>[vector<16xi32>, vector<16xi32>], vector<16xf32>,
      %jit3A_411 = arith.constant 8 : i32
      %div3A_412 = arith.divsi %scan3A_308, %jit3A_411 : i32
      %sign3A_413 = arith.constant 0 : i32
      %sign3A_414 = arith.cmpi sgt, %scan3A_308, %sign3A_413 : i32
      %sign3A_415 = arith.extui %sign3A_414 : i1 to i32
      %sign3A_416 = arith.constant 0 : i32
      %sign3A_417 = arith.cmpi slt, %scan3A_308, %sign3A_416 : i32
      %sign3A_418 = arith.extui %sign3A_417 : i1 to i32
      %sign3A_419 = arith.subi %sign3A_415, %sign3A_418 : i32
      %sign3A_420 = arith.constant 0 : i32
      %sign3A_421 = arith.cmpi sgt, %jit3A_411, %sign3A_420 : i32
      %sign3A_422 = arith.extui %sign3A_421 : i1 to i32
      %sign3A_423 = arith.constant 0 : i32
      %sign3A_424 = arith.cmpi slt, %jit3A_411, %sign3A_423 : i32
      %sign3A_425 = arith.extui %sign3A_424 : i1 to i32
      %sign3A_426 = arith.subi %sign3A_422, %sign3A_425 : i32
      %ne3A_427 = arith.cmpi ne, %sign3A_419, %sign3A_426 : i32
      %rem3A_428 = arith.remsi %scan3A_308, %jit3A_411 : i32
      %ne3A_429 = arith.constant 0 : i32
      %ne3A_430 = arith.cmpi ne, %rem3A_428, %ne3A_429 : i32
      %and3A_431 = arith.andi %ne3A_427, %ne3A_430 : i1
      %sub3A_432 = arith.constant 1 : i32
      %sub3A_433 = arith.subi %div3A_412, %sub3A_432 : i32
      %select_n3A_434 = arith.select %and3A_431, %sub3A_433, %div3A_412 : i32
      %jit3A_435 = arith.constant 8 : i32
      %eq3A_436 = arith.constant 0 : i32
      %eq3A_437 = arith.cmpi eq, %jit3A_435, %eq3A_436 : i32
      %jit3A_438 = arith.constant 1 : i32
      %select_n3A_439 = arith.select %eq3A_437, %jit3A_438, %jit3A_435 : i32
      %rem3A_440 = arith.remsi %scan3A_308, %select_n3A_439 : i32
      %ne3A_441 = arith.constant 0 : i32
      %ne3A_442 = arith.cmpi ne, %rem3A_440, %ne3A_441 : i32
      %lt3A_443 = arith.constant 0 : i32
      %lt3A_444 = arith.cmpi slt, %rem3A_440, %lt3A_443 : i32
      %lt3A_445 = arith.constant 0 : i32
      %lt3A_446 = arith.cmpi slt, %select_n3A_439, %lt3A_445 : i32
      %ne3A_447 = arith.xori %lt3A_444, %lt3A_446 : i1
      %and3A_448 = arith.andi %ne3A_447, %ne3A_442 : i1
      %add3A_449 = arith.addi %rem3A_440, %select_n3A_439 : i32
      %select_n3A_450 = arith.select %and3A_448, %add3A_449, %rem3A_440 : i32
      %swap3A_451 = arith.constant 0 : i32
      %swap3A_452 = arith.index_cast %select_n3A_434 : i32 to index
      %swap3A_453 = arith.index_cast %swap3A_451 : i32 to index
      %swap3A_454 = arith.index_cast %select_n3A_450 : i32 to index
      %swap3A_455 = arith.constant 32 : index
      %swap3A_456 = tpu.vector_load %arg9[%swap3A_452, %swap3A_453, %swap3A_454, %swap3A_455] {strides = array<i32>} : memref<8x2x8x128xf32, #tpu.memory_space<vmem>>, vector<16xf32>,
      tpu.vector_store %arg9[%swap3A_452, %swap3A_453, %swap3A_454, %swap3A_455], %gather3A_410 {strides = array<i32>} : memref<8x2x8x128xf32, #tpu.memory_space<vmem>>, vector<16xf32>,
      %add3A_457 = arith.constant 48 : i32
      %add3A_458 = vector.broadcast %add3A_457 : i32 to vector<16xi32>
      %add3A_459 = arith.addi %iota3A, %add3A_458 : vector<16xi32>
      %gather3A_460 = tpu.vector_load_idx %arg7[%add3A_459, %broadcast_in_dim3A] : memref<256x64xf32, #tpu.memory_space<vmem>>[vector<16xi32>, vector<16xi32>], vector<16xf32>,
      %jit3A_461 = arith.constant 8 : i32
      %div3A_462 = arith.divsi %scan3A_308, %jit3A_461 : i32
      %sign3A_463 = arith.constant 0 : i32
      %sign3A_464 = arith.cmpi sgt, %scan3A_308, %sign3A_463 : i32
      %sign3A_465 = arith.extui %sign3A_464 : i1 to i32
      %sign3A_466 = arith.constant 0 : i32
      %sign3A_467 = arith.cmpi slt, %scan3A_308, %sign3A_466 : i32
      %sign3A_468 = arith.extui %sign3A_467 : i1 to i32
      %sign3A_469 = arith.subi %sign3A_465, %sign3A_468 : i32
      %sign3A_470 = arith.constant 0 : i32
      %sign3A_471 = arith.cmpi sgt, %jit3A_461, %sign3A_470 : i32
      %sign3A_472 = arith.extui %sign3A_471 : i1 to i32
      %sign3A_473 = arith.constant 0 : i32
      %sign3A_474 = arith.cmpi slt, %jit3A_461, %sign3A_473 : i32
      %sign3A_475 = arith.extui %sign3A_474 : i1 to i32
      %sign3A_476 = arith.subi %sign3A_472, %sign3A_475 : i32
      %ne3A_477 = arith.cmpi ne, %sign3A_469, %sign3A_476 : i32
      %rem3A_478 = arith.remsi %scan3A_308, %jit3A_461 : i32
      %ne3A_479 = arith.constant 0 : i32
      %ne3A_480 = arith.cmpi ne, %rem3A_478, %ne3A_479 : i32
      %and3A_481 = arith.andi %ne3A_477, %ne3A_480 : i1
      %sub3A_482 = arith.constant 1 : i32
      %sub3A_483 = arith.subi %div3A_462, %sub3A_482 : i32
      %select_n3A_484 = arith.select %and3A_481, %sub3A_483, %div3A_462 : i32
      %jit3A_485 = arith.constant 8 : i32
      %eq3A_486 = arith.constant 0 : i32
      %eq3A_487 = arith.cmpi eq, %jit3A_485, %eq3A_486 : i32
      %jit3A_488 = arith.constant 1 : i32
      %select_n3A_489 = arith.select %eq3A_487, %jit3A_488, %jit3A_485 : i32
      %rem3A_490 = arith.remsi %scan3A_308, %select_n3A_489 : i32
      %ne3A_491 = arith.constant 0 : i32
      %ne3A_492 = arith.cmpi ne, %rem3A_490, %ne3A_491 : i32
      %lt3A_493 = arith.constant 0 : i32
      %lt3A_494 = arith.cmpi slt, %rem3A_490, %lt3A_493 : i32
      %lt3A_495 = arith.constant 0 : i32
      %lt3A_496 = arith.cmpi slt, %select_n3A_489, %lt3A_495 : i32
      %ne3A_497 = arith.xori %lt3A_494, %lt3A_496 : i1
      %and3A_498 = arith.andi %ne3A_497, %ne3A_492 : i1
      %add3A_499 = arith.addi %rem3A_490, %select_n3A_489 : i32
      %select_n3A_500 = arith.select %and3A_498, %add3A_499, %rem3A_490 : i32
      %swap3A_501 = arith.constant 0 : i32
      %swap3A_502 = arith.index_cast %select_n3A_484 : i32 to index
      %swap3A_503 = arith.index_cast %swap3A_501 : i32 to index
      %swap3A_504 = arith.index_cast %select_n3A_500 : i32 to index
      %swap3A_505 = arith.constant 48 : index
      %swap3A_506 = tpu.vector_load %arg9[%swap3A_502, %swap3A_503, %swap3A_504, %swap3A_505] {strides = array<i32>} : memref<8x2x8x128xf32, #tpu.memory_space<vmem>>, vector<16xf32>,
      tpu.vector_store %arg9[%swap3A_502, %swap3A_503, %swap3A_504, %swap3A_505], %gather3A_460 {strides = array<i32>} : memref<8x2x8x128xf32, #tpu.memory_space<vmem>>, vector<16xf32>,
      %add3A_507 = arith.constant 64 : i32
      %add3A_508 = vector.broadcast %add3A_507 : i32 to vector<16xi32>
      %add3A_509 = arith.addi %iota3A, %add3A_508 : vector<16xi32>
      %gather3A_510 = tpu.vector_load_idx %arg7[%add3A_509, %broadcast_in_dim3A] : memref<256x64xf32, #tpu.memory_space<vmem>>[vector<16xi32>, vector<16xi32>], vector<16xf32>,
      %jit3A_511 = arith.constant 8 : i32
      %div3A_512 = arith.divsi %scan3A_308, %jit3A_511 : i32
      %sign3A_513 = arith.constant 0 : i32
      %sign3A_514 = arith.cmpi sgt, %scan3A_308, %sign3A_513 : i32
      %sign3A_515 = arith.extui %sign3A_514 : i1 to i32
      %sign3A_516 = arith.constant 0 : i32
      %sign3A_517 = arith.cmpi slt, %scan3A_308, %sign3A_516 : i32
      %sign3A_518 = arith.extui %sign3A_517 : i1 to i32
      %sign3A_519 = arith.subi %sign3A_515, %sign3A_518 : i32
      %sign3A_520 = arith.constant 0 : i32
      %sign3A_521 = arith.cmpi sgt, %jit3A_511, %sign3A_520 : i32
      %sign3A_522 = arith.extui %sign3A_521 : i1 to i32
      %sign3A_523 = arith.constant 0 : i32
      %sign3A_524 = arith.cmpi slt, %jit3A_511, %sign3A_523 : i32
      %sign3A_525 = arith.extui %sign3A_524 : i1 to i32
      %sign3A_526 = arith.subi %sign3A_522, %sign3A_525 : i32
      %ne3A_527 = arith.cmpi ne, %sign3A_519, %sign3A_526 : i32
      %rem3A_528 = arith.remsi %scan3A_308, %jit3A_511 : i32
      %ne3A_529 = arith.constant 0 : i32
      %ne3A_530 = arith.cmpi ne, %rem3A_528, %ne3A_529 : i32
      %and3A_531 = arith.andi %ne3A_527, %ne3A_530 : i1
      %sub3A_532 = arith.constant 1 : i32
      %sub3A_533 = arith.subi %div3A_512, %sub3A_532 : i32
      %select_n3A_534 = arith.select %and3A_531, %sub3A_533, %div3A_512 : i32
      %jit3A_535 = arith.constant 8 : i32
      %eq3A_536 = arith.constant 0 : i32
      %eq3A_537 = arith.cmpi eq, %jit3A_535, %eq3A_536 : i32
      %jit3A_538 = arith.constant 1 : i32
      %select_n3A_539 = arith.select %eq3A_537, %jit3A_538, %jit3A_535 : i32
      %rem3A_540 = arith.remsi %scan3A_308, %select_n3A_539 : i32
      %ne3A_541 = arith.constant 0 : i32
      %ne3A_542 = arith.cmpi ne, %rem3A_540, %ne3A_541 : i32
      %lt3A_543 = arith.constant 0 : i32
      %lt3A_544 = arith.cmpi slt, %rem3A_540, %lt3A_543 : i32
      %lt3A_545 = arith.constant 0 : i32
      %lt3A_546 = arith.cmpi slt, %select_n3A_539, %lt3A_545 : i32
      %ne3A_547 = arith.xori %lt3A_544, %lt3A_546 : i1
      %and3A_548 = arith.andi %ne3A_547, %ne3A_542 : i1
      %add3A_549 = arith.addi %rem3A_540, %select_n3A_539 : i32
      %select_n3A_550 = arith.select %and3A_548, %add3A_549, %rem3A_540 : i32
      %swap3A_551 = arith.constant 0 : i32
      %swap3A_552 = arith.index_cast %select_n3A_534 : i32 to index
      %swap3A_553 = arith.index_cast %swap3A_551 : i32 to index
      %swap3A_554 = arith.index_cast %select_n3A_550 : i32 to index
      %swap3A_555 = arith.constant 64 : index
      %swap3A_556 = tpu.vector_load %arg9[%swap3A_552, %swap3A_553, %swap3A_554, %swap3A_555] {strides = array<i32>} : memref<8x2x8x128xf32, #tpu.memory_space<vmem>>, vector<16xf32>,
      tpu.vector_store %arg9[%swap3A_552, %swap3A_553, %swap3A_554, %swap3A_555], %gather3A_510 {strides = array<i32>} : memref<8x2x8x128xf32, #tpu.memory_space<vmem>>, vector<16xf32>,
      %add3A_557 = arith.constant 80 : i32
      %add3A_558 = vector.broadcast %add3A_557 : i32 to vector<16xi32>
      %add3A_559 = arith.addi %iota3A, %add3A_558 : vector<16xi32>
      %gather3A_560 = tpu.vector_load_idx %arg7[%add3A_559, %broadcast_in_dim3A] : memref<256x64xf32, #tpu.memory_space<vmem>>[vector<16xi32>, vector<16xi32>], vector<16xf32>,
      %jit3A_561 = arith.constant 8 : i32
      %div3A_562 = arith.divsi %scan3A_308, %jit3A_561 : i32
      %sign3A_563 = arith.constant 0 : i32
      %sign3A_564 = arith.cmpi sgt, %scan3A_308, %sign3A_563 : i32
      %sign3A_565 = arith.extui %sign3A_564 : i1 to i32
      %sign3A_566 = arith.constant 0 : i32
      %sign3A_567 = arith.cmpi slt, %scan3A_308, %sign3A_566 : i32
      %sign3A_568 = arith.extui %sign3A_567 : i1 to i32
      %sign3A_569 = arith.subi %sign3A_565, %sign3A_568 : i32
      %sign3A_570 = arith.constant 0 : i32
      %sign3A_571 = arith.cmpi sgt, %jit3A_561, %sign3A_570 : i32
      %sign3A_572 = arith.extui %sign3A_571 : i1 to i32
      %sign3A_573 = arith.constant 0 : i32
      %sign3A_574 = arith.cmpi slt, %jit3A_561, %sign3A_573 : i32
      %sign3A_575 = arith.extui %sign3A_574 : i1 to i32
      %sign3A_576 = arith.subi %sign3A_572, %sign3A_575 : i32
      %ne3A_577 = arith.cmpi ne, %sign3A_569, %sign3A_576 : i32
      %rem3A_578 = arith.remsi %scan3A_308, %jit3A_561 : i32
      %ne3A_579 = arith.constant 0 : i32
      %ne3A_580 = arith.cmpi ne, %rem3A_578, %ne3A_579 : i32
      %and3A_581 = arith.andi %ne3A_577, %ne3A_580 : i1
      %sub3A_582 = arith.constant 1 : i32
      %sub3A_583 = arith.subi %div3A_562, %sub3A_582 : i32
      %select_n3A_584 = arith.select %and3A_581, %sub3A_583, %div3A_562 : i32
      %jit3A_585 = arith.constant 8 : i32
      %eq3A_586 = arith.constant 0 : i32
      %eq3A_587 = arith.cmpi eq, %jit3A_585, %eq3A_586 : i32
      %jit3A_588 = arith.constant 1 : i32
      %select_n3A_589 = arith.select %eq3A_587, %jit3A_588, %jit3A_585 : i32
      %rem3A_590 = arith.remsi %scan3A_308, %select_n3A_589 : i32
      %ne3A_591 = arith.constant 0 : i32
      %ne3A_592 = arith.cmpi ne, %rem3A_590, %ne3A_591 : i32
      %lt3A_593 = arith.constant 0 : i32
      %lt3A_594 = arith.cmpi slt, %rem3A_590, %lt3A_593 : i32
      %lt3A_595 = arith.constant 0 : i32
      %lt3A_596 = arith.cmpi slt, %select_n3A_589, %lt3A_595 : i32
      %ne3A_597 = arith.xori %lt3A_594, %lt3A_596 : i1
      %and3A_598 = arith.andi %ne3A_597, %ne3A_592 : i1
      %add3A_599 = arith.addi %rem3A_590, %select_n3A_589 : i32
      %select_n3A_600 = arith.select %and3A_598, %add3A_599, %rem3A_590 : i32
      %swap3A_601 = arith.constant 0 : i32
      %swap3A_602 = arith.index_cast %select_n3A_584 : i32 to index
      %swap3A_603 = arith.index_cast %swap3A_601 : i32 to index
      %swap3A_604 = arith.index_cast %select_n3A_600 : i32 to index
      %swap3A_605 = arith.constant 80 : index
      %swap3A_606 = tpu.vector_load %arg9[%swap3A_602, %swap3A_603, %swap3A_604, %swap3A_605] {strides = array<i32>} : memref<8x2x8x128xf32, #tpu.memory_space<vmem>>, vector<16xf32>,
      tpu.vector_store %arg9[%swap3A_602, %swap3A_603, %swap3A_604, %swap3A_605], %gather3A_560 {strides = array<i32>} : memref<8x2x8x128xf32, #tpu.memory_space<vmem>>, vector<16xf32>,
      %add3A_607 = arith.constant 96 : i32
      %add3A_608 = vector.broadcast %add3A_607 : i32 to vector<16xi32>
      %add3A_609 = arith.addi %iota3A, %add3A_608 : vector<16xi32>
      %gather3A_610 = tpu.vector_load_idx %arg7[%add3A_609, %broadcast_in_dim3A] : memref<256x64xf32, #tpu.memory_space<vmem>>[vector<16xi32>, vector<16xi32>], vector<16xf32>,
      %jit3A_611 = arith.constant 8 : i32
      %div3A_612 = arith.divsi %scan3A_308, %jit3A_611 : i32
      %sign3A_613 = arith.constant 0 : i32
      %sign3A_614 = arith.cmpi sgt, %scan3A_308, %sign3A_613 : i32
      %sign3A_615 = arith.extui %sign3A_614 : i1 to i32
      %sign3A_616 = arith.constant 0 : i32
      %sign3A_617 = arith.cmpi slt, %scan3A_308, %sign3A_616 : i32
      %sign3A_618 = arith.extui %sign3A_617 : i1 to i32
      %sign3A_619 = arith.subi %sign3A_615, %sign3A_618 : i32
      %sign3A_620 = arith.constant 0 : i32
      %sign3A_621 = arith.cmpi sgt, %jit3A_611, %sign3A_620 : i32
      %sign3A_622 = arith.extui %sign3A_621 : i1 to i32
      %sign3A_623 = arith.constant 0 : i32
      %sign3A_624 = arith.cmpi slt, %jit3A_611, %sign3A_623 : i32
      %sign3A_625 = arith.extui %sign3A_624 : i1 to i32
      %sign3A_626 = arith.subi %sign3A_622, %sign3A_625 : i32
      %ne3A_627 = arith.cmpi ne, %sign3A_619, %sign3A_626 : i32
      %rem3A_628 = arith.remsi %scan3A_308, %jit3A_611 : i32
      %ne3A_629 = arith.constant 0 : i32
      %ne3A_630 = arith.cmpi ne, %rem3A_628, %ne3A_629 : i32
      %and3A_631 = arith.andi %ne3A_627, %ne3A_630 : i1
      %sub3A_632 = arith.constant 1 : i32
      %sub3A_633 = arith.subi %div3A_612, %sub3A_632 : i32
      %select_n3A_634 = arith.select %and3A_631, %sub3A_633, %div3A_612 : i32
      %jit3A_635 = arith.constant 8 : i32
      %eq3A_636 = arith.constant 0 : i32
      %eq3A_637 = arith.cmpi eq, %jit3A_635, %eq3A_636 : i32
      %jit3A_638 = arith.constant 1 : i32
      %select_n3A_639 = arith.select %eq3A_637, %jit3A_638, %jit3A_635 : i32
      %rem3A_640 = arith.remsi %scan3A_308, %select_n3A_639 : i32
      %ne3A_641 = arith.constant 0 : i32
      %ne3A_642 = arith.cmpi ne, %rem3A_640, %ne3A_641 : i32
      %lt3A_643 = arith.constant 0 : i32
      %lt3A_644 = arith.cmpi slt, %rem3A_640, %lt3A_643 : i32
      %lt3A_645 = arith.constant 0 : i32
      %lt3A_646 = arith.cmpi slt, %select_n3A_639, %lt3A_645 : i32
      %ne3A_647 = arith.xori %lt3A_644, %lt3A_646 : i1
      %and3A_648 = arith.andi %ne3A_647, %ne3A_642 : i1
      %add3A_649 = arith.addi %rem3A_640, %select_n3A_639 : i32
      %select_n3A_650 = arith.select %and3A_648, %add3A_649, %rem3A_640 : i32
      %swap3A_651 = arith.constant 0 : i32
      %swap3A_652 = arith.index_cast %select_n3A_634 : i32 to index
      %swap3A_653 = arith.index_cast %swap3A_651 : i32 to index
      %swap3A_654 = arith.index_cast %select_n3A_650 : i32 to index
      %swap3A_655 = arith.constant 96 : index
      %swap3A_656 = tpu.vector_load %arg9[%swap3A_652, %swap3A_653, %swap3A_654, %swap3A_655] {strides = array<i32>} : memref<8x2x8x128xf32, #tpu.memory_space<vmem>>, vector<16xf32>,
      tpu.vector_store %arg9[%swap3A_652, %swap3A_653, %swap3A_654, %swap3A_655], %gather3A_610 {strides = array<i32>} : memref<8x2x8x128xf32, #tpu.memory_space<vmem>>, vector<16xf32>,
      %add3A_657 = arith.constant 112 : i32
      %add3A_658 = vector.broadcast %add3A_657 : i32 to vector<16xi32>
      %add3A_659 = arith.addi %iota3A, %add3A_658 : vector<16xi32>
      %gather3A_660 = tpu.vector_load_idx %arg7[%add3A_659, %broadcast_in_dim3A] : memref<256x64xf32, #tpu.memory_space<vmem>>[vector<16xi32>, vector<16xi32>], vector<16xf32>,
      %jit3A_661 = arith.constant 8 : i32
      %div3A_662 = arith.divsi %scan3A_308, %jit3A_661 : i32
      %sign3A_663 = arith.constant 0 : i32
      %sign3A_664 = arith.cmpi sgt, %scan3A_308, %sign3A_663 : i32
      %sign3A_665 = arith.extui %sign3A_664 : i1 to i32
      %sign3A_666 = arith.constant 0 : i32
      %sign3A_667 = arith.cmpi slt, %scan3A_308, %sign3A_666 : i32
      %sign3A_668 = arith.extui %sign3A_667 : i1 to i32
      %sign3A_669 = arith.subi %sign3A_665, %sign3A_668 : i32
      %sign3A_670 = arith.constant 0 : i32
      %sign3A_671 = arith.cmpi sgt, %jit3A_661, %sign3A_670 : i32
      %sign3A_672 = arith.extui %sign3A_671 : i1 to i32
      %sign3A_673 = arith.constant 0 : i32
      %sign3A_674 = arith.cmpi slt, %jit3A_661, %sign3A_673 : i32
      %sign3A_675 = arith.extui %sign3A_674 : i1 to i32
      %sign3A_676 = arith.subi %sign3A_672, %sign3A_675 : i32
      %ne3A_677 = arith.cmpi ne, %sign3A_669, %sign3A_676 : i32
      %rem3A_678 = arith.remsi %scan3A_308, %jit3A_661 : i32
      %ne3A_679 = arith.constant 0 : i32
      %ne3A_680 = arith.cmpi ne, %rem3A_678, %ne3A_679 : i32
      %and3A_681 = arith.andi %ne3A_677, %ne3A_680 : i1
      %sub3A_682 = arith.constant 1 : i32
      %sub3A_683 = arith.subi %div3A_662, %sub3A_682 : i32
      %select_n3A_684 = arith.select %and3A_681, %sub3A_683, %div3A_662 : i32
      %jit3A_685 = arith.constant 8 : i32
      %eq3A_686 = arith.constant 0 : i32
      %eq3A_687 = arith.cmpi eq, %jit3A_685, %eq3A_686 : i32
      %jit3A_688 = arith.constant 1 : i32
      %select_n3A_689 = arith.select %eq3A_687, %jit3A_688, %jit3A_685 : i32
      %rem3A_690 = arith.remsi %scan3A_308, %select_n3A_689 : i32
      %ne3A_691 = arith.constant 0 : i32
      %ne3A_692 = arith.cmpi ne, %rem3A_690, %ne3A_691 : i32
      %lt3A_693 = arith.constant 0 : i32
      %lt3A_694 = arith.cmpi slt, %rem3A_690, %lt3A_693 : i32
      %lt3A_695 = arith.constant 0 : i32
      %lt3A_696 = arith.cmpi slt, %select_n3A_689, %lt3A_695 : i32
      %ne3A_697 = arith.xori %lt3A_694, %lt3A_696 : i1
      %and3A_698 = arith.andi %ne3A_697, %ne3A_692 : i1
      %add3A_699 = arith.addi %rem3A_690, %select_n3A_689 : i32
      %select_n3A_700 = arith.select %and3A_698, %add3A_699, %rem3A_690 : i32
      %swap3A_701 = arith.constant 0 : i32
      %swap3A_702 = arith.index_cast %select_n3A_684 : i32 to index
      %swap3A_703 = arith.index_cast %swap3A_701 : i32 to index
      %swap3A_704 = arith.index_cast %select_n3A_700 : i32 to index
      %swap3A_705 = arith.constant 112 : index
      %swap3A_706 = tpu.vector_load %arg9[%swap3A_702, %swap3A_703, %swap3A_704, %swap3A_705] {strides = array<i32>} : memref<8x2x8x128xf32, #tpu.memory_space<vmem>>, vector<16xf32>,
      tpu.vector_store %arg9[%swap3A_702, %swap3A_703, %swap3A_704, %swap3A_705], %gather3A_660 {strides = array<i32>} : memref<8x2x8x128xf32, #tpu.memory_space<vmem>>, vector<16xf32>,
      %add3A_707 = arith.constant 128 : i32
      %add3A_708 = vector.broadcast %add3A_707 : i32 to vector<16xi32>
      %add3A_709 = arith.addi %iota3A, %add3A_708 : vector<16xi32>
      %gather3A_710 = tpu.vector_load_idx %arg7[%add3A_709, %broadcast_in_dim3A] : memref<256x64xf32, #tpu.memory_space<vmem>>[vector<16xi32>, vector<16xi32>], vector<16xf32>,
      %jit3A_711 = arith.constant 8 : i32
      %div3A_712 = arith.divsi %scan3A_308, %jit3A_711 : i32
      %sign3A_713 = arith.constant 0 : i32
      %sign3A_714 = arith.cmpi sgt, %scan3A_308, %sign3A_713 : i32
      %sign3A_715 = arith.extui %sign3A_714 : i1 to i32
      %sign3A_716 = arith.constant 0 : i32
      %sign3A_717 = arith.cmpi slt, %scan3A_308, %sign3A_716 : i32
      %sign3A_718 = arith.extui %sign3A_717 : i1 to i32
      %sign3A_719 = arith.subi %sign3A_715, %sign3A_718 : i32
      %sign3A_720 = arith.constant 0 : i32
      %sign3A_721 = arith.cmpi sgt, %jit3A_711, %sign3A_720 : i32
      %sign3A_722 = arith.extui %sign3A_721 : i1 to i32
      %sign3A_723 = arith.constant 0 : i32
      %sign3A_724 = arith.cmpi slt, %jit3A_711, %sign3A_723 : i32
      %sign3A_725 = arith.extui %sign3A_724 : i1 to i32
      %sign3A_726 = arith.subi %sign3A_722, %sign3A_725 : i32
      %ne3A_727 = arith.cmpi ne, %sign3A_719, %sign3A_726 : i32
      %rem3A_728 = arith.remsi %scan3A_308, %jit3A_711 : i32
      %ne3A_729 = arith.constant 0 : i32
      %ne3A_730 = arith.cmpi ne, %rem3A_728, %ne3A_729 : i32
      %and3A_731 = arith.andi %ne3A_727, %ne3A_730 : i1
      %sub3A_732 = arith.constant 1 : i32
      %sub3A_733 = arith.subi %div3A_712, %sub3A_732 : i32
      %select_n3A_734 = arith.select %and3A_731, %sub3A_733, %div3A_712 : i32
      %jit3A_735 = arith.constant 8 : i32
      %eq3A_736 = arith.constant 0 : i32
      %eq3A_737 = arith.cmpi eq, %jit3A_735, %eq3A_736 : i32
      %jit3A_738 = arith.constant 1 : i32
      %select_n3A_739 = arith.select %eq3A_737, %jit3A_738, %jit3A_735 : i32
      %rem3A_740 = arith.remsi %scan3A_308, %select_n3A_739 : i32
      %ne3A_741 = arith.constant 0 : i32
      %ne3A_742 = arith.cmpi ne, %rem3A_740, %ne3A_741 : i32
      %lt3A_743 = arith.constant 0 : i32
      %lt3A_744 = arith.cmpi slt, %rem3A_740, %lt3A_743 : i32
      %lt3A_745 = arith.constant 0 : i32
      %lt3A_746 = arith.cmpi slt, %select_n3A_739, %lt3A_745 : i32
      %ne3A_747 = arith.xori %lt3A_744, %lt3A_746 : i1
      %and3A_748 = arith.andi %ne3A_747, %ne3A_742 : i1
      %add3A_749 = arith.addi %rem3A_740, %select_n3A_739 : i32
      %select_n3A_750 = arith.select %and3A_748, %add3A_749, %rem3A_740 : i32
      %swap3A_751 = arith.constant 1 : i32
      %swap3A_752 = arith.index_cast %select_n3A_734 : i32 to index
      %swap3A_753 = arith.index_cast %swap3A_751 : i32 to index
      %swap3A_754 = arith.index_cast %select_n3A_750 : i32 to index
      %swap3A_755 = arith.constant 0 : index
      %swap3A_756 = tpu.vector_load %arg9[%swap3A_752, %swap3A_753, %swap3A_754, %swap3A_755] {strides = array<i32>} : memref<8x2x8x128xf32, #tpu.memory_space<vmem>>, vector<16xf32>,
      tpu.vector_store %arg9[%swap3A_752, %swap3A_753, %swap3A_754, %swap3A_755], %gather3A_710 {strides = array<i32>} : memref<8x2x8x128xf32, #tpu.memory_space<vmem>>, vector<16xf32>,
      %add3A_757 = arith.constant 144 : i32
      %add3A_758 = vector.broadcast %add3A_757 : i32 to vector<16xi32>
      %add3A_759 = arith.addi %iota3A, %add3A_758 : vector<16xi32>
      %gather3A_760 = tpu.vector_load_idx %arg7[%add3A_759, %broadcast_in_dim3A] : memref<256x64xf32, #tpu.memory_space<vmem>>[vector<16xi32>, vector<16xi32>], vector<16xf32>,
      %jit3A_761 = arith.constant 8 : i32
      %div3A_762 = arith.divsi %scan3A_308, %jit3A_761 : i32
      %sign3A_763 = arith.constant 0 : i32
      %sign3A_764 = arith.cmpi sgt, %scan3A_308, %sign3A_763 : i32
      %sign3A_765 = arith.extui %sign3A_764 : i1 to i32
      %sign3A_766 = arith.constant 0 : i32
      %sign3A_767 = arith.cmpi slt, %scan3A_308, %sign3A_766 : i32
      %sign3A_768 = arith.extui %sign3A_767 : i1 to i32
      %sign3A_769 = arith.subi %sign3A_765, %sign3A_768 : i32
      %sign3A_770 = arith.constant 0 : i32
      %sign3A_771 = arith.cmpi sgt, %jit3A_761, %sign3A_770 : i32
      %sign3A_772 = arith.extui %sign3A_771 : i1 to i32
      %sign3A_773 = arith.constant 0 : i32
      %sign3A_774 = arith.cmpi slt, %jit3A_761, %sign3A_773 : i32
      %sign3A_775 = arith.extui %sign3A_774 : i1 to i32
      %sign3A_776 = arith.subi %sign3A_772, %sign3A_775 : i32
      %ne3A_777 = arith.cmpi ne, %sign3A_769, %sign3A_776 : i32
      %rem3A_778 = arith.remsi %scan3A_308, %jit3A_761 : i32
      %ne3A_779 = arith.constant 0 : i32
      %ne3A_780 = arith.cmpi ne, %rem3A_778, %ne3A_779 : i32
      %and3A_781 = arith.andi %ne3A_777, %ne3A_780 : i1
      %sub3A_782 = arith.constant 1 : i32
      %sub3A_783 = arith.subi %div3A_762, %sub3A_782 : i32
      %select_n3A_784 = arith.select %and3A_781, %sub3A_783, %div3A_762 : i32
      %jit3A_785 = arith.constant 8 : i32
      %eq3A_786 = arith.constant 0 : i32
      %eq3A_787 = arith.cmpi eq, %jit3A_785, %eq3A_786 : i32
      %jit3A_788 = arith.constant 1 : i32
      %select_n3A_789 = arith.select %eq3A_787, %jit3A_788, %jit3A_785 : i32
      %rem3A_790 = arith.remsi %scan3A_308, %select_n3A_789 : i32
      %ne3A_791 = arith.constant 0 : i32
      %ne3A_792 = arith.cmpi ne, %rem3A_790, %ne3A_791 : i32
      %lt3A_793 = arith.constant 0 : i32
      %lt3A_794 = arith.cmpi slt, %rem3A_790, %lt3A_793 : i32
      %lt3A_795 = arith.constant 0 : i32
      %lt3A_796 = arith.cmpi slt, %select_n3A_789, %lt3A_795 : i32
      %ne3A_797 = arith.xori %lt3A_794, %lt3A_796 : i1
      %and3A_798 = arith.andi %ne3A_797, %ne3A_792 : i1
      %add3A_799 = arith.addi %rem3A_790, %select_n3A_789 : i32
      %select_n3A_800 = arith.select %and3A_798, %add3A_799, %rem3A_790 : i32
      %swap3A_801 = arith.constant 1 : i32
      %swap3A_802 = arith.index_cast %select_n3A_784 : i32 to index
      %swap3A_803 = arith.index_cast %swap3A_801 : i32 to index
      %swap3A_804 = arith.index_cast %select_n3A_800 : i32 to index
      %swap3A_805 = arith.constant 16 : index
      %swap3A_806 = tpu.vector_load %arg9[%swap3A_802, %swap3A_803, %swap3A_804, %swap3A_805] {strides = array<i32>} : memref<8x2x8x128xf32, #tpu.memory_space<vmem>>, vector<16xf32>,
      tpu.vector_store %arg9[%swap3A_802, %swap3A_803, %swap3A_804, %swap3A_805], %gather3A_760 {strides = array<i32>} : memref<8x2x8x128xf32, #tpu.memory_space<vmem>>, vector<16xf32>,
      %add3A_807 = arith.constant 160 : i32
      %add3A_808 = vector.broadcast %add3A_807 : i32 to vector<16xi32>
      %add3A_809 = arith.addi %iota3A, %add3A_808 : vector<16xi32>
      %gather3A_810 = tpu.vector_load_idx %arg7[%add3A_809, %broadcast_in_dim3A] : memref<256x64xf32, #tpu.memory_space<vmem>>[vector<16xi32>, vector<16xi32>], vector<16xf32>,
      %jit3A_811 = arith.constant 8 : i32
      %div3A_812 = arith.divsi %scan3A_308, %jit3A_811 : i32
      %sign3A_813 = arith.constant 0 : i32
      %sign3A_814 = arith.cmpi sgt, %scan3A_308, %sign3A_813 : i32
      %sign3A_815 = arith.extui %sign3A_814 : i1 to i32
      %sign3A_816 = arith.constant 0 : i32
      %sign3A_817 = arith.cmpi slt, %scan3A_308, %sign3A_816 : i32
      %sign3A_818 = arith.extui %sign3A_817 : i1 to i32
      %sign3A_819 = arith.subi %sign3A_815, %sign3A_818 : i32
      %sign3A_820 = arith.constant 0 : i32
      %sign3A_821 = arith.cmpi sgt, %jit3A_811, %sign3A_820 : i32
      %sign3A_822 = arith.extui %sign3A_821 : i1 to i32
      %sign3A_823 = arith.constant 0 : i32
      %sign3A_824 = arith.cmpi slt, %jit3A_811, %sign3A_823 : i32
      %sign3A_825 = arith.extui %sign3A_824 : i1 to i32
      %sign3A_826 = arith.subi %sign3A_822, %sign3A_825 : i32
      %ne3A_827 = arith.cmpi ne, %sign3A_819, %sign3A_826 : i32
      %rem3A_828 = arith.remsi %scan3A_308, %jit3A_811 : i32
      %ne3A_829 = arith.constant 0 : i32
      %ne3A_830 = arith.cmpi ne, %rem3A_828, %ne3A_829 : i32
      %and3A_831 = arith.andi %ne3A_827, %ne3A_830 : i1
      %sub3A_832 = arith.constant 1 : i32
      %sub3A_833 = arith.subi %div3A_812, %sub3A_832 : i32
      %select_n3A_834 = arith.select %and3A_831, %sub3A_833, %div3A_812 : i32
      %jit3A_835 = arith.constant 8 : i32
      %eq3A_836 = arith.constant 0 : i32
      %eq3A_837 = arith.cmpi eq, %jit3A_835, %eq3A_836 : i32
      %jit3A_838 = arith.constant 1 : i32
      %select_n3A_839 = arith.select %eq3A_837, %jit3A_838, %jit3A_835 : i32
      %rem3A_840 = arith.remsi %scan3A_308, %select_n3A_839 : i32
      %ne3A_841 = arith.constant 0 : i32
      %ne3A_842 = arith.cmpi ne, %rem3A_840, %ne3A_841 : i32
      %lt3A_843 = arith.constant 0 : i32
      %lt3A_844 = arith.cmpi slt, %rem3A_840, %lt3A_843 : i32
      %lt3A_845 = arith.constant 0 : i32
      %lt3A_846 = arith.cmpi slt, %select_n3A_839, %lt3A_845 : i32
      %ne3A_847 = arith.xori %lt3A_844, %lt3A_846 : i1
      %and3A_848 = arith.andi %ne3A_847, %ne3A_842 : i1
      %add3A_849 = arith.addi %rem3A_840, %select_n3A_839 : i32
      %select_n3A_850 = arith.select %and3A_848, %add3A_849, %rem3A_840 : i32
      %swap3A_851 = arith.constant 1 : i32
      %swap3A_852 = arith.index_cast %select_n3A_834 : i32 to index
      %swap3A_853 = arith.index_cast %swap3A_851 : i32 to index
      %swap3A_854 = arith.index_cast %select_n3A_850 : i32 to index
      %swap3A_855 = arith.constant 32 : index
      %swap3A_856 = tpu.vector_load %arg9[%swap3A_852, %swap3A_853, %swap3A_854, %swap3A_855] {strides = array<i32>} : memref<8x2x8x128xf32, #tpu.memory_space<vmem>>, vector<16xf32>,
      tpu.vector_store %arg9[%swap3A_852, %swap3A_853, %swap3A_854, %swap3A_855], %gather3A_810 {strides = array<i32>} : memref<8x2x8x128xf32, #tpu.memory_space<vmem>>, vector<16xf32>,
      %add3A_857 = arith.constant 176 : i32
      %add3A_858 = vector.broadcast %add3A_857 : i32 to vector<16xi32>
      %add3A_859 = arith.addi %iota3A, %add3A_858 : vector<16xi32>
      %gather3A_860 = tpu.vector_load_idx %arg7[%add3A_859, %broadcast_in_dim3A] : memref<256x64xf32, #tpu.memory_space<vmem>>[vector<16xi32>, vector<16xi32>], vector<16xf32>,
      %jit3A_861 = arith.constant 8 : i32
      %div3A_862 = arith.divsi %scan3A_308, %jit3A_861 : i32
      %sign3A_863 = arith.constant 0 : i32
      %sign3A_864 = arith.cmpi sgt, %scan3A_308, %sign3A_863 : i32
      %sign3A_865 = arith.extui %sign3A_864 : i1 to i32
      %sign3A_866 = arith.constant 0 : i32
      %sign3A_867 = arith.cmpi slt, %scan3A_308, %sign3A_866 : i32
      %sign3A_868 = arith.extui %sign3A_867 : i1 to i32
      %sign3A_869 = arith.subi %sign3A_865, %sign3A_868 : i32
      %sign3A_870 = arith.constant 0 : i32
      %sign3A_871 = arith.cmpi sgt, %jit3A_861, %sign3A_870 : i32
      %sign3A_872 = arith.extui %sign3A_871 : i1 to i32
      %sign3A_873 = arith.constant 0 : i32
      %sign3A_874 = arith.cmpi slt, %jit3A_861, %sign3A_873 : i32
      %sign3A_875 = arith.extui %sign3A_874 : i1 to i32
      %sign3A_876 = arith.subi %sign3A_872, %sign3A_875 : i32
      %ne3A_877 = arith.cmpi ne, %sign3A_869, %sign3A_876 : i32
      %rem3A_878 = arith.remsi %scan3A_308, %jit3A_861 : i32
      %ne3A_879 = arith.constant 0 : i32
      %ne3A_880 = arith.cmpi ne, %rem3A_878, %ne3A_879 : i32
      %and3A_881 = arith.andi %ne3A_877, %ne3A_880 : i1
      %sub3A_882 = arith.constant 1 : i32
      %sub3A_883 = arith.subi %div3A_862, %sub3A_882 : i32
      %select_n3A_884 = arith.select %and3A_881, %sub3A_883, %div3A_862 : i32
      %jit3A_885 = arith.constant 8 : i32
      %eq3A_886 = arith.constant 0 : i32
      %eq3A_887 = arith.cmpi eq, %jit3A_885, %eq3A_886 : i32
      %jit3A_888 = arith.constant 1 : i32
      %select_n3A_889 = arith.select %eq3A_887, %jit3A_888, %jit3A_885 : i32
      %rem3A_890 = arith.remsi %scan3A_308, %select_n3A_889 : i32
      %ne3A_891 = arith.constant 0 : i32
      %ne3A_892 = arith.cmpi ne, %rem3A_890, %ne3A_891 : i32
      %lt3A_893 = arith.constant 0 : i32
      %lt3A_894 = arith.cmpi slt, %rem3A_890, %lt3A_893 : i32
      %lt3A_895 = arith.constant 0 : i32
      %lt3A_896 = arith.cmpi slt, %select_n3A_889, %lt3A_895 : i32
      %ne3A_897 = arith.xori %lt3A_894, %lt3A_896 : i1
      %and3A_898 = arith.andi %ne3A_897, %ne3A_892 : i1
      %add3A_899 = arith.addi %rem3A_890, %select_n3A_889 : i32
      %select_n3A_900 = arith.select %and3A_898, %add3A_899, %rem3A_890 : i32
      %swap3A_901 = arith.constant 1 : i32
      %swap3A_902 = arith.index_cast %select_n3A_884 : i32 to index
      %swap3A_903 = arith.index_cast %swap3A_901 : i32 to index
      %swap3A_904 = arith.index_cast %select_n3A_900 : i32 to index
      %swap3A_905 = arith.constant 48 : index
      %swap3A_906 = tpu.vector_load %arg9[%swap3A_902, %swap3A_903, %swap3A_904, %swap3A_905] {strides = array<i32>} : memref<8x2x8x128xf32, #tpu.memory_space<vmem>>, vector<16xf32>,
      tpu.vector_store %arg9[%swap3A_902, %swap3A_903, %swap3A_904, %swap3A_905], %gather3A_860 {strides = array<i32>} : memref<8x2x8x128xf32, #tpu.memory_space<vmem>>, vector<16xf32>,
      %add3A_907 = arith.constant 192 : i32
      %add3A_908 = vector.broadcast %add3A_907 : i32 to vector<16xi32>
      %add3A_909 = arith.addi %iota3A, %add3A_908 : vector<16xi32>
      %gather3A_910 = tpu.vector_load_idx %arg7[%add3A_909, %broadcast_in_dim3A] : memref<256x64xf32, #tpu.memory_space<vmem>>[vector<16xi32>, vector<16xi32>], vector<16xf32>,
      %jit3A_911 = arith.constant 8 : i32
      %div3A_912 = arith.divsi %scan3A_308, %jit3A_911 : i32
      %sign3A_913 = arith.constant 0 : i32
      %sign3A_914 = arith.cmpi sgt, %scan3A_308, %sign3A_913 : i32
      %sign3A_915 = arith.extui %sign3A_914 : i1 to i32
      %sign3A_916 = arith.constant 0 : i32
      %sign3A_917 = arith.cmpi slt, %scan3A_308, %sign3A_916 : i32
      %sign3A_918 = arith.extui %sign3A_917 : i1 to i32
      %sign3A_919 = arith.subi %sign3A_915, %sign3A_918 : i32
      %sign3A_920 = arith.constant 0 : i32
      %sign3A_921 = arith.cmpi sgt, %jit3A_911, %sign3A_920 : i32
      %sign3A_922 = arith.extui %sign3A_921 : i1 to i32
      %sign3A_923 = arith.constant 0 : i32
      %sign3A_924 = arith.cmpi slt, %jit3A_911, %sign3A_923 : i32
      %sign3A_925 = arith.extui %sign3A_924 : i1 to i32
      %sign3A_926 = arith.subi %sign3A_922, %sign3A_925 : i32
      %ne3A_927 = arith.cmpi ne, %sign3A_919, %sign3A_926 : i32
      %rem3A_928 = arith.remsi %scan3A_308, %jit3A_911 : i32
      %ne3A_929 = arith.constant 0 : i32
      %ne3A_930 = arith.cmpi ne, %rem3A_928, %ne3A_929 : i32
      %and3A_931 = arith.andi %ne3A_927, %ne3A_930 : i1
      %sub3A_932 = arith.constant 1 : i32
      %sub3A_933 = arith.subi %div3A_912, %sub3A_932 : i32
      %select_n3A_934 = arith.select %and3A_931, %sub3A_933, %div3A_912 : i32
      %jit3A_935 = arith.constant 8 : i32
      %eq3A_936 = arith.constant 0 : i32
      %eq3A_937 = arith.cmpi eq, %jit3A_935, %eq3A_936 : i32
      %jit3A_938 = arith.constant 1 : i32
      %select_n3A_939 = arith.select %eq3A_937, %jit3A_938, %jit3A_935 : i32
      %rem3A_940 = arith.remsi %scan3A_308, %select_n3A_939 : i32
      %ne3A_941 = arith.constant 0 : i32
      %ne3A_942 = arith.cmpi ne, %rem3A_940, %ne3A_941 : i32
      %lt3A_943 = arith.constant 0 : i32
      %lt3A_944 = arith.cmpi slt, %rem3A_940, %lt3A_943 : i32
      %lt3A_945 = arith.constant 0 : i32
      %lt3A_946 = arith.cmpi slt, %select_n3A_939, %lt3A_945 : i32
      %ne3A_947 = arith.xori %lt3A_944, %lt3A_946 : i1
      %and3A_948 = arith.andi %ne3A_947, %ne3A_942 : i1
      %add3A_949 = arith.addi %rem3A_940, %select_n3A_939 : i32
      %select_n3A_950 = arith.select %and3A_948, %add3A_949, %rem3A_940 : i32
      %swap3A_951 = arith.constant 1 : i32
      %swap3A_952 = arith.index_cast %select_n3A_934 : i32 to index
      %swap3A_953 = arith.index_cast %swap3A_951 : i32 to index
      %swap3A_954 = arith.index_cast %select_n3A_950 : i32 to index
      %swap3A_955 = arith.constant 64 : index
      %swap3A_956 = tpu.vector_load %arg9[%swap3A_952, %swap3A_953, %swap3A_954, %swap3A_955] {strides = array<i32>} : memref<8x2x8x128xf32, #tpu.memory_space<vmem>>, vector<16xf32>,
      tpu.vector_store %arg9[%swap3A_952, %swap3A_953, %swap3A_954, %swap3A_955], %gather3A_910 {strides = array<i32>} : memref<8x2x8x128xf32, #tpu.memory_space<vmem>>, vector<16xf32>,
      %add3A_957 = arith.constant 208 : i32
      %add3A_958 = vector.broadcast %add3A_957 : i32 to vector<16xi32>
      %add3A_959 = arith.addi %iota3A, %add3A_958 : vector<16xi32>
      %gather3A_960 = tpu.vector_load_idx %arg7[%add3A_959, %broadcast_in_dim3A] : memref<256x64xf32, #tpu.memory_space<vmem>>[vector<16xi32>, vector<16xi32>], vector<16xf32>,
      %jit3A_961 = arith.constant 8 : i32
      %div3A_962 = arith.divsi %scan3A_308, %jit3A_961 : i32
      %sign3A_963 = arith.constant 0 : i32
      %sign3A_964 = arith.cmpi sgt, %scan3A_308, %sign3A_963 : i32
      %sign3A_965 = arith.extui %sign3A_964 : i1 to i32
      %sign3A_966 = arith.constant 0 : i32
      %sign3A_967 = arith.cmpi slt, %scan3A_308, %sign3A_966 : i32
      %sign3A_968 = arith.extui %sign3A_967 : i1 to i32
      %sign3A_969 = arith.subi %sign3A_965, %sign3A_968 : i32
      %sign3A_970 = arith.constant 0 : i32
      %sign3A_971 = arith.cmpi sgt, %jit3A_961, %sign3A_970 : i32
      %sign3A_972 = arith.extui %sign3A_971 : i1 to i32
      %sign3A_973 = arith.constant 0 : i32
      %sign3A_974 = arith.cmpi slt, %jit3A_961, %sign3A_973 : i32
      %sign3A_975 = arith.extui %sign3A_974 : i1 to i32
      %sign3A_976 = arith.subi %sign3A_972, %sign3A_975 : i32
      %ne3A_977 = arith.cmpi ne, %sign3A_969, %sign3A_976 : i32
      %rem3A_978 = arith.remsi %scan3A_308, %jit3A_961 : i32
      %ne3A_979 = arith.constant 0 : i32
      %ne3A_980 = arith.cmpi ne, %rem3A_978, %ne3A_979 : i32
      %and3A_981 = arith.andi %ne3A_977, %ne3A_980 : i1
      %sub3A_982 = arith.constant 1 : i32
      %sub3A_983 = arith.subi %div3A_962, %sub3A_982 : i32
      %select_n3A_984 = arith.select %and3A_981, %sub3A_983, %div3A_962 : i32
      %jit3A_985 = arith.constant 8 : i32
      %eq3A_986 = arith.constant 0 : i32
      %eq3A_987 = arith.cmpi eq, %jit3A_985, %eq3A_986 : i32
      %jit3A_988 = arith.constant 1 : i32
      %select_n3A_989 = arith.select %eq3A_987, %jit3A_988, %jit3A_985 : i32
      %rem3A_990 = arith.remsi %scan3A_308, %select_n3A_989 : i32
      %ne3A_991 = arith.constant 0 : i32
      %ne3A_992 = arith.cmpi ne, %rem3A_990, %ne3A_991 : i32
      %lt3A_993 = arith.constant 0 : i32
      %lt3A_994 = arith.cmpi slt, %rem3A_990, %lt3A_993 : i32
      %lt3A_995 = arith.constant 0 : i32
      %lt3A_996 = arith.cmpi slt, %select_n3A_989, %lt3A_995 : i32
      %ne3A_997 = arith.xori %lt3A_994, %lt3A_996 : i1
      %and3A_998 = arith.andi %ne3A_997, %ne3A_992 : i1
      %add3A_999 = arith.addi %rem3A_990, %select_n3A_989 : i32
      %select_n3A_1000 = arith.select %and3A_998, %add3A_999, %rem3A_990 : i32
      %swap3A_1001 = arith.constant 1 : i32
      %swap3A_1002 = arith.index_cast %select_n3A_984 : i32 to index
      %swap3A_1003 = arith.index_cast %swap3A_1001 : i32 to index
      %swap3A_1004 = arith.index_cast %select_n3A_1000 : i32 to index
      %swap3A_1005 = arith.constant 80 : index
      %swap3A_1006 = tpu.vector_load %arg9[%swap3A_1002, %swap3A_1003, %swap3A_1004, %swap3A_1005] {strides = array<i32>} : memref<8x2x8x128xf32, #tpu.memory_space<vmem>>, vector<16xf32>,
      tpu.vector_store %arg9[%swap3A_1002, %swap3A_1003, %swap3A_1004, %swap3A_1005], %gather3A_960 {strides = array<i32>} : memref<8x2x8x128xf32, #tpu.memory_space<vmem>>, vector<16xf32>,
      %add3A_1007 = arith.constant 224 : i32
      %add3A_1008 = vector.broadcast %add3A_1007 : i32 to vector<16xi32>
      %add3A_1009 = arith.addi %iota3A, %add3A_1008 : vector<16xi32>
      %gather3A_1010 = tpu.vector_load_idx %arg7[%add3A_1009, %broadcast_in_dim3A] : memref<256x64xf32, #tpu.memory_space<vmem>>[vector<16xi32>, vector<16xi32>], vector<16xf32>,
      %jit3A_1011 = arith.constant 8 : i32
      %div3A_1012 = arith.divsi %scan3A_308, %jit3A_1011 : i32
      %sign3A_1013 = arith.constant 0 : i32
      %sign3A_1014 = arith.cmpi sgt, %scan3A_308, %sign3A_1013 : i32
      %sign3A_1015 = arith.extui %sign3A_1014 : i1 to i32
      %sign3A_1016 = arith.constant 0 : i32
      %sign3A_1017 = arith.cmpi slt, %scan3A_308, %sign3A_1016 : i32
      %sign3A_1018 = arith.extui %sign3A_1017 : i1 to i32
      %sign3A_1019 = arith.subi %sign3A_1015, %sign3A_1018 : i32
      %sign3A_1020 = arith.constant 0 : i32
      %sign3A_1021 = arith.cmpi sgt, %jit3A_1011, %sign3A_1020 : i32
      %sign3A_1022 = arith.extui %sign3A_1021 : i1 to i32
      %sign3A_1023 = arith.constant 0 : i32
      %sign3A_1024 = arith.cmpi slt, %jit3A_1011, %sign3A_1023 : i32
      %sign3A_1025 = arith.extui %sign3A_1024 : i1 to i32
      %sign3A_1026 = arith.subi %sign3A_1022, %sign3A_1025 : i32
      %ne3A_1027 = arith.cmpi ne, %sign3A_1019, %sign3A_1026 : i32
      %rem3A_1028 = arith.remsi %scan3A_308, %jit3A_1011 : i32
      %ne3A_1029 = arith.constant 0 : i32
      %ne3A_1030 = arith.cmpi ne, %rem3A_1028, %ne3A_1029 : i32
      %and3A_1031 = arith.andi %ne3A_1027, %ne3A_1030 : i1
      %sub3A_1032 = arith.constant 1 : i32
      %sub3A_1033 = arith.subi %div3A_1012, %sub3A_1032 : i32
      %select_n3A_1034 = arith.select %and3A_1031, %sub3A_1033, %div3A_1012 : i32
      %jit3A_1035 = arith.constant 8 : i32
      %eq3A_1036 = arith.constant 0 : i32
      %eq3A_1037 = arith.cmpi eq, %jit3A_1035, %eq3A_1036 : i32
      %jit3A_1038 = arith.constant 1 : i32
      %select_n3A_1039 = arith.select %eq3A_1037, %jit3A_1038, %jit3A_1035 : i32
      %rem3A_1040 = arith.remsi %scan3A_308, %select_n3A_1039 : i32
      %ne3A_1041 = arith.constant 0 : i32
      %ne3A_1042 = arith.cmpi ne, %rem3A_1040, %ne3A_1041 : i32
      %lt3A_1043 = arith.constant 0 : i32
      %lt3A_1044 = arith.cmpi slt, %rem3A_1040, %lt3A_1043 : i32
      %lt3A_1045 = arith.constant 0 : i32
      %lt3A_1046 = arith.cmpi slt, %select_n3A_1039, %lt3A_1045 : i32
      %ne3A_1047 = arith.xori %lt3A_1044, %lt3A_1046 : i1
      %and3A_1048 = arith.andi %ne3A_1047, %ne3A_1042 : i1
      %add3A_1049 = arith.addi %rem3A_1040, %select_n3A_1039 : i32
      %select_n3A_1050 = arith.select %and3A_1048, %add3A_1049, %rem3A_1040 : i32
      %swap3A_1051 = arith.constant 1 : i32
      %swap3A_1052 = arith.index_cast %select_n3A_1034 : i32 to index
      %swap3A_1053 = arith.index_cast %swap3A_1051 : i32 to index
      %swap3A_1054 = arith.index_cast %select_n3A_1050 : i32 to index
      %swap3A_1055 = arith.constant 96 : index
      %swap3A_1056 = tpu.vector_load %arg9[%swap3A_1052, %swap3A_1053, %swap3A_1054, %swap3A_1055] {strides = array<i32>} : memref<8x2x8x128xf32, #tpu.memory_space<vmem>>, vector<16xf32>,
      tpu.vector_store %arg9[%swap3A_1052, %swap3A_1053, %swap3A_1054, %swap3A_1055], %gather3A_1010 {strides = array<i32>} : memref<8x2x8x128xf32, #tpu.memory_space<vmem>>, vector<16xf32>,
      %add3A_1057 = arith.constant 240 : i32
      %add3A_1058 = vector.broadcast %add3A_1057 : i32 to vector<16xi32>
      %add3A_1059 = arith.addi %iota3A, %add3A_1058 : vector<16xi32>
      %gather3A_1060 = tpu.vector_load_idx %arg7[%add3A_1059, %broadcast_in_dim3A] : memref<256x64xf32, #tpu.memory_space<vmem>>[vector<16xi32>, vector<16xi32>], vector<16xf32>,
      %jit3A_1061 = arith.constant 8 : i32
      %div3A_1062 = arith.divsi %scan3A_308, %jit3A_1061 : i32
      %sign3A_1063 = arith.constant 0 : i32
      %sign3A_1064 = arith.cmpi sgt, %scan3A_308, %sign3A_1063 : i32
      %sign3A_1065 = arith.extui %sign3A_1064 : i1 to i32
      %sign3A_1066 = arith.constant 0 : i32
      %sign3A_1067 = arith.cmpi slt, %scan3A_308, %sign3A_1066 : i32
      %sign3A_1068 = arith.extui %sign3A_1067 : i1 to i32
      %sign3A_1069 = arith.subi %sign3A_1065, %sign3A_1068 : i32
      %sign3A_1070 = arith.constant 0 : i32
      %sign3A_1071 = arith.cmpi sgt, %jit3A_1061, %sign3A_1070 : i32
      %sign3A_1072 = arith.extui %sign3A_1071 : i1 to i32
      %sign3A_1073 = arith.constant 0 : i32
      %sign3A_1074 = arith.cmpi slt, %jit3A_1061, %sign3A_1073 : i32
      %sign3A_1075 = arith.extui %sign3A_1074 : i1 to i32
      %sign3A_1076 = arith.subi %sign3A_1072, %sign3A_1075 : i32
      %ne3A_1077 = arith.cmpi ne, %sign3A_1069, %sign3A_1076 : i32
      %rem3A_1078 = arith.remsi %scan3A_308, %jit3A_1061 : i32
      %ne3A_1079 = arith.constant 0 : i32
      %ne3A_1080 = arith.cmpi ne, %rem3A_1078, %ne3A_1079 : i32
      %and3A_1081 = arith.andi %ne3A_1077, %ne3A_1080 : i1
      %sub3A_1082 = arith.constant 1 : i32
      %sub3A_1083 = arith.subi %div3A_1062, %sub3A_1082 : i32
      %select_n3A_1084 = arith.select %and3A_1081, %sub3A_1083, %div3A_1062 : i32
      %jit3A_1085 = arith.constant 8 : i32
      %eq3A_1086 = arith.constant 0 : i32
      %eq3A_1087 = arith.cmpi eq, %jit3A_1085, %eq3A_1086 : i32
      %jit3A_1088 = arith.constant 1 : i32
      %select_n3A_1089 = arith.select %eq3A_1087, %jit3A_1088, %jit3A_1085 : i32
      %rem3A_1090 = arith.remsi %scan3A_308, %select_n3A_1089 : i32
      %ne3A_1091 = arith.constant 0 : i32
      %ne3A_1092 = arith.cmpi ne, %rem3A_1090, %ne3A_1091 : i32
      %lt3A_1093 = arith.constant 0 : i32
      %lt3A_1094 = arith.cmpi slt, %rem3A_1090, %lt3A_1093 : i32
      %lt3A_1095 = arith.constant 0 : i32
      %lt3A_1096 = arith.cmpi slt, %select_n3A_1089, %lt3A_1095 : i32
      %ne3A_1097 = arith.xori %lt3A_1094, %lt3A_1096 : i1
      %and3A_1098 = arith.andi %ne3A_1097, %ne3A_1092 : i1
      %add3A_1099 = arith.addi %rem3A_1090, %select_n3A_1089 : i32
      %select_n3A_1100 = arith.select %and3A_1098, %add3A_1099, %rem3A_1090 : i32
      %swap3A_1101 = arith.constant 1 : i32
      %swap3A_1102 = arith.index_cast %select_n3A_1084 : i32 to index
      %swap3A_1103 = arith.index_cast %swap3A_1101 : i32 to index
      %swap3A_1104 = arith.index_cast %select_n3A_1100 : i32 to index
      %swap3A_1105 = arith.constant 112 : index
      %swap3A_1106 = tpu.vector_load %arg9[%swap3A_1102, %swap3A_1103, %swap3A_1104, %swap3A_1105] {strides = array<i32>} : memref<8x2x8x128xf32, #tpu.memory_space<vmem>>, vector<16xf32>,
      tpu.vector_store %arg9[%swap3A_1102, %swap3A_1103, %swap3A_1104, %swap3A_1105], %gather3A_1060 {strides = array<i32>} : memref<8x2x8x128xf32, #tpu.memory_space<vmem>>, vector<16xf32>,
    }
    %scan3A_231 = arith.constant 64 : i32
    %mul3A_232 = arith.constant 8 : i32
    %mul3A_233 = arith.muli %select_n3A, %mul3A_232 : i32
    %add3A_234 = arith.constant 12 : i32
    %add3A_235 = arith.addi %mul3A_32, %add3A_234 : i32
    %dma_start3A_236 = arith.constant 0 : i32
    %dma_start3A_237 = arith.constant 0 : i32
    %dma_start3A_238 = tpu.memref_slice %arg4[%mul3A_233, %add3A_235, %dma_start3A_236, %dma_start3A_237] : memref<128x32x8x128xf32, #tpu.memory_space<hbm>> -> memref<8x2x8x128xf32, #tpu.memory_space<hbm>>
    %dma_start3A_239 = arith.constant 0 : i32
    %dma_start3A_240 = arith.constant 0 : i32
    %dma_start3A_241 = tpu.memref_slice %arg4[%mul3A_233, %add3A_235, %dma_start3A_239, %dma_start3A_240] : memref<128x32x8x128xf32, #tpu.memory_space<hbm>> -> memref<8x2x8x128xf32, #tpu.memory_space<hbm>>
    tpu.enqueue_dma source(%arg9 : memref<8x2x8x128xf32, #tpu.memory_space<vmem>>) target(%dma_start3A_241 : memref<8x2x8x128xf32, #tpu.memory_space<hbm>>) target_semaphore(%arg13 : memref<!tpu.dma_semaphore, #tpu.memory_space<semaphore_mem>>)
    %dma_wait3A_242 = arith.constant 14 : i32
    %dma_wait3A_243 = arith.constant 0 : i32
    %dma_wait3A_244 = arith.constant 0 : i32
    %dma_wait3A_245 = tpu.memref_slice %arg8[%dma_wait3A_243, %dma_wait3A_244] : memref<256x64xf32, #tpu.memory_space<vmem>> -> memref<128x64xf32, #tpu.memory_space<vmem>>
    %dma_wait3A_246 = arith.constant 0 : i32
    %dma_wait3A_247 = tpu.memref_slice %arg6[%dma_wait3A_242, %dma_wait3A_246] : memref<16x128xi32, #tpu.memory_space<vmem>> -> memref<1x128xi32, #tpu.memory_space<vmem>>
    %dma_wait3A_248 = tpu.memref_squeeze %dma_wait3A_247 : memref<1x128xi32, #tpu.memory_space<vmem>> -> memref<128xi32, #tpu.memory_space<vmem>>
    %dma_wait3A_249 = arith.constant 0 : i32
    %dma_wait3A_250 = arith.constant 0 : i32
    %dma_wait3A_251 = tpu.memref_slice %arg3[%dma_wait3A_249, %dma_wait3A_250] : memref<100352x64xf32, #tpu.memory_space<hbm>> -> memref<100352x64xf32, #tpu.memory_space<hbm>>
    tpu.wait_indirect_dma semaphore(%arg12 : memref<!tpu.dma_semaphore, #tpu.memory_space<semaphore_mem>>) src(%dma_wait3A_251 : memref<100352x64xf32, #tpu.memory_space<hbm>>) dst(%dma_wait3A_245 : memref<128x64xf32, #tpu.memory_space<vmem>>)
    %dma_wait3A_252 = arith.constant 15 : i32
    %dma_wait3A_253 = arith.constant 128 : i32
    %dma_wait3A_254 = arith.constant 0 : i32
    %dma_wait3A_255 = tpu.memref_slice %arg8[%dma_wait3A_253, %dma_wait3A_254] : memref<256x64xf32, #tpu.memory_space<vmem>> -> memref<128x64xf32, #tpu.memory_space<vmem>>
    %dma_wait3A_256 = arith.constant 0 : i32
    %dma_wait3A_257 = tpu.memref_slice %arg6[%dma_wait3A_252, %dma_wait3A_256] : memref<16x128xi32, #tpu.memory_space<vmem>> -> memref<1x128xi32, #tpu.memory_space<vmem>>
    %dma_wait3A_258 = tpu.memref_squeeze %dma_wait3A_257 : memref<1x128xi32, #tpu.memory_space<vmem>> -> memref<128xi32, #tpu.memory_space<vmem>>
    %dma_wait3A_259 = arith.constant 0 : i32
    %dma_wait3A_260 = arith.constant 0 : i32
    %dma_wait3A_261 = tpu.memref_slice %arg3[%dma_wait3A_259, %dma_wait3A_260] : memref<100352x64xf32, #tpu.memory_space<hbm>> -> memref<100352x64xf32, #tpu.memory_space<hbm>>
    tpu.wait_indirect_dma semaphore(%arg12 : memref<!tpu.dma_semaphore, #tpu.memory_space<semaphore_mem>>) src(%dma_wait3A_261 : memref<100352x64xf32, #tpu.memory_space<hbm>>) dst(%dma_wait3A_255 : memref<128x64xf32, #tpu.memory_space<vmem>>)
    %mul3A_262 = arith.constant 8 : i32
    %mul3A_263 = arith.muli %select_n3A, %mul3A_262 : i32
    %add3A_264 = arith.constant 10 : i32
    %add3A_265 = arith.addi %mul3A_32, %add3A_264 : i32
    %dma_wait3A_266 = arith.constant 0 : i32
    %dma_wait3A_267 = arith.constant 0 : i32
    %dma_wait3A_268 = tpu.memref_slice %arg4[%mul3A_263, %add3A_265, %dma_wait3A_266, %dma_wait3A_267] : memref<128x32x8x128xf32, #tpu.memory_space<hbm>> -> memref<8x2x8x128xf32, #tpu.memory_space<hbm>>
    %dma_wait3A_269 = arith.constant 0 : i32
    %dma_wait3A_270 = arith.constant 0 : i32
    %dma_wait3A_271 = tpu.memref_slice %arg4[%mul3A_263, %add3A_265, %dma_wait3A_269, %dma_wait3A_270] : memref<128x32x8x128xf32, #tpu.memory_space<hbm>> -> memref<8x2x8x128xf32, #tpu.memory_space<hbm>>
    tpu.wait_dma2 semaphore(%arg14 : memref<!tpu.dma_semaphore, #tpu.memory_space<semaphore_mem>>) src(%arg10 : memref<8x2x8x128xf32, #tpu.memory_space<vmem>>) dst(%dma_wait3A_271 : memref<8x2x8x128xf32, #tpu.memory_space<hbm>>)
    %scan3A_272 = arith.constant 0 : i32
    %scan3A_273 = arith.constant 0 : i32
    %scan3A_274 = arith.constant 64 : i32
    %scan3A_275 = arith.addi %scan3A_273, %scan3A_274 : i32
    %scan3A_276 = arith.constant 1 : i32
    scf.for %scan3A_308 = %scan3A_273 to %scan3A_275 step %scan3A_276  : i32 {
      %broadcast_in_dim3A = vector.broadcast %scan3A_308 : i32 to vector<16xi32>
      %add3A_309 = arith.constant 0 : i32
      %add3A_310 = vector.broadcast %add3A_309 : i32 to vector<16xi32>
      %add3A_311 = arith.addi %iota3A, %add3A_310 : vector<16xi32>
      %gather3A = tpu.vector_load_idx %arg8[%add3A_311, %broadcast_in_dim3A] : memref<256x64xf32, #tpu.memory_space<vmem>>[vector<16xi32>, vector<16xi32>], vector<16xf32>,
      %jit3A_312 = arith.constant 8 : i32
      %div3A_313 = arith.divsi %scan3A_308, %jit3A_312 : i32
      %sign3A_314 = arith.constant 0 : i32
      %sign3A_315 = arith.cmpi sgt, %scan3A_308, %sign3A_314 : i32
      %sign3A_316 = arith.extui %sign3A_315 : i1 to i32
      %sign3A_317 = arith.constant 0 : i32
      %sign3A_318 = arith.cmpi slt, %scan3A_308, %sign3A_317 : i32
      %sign3A_319 = arith.extui %sign3A_318 : i1 to i32
      %sign3A_320 = arith.subi %sign3A_316, %sign3A_319 : i32
      %sign3A_321 = arith.constant 0 : i32
      %sign3A_322 = arith.cmpi sgt, %jit3A_312, %sign3A_321 : i32
      %sign3A_323 = arith.extui %sign3A_322 : i1 to i32
      %sign3A_324 = arith.constant 0 : i32
      %sign3A_325 = arith.cmpi slt, %jit3A_312, %sign3A_324 : i32
      %sign3A_326 = arith.extui %sign3A_325 : i1 to i32
      %sign3A_327 = arith.subi %sign3A_323, %sign3A_326 : i32
      %ne3A_328 = arith.cmpi ne, %sign3A_320, %sign3A_327 : i32
      %rem3A_329 = arith.remsi %scan3A_308, %jit3A_312 : i32
      %ne3A_330 = arith.constant 0 : i32
      %ne3A_331 = arith.cmpi ne, %rem3A_329, %ne3A_330 : i32
      %and3A_332 = arith.andi %ne3A_328, %ne3A_331 : i1
      %sub3A_333 = arith.constant 1 : i32
      %sub3A_334 = arith.subi %div3A_313, %sub3A_333 : i32
      %select_n3A_335 = arith.select %and3A_332, %sub3A_334, %div3A_313 : i32
      %jit3A_336 = arith.constant 8 : i32
      %eq3A_337 = arith.constant 0 : i32
      %eq3A_338 = arith.cmpi eq, %jit3A_336, %eq3A_337 : i32
      %jit3A_339 = arith.constant 1 : i32
      %select_n3A_340 = arith.select %eq3A_338, %jit3A_339, %jit3A_336 : i32
      %rem3A_341 = arith.remsi %scan3A_308, %select_n3A_340 : i32
      %ne3A_342 = arith.constant 0 : i32
      %ne3A_343 = arith.cmpi ne, %rem3A_341, %ne3A_342 : i32
      %lt3A_344 = arith.constant 0 : i32
      %lt3A_345 = arith.cmpi slt, %rem3A_341, %lt3A_344 : i32
      %lt3A_346 = arith.constant 0 : i32
      %lt3A_347 = arith.cmpi slt, %select_n3A_340, %lt3A_346 : i32
      %ne3A_348 = arith.xori %lt3A_345, %lt3A_347 : i1
      %and3A_349 = arith.andi %ne3A_348, %ne3A_343 : i1
      %add3A_350 = arith.addi %rem3A_341, %select_n3A_340 : i32
      %select_n3A_351 = arith.select %and3A_349, %add3A_350, %rem3A_341 : i32
      %swap3A = arith.constant 0 : i32
      %swap3A_352 = arith.index_cast %select_n3A_335 : i32 to index
      %swap3A_353 = arith.index_cast %swap3A : i32 to index
      %swap3A_354 = arith.index_cast %select_n3A_351 : i32 to index
      %swap3A_355 = arith.constant 0 : index
      %swap3A_356 = tpu.vector_load %arg10[%swap3A_352, %swap3A_353, %swap3A_354, %swap3A_355] {strides = array<i32>} : memref<8x2x8x128xf32, #tpu.memory_space<vmem>>, vector<16xf32>,
      tpu.vector_store %arg10[%swap3A_352, %swap3A_353, %swap3A_354, %swap3A_355], %gather3A {strides = array<i32>} : memref<8x2x8x128xf32, #tpu.memory_space<vmem>>, vector<16xf32>,
      %add3A_357 = arith.constant 16 : i32
      %add3A_358 = vector.broadcast %add3A_357 : i32 to vector<16xi32>
      %add3A_359 = arith.addi %iota3A, %add3A_358 : vector<16xi32>
      %gather3A_360 = tpu.vector_load_idx %arg8[%add3A_359, %broadcast_in_dim3A] : memref<256x64xf32, #tpu.memory_space<vmem>>[vector<16xi32>, vector<16xi32>], vector<16xf32>,
      %jit3A_361 = arith.constant 8 : i32
      %div3A_362 = arith.divsi %scan3A_308, %jit3A_361 : i32
      %sign3A_363 = arith.constant 0 : i32
      %sign3A_364 = arith.cmpi sgt, %scan3A_308, %sign3A_363 : i32
      %sign3A_365 = arith.extui %sign3A_364 : i1 to i32
      %sign3A_366 = arith.constant 0 : i32
      %sign3A_367 = arith.cmpi slt, %scan3A_308, %sign3A_366 : i32
      %sign3A_368 = arith.extui %sign3A_367 : i1 to i32
      %sign3A_369 = arith.subi %sign3A_365, %sign3A_368 : i32
      %sign3A_370 = arith.constant 0 : i32
      %sign3A_371 = arith.cmpi sgt, %jit3A_361, %sign3A_370 : i32
      %sign3A_372 = arith.extui %sign3A_371 : i1 to i32
      %sign3A_373 = arith.constant 0 : i32
      %sign3A_374 = arith.cmpi slt, %jit3A_361, %sign3A_373 : i32
      %sign3A_375 = arith.extui %sign3A_374 : i1 to i32
      %sign3A_376 = arith.subi %sign3A_372, %sign3A_375 : i32
      %ne3A_377 = arith.cmpi ne, %sign3A_369, %sign3A_376 : i32
      %rem3A_378 = arith.remsi %scan3A_308, %jit3A_361 : i32
      %ne3A_379 = arith.constant 0 : i32
      %ne3A_380 = arith.cmpi ne, %rem3A_378, %ne3A_379 : i32
      %and3A_381 = arith.andi %ne3A_377, %ne3A_380 : i1
      %sub3A_382 = arith.constant 1 : i32
      %sub3A_383 = arith.subi %div3A_362, %sub3A_382 : i32
      %select_n3A_384 = arith.select %and3A_381, %sub3A_383, %div3A_362 : i32
      %jit3A_385 = arith.constant 8 : i32
      %eq3A_386 = arith.constant 0 : i32
      %eq3A_387 = arith.cmpi eq, %jit3A_385, %eq3A_386 : i32
      %jit3A_388 = arith.constant 1 : i32
      %select_n3A_389 = arith.select %eq3A_387, %jit3A_388, %jit3A_385 : i32
      %rem3A_390 = arith.remsi %scan3A_308, %select_n3A_389 : i32
      %ne3A_391 = arith.constant 0 : i32
      %ne3A_392 = arith.cmpi ne, %rem3A_390, %ne3A_391 : i32
      %lt3A_393 = arith.constant 0 : i32
      %lt3A_394 = arith.cmpi slt, %rem3A_390, %lt3A_393 : i32
      %lt3A_395 = arith.constant 0 : i32
      %lt3A_396 = arith.cmpi slt, %select_n3A_389, %lt3A_395 : i32
      %ne3A_397 = arith.xori %lt3A_394, %lt3A_396 : i1
      %and3A_398 = arith.andi %ne3A_397, %ne3A_392 : i1
      %add3A_399 = arith.addi %rem3A_390, %select_n3A_389 : i32
      %select_n3A_400 = arith.select %and3A_398, %add3A_399, %rem3A_390 : i32
      %swap3A_401 = arith.constant 0 : i32
      %swap3A_402 = arith.index_cast %select_n3A_384 : i32 to index
      %swap3A_403 = arith.index_cast %swap3A_401 : i32 to index
      %swap3A_404 = arith.index_cast %select_n3A_400 : i32 to index
      %swap3A_405 = arith.constant 16 : index
      %swap3A_406 = tpu.vector_load %arg10[%swap3A_402, %swap3A_403, %swap3A_404, %swap3A_405] {strides = array<i32>} : memref<8x2x8x128xf32, #tpu.memory_space<vmem>>, vector<16xf32>,
      tpu.vector_store %arg10[%swap3A_402, %swap3A_403, %swap3A_404, %swap3A_405], %gather3A_360 {strides = array<i32>} : memref<8x2x8x128xf32, #tpu.memory_space<vmem>>, vector<16xf32>,
      %add3A_407 = arith.constant 32 : i32
      %add3A_408 = vector.broadcast %add3A_407 : i32 to vector<16xi32>
      %add3A_409 = arith.addi %iota3A, %add3A_408 : vector<16xi32>
      %gather3A_410 = tpu.vector_load_idx %arg8[%add3A_409, %broadcast_in_dim3A] : memref<256x64xf32, #tpu.memory_space<vmem>>[vector<16xi32>, vector<16xi32>], vector<16xf32>,
      %jit3A_411 = arith.constant 8 : i32
      %div3A_412 = arith.divsi %scan3A_308, %jit3A_411 : i32
      %sign3A_413 = arith.constant 0 : i32
      %sign3A_414 = arith.cmpi sgt, %scan3A_308, %sign3A_413 : i32
      %sign3A_415 = arith.extui %sign3A_414 : i1 to i32
      %sign3A_416 = arith.constant 0 : i32
      %sign3A_417 = arith.cmpi slt, %scan3A_308, %sign3A_416 : i32
      %sign3A_418 = arith.extui %sign3A_417 : i1 to i32
      %sign3A_419 = arith.subi %sign3A_415, %sign3A_418 : i32
      %sign3A_420 = arith.constant 0 : i32
      %sign3A_421 = arith.cmpi sgt, %jit3A_411, %sign3A_420 : i32
      %sign3A_422 = arith.extui %sign3A_421 : i1 to i32
      %sign3A_423 = arith.constant 0 : i32
      %sign3A_424 = arith.cmpi slt, %jit3A_411, %sign3A_423 : i32
      %sign3A_425 = arith.extui %sign3A_424 : i1 to i32
      %sign3A_426 = arith.subi %sign3A_422, %sign3A_425 : i32
      %ne3A_427 = arith.cmpi ne, %sign3A_419, %sign3A_426 : i32
      %rem3A_428 = arith.remsi %scan3A_308, %jit3A_411 : i32
      %ne3A_429 = arith.constant 0 : i32
      %ne3A_430 = arith.cmpi ne, %rem3A_428, %ne3A_429 : i32
      %and3A_431 = arith.andi %ne3A_427, %ne3A_430 : i1
      %sub3A_432 = arith.constant 1 : i32
      %sub3A_433 = arith.subi %div3A_412, %sub3A_432 : i32
      %select_n3A_434 = arith.select %and3A_431, %sub3A_433, %div3A_412 : i32
      %jit3A_435 = arith.constant 8 : i32
      %eq3A_436 = arith.constant 0 : i32
      %eq3A_437 = arith.cmpi eq, %jit3A_435, %eq3A_436 : i32
      %jit3A_438 = arith.constant 1 : i32
      %select_n3A_439 = arith.select %eq3A_437, %jit3A_438, %jit3A_435 : i32
      %rem3A_440 = arith.remsi %scan3A_308, %select_n3A_439 : i32
      %ne3A_441 = arith.constant 0 : i32
      %ne3A_442 = arith.cmpi ne, %rem3A_440, %ne3A_441 : i32
      %lt3A_443 = arith.constant 0 : i32
      %lt3A_444 = arith.cmpi slt, %rem3A_440, %lt3A_443 : i32
      %lt3A_445 = arith.constant 0 : i32
      %lt3A_446 = arith.cmpi slt, %select_n3A_439, %lt3A_445 : i32
      %ne3A_447 = arith.xori %lt3A_444, %lt3A_446 : i1
      %and3A_448 = arith.andi %ne3A_447, %ne3A_442 : i1
      %add3A_449 = arith.addi %rem3A_440, %select_n3A_439 : i32
      %select_n3A_450 = arith.select %and3A_448, %add3A_449, %rem3A_440 : i32
      %swap3A_451 = arith.constant 0 : i32
      %swap3A_452 = arith.index_cast %select_n3A_434 : i32 to index
      %swap3A_453 = arith.index_cast %swap3A_451 : i32 to index
      %swap3A_454 = arith.index_cast %select_n3A_450 : i32 to index
      %swap3A_455 = arith.constant 32 : index
      %swap3A_456 = tpu.vector_load %arg10[%swap3A_452, %swap3A_453, %swap3A_454, %swap3A_455] {strides = array<i32>} : memref<8x2x8x128xf32, #tpu.memory_space<vmem>>, vector<16xf32>,
      tpu.vector_store %arg10[%swap3A_452, %swap3A_453, %swap3A_454, %swap3A_455], %gather3A_410 {strides = array<i32>} : memref<8x2x8x128xf32, #tpu.memory_space<vmem>>, vector<16xf32>,
      %add3A_457 = arith.constant 48 : i32
      %add3A_458 = vector.broadcast %add3A_457 : i32 to vector<16xi32>
      %add3A_459 = arith.addi %iota3A, %add3A_458 : vector<16xi32>
      %gather3A_460 = tpu.vector_load_idx %arg8[%add3A_459, %broadcast_in_dim3A] : memref<256x64xf32, #tpu.memory_space<vmem>>[vector<16xi32>, vector<16xi32>], vector<16xf32>,
      %jit3A_461 = arith.constant 8 : i32
      %div3A_462 = arith.divsi %scan3A_308, %jit3A_461 : i32
      %sign3A_463 = arith.constant 0 : i32
      %sign3A_464 = arith.cmpi sgt, %scan3A_308, %sign3A_463 : i32
      %sign3A_465 = arith.extui %sign3A_464 : i1 to i32
      %sign3A_466 = arith.constant 0 : i32
      %sign3A_467 = arith.cmpi slt, %scan3A_308, %sign3A_466 : i32
      %sign3A_468 = arith.extui %sign3A_467 : i1 to i32
      %sign3A_469 = arith.subi %sign3A_465, %sign3A_468 : i32
      %sign3A_470 = arith.constant 0 : i32
      %sign3A_471 = arith.cmpi sgt, %jit3A_461, %sign3A_470 : i32
      %sign3A_472 = arith.extui %sign3A_471 : i1 to i32
      %sign3A_473 = arith.constant 0 : i32
      %sign3A_474 = arith.cmpi slt, %jit3A_461, %sign3A_473 : i32
      %sign3A_475 = arith.extui %sign3A_474 : i1 to i32
      %sign3A_476 = arith.subi %sign3A_472, %sign3A_475 : i32
      %ne3A_477 = arith.cmpi ne, %sign3A_469, %sign3A_476 : i32
      %rem3A_478 = arith.remsi %scan3A_308, %jit3A_461 : i32
      %ne3A_479 = arith.constant 0 : i32
      %ne3A_480 = arith.cmpi ne, %rem3A_478, %ne3A_479 : i32
      %and3A_481 = arith.andi %ne3A_477, %ne3A_480 : i1
      %sub3A_482 = arith.constant 1 : i32
      %sub3A_483 = arith.subi %div3A_462, %sub3A_482 : i32
      %select_n3A_484 = arith.select %and3A_481, %sub3A_483, %div3A_462 : i32
      %jit3A_485 = arith.constant 8 : i32
      %eq3A_486 = arith.constant 0 : i32
      %eq3A_487 = arith.cmpi eq, %jit3A_485, %eq3A_486 : i32
      %jit3A_488 = arith.constant 1 : i32
      %select_n3A_489 = arith.select %eq3A_487, %jit3A_488, %jit3A_485 : i32
      %rem3A_490 = arith.remsi %scan3A_308, %select_n3A_489 : i32
      %ne3A_491 = arith.constant 0 : i32
      %ne3A_492 = arith.cmpi ne, %rem3A_490, %ne3A_491 : i32
      %lt3A_493 = arith.constant 0 : i32
      %lt3A_494 = arith.cmpi slt, %rem3A_490, %lt3A_493 : i32
      %lt3A_495 = arith.constant 0 : i32
      %lt3A_496 = arith.cmpi slt, %select_n3A_489, %lt3A_495 : i32
      %ne3A_497 = arith.xori %lt3A_494, %lt3A_496 : i1
      %and3A_498 = arith.andi %ne3A_497, %ne3A_492 : i1
      %add3A_499 = arith.addi %rem3A_490, %select_n3A_489 : i32
      %select_n3A_500 = arith.select %and3A_498, %add3A_499, %rem3A_490 : i32
      %swap3A_501 = arith.constant 0 : i32
      %swap3A_502 = arith.index_cast %select_n3A_484 : i32 to index
      %swap3A_503 = arith.index_cast %swap3A_501 : i32 to index
      %swap3A_504 = arith.index_cast %select_n3A_500 : i32 to index
      %swap3A_505 = arith.constant 48 : index
      %swap3A_506 = tpu.vector_load %arg10[%swap3A_502, %swap3A_503, %swap3A_504, %swap3A_505] {strides = array<i32>} : memref<8x2x8x128xf32, #tpu.memory_space<vmem>>, vector<16xf32>,
      tpu.vector_store %arg10[%swap3A_502, %swap3A_503, %swap3A_504, %swap3A_505], %gather3A_460 {strides = array<i32>} : memref<8x2x8x128xf32, #tpu.memory_space<vmem>>, vector<16xf32>,
      %add3A_507 = arith.constant 64 : i32
      %add3A_508 = vector.broadcast %add3A_507 : i32 to vector<16xi32>
      %add3A_509 = arith.addi %iota3A, %add3A_508 : vector<16xi32>
      %gather3A_510 = tpu.vector_load_idx %arg8[%add3A_509, %broadcast_in_dim3A] : memref<256x64xf32, #tpu.memory_space<vmem>>[vector<16xi32>, vector<16xi32>], vector<16xf32>,
      %jit3A_511 = arith.constant 8 : i32
      %div3A_512 = arith.divsi %scan3A_308, %jit3A_511 : i32
      %sign3A_513 = arith.constant 0 : i32
      %sign3A_514 = arith.cmpi sgt, %scan3A_308, %sign3A_513 : i32
      %sign3A_515 = arith.extui %sign3A_514 : i1 to i32
      %sign3A_516 = arith.constant 0 : i32
      %sign3A_517 = arith.cmpi slt, %scan3A_308, %sign3A_516 : i32
      %sign3A_518 = arith.extui %sign3A_517 : i1 to i32
      %sign3A_519 = arith.subi %sign3A_515, %sign3A_518 : i32
      %sign3A_520 = arith.constant 0 : i32
      %sign3A_521 = arith.cmpi sgt, %jit3A_511, %sign3A_520 : i32
      %sign3A_522 = arith.extui %sign3A_521 : i1 to i32
      %sign3A_523 = arith.constant 0 : i32
      %sign3A_524 = arith.cmpi slt, %jit3A_511, %sign3A_523 : i32
      %sign3A_525 = arith.extui %sign3A_524 : i1 to i32
      %sign3A_526 = arith.subi %sign3A_522, %sign3A_525 : i32
      %ne3A_527 = arith.cmpi ne, %sign3A_519, %sign3A_526 : i32
      %rem3A_528 = arith.remsi %scan3A_308, %jit3A_511 : i32
      %ne3A_529 = arith.constant 0 : i32
      %ne3A_530 = arith.cmpi ne, %rem3A_528, %ne3A_529 : i32
      %and3A_531 = arith.andi %ne3A_527, %ne3A_530 : i1
      %sub3A_532 = arith.constant 1 : i32
      %sub3A_533 = arith.subi %div3A_512, %sub3A_532 : i32
      %select_n3A_534 = arith.select %and3A_531, %sub3A_533, %div3A_512 : i32
      %jit3A_535 = arith.constant 8 : i32
      %eq3A_536 = arith.constant 0 : i32
      %eq3A_537 = arith.cmpi eq, %jit3A_535, %eq3A_536 : i32
      %jit3A_538 = arith.constant 1 : i32
      %select_n3A_539 = arith.select %eq3A_537, %jit3A_538, %jit3A_535 : i32
      %rem3A_540 = arith.remsi %scan3A_308, %select_n3A_539 : i32
      %ne3A_541 = arith.constant 0 : i32
      %ne3A_542 = arith.cmpi ne, %rem3A_540, %ne3A_541 : i32
      %lt3A_543 = arith.constant 0 : i32
      %lt3A_544 = arith.cmpi slt, %rem3A_540, %lt3A_543 : i32
      %lt3A_545 = arith.constant 0 : i32
      %lt3A_546 = arith.cmpi slt, %select_n3A_539, %lt3A_545 : i32
      %ne3A_547 = arith.xori %lt3A_544, %lt3A_546 : i1
      %and3A_548 = arith.andi %ne3A_547, %ne3A_542 : i1
      %add3A_549 = arith.addi %rem3A_540, %select_n3A_539 : i32
      %select_n3A_550 = arith.select %and3A_548, %add3A_549, %rem3A_540 : i32
      %swap3A_551 = arith.constant 0 : i32
      %swap3A_552 = arith.index_cast %select_n3A_534 : i32 to index
      %swap3A_553 = arith.index_cast %swap3A_551 : i32 to index
      %swap3A_554 = arith.index_cast %select_n3A_550 : i32 to index
      %swap3A_555 = arith.constant 64 : index
      %swap3A_556 = tpu.vector_load %arg10[%swap3A_552, %swap3A_553, %swap3A_554, %swap3A_555] {strides = array<i32>} : memref<8x2x8x128xf32, #tpu.memory_space<vmem>>, vector<16xf32>,
      tpu.vector_store %arg10[%swap3A_552, %swap3A_553, %swap3A_554, %swap3A_555], %gather3A_510 {strides = array<i32>} : memref<8x2x8x128xf32, #tpu.memory_space<vmem>>, vector<16xf32>,
      %add3A_557 = arith.constant 80 : i32
      %add3A_558 = vector.broadcast %add3A_557 : i32 to vector<16xi32>
      %add3A_559 = arith.addi %iota3A, %add3A_558 : vector<16xi32>
      %gather3A_560 = tpu.vector_load_idx %arg8[%add3A_559, %broadcast_in_dim3A] : memref<256x64xf32, #tpu.memory_space<vmem>>[vector<16xi32>, vector<16xi32>], vector<16xf32>,
      %jit3A_561 = arith.constant 8 : i32
      %div3A_562 = arith.divsi %scan3A_308, %jit3A_561 : i32
      %sign3A_563 = arith.constant 0 : i32
      %sign3A_564 = arith.cmpi sgt, %scan3A_308, %sign3A_563 : i32
      %sign3A_565 = arith.extui %sign3A_564 : i1 to i32
      %sign3A_566 = arith.constant 0 : i32
      %sign3A_567 = arith.cmpi slt, %scan3A_308, %sign3A_566 : i32
      %sign3A_568 = arith.extui %sign3A_567 : i1 to i32
      %sign3A_569 = arith.subi %sign3A_565, %sign3A_568 : i32
      %sign3A_570 = arith.constant 0 : i32
      %sign3A_571 = arith.cmpi sgt, %jit3A_561, %sign3A_570 : i32
      %sign3A_572 = arith.extui %sign3A_571 : i1 to i32
      %sign3A_573 = arith.constant 0 : i32
      %sign3A_574 = arith.cmpi slt, %jit3A_561, %sign3A_573 : i32
      %sign3A_575 = arith.extui %sign3A_574 : i1 to i32
      %sign3A_576 = arith.subi %sign3A_572, %sign3A_575 : i32
      %ne3A_577 = arith.cmpi ne, %sign3A_569, %sign3A_576 : i32
      %rem3A_578 = arith.remsi %scan3A_308, %jit3A_561 : i32
      %ne3A_579 = arith.constant 0 : i32
      %ne3A_580 = arith.cmpi ne, %rem3A_578, %ne3A_579 : i32
      %and3A_581 = arith.andi %ne3A_577, %ne3A_580 : i1
      %sub3A_582 = arith.constant 1 : i32
      %sub3A_583 = arith.subi %div3A_562, %sub3A_582 : i32
      %select_n3A_584 = arith.select %and3A_581, %sub3A_583, %div3A_562 : i32
      %jit3A_585 = arith.constant 8 : i32
      %eq3A_586 = arith.constant 0 : i32
      %eq3A_587 = arith.cmpi eq, %jit3A_585, %eq3A_586 : i32
      %jit3A_588 = arith.constant 1 : i32
      %select_n3A_589 = arith.select %eq3A_587, %jit3A_588, %jit3A_585 : i32
      %rem3A_590 = arith.remsi %scan3A_308, %select_n3A_589 : i32
      %ne3A_591 = arith.constant 0 : i32
      %ne3A_592 = arith.cmpi ne, %rem3A_590, %ne3A_591 : i32
      %lt3A_593 = arith.constant 0 : i32
      %lt3A_594 = arith.cmpi slt, %rem3A_590, %lt3A_593 : i32
      %lt3A_595 = arith.constant 0 : i32
      %lt3A_596 = arith.cmpi slt, %select_n3A_589, %lt3A_595 : i32
      %ne3A_597 = arith.xori %lt3A_594, %lt3A_596 : i1
      %and3A_598 = arith.andi %ne3A_597, %ne3A_592 : i1
      %add3A_599 = arith.addi %rem3A_590, %select_n3A_589 : i32
      %select_n3A_600 = arith.select %and3A_598, %add3A_599, %rem3A_590 : i32
      %swap3A_601 = arith.constant 0 : i32
      %swap3A_602 = arith.index_cast %select_n3A_584 : i32 to index
      %swap3A_603 = arith.index_cast %swap3A_601 : i32 to index
      %swap3A_604 = arith.index_cast %select_n3A_600 : i32 to index
      %swap3A_605 = arith.constant 80 : index
      %swap3A_606 = tpu.vector_load %arg10[%swap3A_602, %swap3A_603, %swap3A_604, %swap3A_605] {strides = array<i32>} : memref<8x2x8x128xf32, #tpu.memory_space<vmem>>, vector<16xf32>,
      tpu.vector_store %arg10[%swap3A_602, %swap3A_603, %swap3A_604, %swap3A_605], %gather3A_560 {strides = array<i32>} : memref<8x2x8x128xf32, #tpu.memory_space<vmem>>, vector<16xf32>,
      %add3A_607 = arith.constant 96 : i32
      %add3A_608 = vector.broadcast %add3A_607 : i32 to vector<16xi32>
      %add3A_609 = arith.addi %iota3A, %add3A_608 : vector<16xi32>
      %gather3A_610 = tpu.vector_load_idx %arg8[%add3A_609, %broadcast_in_dim3A] : memref<256x64xf32, #tpu.memory_space<vmem>>[vector<16xi32>, vector<16xi32>], vector<16xf32>,
      %jit3A_611 = arith.constant 8 : i32
      %div3A_612 = arith.divsi %scan3A_308, %jit3A_611 : i32
      %sign3A_613 = arith.constant 0 : i32
      %sign3A_614 = arith.cmpi sgt, %scan3A_308, %sign3A_613 : i32
      %sign3A_615 = arith.extui %sign3A_614 : i1 to i32
      %sign3A_616 = arith.constant 0 : i32
      %sign3A_617 = arith.cmpi slt, %scan3A_308, %sign3A_616 : i32
      %sign3A_618 = arith.extui %sign3A_617 : i1 to i32
      %sign3A_619 = arith.subi %sign3A_615, %sign3A_618 : i32
      %sign3A_620 = arith.constant 0 : i32
      %sign3A_621 = arith.cmpi sgt, %jit3A_611, %sign3A_620 : i32
      %sign3A_622 = arith.extui %sign3A_621 : i1 to i32
      %sign3A_623 = arith.constant 0 : i32
      %sign3A_624 = arith.cmpi slt, %jit3A_611, %sign3A_623 : i32
      %sign3A_625 = arith.extui %sign3A_624 : i1 to i32
      %sign3A_626 = arith.subi %sign3A_622, %sign3A_625 : i32
      %ne3A_627 = arith.cmpi ne, %sign3A_619, %sign3A_626 : i32
      %rem3A_628 = arith.remsi %scan3A_308, %jit3A_611 : i32
      %ne3A_629 = arith.constant 0 : i32
      %ne3A_630 = arith.cmpi ne, %rem3A_628, %ne3A_629 : i32
      %and3A_631 = arith.andi %ne3A_627, %ne3A_630 : i1
      %sub3A_632 = arith.constant 1 : i32
      %sub3A_633 = arith.subi %div3A_612, %sub3A_632 : i32
      %select_n3A_634 = arith.select %and3A_631, %sub3A_633, %div3A_612 : i32
      %jit3A_635 = arith.constant 8 : i32
      %eq3A_636 = arith.constant 0 : i32
      %eq3A_637 = arith.cmpi eq, %jit3A_635, %eq3A_636 : i32
      %jit3A_638 = arith.constant 1 : i32
      %select_n3A_639 = arith.select %eq3A_637, %jit3A_638, %jit3A_635 : i32
      %rem3A_640 = arith.remsi %scan3A_308, %select_n3A_639 : i32
      %ne3A_641 = arith.constant 0 : i32
      %ne3A_642 = arith.cmpi ne, %rem3A_640, %ne3A_641 : i32
      %lt3A_643 = arith.constant 0 : i32
      %lt3A_644 = arith.cmpi slt, %rem3A_640, %lt3A_643 : i32
      %lt3A_645 = arith.constant 0 : i32
      %lt3A_646 = arith.cmpi slt, %select_n3A_639, %lt3A_645 : i32
      %ne3A_647 = arith.xori %lt3A_644, %lt3A_646 : i1
      %and3A_648 = arith.andi %ne3A_647, %ne3A_642 : i1
      %add3A_649 = arith.addi %rem3A_640, %select_n3A_639 : i32
      %select_n3A_650 = arith.select %and3A_648, %add3A_649, %rem3A_640 : i32
      %swap3A_651 = arith.constant 0 : i32
      %swap3A_652 = arith.index_cast %select_n3A_634 : i32 to index
      %swap3A_653 = arith.index_cast %swap3A_651 : i32 to index
      %swap3A_654 = arith.index_cast %select_n3A_650 : i32 to index
      %swap3A_655 = arith.constant 96 : index
      %swap3A_656 = tpu.vector_load %arg10[%swap3A_652, %swap3A_653, %swap3A_654, %swap3A_655] {strides = array<i32>} : memref<8x2x8x128xf32, #tpu.memory_space<vmem>>, vector<16xf32>,
      tpu.vector_store %arg10[%swap3A_652, %swap3A_653, %swap3A_654, %swap3A_655], %gather3A_610 {strides = array<i32>} : memref<8x2x8x128xf32, #tpu.memory_space<vmem>>, vector<16xf32>,
      %add3A_657 = arith.constant 112 : i32
      %add3A_658 = vector.broadcast %add3A_657 : i32 to vector<16xi32>
      %add3A_659 = arith.addi %iota3A, %add3A_658 : vector<16xi32>
      %gather3A_660 = tpu.vector_load_idx %arg8[%add3A_659, %broadcast_in_dim3A] : memref<256x64xf32, #tpu.memory_space<vmem>>[vector<16xi32>, vector<16xi32>], vector<16xf32>,
      %jit3A_661 = arith.constant 8 : i32
      %div3A_662 = arith.divsi %scan3A_308, %jit3A_661 : i32
      %sign3A_663 = arith.constant 0 : i32
      %sign3A_664 = arith.cmpi sgt, %scan3A_308, %sign3A_663 : i32
      %sign3A_665 = arith.extui %sign3A_664 : i1 to i32
      %sign3A_666 = arith.constant 0 : i32
      %sign3A_667 = arith.cmpi slt, %scan3A_308, %sign3A_666 : i32
      %sign3A_668 = arith.extui %sign3A_667 : i1 to i32
      %sign3A_669 = arith.subi %sign3A_665, %sign3A_668 : i32
      %sign3A_670 = arith.constant 0 : i32
      %sign3A_671 = arith.cmpi sgt, %jit3A_661, %sign3A_670 : i32
      %sign3A_672 = arith.extui %sign3A_671 : i1 to i32
      %sign3A_673 = arith.constant 0 : i32
      %sign3A_674 = arith.cmpi slt, %jit3A_661, %sign3A_673 : i32
      %sign3A_675 = arith.extui %sign3A_674 : i1 to i32
      %sign3A_676 = arith.subi %sign3A_672, %sign3A_675 : i32
      %ne3A_677 = arith.cmpi ne, %sign3A_669, %sign3A_676 : i32
      %rem3A_678 = arith.remsi %scan3A_308, %jit3A_661 : i32
      %ne3A_679 = arith.constant 0 : i32
      %ne3A_680 = arith.cmpi ne, %rem3A_678, %ne3A_679 : i32
      %and3A_681 = arith.andi %ne3A_677, %ne3A_680 : i1
      %sub3A_682 = arith.constant 1 : i32
      %sub3A_683 = arith.subi %div3A_662, %sub3A_682 : i32
      %select_n3A_684 = arith.select %and3A_681, %sub3A_683, %div3A_662 : i32
      %jit3A_685 = arith.constant 8 : i32
      %eq3A_686 = arith.constant 0 : i32
      %eq3A_687 = arith.cmpi eq, %jit3A_685, %eq3A_686 : i32
      %jit3A_688 = arith.constant 1 : i32
      %select_n3A_689 = arith.select %eq3A_687, %jit3A_688, %jit3A_685 : i32
      %rem3A_690 = arith.remsi %scan3A_308, %select_n3A_689 : i32
      %ne3A_691 = arith.constant 0 : i32
      %ne3A_692 = arith.cmpi ne, %rem3A_690, %ne3A_691 : i32
      %lt3A_693 = arith.constant 0 : i32
      %lt3A_694 = arith.cmpi slt, %rem3A_690, %lt3A_693 : i32
      %lt3A_695 = arith.constant 0 : i32
      %lt3A_696 = arith.cmpi slt, %select_n3A_689, %lt3A_695 : i32
      %ne3A_697 = arith.xori %lt3A_694, %lt3A_696 : i1
      %and3A_698 = arith.andi %ne3A_697, %ne3A_692 : i1
      %add3A_699 = arith.addi %rem3A_690, %select_n3A_689 : i32
      %select_n3A_700 = arith.select %and3A_698, %add3A_699, %rem3A_690 : i32
      %swap3A_701 = arith.constant 0 : i32
      %swap3A_702 = arith.index_cast %select_n3A_684 : i32 to index
      %swap3A_703 = arith.index_cast %swap3A_701 : i32 to index
      %swap3A_704 = arith.index_cast %select_n3A_700 : i32 to index
      %swap3A_705 = arith.constant 112 : index
      %swap3A_706 = tpu.vector_load %arg10[%swap3A_702, %swap3A_703, %swap3A_704, %swap3A_705] {strides = array<i32>} : memref<8x2x8x128xf32, #tpu.memory_space<vmem>>, vector<16xf32>,
      tpu.vector_store %arg10[%swap3A_702, %swap3A_703, %swap3A_704, %swap3A_705], %gather3A_660 {strides = array<i32>} : memref<8x2x8x128xf32, #tpu.memory_space<vmem>>, vector<16xf32>,
      %add3A_707 = arith.constant 128 : i32
      %add3A_708 = vector.broadcast %add3A_707 : i32 to vector<16xi32>
      %add3A_709 = arith.addi %iota3A, %add3A_708 : vector<16xi32>
      %gather3A_710 = tpu.vector_load_idx %arg8[%add3A_709, %broadcast_in_dim3A] : memref<256x64xf32, #tpu.memory_space<vmem>>[vector<16xi32>, vector<16xi32>], vector<16xf32>,
      %jit3A_711 = arith.constant 8 : i32
      %div3A_712 = arith.divsi %scan3A_308, %jit3A_711 : i32
      %sign3A_713 = arith.constant 0 : i32
      %sign3A_714 = arith.cmpi sgt, %scan3A_308, %sign3A_713 : i32
      %sign3A_715 = arith.extui %sign3A_714 : i1 to i32
      %sign3A_716 = arith.constant 0 : i32
      %sign3A_717 = arith.cmpi slt, %scan3A_308, %sign3A_716 : i32
      %sign3A_718 = arith.extui %sign3A_717 : i1 to i32
      %sign3A_719 = arith.subi %sign3A_715, %sign3A_718 : i32
      %sign3A_720 = arith.constant 0 : i32
      %sign3A_721 = arith.cmpi sgt, %jit3A_711, %sign3A_720 : i32
      %sign3A_722 = arith.extui %sign3A_721 : i1 to i32
      %sign3A_723 = arith.constant 0 : i32
      %sign3A_724 = arith.cmpi slt, %jit3A_711, %sign3A_723 : i32
      %sign3A_725 = arith.extui %sign3A_724 : i1 to i32
      %sign3A_726 = arith.subi %sign3A_722, %sign3A_725 : i32
      %ne3A_727 = arith.cmpi ne, %sign3A_719, %sign3A_726 : i32
      %rem3A_728 = arith.remsi %scan3A_308, %jit3A_711 : i32
      %ne3A_729 = arith.constant 0 : i32
      %ne3A_730 = arith.cmpi ne, %rem3A_728, %ne3A_729 : i32
      %and3A_731 = arith.andi %ne3A_727, %ne3A_730 : i1
      %sub3A_732 = arith.constant 1 : i32
      %sub3A_733 = arith.subi %div3A_712, %sub3A_732 : i32
      %select_n3A_734 = arith.select %and3A_731, %sub3A_733, %div3A_712 : i32
      %jit3A_735 = arith.constant 8 : i32
      %eq3A_736 = arith.constant 0 : i32
      %eq3A_737 = arith.cmpi eq, %jit3A_735, %eq3A_736 : i32
      %jit3A_738 = arith.constant 1 : i32
      %select_n3A_739 = arith.select %eq3A_737, %jit3A_738, %jit3A_735 : i32
      %rem3A_740 = arith.remsi %scan3A_308, %select_n3A_739 : i32
      %ne3A_741 = arith.constant 0 : i32
      %ne3A_742 = arith.cmpi ne, %rem3A_740, %ne3A_741 : i32
      %lt3A_743 = arith.constant 0 : i32
      %lt3A_744 = arith.cmpi slt, %rem3A_740, %lt3A_743 : i32
      %lt3A_745 = arith.constant 0 : i32
      %lt3A_746 = arith.cmpi slt, %select_n3A_739, %lt3A_745 : i32
      %ne3A_747 = arith.xori %lt3A_744, %lt3A_746 : i1
      %and3A_748 = arith.andi %ne3A_747, %ne3A_742 : i1
      %add3A_749 = arith.addi %rem3A_740, %select_n3A_739 : i32
      %select_n3A_750 = arith.select %and3A_748, %add3A_749, %rem3A_740 : i32
      %swap3A_751 = arith.constant 1 : i32
      %swap3A_752 = arith.index_cast %select_n3A_734 : i32 to index
      %swap3A_753 = arith.index_cast %swap3A_751 : i32 to index
      %swap3A_754 = arith.index_cast %select_n3A_750 : i32 to index
      %swap3A_755 = arith.constant 0 : index
      %swap3A_756 = tpu.vector_load %arg10[%swap3A_752, %swap3A_753, %swap3A_754, %swap3A_755] {strides = array<i32>} : memref<8x2x8x128xf32, #tpu.memory_space<vmem>>, vector<16xf32>,
      tpu.vector_store %arg10[%swap3A_752, %swap3A_753, %swap3A_754, %swap3A_755], %gather3A_710 {strides = array<i32>} : memref<8x2x8x128xf32, #tpu.memory_space<vmem>>, vector<16xf32>,
      %add3A_757 = arith.constant 144 : i32
      %add3A_758 = vector.broadcast %add3A_757 : i32 to vector<16xi32>
      %add3A_759 = arith.addi %iota3A, %add3A_758 : vector<16xi32>
      %gather3A_760 = tpu.vector_load_idx %arg8[%add3A_759, %broadcast_in_dim3A] : memref<256x64xf32, #tpu.memory_space<vmem>>[vector<16xi32>, vector<16xi32>], vector<16xf32>,
      %jit3A_761 = arith.constant 8 : i32
      %div3A_762 = arith.divsi %scan3A_308, %jit3A_761 : i32
      %sign3A_763 = arith.constant 0 : i32
      %sign3A_764 = arith.cmpi sgt, %scan3A_308, %sign3A_763 : i32
      %sign3A_765 = arith.extui %sign3A_764 : i1 to i32
      %sign3A_766 = arith.constant 0 : i32
      %sign3A_767 = arith.cmpi slt, %scan3A_308, %sign3A_766 : i32
      %sign3A_768 = arith.extui %sign3A_767 : i1 to i32
      %sign3A_769 = arith.subi %sign3A_765, %sign3A_768 : i32
      %sign3A_770 = arith.constant 0 : i32
      %sign3A_771 = arith.cmpi sgt, %jit3A_761, %sign3A_770 : i32
      %sign3A_772 = arith.extui %sign3A_771 : i1 to i32
      %sign3A_773 = arith.constant 0 : i32
      %sign3A_774 = arith.cmpi slt, %jit3A_761, %sign3A_773 : i32
      %sign3A_775 = arith.extui %sign3A_774 : i1 to i32
      %sign3A_776 = arith.subi %sign3A_772, %sign3A_775 : i32
      %ne3A_777 = arith.cmpi ne, %sign3A_769, %sign3A_776 : i32
      %rem3A_778 = arith.remsi %scan3A_308, %jit3A_761 : i32
      %ne3A_779 = arith.constant 0 : i32
      %ne3A_780 = arith.cmpi ne, %rem3A_778, %ne3A_779 : i32
      %and3A_781 = arith.andi %ne3A_777, %ne3A_780 : i1
      %sub3A_782 = arith.constant 1 : i32
      %sub3A_783 = arith.subi %div3A_762, %sub3A_782 : i32
      %select_n3A_784 = arith.select %and3A_781, %sub3A_783, %div3A_762 : i32
      %jit3A_785 = arith.constant 8 : i32
      %eq3A_786 = arith.constant 0 : i32
      %eq3A_787 = arith.cmpi eq, %jit3A_785, %eq3A_786 : i32
      %jit3A_788 = arith.constant 1 : i32
      %select_n3A_789 = arith.select %eq3A_787, %jit3A_788, %jit3A_785 : i32
      %rem3A_790 = arith.remsi %scan3A_308, %select_n3A_789 : i32
      %ne3A_791 = arith.constant 0 : i32
      %ne3A_792 = arith.cmpi ne, %rem3A_790, %ne3A_791 : i32
      %lt3A_793 = arith.constant 0 : i32
      %lt3A_794 = arith.cmpi slt, %rem3A_790, %lt3A_793 : i32
      %lt3A_795 = arith.constant 0 : i32
      %lt3A_796 = arith.cmpi slt, %select_n3A_789, %lt3A_795 : i32
      %ne3A_797 = arith.xori %lt3A_794, %lt3A_796 : i1
      %and3A_798 = arith.andi %ne3A_797, %ne3A_792 : i1
      %add3A_799 = arith.addi %rem3A_790, %select_n3A_789 : i32
      %select_n3A_800 = arith.select %and3A_798, %add3A_799, %rem3A_790 : i32
      %swap3A_801 = arith.constant 1 : i32
      %swap3A_802 = arith.index_cast %select_n3A_784 : i32 to index
      %swap3A_803 = arith.index_cast %swap3A_801 : i32 to index
      %swap3A_804 = arith.index_cast %select_n3A_800 : i32 to index
      %swap3A_805 = arith.constant 16 : index
      %swap3A_806 = tpu.vector_load %arg10[%swap3A_802, %swap3A_803, %swap3A_804, %swap3A_805] {strides = array<i32>} : memref<8x2x8x128xf32, #tpu.memory_space<vmem>>, vector<16xf32>,
      tpu.vector_store %arg10[%swap3A_802, %swap3A_803, %swap3A_804, %swap3A_805], %gather3A_760 {strides = array<i32>} : memref<8x2x8x128xf32, #tpu.memory_space<vmem>>, vector<16xf32>,
      %add3A_807 = arith.constant 160 : i32
      %add3A_808 = vector.broadcast %add3A_807 : i32 to vector<16xi32>
      %add3A_809 = arith.addi %iota3A, %add3A_808 : vector<16xi32>
      %gather3A_810 = tpu.vector_load_idx %arg8[%add3A_809, %broadcast_in_dim3A] : memref<256x64xf32, #tpu.memory_space<vmem>>[vector<16xi32>, vector<16xi32>], vector<16xf32>,
      %jit3A_811 = arith.constant 8 : i32
      %div3A_812 = arith.divsi %scan3A_308, %jit3A_811 : i32
      %sign3A_813 = arith.constant 0 : i32
      %sign3A_814 = arith.cmpi sgt, %scan3A_308, %sign3A_813 : i32
      %sign3A_815 = arith.extui %sign3A_814 : i1 to i32
      %sign3A_816 = arith.constant 0 : i32
      %sign3A_817 = arith.cmpi slt, %scan3A_308, %sign3A_816 : i32
      %sign3A_818 = arith.extui %sign3A_817 : i1 to i32
      %sign3A_819 = arith.subi %sign3A_815, %sign3A_818 : i32
      %sign3A_820 = arith.constant 0 : i32
      %sign3A_821 = arith.cmpi sgt, %jit3A_811, %sign3A_820 : i32
      %sign3A_822 = arith.extui %sign3A_821 : i1 to i32
      %sign3A_823 = arith.constant 0 : i32
      %sign3A_824 = arith.cmpi slt, %jit3A_811, %sign3A_823 : i32
      %sign3A_825 = arith.extui %sign3A_824 : i1 to i32
      %sign3A_826 = arith.subi %sign3A_822, %sign3A_825 : i32
      %ne3A_827 = arith.cmpi ne, %sign3A_819, %sign3A_826 : i32
      %rem3A_828 = arith.remsi %scan3A_308, %jit3A_811 : i32
      %ne3A_829 = arith.constant 0 : i32
      %ne3A_830 = arith.cmpi ne, %rem3A_828, %ne3A_829 : i32
      %and3A_831 = arith.andi %ne3A_827, %ne3A_830 : i1
      %sub3A_832 = arith.constant 1 : i32
      %sub3A_833 = arith.subi %div3A_812, %sub3A_832 : i32
      %select_n3A_834 = arith.select %and3A_831, %sub3A_833, %div3A_812 : i32
      %jit3A_835 = arith.constant 8 : i32
      %eq3A_836 = arith.constant 0 : i32
      %eq3A_837 = arith.cmpi eq, %jit3A_835, %eq3A_836 : i32
      %jit3A_838 = arith.constant 1 : i32
      %select_n3A_839 = arith.select %eq3A_837, %jit3A_838, %jit3A_835 : i32
      %rem3A_840 = arith.remsi %scan3A_308, %select_n3A_839 : i32
      %ne3A_841 = arith.constant 0 : i32
      %ne3A_842 = arith.cmpi ne, %rem3A_840, %ne3A_841 : i32
      %lt3A_843 = arith.constant 0 : i32
      %lt3A_844 = arith.cmpi slt, %rem3A_840, %lt3A_843 : i32
      %lt3A_845 = arith.constant 0 : i32
      %lt3A_846 = arith.cmpi slt, %select_n3A_839, %lt3A_845 : i32
      %ne3A_847 = arith.xori %lt3A_844, %lt3A_846 : i1
      %and3A_848 = arith.andi %ne3A_847, %ne3A_842 : i1
      %add3A_849 = arith.addi %rem3A_840, %select_n3A_839 : i32
      %select_n3A_850 = arith.select %and3A_848, %add3A_849, %rem3A_840 : i32
      %swap3A_851 = arith.constant 1 : i32
      %swap3A_852 = arith.index_cast %select_n3A_834 : i32 to index
      %swap3A_853 = arith.index_cast %swap3A_851 : i32 to index
      %swap3A_854 = arith.index_cast %select_n3A_850 : i32 to index
      %swap3A_855 = arith.constant 32 : index
      %swap3A_856 = tpu.vector_load %arg10[%swap3A_852, %swap3A_853, %swap3A_854, %swap3A_855] {strides = array<i32>} : memref<8x2x8x128xf32, #tpu.memory_space<vmem>>, vector<16xf32>,
      tpu.vector_store %arg10[%swap3A_852, %swap3A_853, %swap3A_854, %swap3A_855], %gather3A_810 {strides = array<i32>} : memref<8x2x8x128xf32, #tpu.memory_space<vmem>>, vector<16xf32>,
      %add3A_857 = arith.constant 176 : i32
      %add3A_858 = vector.broadcast %add3A_857 : i32 to vector<16xi32>
      %add3A_859 = arith.addi %iota3A, %add3A_858 : vector<16xi32>
      %gather3A_860 = tpu.vector_load_idx %arg8[%add3A_859, %broadcast_in_dim3A] : memref<256x64xf32, #tpu.memory_space<vmem>>[vector<16xi32>, vector<16xi32>], vector<16xf32>,
      %jit3A_861 = arith.constant 8 : i32
      %div3A_862 = arith.divsi %scan3A_308, %jit3A_861 : i32
      %sign3A_863 = arith.constant 0 : i32
      %sign3A_864 = arith.cmpi sgt, %scan3A_308, %sign3A_863 : i32
      %sign3A_865 = arith.extui %sign3A_864 : i1 to i32
      %sign3A_866 = arith.constant 0 : i32
      %sign3A_867 = arith.cmpi slt, %scan3A_308, %sign3A_866 : i32
      %sign3A_868 = arith.extui %sign3A_867 : i1 to i32
      %sign3A_869 = arith.subi %sign3A_865, %sign3A_868 : i32
      %sign3A_870 = arith.constant 0 : i32
      %sign3A_871 = arith.cmpi sgt, %jit3A_861, %sign3A_870 : i32
      %sign3A_872 = arith.extui %sign3A_871 : i1 to i32
      %sign3A_873 = arith.constant 0 : i32
      %sign3A_874 = arith.cmpi slt, %jit3A_861, %sign3A_873 : i32
      %sign3A_875 = arith.extui %sign3A_874 : i1 to i32
      %sign3A_876 = arith.subi %sign3A_872, %sign3A_875 : i32
      %ne3A_877 = arith.cmpi ne, %sign3A_869, %sign3A_876 : i32
      %rem3A_878 = arith.remsi %scan3A_308, %jit3A_861 : i32
      %ne3A_879 = arith.constant 0 : i32
      %ne3A_880 = arith.cmpi ne, %rem3A_878, %ne3A_879 : i32
      %and3A_881 = arith.andi %ne3A_877, %ne3A_880 : i1
      %sub3A_882 = arith.constant 1 : i32
      %sub3A_883 = arith.subi %div3A_862, %sub3A_882 : i32
      %select_n3A_884 = arith.select %and3A_881, %sub3A_883, %div3A_862 : i32
      %jit3A_885 = arith.constant 8 : i32
      %eq3A_886 = arith.constant 0 : i32
      %eq3A_887 = arith.cmpi eq, %jit3A_885, %eq3A_886 : i32
      %jit3A_888 = arith.constant 1 : i32
      %select_n3A_889 = arith.select %eq3A_887, %jit3A_888, %jit3A_885 : i32
      %rem3A_890 = arith.remsi %scan3A_308, %select_n3A_889 : i32
      %ne3A_891 = arith.constant 0 : i32
      %ne3A_892 = arith.cmpi ne, %rem3A_890, %ne3A_891 : i32
      %lt3A_893 = arith.constant 0 : i32
      %lt3A_894 = arith.cmpi slt, %rem3A_890, %lt3A_893 : i32
      %lt3A_895 = arith.constant 0 : i32
      %lt3A_896 = arith.cmpi slt, %select_n3A_889, %lt3A_895 : i32
      %ne3A_897 = arith.xori %lt3A_894, %lt3A_896 : i1
      %and3A_898 = arith.andi %ne3A_897, %ne3A_892 : i1
      %add3A_899 = arith.addi %rem3A_890, %select_n3A_889 : i32
      %select_n3A_900 = arith.select %and3A_898, %add3A_899, %rem3A_890 : i32
      %swap3A_901 = arith.constant 1 : i32
      %swap3A_902 = arith.index_cast %select_n3A_884 : i32 to index
      %swap3A_903 = arith.index_cast %swap3A_901 : i32 to index
      %swap3A_904 = arith.index_cast %select_n3A_900 : i32 to index
      %swap3A_905 = arith.constant 48 : index
      %swap3A_906 = tpu.vector_load %arg10[%swap3A_902, %swap3A_903, %swap3A_904, %swap3A_905] {strides = array<i32>} : memref<8x2x8x128xf32, #tpu.memory_space<vmem>>, vector<16xf32>,
      tpu.vector_store %arg10[%swap3A_902, %swap3A_903, %swap3A_904, %swap3A_905], %gather3A_860 {strides = array<i32>} : memref<8x2x8x128xf32, #tpu.memory_space<vmem>>, vector<16xf32>,
      %add3A_907 = arith.constant 192 : i32
      %add3A_908 = vector.broadcast %add3A_907 : i32 to vector<16xi32>
      %add3A_909 = arith.addi %iota3A, %add3A_908 : vector<16xi32>
      %gather3A_910 = tpu.vector_load_idx %arg8[%add3A_909, %broadcast_in_dim3A] : memref<256x64xf32, #tpu.memory_space<vmem>>[vector<16xi32>, vector<16xi32>], vector<16xf32>,
      %jit3A_911 = arith.constant 8 : i32
      %div3A_912 = arith.divsi %scan3A_308, %jit3A_911 : i32
      %sign3A_913 = arith.constant 0 : i32
      %sign3A_914 = arith.cmpi sgt, %scan3A_308, %sign3A_913 : i32
      %sign3A_915 = arith.extui %sign3A_914 : i1 to i32
      %sign3A_916 = arith.constant 0 : i32
      %sign3A_917 = arith.cmpi slt, %scan3A_308, %sign3A_916 : i32
      %sign3A_918 = arith.extui %sign3A_917 : i1 to i32
      %sign3A_919 = arith.subi %sign3A_915, %sign3A_918 : i32
      %sign3A_920 = arith.constant 0 : i32
      %sign3A_921 = arith.cmpi sgt, %jit3A_911, %sign3A_920 : i32
      %sign3A_922 = arith.extui %sign3A_921 : i1 to i32
      %sign3A_923 = arith.constant 0 : i32
      %sign3A_924 = arith.cmpi slt, %jit3A_911, %sign3A_923 : i32
      %sign3A_925 = arith.extui %sign3A_924 : i1 to i32
      %sign3A_926 = arith.subi %sign3A_922, %sign3A_925 : i32
      %ne3A_927 = arith.cmpi ne, %sign3A_919, %sign3A_926 : i32
      %rem3A_928 = arith.remsi %scan3A_308, %jit3A_911 : i32
      %ne3A_929 = arith.constant 0 : i32
      %ne3A_930 = arith.cmpi ne, %rem3A_928, %ne3A_929 : i32
      %and3A_931 = arith.andi %ne3A_927, %ne3A_930 : i1
      %sub3A_932 = arith.constant 1 : i32
      %sub3A_933 = arith.subi %div3A_912, %sub3A_932 : i32
      %select_n3A_934 = arith.select %and3A_931, %sub3A_933, %div3A_912 : i32
      %jit3A_935 = arith.constant 8 : i32
      %eq3A_936 = arith.constant 0 : i32
      %eq3A_937 = arith.cmpi eq, %jit3A_935, %eq3A_936 : i32
      %jit3A_938 = arith.constant 1 : i32
      %select_n3A_939 = arith.select %eq3A_937, %jit3A_938, %jit3A_935 : i32
      %rem3A_940 = arith.remsi %scan3A_308, %select_n3A_939 : i32
      %ne3A_941 = arith.constant 0 : i32
      %ne3A_942 = arith.cmpi ne, %rem3A_940, %ne3A_941 : i32
      %lt3A_943 = arith.constant 0 : i32
      %lt3A_944 = arith.cmpi slt, %rem3A_940, %lt3A_943 : i32
      %lt3A_945 = arith.constant 0 : i32
      %lt3A_946 = arith.cmpi slt, %select_n3A_939, %lt3A_945 : i32
      %ne3A_947 = arith.xori %lt3A_944, %lt3A_946 : i1
      %and3A_948 = arith.andi %ne3A_947, %ne3A_942 : i1
      %add3A_949 = arith.addi %rem3A_940, %select_n3A_939 : i32
      %select_n3A_950 = arith.select %and3A_948, %add3A_949, %rem3A_940 : i32
      %swap3A_951 = arith.constant 1 : i32
      %swap3A_952 = arith.index_cast %select_n3A_934 : i32 to index
      %swap3A_953 = arith.index_cast %swap3A_951 : i32 to index
      %swap3A_954 = arith.index_cast %select_n3A_950 : i32 to index
      %swap3A_955 = arith.constant 64 : index
      %swap3A_956 = tpu.vector_load %arg10[%swap3A_952, %swap3A_953, %swap3A_954, %swap3A_955] {strides = array<i32>} : memref<8x2x8x128xf32, #tpu.memory_space<vmem>>, vector<16xf32>,
      tpu.vector_store %arg10[%swap3A_952, %swap3A_953, %swap3A_954, %swap3A_955], %gather3A_910 {strides = array<i32>} : memref<8x2x8x128xf32, #tpu.memory_space<vmem>>, vector<16xf32>,
      %add3A_957 = arith.constant 208 : i32
      %add3A_958 = vector.broadcast %add3A_957 : i32 to vector<16xi32>
      %add3A_959 = arith.addi %iota3A, %add3A_958 : vector<16xi32>
      %gather3A_960 = tpu.vector_load_idx %arg8[%add3A_959, %broadcast_in_dim3A] : memref<256x64xf32, #tpu.memory_space<vmem>>[vector<16xi32>, vector<16xi32>], vector<16xf32>,
      %jit3A_961 = arith.constant 8 : i32
      %div3A_962 = arith.divsi %scan3A_308, %jit3A_961 : i32
      %sign3A_963 = arith.constant 0 : i32
      %sign3A_964 = arith.cmpi sgt, %scan3A_308, %sign3A_963 : i32
      %sign3A_965 = arith.extui %sign3A_964 : i1 to i32
      %sign3A_966 = arith.constant 0 : i32
      %sign3A_967 = arith.cmpi slt, %scan3A_308, %sign3A_966 : i32
      %sign3A_968 = arith.extui %sign3A_967 : i1 to i32
      %sign3A_969 = arith.subi %sign3A_965, %sign3A_968 : i32
      %sign3A_970 = arith.constant 0 : i32
      %sign3A_971 = arith.cmpi sgt, %jit3A_961, %sign3A_970 : i32
      %sign3A_972 = arith.extui %sign3A_971 : i1 to i32
      %sign3A_973 = arith.constant 0 : i32
      %sign3A_974 = arith.cmpi slt, %jit3A_961, %sign3A_973 : i32
      %sign3A_975 = arith.extui %sign3A_974 : i1 to i32
      %sign3A_976 = arith.subi %sign3A_972, %sign3A_975 : i32
      %ne3A_977 = arith.cmpi ne, %sign3A_969, %sign3A_976 : i32
      %rem3A_978 = arith.remsi %scan3A_308, %jit3A_961 : i32
      %ne3A_979 = arith.constant 0 : i32
      %ne3A_980 = arith.cmpi ne, %rem3A_978, %ne3A_979 : i32
      %and3A_981 = arith.andi %ne3A_977, %ne3A_980 : i1
      %sub3A_982 = arith.constant 1 : i32
      %sub3A_983 = arith.subi %div3A_962, %sub3A_982 : i32
      %select_n3A_984 = arith.select %and3A_981, %sub3A_983, %div3A_962 : i32
      %jit3A_985 = arith.constant 8 : i32
      %eq3A_986 = arith.constant 0 : i32
      %eq3A_987 = arith.cmpi eq, %jit3A_985, %eq3A_986 : i32
      %jit3A_988 = arith.constant 1 : i32
      %select_n3A_989 = arith.select %eq3A_987, %jit3A_988, %jit3A_985 : i32
      %rem3A_990 = arith.remsi %scan3A_308, %select_n3A_989 : i32
      %ne3A_991 = arith.constant 0 : i32
      %ne3A_992 = arith.cmpi ne, %rem3A_990, %ne3A_991 : i32
      %lt3A_993 = arith.constant 0 : i32
      %lt3A_994 = arith.cmpi slt, %rem3A_990, %lt3A_993 : i32
      %lt3A_995 = arith.constant 0 : i32
      %lt3A_996 = arith.cmpi slt, %select_n3A_989, %lt3A_995 : i32
      %ne3A_997 = arith.xori %lt3A_994, %lt3A_996 : i1
      %and3A_998 = arith.andi %ne3A_997, %ne3A_992 : i1
      %add3A_999 = arith.addi %rem3A_990, %select_n3A_989 : i32
      %select_n3A_1000 = arith.select %and3A_998, %add3A_999, %rem3A_990 : i32
      %swap3A_1001 = arith.constant 1 : i32
      %swap3A_1002 = arith.index_cast %select_n3A_984 : i32 to index
      %swap3A_1003 = arith.index_cast %swap3A_1001 : i32 to index
      %swap3A_1004 = arith.index_cast %select_n3A_1000 : i32 to index
      %swap3A_1005 = arith.constant 80 : index
      %swap3A_1006 = tpu.vector_load %arg10[%swap3A_1002, %swap3A_1003, %swap3A_1004, %swap3A_1005] {strides = array<i32>} : memref<8x2x8x128xf32, #tpu.memory_space<vmem>>, vector<16xf32>,
      tpu.vector_store %arg10[%swap3A_1002, %swap3A_1003, %swap3A_1004, %swap3A_1005], %gather3A_960 {strides = array<i32>} : memref<8x2x8x128xf32, #tpu.memory_space<vmem>>, vector<16xf32>,
      %add3A_1007 = arith.constant 224 : i32
      %add3A_1008 = vector.broadcast %add3A_1007 : i32 to vector<16xi32>
      %add3A_1009 = arith.addi %iota3A, %add3A_1008 : vector<16xi32>
      %gather3A_1010 = tpu.vector_load_idx %arg8[%add3A_1009, %broadcast_in_dim3A] : memref<256x64xf32, #tpu.memory_space<vmem>>[vector<16xi32>, vector<16xi32>], vector<16xf32>,
      %jit3A_1011 = arith.constant 8 : i32
      %div3A_1012 = arith.divsi %scan3A_308, %jit3A_1011 : i32
      %sign3A_1013 = arith.constant 0 : i32
      %sign3A_1014 = arith.cmpi sgt, %scan3A_308, %sign3A_1013 : i32
      %sign3A_1015 = arith.extui %sign3A_1014 : i1 to i32
      %sign3A_1016 = arith.constant 0 : i32
      %sign3A_1017 = arith.cmpi slt, %scan3A_308, %sign3A_1016 : i32
      %sign3A_1018 = arith.extui %sign3A_1017 : i1 to i32
      %sign3A_1019 = arith.subi %sign3A_1015, %sign3A_1018 : i32
      %sign3A_1020 = arith.constant 0 : i32
      %sign3A_1021 = arith.cmpi sgt, %jit3A_1011, %sign3A_1020 : i32
      %sign3A_1022 = arith.extui %sign3A_1021 : i1 to i32
      %sign3A_1023 = arith.constant 0 : i32
      %sign3A_1024 = arith.cmpi slt, %jit3A_1011, %sign3A_1023 : i32
      %sign3A_1025 = arith.extui %sign3A_1024 : i1 to i32
      %sign3A_1026 = arith.subi %sign3A_1022, %sign3A_1025 : i32
      %ne3A_1027 = arith.cmpi ne, %sign3A_1019, %sign3A_1026 : i32
      %rem3A_1028 = arith.remsi %scan3A_308, %jit3A_1011 : i32
      %ne3A_1029 = arith.constant 0 : i32
      %ne3A_1030 = arith.cmpi ne, %rem3A_1028, %ne3A_1029 : i32
      %and3A_1031 = arith.andi %ne3A_1027, %ne3A_1030 : i1
      %sub3A_1032 = arith.constant 1 : i32
      %sub3A_1033 = arith.subi %div3A_1012, %sub3A_1032 : i32
      %select_n3A_1034 = arith.select %and3A_1031, %sub3A_1033, %div3A_1012 : i32
      %jit3A_1035 = arith.constant 8 : i32
      %eq3A_1036 = arith.constant 0 : i32
      %eq3A_1037 = arith.cmpi eq, %jit3A_1035, %eq3A_1036 : i32
      %jit3A_1038 = arith.constant 1 : i32
      %select_n3A_1039 = arith.select %eq3A_1037, %jit3A_1038, %jit3A_1035 : i32
      %rem3A_1040 = arith.remsi %scan3A_308, %select_n3A_1039 : i32
      %ne3A_1041 = arith.constant 0 : i32
      %ne3A_1042 = arith.cmpi ne, %rem3A_1040, %ne3A_1041 : i32
      %lt3A_1043 = arith.constant 0 : i32
      %lt3A_1044 = arith.cmpi slt, %rem3A_1040, %lt3A_1043 : i32
      %lt3A_1045 = arith.constant 0 : i32
      %lt3A_1046 = arith.cmpi slt, %select_n3A_1039, %lt3A_1045 : i32
      %ne3A_1047 = arith.xori %lt3A_1044, %lt3A_1046 : i1
      %and3A_1048 = arith.andi %ne3A_1047, %ne3A_1042 : i1
      %add3A_1049 = arith.addi %rem3A_1040, %select_n3A_1039 : i32
      %select_n3A_1050 = arith.select %and3A_1048, %add3A_1049, %rem3A_1040 : i32
      %swap3A_1051 = arith.constant 1 : i32
      %swap3A_1052 = arith.index_cast %select_n3A_1034 : i32 to index
      %swap3A_1053 = arith.index_cast %swap3A_1051 : i32 to index
      %swap3A_1054 = arith.index_cast %select_n3A_1050 : i32 to index
      %swap3A_1055 = arith.constant 96 : index
      %swap3A_1056 = tpu.vector_load %arg10[%swap3A_1052, %swap3A_1053, %swap3A_1054, %swap3A_1055] {strides = array<i32>} : memref<8x2x8x128xf32, #tpu.memory_space<vmem>>, vector<16xf32>,
      tpu.vector_store %arg10[%swap3A_1052, %swap3A_1053, %swap3A_1054, %swap3A_1055], %gather3A_1010 {strides = array<i32>} : memref<8x2x8x128xf32, #tpu.memory_space<vmem>>, vector<16xf32>,
      %add3A_1057 = arith.constant 240 : i32
      %add3A_1058 = vector.broadcast %add3A_1057 : i32 to vector<16xi32>
      %add3A_1059 = arith.addi %iota3A, %add3A_1058 : vector<16xi32>
      %gather3A_1060 = tpu.vector_load_idx %arg8[%add3A_1059, %broadcast_in_dim3A] : memref<256x64xf32, #tpu.memory_space<vmem>>[vector<16xi32>, vector<16xi32>], vector<16xf32>,
      %jit3A_1061 = arith.constant 8 : i32
      %div3A_1062 = arith.divsi %scan3A_308, %jit3A_1061 : i32
      %sign3A_1063 = arith.constant 0 : i32
      %sign3A_1064 = arith.cmpi sgt, %scan3A_308, %sign3A_1063 : i32
      %sign3A_1065 = arith.extui %sign3A_1064 : i1 to i32
      %sign3A_1066 = arith.constant 0 : i32
      %sign3A_1067 = arith.cmpi slt, %scan3A_308, %sign3A_1066 : i32
      %sign3A_1068 = arith.extui %sign3A_1067 : i1 to i32
      %sign3A_1069 = arith.subi %sign3A_1065, %sign3A_1068 : i32
      %sign3A_1070 = arith.constant 0 : i32
      %sign3A_1071 = arith.cmpi sgt, %jit3A_1061, %sign3A_1070 : i32
      %sign3A_1072 = arith.extui %sign3A_1071 : i1 to i32
      %sign3A_1073 = arith.constant 0 : i32
      %sign3A_1074 = arith.cmpi slt, %jit3A_1061, %sign3A_1073 : i32
      %sign3A_1075 = arith.extui %sign3A_1074 : i1 to i32
      %sign3A_1076 = arith.subi %sign3A_1072, %sign3A_1075 : i32
      %ne3A_1077 = arith.cmpi ne, %sign3A_1069, %sign3A_1076 : i32
      %rem3A_1078 = arith.remsi %scan3A_308, %jit3A_1061 : i32
      %ne3A_1079 = arith.constant 0 : i32
      %ne3A_1080 = arith.cmpi ne, %rem3A_1078, %ne3A_1079 : i32
      %and3A_1081 = arith.andi %ne3A_1077, %ne3A_1080 : i1
      %sub3A_1082 = arith.constant 1 : i32
      %sub3A_1083 = arith.subi %div3A_1062, %sub3A_1082 : i32
      %select_n3A_1084 = arith.select %and3A_1081, %sub3A_1083, %div3A_1062 : i32
      %jit3A_1085 = arith.constant 8 : i32
      %eq3A_1086 = arith.constant 0 : i32
      %eq3A_1087 = arith.cmpi eq, %jit3A_1085, %eq3A_1086 : i32
      %jit3A_1088 = arith.constant 1 : i32
      %select_n3A_1089 = arith.select %eq3A_1087, %jit3A_1088, %jit3A_1085 : i32
      %rem3A_1090 = arith.remsi %scan3A_308, %select_n3A_1089 : i32
      %ne3A_1091 = arith.constant 0 : i32
      %ne3A_1092 = arith.cmpi ne, %rem3A_1090, %ne3A_1091 : i32
      %lt3A_1093 = arith.constant 0 : i32
      %lt3A_1094 = arith.cmpi slt, %rem3A_1090, %lt3A_1093 : i32
      %lt3A_1095 = arith.constant 0 : i32
      %lt3A_1096 = arith.cmpi slt, %select_n3A_1089, %lt3A_1095 : i32
      %ne3A_1097 = arith.xori %lt3A_1094, %lt3A_1096 : i1
      %and3A_1098 = arith.andi %ne3A_1097, %ne3A_1092 : i1
      %add3A_1099 = arith.addi %rem3A_1090, %select_n3A_1089 : i32
      %select_n3A_1100 = arith.select %and3A_1098, %add3A_1099, %rem3A_1090 : i32
      %swap3A_1101 = arith.constant 1 : i32
      %swap3A_1102 = arith.index_cast %select_n3A_1084 : i32 to index
      %swap3A_1103 = arith.index_cast %swap3A_1101 : i32 to index
      %swap3A_1104 = arith.index_cast %select_n3A_1100 : i32 to index
      %swap3A_1105 = arith.constant 112 : index
      %swap3A_1106 = tpu.vector_load %arg10[%swap3A_1102, %swap3A_1103, %swap3A_1104, %swap3A_1105] {strides = array<i32>} : memref<8x2x8x128xf32, #tpu.memory_space<vmem>>, vector<16xf32>,
      tpu.vector_store %arg10[%swap3A_1102, %swap3A_1103, %swap3A_1104, %swap3A_1105], %gather3A_1060 {strides = array<i32>} : memref<8x2x8x128xf32, #tpu.memory_space<vmem>>, vector<16xf32>,
    }
    %scan3A_277 = arith.constant 64 : i32
    %mul3A_278 = arith.constant 8 : i32
    %mul3A_279 = arith.muli %select_n3A, %mul3A_278 : i32
    %add3A_280 = arith.constant 14 : i32
    %add3A_281 = arith.addi %mul3A_32, %add3A_280 : i32
    %dma_start3A_282 = arith.constant 0 : i32
    %dma_start3A_283 = arith.constant 0 : i32
    %dma_start3A_284 = tpu.memref_slice %arg4[%mul3A_279, %add3A_281, %dma_start3A_282, %dma_start3A_283] : memref<128x32x8x128xf32, #tpu.memory_space<hbm>> -> memref<8x2x8x128xf32, #tpu.memory_space<hbm>>
    %dma_start3A_285 = arith.constant 0 : i32
    %dma_start3A_286 = arith.constant 0 : i32
    %dma_start3A_287 = tpu.memref_slice %arg4[%mul3A_279, %add3A_281, %dma_start3A_285, %dma_start3A_286] : memref<128x32x8x128xf32, #tpu.memory_space<hbm>> -> memref<8x2x8x128xf32, #tpu.memory_space<hbm>>
    tpu.enqueue_dma source(%arg10 : memref<8x2x8x128xf32, #tpu.memory_space<vmem>>) target(%dma_start3A_287 : memref<8x2x8x128xf32, #tpu.memory_space<hbm>>) target_semaphore(%arg14 : memref<!tpu.dma_semaphore, #tpu.memory_space<semaphore_mem>>)
    %mul3A_288 = arith.constant 8 : i32
    %mul3A_289 = arith.muli %select_n3A, %mul3A_288 : i32
    %add3A_290 = arith.constant 12 : i32
    %add3A_291 = arith.addi %mul3A_32, %add3A_290 : i32
    %dma_wait3A_292 = arith.constant 0 : i32
    %dma_wait3A_293 = arith.constant 0 : i32
    %dma_wait3A_294 = tpu.memref_slice %arg4[%mul3A_289, %add3A_291, %dma_wait3A_292, %dma_wait3A_293] : memref<128x32x8x128xf32, #tpu.memory_space<hbm>> -> memref<8x2x8x128xf32, #tpu.memory_space<hbm>>
    %dma_wait3A_295 = arith.constant 0 : i32
    %dma_wait3A_296 = arith.constant 0 : i32
    %dma_wait3A_297 = tpu.memref_slice %arg4[%mul3A_289, %add3A_291, %dma_wait3A_295, %dma_wait3A_296] : memref<128x32x8x128xf32, #tpu.memory_space<hbm>> -> memref<8x2x8x128xf32, #tpu.memory_space<hbm>>
    tpu.wait_dma2 semaphore(%arg13 : memref<!tpu.dma_semaphore, #tpu.memory_space<semaphore_mem>>) src(%arg9 : memref<8x2x8x128xf32, #tpu.memory_space<vmem>>) dst(%dma_wait3A_297 : memref<8x2x8x128xf32, #tpu.memory_space<hbm>>)
    %mul3A_298 = arith.constant 8 : i32
    %mul3A_299 = arith.muli %select_n3A, %mul3A_298 : i32
    %add3A_300 = arith.constant 14 : i32
    %add3A_301 = arith.addi %mul3A_32, %add3A_300 : i32
    %dma_wait3A_302 = arith.constant 0 : i32
    %dma_wait3A_303 = arith.constant 0 : i32
    %dma_wait3A_304 = tpu.memref_slice %arg4[%mul3A_299, %add3A_301, %dma_wait3A_302, %dma_wait3A_303] : memref<128x32x8x128xf32, #tpu.memory_space<hbm>> -> memref<8x2x8x128xf32, #tpu.memory_space<hbm>>
    %dma_wait3A_305 = arith.constant 0 : i32
    %dma_wait3A_306 = arith.constant 0 : i32
    %dma_wait3A_307 = tpu.memref_slice %arg4[%mul3A_299, %add3A_301, %dma_wait3A_305, %dma_wait3A_306] : memref<128x32x8x128xf32, #tpu.memory_space<hbm>> -> memref<8x2x8x128xf32, #tpu.memory_space<hbm>>
    tpu.wait_dma2 semaphore(%arg14 : memref<!tpu.dma_semaphore, #tpu.memory_space<semaphore_mem>>) src(%arg10 : memref<8x2x8x128xf32, #tpu.memory_space<vmem>>) dst(%dma_wait3A_307 : memref<8x2x8x128xf32, #tpu.memory_space<hbm>>)
    return
  }
}

module attributes {stable_mosaic.version = 14 : i64} {
  func.func @_bank_tr_body(%arg0: i32, %arg1: memref<8x8x512xf32, #tpu.memory_space<vmem>>, %arg2: memref<256x128xf32, #tpu.memory_space<vmem>>) attributes {dimension_semantics = [#tpu.dimension_semantics<arbitrary>], iteration_bounds = array<i64: 196>, scalar_prefetch = 0 : i64, scratch_operands = 0 : i64, tpu.core_type = #tpu.core_type<tc>, window_params = [{transform_indices = @transform_0, window_bounds = array<i64: 8, 8, 512>}, {transform_indices = @transform_1, window_bounds = array<i64: 256, 128>}]} {
    %get3A = arith.constant 0 : index
    %get3A_0 = arith.constant 0 : index
    %get3A_1 = arith.constant 0 : index
    %get3A_2 = vector.load %arg1[%get3A, %get3A_0, %get3A_1] : memref<8x8x512xf32, #tpu.memory_space<vmem>>, vector<8x8x512xf32>
    %reshape3A = vector.shape_cast %get3A_2 : vector<8x8x512xf32> to vector<64x512xf32>
    %transpose3A = tpu.transpose %reshape3A, [1, 0] : vector<64x512xf32> -> vector<512x64xf32>
    %reshape3A_3 = vector.shape_cast %transpose3A : vector<512x64xf32> to vector<256x2x64xf32>
    %slice3A = vector.extract_strided_slice %reshape3A_3 {offsets = [0, 0, 0], sizes = [256, 1, 64], strides = [1, 1, 1]} : vector<256x2x64xf32> to vector<256x1x64xf32>
    %squeeze3A = vector.shape_cast %slice3A : vector<256x1x64xf32> to vector<256x64xf32>
    %slice3A_4 = vector.extract_strided_slice %reshape3A_3 {offsets = [0, 1, 0], sizes = [256, 1, 64], strides = [1, 1, 1]} : vector<256x2x64xf32> to vector<256x1x64xf32>
    %squeeze3A_5 = vector.shape_cast %slice3A_4 : vector<256x1x64xf32> to vector<256x64xf32>
    %concatenate3A = tpu.concatenate %squeeze3A, %squeeze3A_5 in 1 : vector<256x64xf32>, vector<256x64xf32> -> vector<256x128xf32>
    %swap3A = arith.constant 0 : index
    %swap3A_6 = arith.constant 0 : index
    %swap3A_7 = vector.load %arg2[%swap3A, %swap3A_6] : memref<256x128xf32, #tpu.memory_space<vmem>>, vector<256x128xf32>
    tpu.vector_store %arg2[%swap3A, %swap3A_6], %concatenate3A {strides = array<i32>} : memref<256x128xf32, #tpu.memory_space<vmem>>, vector<256x128xf32>,
    return
  }
  func.func @transform_0(%arg0: i32) -> (i32, i32, i32) {
    %c0_i32 = arith.constant 0 : i32
    %c0_i32_0 = arith.constant 0 : i32
    %c0_i32_1 = arith.constant 0 : i32
    return %c0_i32, %c0_i32_0, %arg0 : i32, i32, i32
  }
  func.func @transform_1(%arg0: i32) -> (i32, i32) {
    %c0_i32 = arith.constant 0 : i32
    %c0_i32_0 = arith.constant 0 : i32
    return %arg0, %c0_i32 : i32, i32
  }
}

</mosaic_0001>

<sc_bundles>
// kernel: kernel.4.cloned.1.call-start
scs
__scs_entry_jumppad:
0x0: {  	(pc) =	sbr.rel $0x88, $3  }
0x1: {  	(tag) =	ssettag $0x0;
	lr =	simm.s32 $0x1  }
0x2: {  	[smem:$0x3F9F] =	sst lr;
	_ =	strace $0xD0000000  }
0x3: {  	_ = 	snop  }
0x4: {  	_ = 	snop  }
0x5: {  	_ = 	snop  }
0x6: {  	_ = 	snop  }
0x7: {  	_ = 	snop  }
__scs_overlays_trampoline_lowered:
0x8: {  	[smem:$0x3FAE] =	sst s0  }
0x9: {  	[smem:$0x3FAF] =	sst s1  }
0xa: {  	[smem:$0x3FB0] =	sst s2  }
0xb: {  	[smem:$0x3FB1] =	sst s3  }
0xc: {  	[smem:$0x3FB2] =	sst s4  }
0xd: {  	[smem:$0x3FB3] =	sst s5  }
0xe: {  	[smem:$0x3FB4] =	sst s6  }
0xf: {  	[smem:$0x3FB5] =	sst s7  }
0x10: {  	[smem:$0x3FB6] =	sst s8  }
0x11: {  	[smem:$0x3FB7] =	sst s9;
	s0 =	simm.s32 @!p0 $0x0  }
0x12: {  	s1 =	sld [smem:$0x3F9D];
	s0 =	simm.s32 @p0 $0x1  }
0x13: {  	[smem:$0x3FB8] =	sst s0;
	s0 =	simm.s32 @!p1 $0x0  }
0x14: {  	s2 =	sld [smem:$0x3F9C];
	s0 =	simm.s32 @p1 $0x1  }
0x15: {  	[smem:$0x3FB9] =	sst s0;
	s0 =	simm.s32 @!p2 $0x0  }
0x16: {  	s3 =	sld [smem:$0x3FDB];
	s0 =	simm.s32 @p2 $0x1  }
0x17: {  	s4 =	simm.s32 $0x1BF5;
	[smem:$0x3FBB] =	sst s0  }
0x18: {  	s0 =	sld [smem:$0x3F9E];
	_ =	swait.ge [sflag:s4], $0x0  }
0x19: {  	s7 =	sld [smem:$0x3F9F]  }
0x1a: {  	s8 =	sadd.s32 $0xFFFFE003, lr  }
0x1b: {  	s9 =	sadd.s32 $0xFFFFFEF7, lr;
	s5 =	simm.s32 $0xFFFFFFFF;
	p2 =	slt.u32 s8, $0xFFFFF086  }
0x1c: {  	p1 =	slt.u32 s9, $0xF7A;
	s5 =	simm.s32 @!p2 $0x0  }
0x1d: {  	s5 =	simm.s32 @p1 $0x1;
	p0 =	seq.s32 s7, s2  }
0x1e: {  	s7 =	smul.u32 @!p0 $0xF7A, s2;
	p2 =	seq.s32 @!p0 s5, $0x0  }
0x1f: {  	s9 =	smul.u32 $0xF7A, s1;
	s8 =	simm.s32 @!p0 $0x1BF5;
	p2 =	por !p2, p0  }
0x20: {  	[sflag:s8] =	ssyncset.s32 @!p0 $0xFFFFF086;
	s6 =	sadd.s32 @!p0 s3, s7;
	s7 =	simm.s32 @!p0 $0x108  }
0x21: {  	s3 =	sadd.s32 s3, s9;
	s6 =	sadd.s32 @!p0 $0x88, s6;
	s7 =	simm.s32 @p2 $0x1082  }
0x22: {  	[simem:s7], [sflag:s8] =	dma.local @!p0 [hbm:s6], $0xF7A  }
0x23: {  	s9 =	sor.u32 $0xD0000000, s2;
	s6 =	simm.s32 $0x108;
	_ =	swait.ge @!p0 [sflag:s8], $0x0  }
0x24: {  	s3 =	sadd.s32 $0x88, s3;
	s6 =	simm.s32 @!p1 $0x1082;
	[sflag:s4] =	ssyncset.s32 $0xFFFFF086  }
0x25: {  	[simem:s6], [sflag:s4] =	dma.local [hbm:s3], $0xF7A  }
0x26: {  	[smem:$0x3F9F] =	sst s1;
	(tag) =	ssettag s2;
	_ =	strace s9  }
0x27: {  	s1 =	sld [smem:$0x3FAF]  }
0x28: {  	s2 =	sld [smem:$0x3FB0]  }
0x29: {  	s4 =	sld [smem:$0x3FB2]  }
0x2a: {  	p0 =	seq.s32 s5, $0x0;
	s5 =	sld [smem:$0x3FB3]  }
0x2b: {  	s6 =	sld [smem:$0x3FB4]  }
0x2c: {  	s7 =	sld [smem:$0x3FB5]  }
0x2d: {  	s3 =	simm.s32 $0x108;
	s8 =	sld [smem:$0x3FB6]  }
0x2e: {  	s3 =	simm.s32 @!p0 $0x1082;
	s9 =	sld [smem:$0x3FB7]  }
0x2f: {  	lr =	sadd.s32 s0, s3;
	s0 =	sld [smem:$0x3FAE]  }
0x30: {  	s3 =	sld [smem:$0x3FB1]  }
0x31: {  	[smem:$0x3FBA] =	sst s10  }
0x32: {  	s10 =	sld [smem:$0x3FB8];
	_ =	sdelay $0x3  }
0x33: {  	p0 =	seq.s32 s10, $0x1;
	s10 =	sld [smem:$0x3FBA];
	_ =	sdelay $0x3  }
0x34: {  	[smem:$0x3FBA] =	sst s10  }
0x35: {  	s10 =	sld [smem:$0x3FB9];
	_ =	sdelay $0x3  }
0x36: {  	p1 =	seq.s32 s10, $0x1;
	s10 =	sld [smem:$0x3FBA];
	_ =	sdelay $0x3  }
0x37: {  	[smem:$0x3FBA] =	sst s10  }
0x38: {  	s10 =	sld [smem:$0x3FBB]  }
0x39: {  	_ = 	snop;
	(pc) =	sbr.ind lr, $3  }
0x3a: {  	_ = 	snop  }
0x3b: {  	_ = 	snop  }
0x3c: {  	p2 =	seq.s32 s10, $0x1;
	s10 =	sld [smem:$0x3FBA]  }
0x3d: {  	_ =	shalt  }
0x3e: {  	_ =	shalt  }
0x3f: {  	_ =	shalt  }
0x40: {  	_ =	shalt  }
0x41: {  	_ =	shalt  }
0x42: {  	_ =	shalt  }
0x43: {  	_ =	shalt  }
0x44: {  	_ =	shalt  }
0x45: {  	_ =	shalt  }
0x46: {  	_ =	shalt  }
0x47: {  	_ =	shalt  }
0x48: {  	_ =	shalt  }
0x49: {  	_ =	shalt  }
0x4a: {  	_ =	shalt  }
0x4b: {  	_ =	shalt  }
0x4c: {  	_ =	shalt  }
0x4d: {  	_ =	shalt  }
0x4e: {  	_ =	shalt  }
0x4f: {  	_ =	shalt  }
0x50: {  	_ =	shalt  }
0x51: {  	_ =	shalt  }
0x52: {  	_ =	shalt  }
0x53: {  	_ =	shalt  }
0x54: {  	_ =	shalt  }
0x55: {  	_ =	shalt  }
0x56: {  	_ =	shalt  }
0x57: {  	_ =	shalt  }
0x58: {  	_ =	shalt  }
0x59: {  	_ =	shalt  }
0x5a: {  	_ =	shalt  }
0x5b: {  	_ =	shalt  }
0x5c: {  	_ =	shalt  }
0x5d: {  	_ =	shalt  }
0x5e: {  	_ =	shalt  }
0x5f: {  	_ =	shalt  }
0x60: {  	_ =	shalt  }
0x61: {  	_ =	shalt  }
0x62: {  	_ =	shalt  }
0x63: {  	_ =	shalt  }
0x64: {  	_ =	shalt  }
0x65: {  	_ =	shalt  }
0x66: {  	_ =	shalt  }
0x67: {  	_ =	shalt  }
0x68: {  	_ =	shalt  }
0x69: {  	_ =	shalt  }
0x6a: {  	_ =	shalt  }
0x6b: {  	_ =	shalt  }
0x6c: {  	_ =	shalt  }
0x6d: {  	_ =	shalt  }
0x6e: {  	_ =	shalt  }
0x6f: {  	_ =	shalt  }
0x70: {  	_ =	shalt  }
0x71: {  	_ =	shalt  }
0x72: {  	_ =	shalt  }
0x73: {  	_ =	shalt  }
0x74: {  	_ =	shalt  }
0x75: {  	_ =	shalt  }
0x76: {  	_ =	shalt  }
0x77: {  	_ =	shalt  }
0x78: {  	_ =	shalt  }
0x79: {  	_ =	shalt  }
0x7a: {  	_ =	shalt  }
0x7b: {  	_ =	shalt  }
0x7c: {  	_ =	shalt  }
0x7d: {  	_ =	shalt  }
0x7e: {  	_ =	shalt  }
0x7f: {  	_ =	shalt  }
0x80: {  	_ =	shalt  }
0x81: {  	_ =	shalt  }
0x82: {  	_ =	shalt  }
0x83: {  	_ =	shalt  }
0x84: {  	_ =	shalt  }
0x85: {  	_ =	shalt  }
0x86: {  	_ =	shalt  }
0x87: {  	_ =	shalt  }
.Lfunc_end0:
.L_simem_size_0:
called_computation_lowered:
.L_overlay_start_0:
0x88: {  	s2 =	sld [smem:$0x3FD9]  }
0x89: {  	s3 =	sld [smem:$0x3FFE];
	_ =	sdelay $0x1  }
0x8a: {  	s1 =	srdreg.scid  }
0x8b: {  	s0 =	sand.u32 $0x1, s1  }
0x8c: {  	s17 =	sshll.u32 s0, $0xA;
	s2 =	sadd.s32 s3, s2  }
0x8d: {  	s2 =	sadd.s32 s2, s17  }
0x8e: {  	[smem:$0x3FC6] =	sst s2  }
0x8f: {  	_ = 	snop  }
0x90: {  	s2 =	sld [smem:$0x3FC9]  }
0x91: {  	s18 =	sld [smem:$0x3FD0];
	(tm) =	ssettm $0x1  }
0x92: {  	s4 =	sld [smem:$0x3FFB];
	_ =	sdelay $0x3  }
0x93: {  	_ =	strace s4  }
0x94: {  	s4 =	sld [smem:$0x3FFC];
	_ =	sdelay $0x3  }
0x95: {  	_ =	strace s4  }
0x96: {  	s4 =	sld [smem:$0x3FFD];
	_ =	sdelay $0x3  }
0x97: {  	_ =	strace s4  }
0x98: {  	_ =	strace $0x8FFFFFFF  }
0x99: {  	s19 =	sld [smem:$0x3FDB];
	_ =	sdelay $0x1  }
0x9a: {  	s5 =	simm.s32 $_scs_section_size  }
0x9b: {  	s6 =	simm.s32 $_size__tile_overlayer_lowered;
	s7 =	simm.s32 $_tile_overlayer_lowered  }
0x9c: {  	s22 =	simm.s32 $0x1BFF;
	s21 =	sshll.u32 s7, $0x1;
	s4 =	sadd.s32 s5, s19  }
0x9d: {  	s8 =	simm.s32 $0x0;
	s20 =	sshll.u32 s6, $0x1;
	s6 =	sadd.s32 s21, s4  }
0x9e: {  	[timem:s8], [sflag:s22] =	dma.local [hbm:s6], s20  }
0x9f: {  	_ =	swait.ge [sflag:s22], s20  }
0xa0: {  	s5 =	ssub.s32 $0x0, s20;
	[sflag:s22] =	ssyncset.done $0x0  }
0xa1: {  	[sflag:s22] =	ssyncadd.s32 s5;
	_ =	sdelay $0x1  }
0xa2: {  	s23 =	simm.s32 $0x1B8B  }
0xa3: {  	_ =	swait.ge [sflag:s23], $0x1  }
0xa4: {  	[sflag:s23] =	ssyncset.done $0x0  }
0xa5: {  	s25 =	simm.s32 $0x1B8E;
	s24 =	sld [smem:$0x3FFE];
	[sflag:s23] =	ssyncadd.s32 $0xFFFFFFFF  }
0xa6: {  	s26 =	simm.s32 $execute0_lowered;
	[smem:$0x3FD2] =	sst s25  }
0xa7: {  	s6 =	sshll.u32 s26, $0x1;
	_ =	strace $0x80000046;
	[dreg:$0x1] =	wrdreg $0xFFFFFFFF  }
0xa8: {  	s28 =	simm.s32 $_size_execute0_lowered;
	s4 =	sadd.s32 s4, s6;
	[dreg:$0x0] =	wrdreg $0x0  }
0xa9: {  	s6 =	sshll.u32 s28, $0x1;
	[dreg:$0x2] =	wrdreg s4  }
0xaa: {  	[dreg:$0x3] =	wrdreg s6  }
0xab: {  	[dreg:$0x4] =	wrdreg $0xC0  }
0xac: {  	_ =	task [dreg:s8], $0x5FFFF  }
0xad: {  	[dreg:$0x1] =	wrdreg $0xFFFFFFFF  }
0xae: {  	[dreg:$0x0] =	wrdreg $0x60  }
0xaf: {  	[dreg:$0x2] =	wrdreg s2  }
0xb0: {  	[dreg:$0x3] =	wrdreg s24  }
0xb1: {  	[dreg:$0x4] =	wrdreg s18  }
0xb2: {  	[dreg:$0x5] =	wrdreg $0x9  }
0xb3: {  	_ =	task.clear_ibuf [dreg:s8], $0x6FFFF;
	_ =	strace $0x90000046  }
0xb4: {  	s29 =	simm.s32 $0x9;
	_ =	strace $0x80000048  }
0xb5: {  	_ =	swait.ge [sflag:s29], $0x1  }
0xb6: {  	[sflag:s29] =	ssyncadd.s32 $0xFFFFFFFF  }
0xb7: {  	_ =	strace $0x90000048  }
0xb8: {  	_ =	sfence  }
0xb9: {  	s30 =	sld [smem:$0x0];
	_ =	sdelay $0x2  }
0xba: {  	s31 =	sshll.u32 s1, $0xD;
	s1 =	sshrl.u32 s1, $0x2  }
0xbb: {  	s3 =	sand.u32 $0x4000, s31;
	s1 =	sadd.s32 s1, s30  }
0xbc: {  	s0 =	sor.u32 s3, s0;
	s1 =	sshll.u32 s1, $0x11  }
0xbd: {  	s0 =	sor.u32 s1, s0  }
0xbe: {  	s0 =	sadd.s32 $0x8F2B, s0  }
0xbf: {  	[sflag:s0] =	ssyncadd.remote.s32 $0x1  }
0xc0: {  	_ =	sfence.sel $0xFFFF  }
0xc1: {  	[dreg:$0x0] =	wrdreg $0xFFFFFFFF;
	(pc) =	sbr.abs _section_cstart, $3  }
0xc2: {  	[dreg:$0x1] =	wrdreg $0xFFFFFFFF  }
0xc3: {  	_ =	task.clear_ibuf [dreg:s8], $0x2FFFF;
	_ =	strace $0x9FFFFFFF  }
0xc4: {  	(tm) =	ssettm $0x7FFFFFFF  }
0xc5: {  	_ =	shalt  }
tec
execute0_lowered:
.L_overlay_start_1:
0x0: {  	(tag) =	ssettag $0x1  }
0x1: {  	s0 =	srdreg.scid;
	s1 =	rddreg [dreg:$0x0]  }
0x2: {  	s6 =	stileid.u32;
	s3 =	rddreg [dreg:$0x1]  }
0x3: {  	s2 =	rddreg [dreg:$0x2];
	s22 =	simm.s32 $0x0;
	s5 =	simm.s32 $0x1  }
0x4: {  	s16 =	simm.s32 $0x8000;
	s17 =	simm.s32 $0x5;
	s18 =	simm.s32 $0x80  }
0x5: {  	s19 =	simm.s32 $0x8800;
	s21 =	simm.s32 $0xA800;
	s29 =	simm.s32 $0x800  }
0x6: {  	s30 =	simm.s32 $0x10800;
	s31 =	simm.s32 $0x2;
	s0 =	sand.u32 $0x1, s0  }
0x7: {  	s15 =	simm.s32 $0x14800;
	s20 =	simm.s32 $0x3;
	s4 =	sor.u32 s0, s6  }
0x8: {  	[smem:$0x7FF] =	sst s22;
	p1 =	seq.s32 s0, $0x1;
	p0 =	seq.s32 s4, $0x0  }
0x9: {  	s22 =	simm.s32 $0x4;
	_ =	strace $0x80000047;
	p0 =	por !p0, !p1  }
0xa: {  	s24 =	ssub.s32 $0x2, s0;
	s7 =	sshll.u32 s0, $0xE;
	p0 =	por !p0, !p0  }
0xb: {  	s0 =	sshll.u32 s0, $0x4;
	s4 =	sadd.s32 $0x400, s3;
	s5 =	simm.s32 @!p0 $0x0  }
0xc: {  	v0 =	vlaneseq.u32;
	s8 =	sshrl.u32 s24, $0x1;
	s10 =	sor.u32 $0x4, s0;
	s23 =	ssub.s32 s6, s5  }
0xd: {  	v0 =	vmul.u32 $0x40, v0;
	s11 =	sor.u32 $0x6, s0;
	s5 =	sshll.u32 s23, $0x12;
	s3 =	sshll.u32 s23, $0x10  }
0xe: {  	s8 =	ssub.s32 s24, s8;
	s9 =	sor.u32 s7, s5;
	s3 =	sor.u32 s7, s3  }
0xf: {  	v1 =	vor.u32 $0x400, v0;
	v2 =	vor.u32 $0x800, v0;
	v3 =	vor.u32 $0xC00, v0;
	s24 =	simm.s32 $0x0;
	s25 =	sshrl.u32 s9, $0x3;
	s3 =	sshrl.u32 s3, $0x3  }
0x10: {  	v4 =	vor.u32 $0x1000, v0;
	v5 =	vor.u32 $0x1400, v0;
	v6 =	vor.u32 $0x1800, v0;
	s14 =	smax.u32 s8, $0x1;
	s7 =	sadd.s32 s2, s25;
	s1 =	sadd.s32 s1, s3  }
0x11: {  	v7 =	vor.u32 $0x1C00, v0;
	v8 =	vor.u32 $0x2000, v0;
	v9 =	vor.u32 $0x2400, v0;
	s6 =	simm.s32 $0x1;
	[dreg:$0x4] =	wrdreg s1;
	s26 =	sadd.s32 $0x100, s7  }
0x12: {  	v10 =	vor.u32 $0x2800, v0;
	v11 =	vor.u32 $0x2C00, v0;
	v12 =	vor.u32 $0x3000, v0;
	s23 =	simm.s32 $0xC800;
	s28 =	sadd.s32 $0x600, s7;
	[dreg:$0x5] =	wrdreg s26  }
0x13: {  	v13 =	vor.u32 $0x3400, v0;
	v14 =	vor.u32 $0x3800, v0;
	v15 =	vor.u32 $0x3C00, v0;
	s25 =	simm.s32 $0xE800;
	s13 =	sadd.s32 $0x700, s7;
	[dreg:$0x6] =	wrdreg s28  }
.LBB2_1:
0x14: {  	s1 =	simm.s32 $0x0;
	s0 =	rddreg [dreg:$0x4];
	s3 =	simm.s32 $0x4000  }
0x15: {  	[tilespmem:s1], [sflag:$0x5] =	stream.strided.gather [hbm4b:s0+s3], $0x8000, s16, s3, $0x38;
	[tilespmem:$0x18800] =	vst v63  }
0x16: {  	s26 =	simm.s32 $0x0;
	_ =	swait.ge [sflag:s17], $0x8000  }
0x17: {  	s1 =	sand.u32 $0x70, s1;
	s0 =	sand.u32 $0x3FFFFC00, s26;
	[sflag:s17] =	ssyncset.done $0x0  }
0x18: {  	s0 =	sor.u32 s1, s0;
	[sflag:s17] =	ssyncadd.s32 $0xFFFF8000  }
0x19: {  	v16 =	vld [tilespmem:s0+$0x0];
	_ =	sdelay $0x2  }
0x1a: {  	v17 =	vld [tilespmem:s0+$0x80];
	_ =	sdelay $0x1  }
0x1b: {  	v16 =	vxor.u32 $0x811C9DC5, v16  }
0x1c: {  	v18 =	vld [tilespmem:s0+$0x100];
	v16 =	vmul.u32 $0x1000193, v16;
	_ =	sdelay $0x1  }
0x1d: {  	v16 =	vxor.u32 v17, v16  }
0x1e: {  	v17 =	vld [tilespmem:s0+$0x180];
	v16 =	vmul.u32 $0x1000193, v16;
	_ =	sdelay $0x1  }
0x1f: {  	v16 =	vxor.u32 v18, v16  }
0x20: {  	v18 =	vld [tilespmem:s0+$0x200];
	v16 =	vmul.u32 $0x1000193, v16;
	_ =	sdelay $0x1  }
0x21: {  	v16 =	vxor.u32 v17, v16  }
0x22: {  	v17 =	vld [tilespmem:s0+$0x280];
	v16 =	vmul.u32 $0x1000193, v16;
	_ =	sdelay $0x1  }
0x23: {  	v16 =	vxor.u32 v18, v16  }
0x24: {  	v18 =	vld [tilespmem:s0+$0x300];
	v16 =	vmul.u32 $0x1000193, v16;
	_ =	sdelay $0x1  }
0x25: {  	v16 =	vxor.u32 v17, v16  }
0x26: {  	v17 =	vld [tilespmem:s0+$0x380];
	v16 =	vmul.u32 $0x1000193, v16;
	_ =	sdelay $0x1  }
0x27: {  	v16 =	vxor.u32 v18, v16  }
0x28: {  	v18 =	vld [tilespmem:s0+$0x4000];
	v16 =	vmul.u32 $0x1000193, v16;
	_ =	sdelay $0x1  }
0x29: {  	v16 =	vxor.u32 v17, v16  }
0x2a: {  	v17 =	vld [tilespmem:s0+$0x4080];
	v16 =	vmul.u32 $0x1000193, v16;
	_ =	sdelay $0x1  }
0x2b: {  	v16 =	vxor.u32 v18, v16  }
0x2c: {  	v18 =	vld [tilespmem:s0+$0x4100];
	v16 =	vmul.u32 $0x1000193, v16;
	_ =	sdelay $0x1  }
0x2d: {  	v16 =	vxor.u32 v17, v16  }
0x2e: {  	v17 =	vld [tilespmem:s0+$0x4180];
	v16 =	vmul.u32 $0x1000193, v16;
	_ =	sdelay $0x1  }
0x2f: {  	v16 =	vxor.u32 v18, v16  }
0x30: {  	v18 =	vld [tilespmem:s0+$0x4200];
	v16 =	vmul.u32 $0x1000193, v16;
	_ =	sdelay $0x1  }
0x31: {  	v16 =	vxor.u32 v17, v16  }
0x32: {  	v17 =	vld [tilespmem:s0+$0x4280];
	v16 =	vmul.u32 $0x1000193, v16;
	_ =	sdelay $0x1  }
0x33: {  	v16 =	vxor.u32 v18, v16  }
0x34: {  	v18 =	vld [tilespmem:s0+$0x4300];
	v16 =	vmul.u32 $0x1000193, v16;
	_ =	sdelay $0x1  }
0x35: {  	v16 =	vxor.u32 v17, v16  }
0x36: {  	v17 =	vld [tilespmem:s0+$0x4380];
	v16 =	vmul.u32 $0x1000193, v16;
	_ =	sdelay $0x1  }
0x37: {  	v16 =	vxor.u32 v18, v16  }
0x38: {  	v16 =	vmul.u32 $0x1000193, v16;
	_ =	sdelay $0x1  }
0x39: {  	v16 =	vxor.u32 v17, v16  }
0x3a: {  	v16 =	vmul.u32 $0x1000193, v16;
	_ =	sdelay $0x1  }
0x3b: {  	v17 =	vshrl.u32 v16, $0x5  }
0x3c: {  	v17 =	vmulhi.u32 $0xA7C5AC5, v17;
	_ =	sdelay $0x1  }
0x3d: {  	s28 =	simm.s32 $0x0;
	v17 =	vshrl.u32 v17, $0x7  }
0x3e: {  	s8 =	simm.s32 $0x2;
	s26 =	simm.s32 $0x80;
	s3 =	simm.s32 $0x10;
	v17 =	vmul.u32 $0x186A0, v17  }
0x3f: {  	s28 =	sand.u32 $0x3FFFFF80, s28;
	s9 =	sand.u32 $0x70, s3;
	s0 =	simm.s32 $0x1  }
.LBB2_2:
0x40: {  	p0 =	sne.s32 s8, $0x7F;
	s26 =	sand.u32 $0x3FFFFC00, s26;
	v16 =	vsub.s32 v16, v17;
	s1 =	sor.u32 s1, s28  }
0x41: {  	s26 =	sor.u32 s9, s26;
	[tilespmem:s1+$0x8000] =	vst v16;
	s1 =	smov.u32 s9;
	s9 =	smov.u32 s0  }
0x42: {  	s0 =	smov.u32 s8;
	v16 =	vld [tilespmem:s26+$0x0];
	_ =	sdelay $0x2  }
0x43: {  	v17 =	vld [tilespmem:s26+$0x80];
	_ =	sdelay $0x1  }
0x44: {  	v16 =	vxor.u32 $0x811C9DC5, v16  }
0x45: {  	v16 =	vmul.u32 $0x1000193, v16;
	v18 =	vld [tilespmem:s26+$0x100];
	_ =	sdelay $0x1  }
0x46: {  	v16 =	vxor.u32 v17, v16  }
0x47: {  	v16 =	vmul.u32 $0x1000193, v16;
	v17 =	vld [tilespmem:s26+$0x180];
	_ =	sdelay $0x1  }
0x48: {  	v16 =	vxor.u32 v18, v16  }
0x49: {  	v16 =	vmul.u32 $0x1000193, v16;
	v18 =	vld [tilespmem:s26+$0x200];
	_ =	sdelay $0x1  }
0x4a: {  	v16 =	vxor.u32 v17, v16  }
0x4b: {  	v16 =	vmul.u32 $0x1000193, v16;
	v17 =	vld [tilespmem:s26+$0x280];
	_ =	sdelay $0x1  }
0x4c: {  	v16 =	vxor.u32 v18, v16  }
0x4d: {  	v16 =	vmul.u32 $0x1000193, v16;
	v18 =	vld [tilespmem:s26+$0x300];
	_ =	sdelay $0x1  }
0x4e: {  	v16 =	vxor.u32 v17, v16  }
0x4f: {  	v16 =	vmul.u32 $0x1000193, v16;
	v17 =	vld [tilespmem:s26+$0x380];
	_ =	sdelay $0x1  }
0x50: {  	v16 =	vxor.u32 v18, v16  }
0x51: {  	v16 =	vmul.u32 $0x1000193, v16;
	v18 =	vld [tilespmem:s26+$0x4000];
	_ =	sdelay $0x1  }
0x52: {  	v16 =	vxor.u32 v17, v16  }
0x53: {  	v16 =	vmul.u32 $0x1000193, v16;
	v17 =	vld [tilespmem:s26+$0x4080];
	_ =	sdelay $0x1  }
0x54: {  	v16 =	vxor.u32 v18, v16  }
0x55: {  	v16 =	vmul.u32 $0x1000193, v16;
	v18 =	vld [tilespmem:s26+$0x4100];
	_ =	sdelay $0x1  }
0x56: {  	v16 =	vxor.u32 v17, v16  }
0x57: {  	v16 =	vmul.u32 $0x1000193, v16;
	v17 =	vld [tilespmem:s26+$0x4180];
	_ =	sdelay $0x1  }
0x58: {  	v16 =	vxor.u32 v18, v16  }
0x59: {  	v16 =	vmul.u32 $0x1000193, v16;
	v18 =	vld [tilespmem:s26+$0x4200];
	_ =	sdelay $0x1  }
0x5a: {  	v16 =	vxor.u32 v17, v16  }
0x5b: {  	v16 =	vmul.u32 $0x1000193, v16;
	v17 =	vld [tilespmem:s26+$0x4280];
	_ =	sdelay $0x1  }
0x5c: {  	v16 =	vxor.u32 v18, v16  }
0x5d: {  	v16 =	vmul.u32 $0x1000193, v16;
	v18 =	vld [tilespmem:s26+$0x4300];
	_ =	sdelay $0x1  }
0x5e: {  	v16 =	vxor.u32 v17, v16  }
0x5f: {  	v16 =	vmul.u32 $0x1000193, v16;
	v17 =	vld [tilespmem:s26+$0x4380];
	_ =	sdelay $0x1  }
0x60: {  	v16 =	vxor.u32 v18, v16  }
0x61: {  	v16 =	vmul.u32 $0x1000193, v16;
	_ =	sdelay $0x1  }
0x62: {  	v16 =	vxor.u32 v17, v16  }
0x63: {  	v16 =	vmul.u32 $0x1000193, v16;
	_ =	sdelay $0x1  }
0x64: {  	v17 =	vshrl.u32 v16, $0x5  }
.Ltmp0:
0x65: {  	v17 =	vmulhi.u32 $0xA7C5AC5, v17;
	(pc) =	sbr.rel @p0 .LBB2_2-.Ltmp0, $4  }
0x66: {  	_ = 	snop  }
0x67: {  	v17 =	vshrl.u32 v17, $0x7  }
0x68: {  	s3 =	sadd.s32 $0x10, s3;
	s28 =	sshll.u32 s9, $0x4;
	s26 =	sshll.u32 s8, $0x7;
	v17 =	vmul.u32 $0x186A0, v17  }
0x69: {  	s9 =	sand.u32 $0x70, s3;
	s28 =	sand.u32 $0x3FFFFF80, s28;
	s8 =	sadd.s32 $0x1, s8  }
0x6a: {  	s3 =	sand.u32 $0x3FFFFC00, s26;
	v16 =	vsub.s32 v16, v17;
	s1 =	sor.u32 s1, s28  }
0x6b: {  	s3 =	sor.u32 s9, s3;
	[tilespmem:s1+$0x8000] =	vst v16  }
0x6c: {  	v16 =	vld [tilespmem:s3+$0x0];
	_ =	sdelay $0x2  }
0x6d: {  	v17 =	vld [tilespmem:s3+$0x80];
	_ =	sdelay $0x1  }
0x6e: {  	v16 =	vxor.u32 $0x811C9DC5, v16  }
0x6f: {  	v18 =	vld [tilespmem:s3+$0x100];
	v16 =	vmul.u32 $0x1000193, v16;
	_ =	sdelay $0x1  }
0x70: {  	v16 =	vxor.u32 v17, v16  }
0x71: {  	v17 =	vld [tilespmem:s3+$0x180];
	v16 =	vmul.u32 $0x1000193, v16;
	_ =	sdelay $0x1  }
0x72: {  	v16 =	vxor.u32 v18, v16  }
0x73: {  	v18 =	vld [tilespmem:s3+$0x200];
	v16 =	vmul.u32 $0x1000193, v16;
	_ =	sdelay $0x1  }
0x74: {  	v16 =	vxor.u32 v17, v16  }
0x75: {  	v17 =	vld [tilespmem:s3+$0x280];
	v16 =	vmul.u32 $0x1000193, v16;
	_ =	sdelay $0x1  }
0x76: {  	v16 =	vxor.u32 v18, v16  }
0x77: {  	v18 =	vld [tilespmem:s3+$0x300];
	v16 =	vmul.u32 $0x1000193, v16;
	_ =	sdelay $0x1  }
0x78: {  	v16 =	vxor.u32 v17, v16  }
0x79: {  	v17 =	vld [tilespmem:s3+$0x380];
	v16 =	vmul.u32 $0x1000193, v16;
	_ =	sdelay $0x1  }
0x7a: {  	v16 =	vxor.u32 v18, v16  }
0x7b: {  	v18 =	vld [tilespmem:s3+$0x4000];
	v16 =	vmul.u32 $0x1000193, v16;
	_ =	sdelay $0x1  }
0x7c: {  	v16 =	vxor.u32 v17, v16  }
0x7d: {  	v17 =	vld [tilespmem:s3+$0x4080];
	v16 =	vmul.u32 $0x1000193, v16;
	_ =	sdelay $0x1  }
0x7e: {  	v16 =	vxor.u32 v18, v16  }
0x7f: {  	v18 =	vld [tilespmem:s3+$0x4100];
	v16 =	vmul.u32 $0x1000193, v16;
	_ =	sdelay $0x1  }
0x80: {  	v16 =	vxor.u32 v17, v16  }
0x81: {  	v17 =	vld [tilespmem:s3+$0x4180];
	v16 =	vmul.u32 $0x1000193, v16;
	_ =	sdelay $0x1  }
0x82: {  	v16 =	vxor.u32 v18, v16  }
0x83: {  	v18 =	vld [tilespmem:s3+$0x4200];
	v16 =	vmul.u32 $0x1000193, v16;
	_ =	sdelay $0x1  }
0x84: {  	v16 =	vxor.u32 v17, v16  }
0x85: {  	v17 =	vld [tilespmem:s3+$0x4280];
	v16 =	vmul.u32 $0x1000193, v16;
	_ =	sdelay $0x1  }
0x86: {  	v16 =	vxor.u32 v18, v16  }
0x87: {  	v18 =	vld [tilespmem:s3+$0x4300];
	v16 =	vmul.u32 $0x1000193, v16;
	_ =	sdelay $0x1  }
0x88: {  	v16 =	vxor.u32 v17, v16  }
0x89: {  	v17 =	vld [tilespmem:s3+$0x4380];
	v16 =	vmul.u32 $0x1000193, v16;
	_ =	sdelay $0x1  }
0x8a: {  	v16 =	vxor.u32 v18, v16  }
0x8b: {  	v16 =	vmul.u32 $0x1000193, v16;
	_ =	sdelay $0x1  }
0x8c: {  	v16 =	vxor.u32 v17, v16  }
0x8d: {  	v16 =	vmul.u32 $0x1000193, v16;
	_ =	sdelay $0x1  }
0x8e: {  	v17 =	vshrl.u32 v16, $0x5  }
0x8f: {  	v17 =	vmulhi.u32 $0xA7C5AC5, v17;
	_ =	sdelay $0x1  }
0x90: {  	v17 =	vshrl.u32 v17, $0x7  }
0x91: {  	s0 =	sshll.u32 s0, $0x4;
	v17 =	vmul.u32 $0x186A0, v17  }
0x92: {  	s0 =	sand.u32 $0x3FFFFF80, s0  }
0x93: {  	s0 =	sor.u32 s9, s0;
	v16 =	vsub.s32 v16, v17  }
0x94: {  	[tilespmem:s0+$0x8000] =	vst v16  }
0x95: {  	[tilespmem:s19], [sflag:$0x1] =	stream.indirect.gather [hbm4b:s4+s18], $0x40, s16, s18, $0xb8;
	[tilespmem:$0x18800] =	vst v63  }
0x96: {  	s3 =	simm.s32 $0x8080  }
0x97: {  	[tilespmem:s21], [sflag:$0x1] =	stream.indirect.gather [hbm4b:s4+s18], $0x40, s3, s18, $0xb8;
	[tilespmem:$0x18800] =	vst v63  }
0x98: {  	s8 =	simm.s32 $0x8100;
	s0 =	simm.s32 $0x0  }
0x99: {  	v16 =	vmov s0;
	[tilespmem:s23], [sflag:$0x2] =	stream.indirect.gather [hbm4b:s4+s18], $0x40, s8, s18, $0xb8;
	[tilespmem:$0x18800] =	vst v63  }
0x9a: {  	s9 =	simm.s32 $0x8180;
	v16 =	vand.u32 $0x3F, v16  }
0x9b: {  	v16 =	vbroadcast v16, $0x0;
	[tilespmem:s25], [sflag:$0x2] =	stream.indirect.gather [hbm4b:s4+s18], $0x40, s9, s18, $0xb8;
	[tilespmem:$0x18800] =	vst v63  }
0x9c: {  	_ =	swait.ge [sflag:s6], $0x2000  }
0x9d: {  	v17 =	vor.u32 v0, v16;
	[sflag:s6] =	ssyncset.done $0x0  }
0x9e: {  	[sflag:s6] =	ssyncadd.s32 $0xFFFFE000  }
0x9f: {  	_ =	swait.ge [sflag:s6], $0x2000  }
0xa0: {  	[sflag:s6] =	ssyncset.done $0x0  }
0xa1: {  	[sflag:s6] =	ssyncadd.s32 $0xFFFFE000  }
0xa2: {  	v17 =	vld.idx.msk [tilespmem:v17+s19+$0x0], $0xffff  }
0xa3: {  	v18 =	vor.u32 v1, v16;
	_ =	sdelay $0x1  }
0xa4: {  	s12 =	sand.u32 $0x3800, s0;
	s26 =	sand.u32 $0x380, s0  }
0xa5: {  	s1 =	sor.u32 s26, s12  }
0xa6: {  	[tilespmem:s1+$0x10800] =	vst v17  }
0xa7: {  	v17 =	vld.idx.msk [tilespmem:v18+s19+$0x0], $0xffff  }
0xa8: {  	v18 =	vor.u32 v2, v16;
	_ =	sdelay $0x2  }
0xa9: {  	s1 =	sadd.s32 $0x10800, s1  }
0xaa: {  	[tilespmem:s1+$0x10] =	vst v17  }
0xab: {  	v17 =	vld.idx.msk [tilespmem:v18+s19+$0x0], $0xffff  }
0xac: {  	v18 =	vor.u32 v3, v16;
	_ =	sdelay $0x3  }
0xad: {  	[tilespmem:s1+$0x20] =	vst v17  }
0xae: {  	v17 =	vld.idx.msk [tilespmem:v18+s19+$0x0], $0xffff  }
0xaf: {  	v18 =	vor.u32 v4, v16;
	_ =	sdelay $0x3  }
0xb0: {  	[tilespmem:s1+$0x30] =	vst v17  }
0xb1: {  	v17 =	vld.idx.msk [tilespmem:v18+s19+$0x0], $0xffff  }
0xb2: {  	v18 =	vor.u32 v5, v16;
	_ =	sdelay $0x3  }
0xb3: {  	[tilespmem:s1+$0x40] =	vst v17  }
0xb4: {  	v17 =	vld.idx.msk [tilespmem:v18+s19+$0x0], $0xffff  }
0xb5: {  	v18 =	vor.u32 v6, v16;
	_ =	sdelay $0x3  }
0xb6: {  	[tilespmem:s1+$0x50] =	vst v17  }
0xb7: {  	v17 =	vld.idx.msk [tilespmem:v18+s19+$0x0], $0xffff  }
0xb8: {  	v18 =	vor.u32 v7, v16;
	_ =	sdelay $0x3  }
0xb9: {  	[tilespmem:s1+$0x60] =	vst v17  }
0xba: {  	v17 =	vld.idx.msk [tilespmem:v18+s19+$0x0], $0xffff  }
0xbb: {  	v18 =	vor.u32 v8, v16;
	_ =	sdelay $0x3  }
0xbc: {  	[tilespmem:s1+$0x70] =	vst v17  }
0xbd: {  	v17 =	vld.idx.msk [tilespmem:v18+s19+$0x0], $0xffff  }
0xbe: {  	v18 =	vor.u32 v9, v16;
	_ =	sdelay $0x3  }
0xbf: {  	[tilespmem:s1+$0x400] =	vst v17  }
0xc0: {  	v17 =	vld.idx.msk [tilespmem:v18+s19+$0x0], $0xffff  }
0xc1: {  	v18 =	vor.u32 v10, v16;
	_ =	sdelay $0x3  }
0xc2: {  	[tilespmem:s1+$0x410] =	vst v17  }
0xc3: {  	v17 =	vld.idx.msk [tilespmem:v18+s19+$0x0], $0xffff  }
0xc4: {  	v18 =	vor.u32 v11, v16;
	_ =	sdelay $0x3  }
0xc5: {  	[tilespmem:s1+$0x420] =	vst v17  }
0xc6: {  	v17 =	vld.idx.msk [tilespmem:v18+s19+$0x0], $0xffff  }
0xc7: {  	v18 =	vor.u32 v12, v16;
	_ =	sdelay $0x3  }
0xc8: {  	[tilespmem:s1+$0x430] =	vst v17  }
0xc9: {  	v17 =	vld.idx.msk [tilespmem:v18+s19+$0x0], $0xffff  }
0xca: {  	v18 =	vor.u32 v13, v16;
	_ =	sdelay $0x3  }
0xcb: {  	[tilespmem:s1+$0x440] =	vst v17  }
0xcc: {  	v17 =	vld.idx.msk [tilespmem:v18+s19+$0x0], $0xffff  }
0xcd: {  	v18 =	vor.u32 v14, v16;
	_ =	sdelay $0x3  }
0xce: {  	[tilespmem:s1+$0x450] =	vst v17  }
0xcf: {  	v18 =	vld.idx.msk [tilespmem:v18+s19+$0x0], $0xffff  }
0xd0: {  	v17 =	vor.u32 v15, v16;
	_ =	sdelay $0x1  }
0xd1: {  	s28 =	simm.s32 $0x1  }
0xd2: {  	s3 =	simm.s32 $0x0;
	s8 =	simm.s32 $0x2;
	v16 =	vmov s28  }
.LBB2_4:
0xd3: {  	p0 =	sne.s32 s8, $0x3F;
	v16 =	vand.u32 $0x3F, v16;
	[tilespmem:s1+$0x460] =	vst v18  }
0xd4: {  	v16 =	vbroadcast v16, $0x0;
	v17 =	vld.idx.msk [tilespmem:v17+s19+$0x0], $0xffff;
	_ =	sdelay $0x1  }
0xd5: {  	v18 =	vor.u32 v0, v16;
	_ =	sdelay $0x3  }
0xd6: {  	[tilespmem:s1+$0x470] =	vst v17  }
0xd7: {  	v17 =	vld.idx.msk [tilespmem:v18+s19+$0x0], $0xffff;
	_ =	sdelay $0x1  }
0xd8: {  	v18 =	vor.u32 v1, v16  }
0xd9: {  	s0 =	sadd.s32 $0x100, s0;
	s3 =	sadd.s32 $0x80, s3  }
0xda: {  	s9 =	sand.u32 $0x380, s3;
	s1 =	sand.u32 $0x3800, s0  }
0xdb: {  	s1 =	sor.u32 s9, s1  }
0xdc: {  	[tilespmem:s1+$0x10800] =	vst v17  }
0xdd: {  	v17 =	vld.idx.msk [tilespmem:v18+s19+$0x0], $0xffff;
	_ =	sdelay $0x1  }
0xde: {  	v18 =	vor.u32 v2, v16;
	_ =	sdelay $0x2  }
0xdf: {  	s1 =	sadd.s32 $0x10800, s1  }
0xe0: {  	[tilespmem:s1+$0x10] =	vst v17  }
0xe1: {  	v17 =	vld.idx.msk [tilespmem:v18+s19+$0x0], $0xffff;
	_ =	sdelay $0x1  }
0xe2: {  	v18 =	vor.u32 v3, v16;
	_ =	sdelay $0x3  }
0xe3: {  	[tilespmem:s1+$0x20] =	vst v17  }
0xe4: {  	v17 =	vld.idx.msk [tilespmem:v18+s19+$0x0], $0xffff;
	_ =	sdelay $0x1  }
0xe5: {  	v18 =	vor.u32 v4, v16;
	_ =	sdelay $0x3  }
0xe6: {  	[tilespmem:s1+$0x30] =	vst v17  }
0xe7: {  	v17 =	vld.idx.msk [tilespmem:v18+s19+$0x0], $0xffff;
	_ =	sdelay $0x1  }
0xe8: {  	v18 =	vor.u32 v5, v16;
	_ =	sdelay $0x3  }
0xe9: {  	[tilespmem:s1+$0x40] =	vst v17  }
0xea: {  	v17 =	vld.idx.msk [tilespmem:v18+s19+$0x0], $0xffff;
	_ =	sdelay $0x1  }
0xeb: {  	v18 =	vor.u32 v6, v16;
	_ =	sdelay $0x3  }
0xec: {  	[tilespmem:s1+$0x50] =	vst v17  }
0xed: {  	v17 =	vld.idx.msk [tilespmem:v18+s19+$0x0], $0xffff;
	_ =	sdelay $0x1  }
0xee: {  	v18 =	vor.u32 v7, v16;
	_ =	sdelay $0x3  }
0xef: {  	[tilespmem:s1+$0x60] =	vst v17  }
0xf0: {  	v17 =	vld.idx.msk [tilespmem:v18+s19+$0x0], $0xffff;
	_ =	sdelay $0x1  }
0xf1: {  	v18 =	vor.u32 v8, v16;
	_ =	sdelay $0x3  }
0xf2: {  	[tilespmem:s1+$0x70] =	vst v17  }
0xf3: {  	v17 =	vld.idx.msk [tilespmem:v18+s19+$0x0], $0xffff;
	_ =	sdelay $0x1  }
0xf4: {  	v18 =	vor.u32 v9, v16;
	_ =	sdelay $0x3  }
0xf5: {  	[tilespmem:s1+$0x400] =	vst v17  }
0xf6: {  	v17 =	vld.idx.msk [tilespmem:v18+s19+$0x0], $0xffff;
	_ =	sdelay $0x1  }
0xf7: {  	v18 =	vor.u32 v10, v16;
	_ =	sdelay $0x3  }
0xf8: {  	[tilespmem:s1+$0x410] =	vst v17  }
0xf9: {  	v17 =	vld.idx.msk [tilespmem:v18+s19+$0x0], $0xffff;
	_ =	sdelay $0x1  }
0xfa: {  	v18 =	vor.u32 v11, v16;
	_ =	sdelay $0x3  }
0xfb: {  	[tilespmem:s1+$0x420] =	vst v17  }
0xfc: {  	v17 =	vld.idx.msk [tilespmem:v18+s19+$0x0], $0xffff;
	_ =	sdelay $0x1  }
0xfd: {  	v18 =	vor.u32 v12, v16;
	_ =	sdelay $0x3  }
0xfe: {  	[tilespmem:s1+$0x430] =	vst v17  }
0xff: {  	v17 =	vld.idx.msk [tilespmem:v18+s19+$0x0], $0xffff;
	_ =	sdelay $0x1  }
0x100: {  	v18 =	vor.u32 v13, v16;
	_ =	sdelay $0x3  }
0x101: {  	[tilespmem:s1+$0x440] =	vst v17  }
0x102: {  	v17 =	vld.idx.msk [tilespmem:v18+s19+$0x0], $0xffff;
	_ =	sdelay $0x1  }
0x103: {  	v18 =	vor.u32 v14, v16;
	_ =	sdelay $0x3  }
0x104: {  	[tilespmem:s1+$0x450] =	vst v17  }
0x105: {  	v18 =	vld.idx.msk [tilespmem:v18+s19+$0x0], $0xffff  }
.Ltmp1:
0x106: {  	(pc) =	sbr.rel @p0 .LBB2_4-.Ltmp1, $2  }
0x107: {  	v17 =	vor.u32 v15, v16;
	_ =	sdelay $0x2  }
0x108: {  	v16 =	vmov s8;
	s8 =	sadd.s32 $0x1, s8  }
0x109: {  	_ =	sdelay $0x1  }
0x10a: {  	v16 =	vand.u32 $0x3F, v16  }
0x10b: {  	[tilespmem:s1+$0x460] =	vst v18;
	v16 =	vbroadcast v16, $0x0  }
0x10c: {  	v17 =	vld.idx.msk [tilespmem:v17+s19+$0x0], $0xffff  }
0x10d: {  	v18 =	vor.u32 v0, v16;
	_ =	sdelay $0x3  }
0x10e: {  	[tilespmem:s1+$0x470] =	vst v17  }
0x10f: {  	v17 =	vld.idx.msk [tilespmem:v18+s19+$0x0], $0xffff  }
0x110: {  	v18 =	vor.u32 v1, v16  }
0x111: {  	s0 =	sadd.s32 $0x100, s0;
	s3 =	sadd.s32 $0x80, s3  }
0x112: {  	s0 =	sand.u32 $0x3800, s0;
	s1 =	sand.u32 $0x380, s3  }
0x113: {  	s0 =	sor.u32 s1, s0  }
0x114: {  	[tilespmem:s0+$0x10800] =	vst v17  }
0x115: {  	v17 =	vld.idx.msk [tilespmem:v18+s19+$0x0], $0xffff  }
0x116: {  	v18 =	vor.u32 v2, v16;
	_ =	sdelay $0x2  }
0x117: {  	s0 =	sadd.s32 $0x10800, s0  }
0x118: {  	[tilespmem:s0+$0x10] =	vst v17  }
0x119: {  	v17 =	vld.idx.msk [tilespmem:v18+s19+$0x0], $0xffff  }
0x11a: {  	v18 =	vor.u32 v3, v16;
	_ =	sdelay $0x3  }
0x11b: {  	[tilespmem:s0+$0x20] =	vst v17  }
0x11c: {  	v17 =	vld.idx.msk [tilespmem:v18+s19+$0x0], $0xffff  }
0x11d: {  	v18 =	vor.u32 v4, v16;
	_ =	sdelay $0x3  }
0x11e: {  	[tilespmem:s0+$0x30] =	vst v17  }
0x11f: {  	v17 =	vld.idx.msk [tilespmem:v18+s19+$0x0], $0xffff  }
0x120: {  	v18 =	vor.u32 v5, v16;
	_ =	sdelay $0x3  }
0x121: {  	[tilespmem:s0+$0x40] =	vst v17  }
0x122: {  	v17 =	vld.idx.msk [tilespmem:v18+s19+$0x0], $0xffff  }
0x123: {  	v18 =	vor.u32 v6, v16;
	_ =	sdelay $0x3  }
0x124: {  	[tilespmem:s0+$0x50] =	vst v17  }
0x125: {  	v17 =	vld.idx.msk [tilespmem:v18+s19+$0x0], $0xffff  }
0x126: {  	v18 =	vor.u32 v7, v16;
	_ =	sdelay $0x3  }
0x127: {  	[tilespmem:s0+$0x60] =	vst v17  }
0x128: {  	v17 =	vld.idx.msk [tilespmem:v18+s19+$0x0], $0xffff  }
0x129: {  	v18 =	vor.u32 v8, v16;
	_ =	sdelay $0x3  }
0x12a: {  	[tilespmem:s0+$0x70] =	vst v17  }
0x12b: {  	v17 =	vld.idx.msk [tilespmem:v18+s19+$0x0], $0xffff  }
0x12c: {  	v18 =	vor.u32 v9, v16;
	_ =	sdelay $0x3  }
0x12d: {  	[tilespmem:s0+$0x400] =	vst v17  }
0x12e: {  	v17 =	vld.idx.msk [tilespmem:v18+s19+$0x0], $0xffff  }
0x12f: {  	v18 =	vor.u32 v10, v16;
	_ =	sdelay $0x3  }
0x130: {  	[tilespmem:s0+$0x410] =	vst v17  }
0x131: {  	v17 =	vld.idx.msk [tilespmem:v18+s19+$0x0], $0xffff  }
0x132: {  	v18 =	vor.u32 v11, v16;
	_ =	sdelay $0x3  }
0x133: {  	[tilespmem:s0+$0x420] =	vst v17  }
0x134: {  	v17 =	vld.idx.msk [tilespmem:v18+s19+$0x0], $0xffff  }
0x135: {  	v18 =	vor.u32 v12, v16;
	_ =	sdelay $0x3  }
0x136: {  	[tilespmem:s0+$0x430] =	vst v17  }
0x137: {  	v17 =	vld.idx.msk [tilespmem:v18+s19+$0x0], $0xffff  }
0x138: {  	v18 =	vor.u32 v13, v16;
	_ =	sdelay $0x3  }
0x139: {  	[tilespmem:s0+$0x440] =	vst v17  }
0x13a: {  	v17 =	vld.idx.msk [tilespmem:v18+s19+$0x0], $0xffff  }
0x13b: {  	v18 =	vor.u32 v14, v16;
	_ =	sdelay $0x3  }
0x13c: {  	[tilespmem:s0+$0x450] =	vst v17  }
0x13d: {  	v17 =	vld.idx.msk [tilespmem:v18+s19+$0x0], $0xffff  }
0x13e: {  	v16 =	vor.u32 v15, v16;
	_ =	sdelay $0x3  }
0x13f: {  	[tilespmem:s0+$0x460] =	vst v17  }
0x140: {  	v16 =	vld.idx.msk [tilespmem:v16+s19+$0x0], $0xffff;
	_ =	sdelay $0x4  }
0x141: {  	s8 =	simm.s32 $0x8200;
	[tilespmem:s0+$0x470] =	vst v16  }
0x142: {  	[tilespmem:s19], [sflag:$0x1] =	stream.indirect.gather [hbm4b:s4+s18], $0x40, s8, s18, $0xb8;
	[tilespmem:$0x18800] =	vst v63  }
0x143: {  	s9 =	simm.s32 $0x8280;
	s0 =	simm.s32 $0x0  }
0x144: {  	v16 =	vmov s0;
	[tilespmem:s21], [sflag:$0x1] =	stream.indirect.gather [hbm4b:s4+s18], $0x40, s9, s18, $0xb8;
	[tilespmem:$0x18800] =	vst v63  }
0x145: {  	v16 =	vand.u32 $0x3F, v16  }
0x146: {  	v16 =	vbroadcast v16, $0x0;
	[hbm4b:s7+s29] =	stream.strided.scatter [tilespmem:s30], [sflag:$0x3], $0x4000, s16, s29, $0x38;
	[tilespmem:$0x18800] =	vst v63  }
0x147: {  	_ =	swait.ge [sflag:s31], $0x2000  }
0x148: {  	v17 =	vor.u32 v0, v16;
	[sflag:s31] =	ssyncset.done $0x0  }
0x149: {  	[sflag:s31] =	ssyncadd.s32 $0xFFFFE000  }
0x14a: {  	_ =	swait.ge [sflag:s31], $0x2000  }
0x14b: {  	[sflag:s31] =	ssyncset.done $0x0  }
0x14c: {  	[sflag:s31] =	ssyncadd.s32 $0xFFFFE000  }
0x14d: {  	v17 =	vld.idx.msk [tilespmem:v17+s23+$0x0], $0xffff  }
0x14e: {  	v18 =	vor.u32 v1, v16;
	_ =	sdelay $0x1  }
0x14f: {  	s12 =	sand.u32 $0x3800, s0;
	s26 =	sand.u32 $0x380, s0  }
0x150: {  	s1 =	sor.u32 s26, s12  }
0x151: {  	[tilespmem:s1+$0x14800] =	vst v17  }
0x152: {  	v17 =	vld.idx.msk [tilespmem:v18+s23+$0x0], $0xffff  }
0x153: {  	v18 =	vor.u32 v2, v16;
	_ =	sdelay $0x2  }
0x154: {  	s1 =	sadd.s32 $0x14800, s1  }
0x155: {  	[tilespmem:s1+$0x10] =	vst v17  }
0x156: {  	v17 =	vld.idx.msk [tilespmem:v18+s23+$0x0], $0xffff  }
0x157: {  	v18 =	vor.u32 v3, v16;
	_ =	sdelay $0x3  }
0x158: {  	[tilespmem:s1+$0x20] =	vst v17  }
0x159: {  	v17 =	vld.idx.msk [tilespmem:v18+s23+$0x0], $0xffff  }
0x15a: {  	v18 =	vor.u32 v4, v16;
	_ =	sdelay $0x3  }
0x15b: {  	[tilespmem:s1+$0x30] =	vst v17  }
0x15c: {  	v17 =	vld.idx.msk [tilespmem:v18+s23+$0x0], $0xffff  }
0x15d: {  	v18 =	vor.u32 v5, v16;
	_ =	sdelay $0x3  }
0x15e: {  	[tilespmem:s1+$0x40] =	vst v17  }
0x15f: {  	v17 =	vld.idx.msk [tilespmem:v18+s23+$0x0], $0xffff  }
0x160: {  	v18 =	vor.u32 v6, v16;
	_ =	sdelay $0x3  }
0x161: {  	[tilespmem:s1+$0x50] =	vst v17  }
0x162: {  	v17 =	vld.idx.msk [tilespmem:v18+s23+$0x0], $0xffff  }
0x163: {  	v18 =	vor.u32 v7, v16;
	_ =	sdelay $0x3  }
0x164: {  	[tilespmem:s1+$0x60] =	vst v17  }
0x165: {  	v17 =	vld.idx.msk [tilespmem:v18+s23+$0x0], $0xffff  }
0x166: {  	v18 =	vor.u32 v8, v16;
	_ =	sdelay $0x3  }
0x167: {  	[tilespmem:s1+$0x70] =	vst v17  }
0x168: {  	v17 =	vld.idx.msk [tilespmem:v18+s23+$0x0], $0xffff  }
0x169: {  	v18 =	vor.u32 v9, v16;
	_ =	sdelay $0x3  }
0x16a: {  	[tilespmem:s1+$0x400] =	vst v17  }
0x16b: {  	v17 =	vld.idx.msk [tilespmem:v18+s23+$0x0], $0xffff  }
0x16c: {  	v18 =	vor.u32 v10, v16;
	_ =	sdelay $0x3  }
0x16d: {  	[tilespmem:s1+$0x410] =	vst v17  }
0x16e: {  	v17 =	vld.idx.msk [tilespmem:v18+s23+$0x0], $0xffff  }
0x16f: {  	v18 =	vor.u32 v11, v16;
	_ =	sdelay $0x3  }
0x170: {  	[tilespmem:s1+$0x420] =	vst v17  }
0x171: {  	v17 =	vld.idx.msk [tilespmem:v18+s23+$0x0], $0xffff  }
0x172: {  	v18 =	vor.u32 v12, v16;
	_ =	sdelay $0x3  }
0x173: {  	[tilespmem:s1+$0x430] =	vst v17  }
0x174: {  	v17 =	vld.idx.msk [tilespmem:v18+s23+$0x0], $0xffff  }
0x175: {  	v18 =	vor.u32 v13, v16;
	_ =	sdelay $0x3  }
0x176: {  	[tilespmem:s1+$0x440] =	vst v17  }
0x177: {  	v17 =	vld.idx.msk [tilespmem:v18+s23+$0x0], $0xffff  }
0x178: {  	v18 =	vor.u32 v14, v16;
	_ =	sdelay $0x3  }
0x179: {  	[tilespmem:s1+$0x450] =	vst v17  }
0x17a: {  	v18 =	vld.idx.msk [tilespmem:v18+s23+$0x0], $0xffff  }
0x17b: {  	v17 =	vor.u32 v15, v16;
	_ =	sdelay $0x1  }
0x17c: {  	s28 =	simm.s32 $0x1  }
0x17d: {  	s3 =	simm.s32 $0x0;
	s8 =	simm.s32 $0x2;
	v16 =	vmov s28  }
.LBB2_6:
0x17e: {  	p0 =	sne.s32 s8, $0x3F;
	v16 =	vand.u32 $0x3F, v16;
	[tilespmem:s1+$0x460] =	vst v18  }
0x17f: {  	v16 =	vbroadcast v16, $0x0;
	v17 =	vld.idx.msk [tilespmem:v17+s23+$0x0], $0xffff;
	_ =	sdelay $0x1  }
0x180: {  	v18 =	vor.u32 v0, v16;
	_ =	sdelay $0x3  }
0x181: {  	[tilespmem:s1+$0x470] =	vst v17  }
0x182: {  	v17 =	vld.idx.msk [tilespmem:v18+s23+$0x0], $0xffff;
	_ =	sdelay $0x1  }
0x183: {  	v18 =	vor.u32 v1, v16  }
0x184: {  	s0 =	sadd.s32 $0x100, s0;
	s3 =	sadd.s32 $0x80, s3  }
0x185: {  	s9 =	sand.u32 $0x380, s3;
	s1 =	sand.u32 $0x3800, s0  }
0x186: {  	s1 =	sor.u32 s9, s1  }
0x187: {  	[tilespmem:s1+$0x14800] =	vst v17  }
0x188: {  	v17 =	vld.idx.msk [tilespmem:v18+s23+$0x0], $0xffff;
	_ =	sdelay $0x1  }
0x189: {  	v18 =	vor.u32 v2, v16;
	_ =	sdelay $0x2  }
0x18a: {  	s1 =	sadd.s32 $0x14800, s1  }
0x18b: {  	[tilespmem:s1+$0x10] =	vst v17  }
0x18c: {  	v17 =	vld.idx.msk [tilespmem:v18+s23+$0x0], $0xffff;
	_ =	sdelay $0x1  }
0x18d: {  	v18 =	vor.u32 v3, v16;
	_ =	sdelay $0x3  }
0x18e: {  	[tilespmem:s1+$0x20] =	vst v17  }
0x18f: {  	v17 =	vld.idx.msk [tilespmem:v18+s23+$0x0], $0xffff;
	_ =	sdelay $0x1  }
0x190: {  	v18 =	vor.u32 v4, v16;
	_ =	sdelay $0x3  }
0x191: {  	[tilespmem:s1+$0x30] =	vst v17  }
0x192: {  	v17 =	vld.idx.msk [tilespmem:v18+s23+$0x0], $0xffff;
	_ =	sdelay $0x1  }
0x193: {  	v18 =	vor.u32 v5, v16;
	_ =	sdelay $0x3  }
0x194: {  	[tilespmem:s1+$0x40] =	vst v17  }
0x195: {  	v17 =	vld.idx.msk [tilespmem:v18+s23+$0x0], $0xffff;
	_ =	sdelay $0x1  }
0x196: {  	v18 =	vor.u32 v6, v16;
	_ =	sdelay $0x3  }
0x197: {  	[tilespmem:s1+$0x50] =	vst v17  }
0x198: {  	v17 =	vld.idx.msk [tilespmem:v18+s23+$0x0], $0xffff;
	_ =	sdelay $0x1  }
0x199: {  	v18 =	vor.u32 v7, v16;
	_ =	sdelay $0x3  }
0x19a: {  	[tilespmem:s1+$0x60] =	vst v17  }
0x19b: {  	v17 =	vld.idx.msk [tilespmem:v18+s23+$0x0], $0xffff;
	_ =	sdelay $0x1  }
0x19c: {  	v18 =	vor.u32 v8, v16;
	_ =	sdelay $0x3  }
0x19d: {  	[tilespmem:s1+$0x70] =	vst v17  }
0x19e: {  	v17 =	vld.idx.msk [tilespmem:v18+s23+$0x0], $0xffff;
	_ =	sdelay $0x1  }
0x19f: {  	v18 =	vor.u32 v9, v16;
	_ =	sdelay $0x3  }
0x1a0: {  	[tilespmem:s1+$0x400] =	vst v17  }
0x1a1: {  	v17 =	vld.idx.msk [tilespmem:v18+s23+$0x0], $0xffff;
	_ =	sdelay $0x1  }
0x1a2: {  	v18 =	vor.u32 v10, v16;
	_ =	sdelay $0x3  }
0x1a3: {  	[tilespmem:s1+$0x410] =	vst v17  }
0x1a4: {  	v17 =	vld.idx.msk [tilespmem:v18+s23+$0x0], $0xffff;
	_ =	sdelay $0x1  }
0x1a5: {  	v18 =	vor.u32 v11, v16;
	_ =	sdelay $0x3  }
0x1a6: {  	[tilespmem:s1+$0x420] =	vst v17  }
0x1a7: {  	v17 =	vld.idx.msk [tilespmem:v18+s23+$0x0], $0xffff;
	_ =	sdelay $0x1  }
0x1a8: {  	v18 =	vor.u32 v12, v16;
	_ =	sdelay $0x3  }
0x1a9: {  	[tilespmem:s1+$0x430] =	vst v17  }
0x1aa: {  	v17 =	vld.idx.msk [tilespmem:v18+s23+$0x0], $0xffff;
	_ =	sdelay $0x1  }
0x1ab: {  	v18 =	vor.u32 v13, v16;
	_ =	sdelay $0x3  }
0x1ac: {  	[tilespmem:s1+$0x440] =	vst v17  }
0x1ad: {  	v17 =	vld.idx.msk [tilespmem:v18+s23+$0x0], $0xffff;
	_ =	sdelay $0x1  }
0x1ae: {  	v18 =	vor.u32 v14, v16;
	_ =	sdelay $0x3  }
0x1af: {  	[tilespmem:s1+$0x450] =	vst v17  }
0x1b0: {  	v18 =	vld.idx.msk [tilespmem:v18+s23+$0x0], $0xffff  }
.Ltmp2:
0x1b1: {  	(pc) =	sbr.rel @p0 .LBB2_6-.Ltmp2, $2  }
0x1b2: {  	v17 =	vor.u32 v15, v16;
	_ =	sdelay $0x2  }
0x1b3: {  	v16 =	vmov s8;
	s8 =	sadd.s32 $0x1, s8  }
0x1b4: {  	_ =	sdelay $0x1  }
0x1b5: {  	v16 =	vand.u32 $0x3F, v16  }
0x1b6: {  	[tilespmem:s1+$0x460] =	vst v18;
	v16 =	vbroadcast v16, $0x0  }
0x1b7: {  	v17 =	vld.idx.msk [tilespmem:v17+s23+$0x0], $0xffff  }
0x1b8: {  	v49 =	vor.u32 v0, v16;
	_ =	sdelay $0x3  }
0x1b9: {  	[tilespmem:s1+$0x470] =	vst v17  }
0x1ba: {  	v17 =	vld.idx.msk [tilespmem:v49+s23+$0x0], $0xffff  }
0x1bb: {  	v50 =	vor.u32 v1, v16  }
0x1bc: {  	s0 =	sadd.s32 $0x100, s0;
	s9 =	sadd.s32 $0x80, s3  }
0x1bd: {  	s0 =	sand.u32 $0x3800, s0;
	s1 =	sand.u32 $0x380, s9  }
0x1be: {  	s0 =	sor.u32 s1, s0  }
0x1bf: {  	[tilespmem:s0+$0x14800] =	vst v17  }
0x1c0: {  	v17 =	vld.idx.msk [tilespmem:v50+s23+$0x0], $0xffff  }
0x1c1: {  	v51 =	vor.u32 v2, v16;
	_ =	sdelay $0x2  }
0x1c2: {  	s0 =	sadd.s32 $0x14800, s0  }
0x1c3: {  	[tilespmem:s0+$0x10] =	vst v17  }
0x1c4: {  	v17 =	vld.idx.msk [tilespmem:v51+s23+$0x0], $0xffff  }
0x1c5: {  	v52 =	vor.u32 v3, v16;
	_ =	sdelay $0x3  }
0x1c6: {  	[tilespmem:s0+$0x20] =	vst v17  }
0x1c7: {  	v17 =	vld.idx.msk [tilespmem:v52+s23+$0x0], $0xffff  }
0x1c8: {  	v53 =	vor.u32 v4, v16;
	_ =	sdelay $0x3  }
0x1c9: {  	[tilespmem:s0+$0x30] =	vst v17  }
0x1ca: {  	v17 =	vld.idx.msk [tilespmem:v53+s23+$0x0], $0xffff  }
0x1cb: {  	v54 =	vor.u32 v5, v16;
	_ =	sdelay $0x3  }
0x1cc: {  	[tilespmem:s0+$0x40] =	vst v17  }
0x1cd: {  	v17 =	vld.idx.msk [tilespmem:v54+s23+$0x0], $0xffff  }
0x1ce: {  	v55 =	vor.u32 v6, v16;
	_ =	sdelay $0x3  }
0x1cf: {  	[tilespmem:s0+$0x50] =	vst v17  }
0x1d0: {  	v17 =	vld.idx.msk [tilespmem:v55+s23+$0x0], $0xffff  }
0x1d1: {  	v56 =	vor.u32 v7, v16;
	_ =	sdelay $0x3  }
0x1d2: {  	[tilespmem:s0+$0x60] =	vst v17  }
0x1d3: {  	v17 =	vld.idx.msk [tilespmem:v56+s23+$0x0], $0xffff  }
0x1d4: {  	v57 =	vor.u32 v8, v16;
	_ =	sdelay $0x3  }
0x1d5: {  	[tilespmem:s0+$0x70] =	vst v17  }
0x1d6: {  	v17 =	vld.idx.msk [tilespmem:v57+s23+$0x0], $0xffff  }
0x1d7: {  	v58 =	vor.u32 v9, v16;
	_ =	sdelay $0x3  }
0x1d8: {  	[tilespmem:s0+$0x400] =	vst v17  }
0x1d9: {  	v17 =	vld.idx.msk [tilespmem:v58+s23+$0x0], $0xffff  }
0x1da: {  	v59 =	vor.u32 v10, v16;
	_ =	sdelay $0x3  }
0x1db: {  	[tilespmem:s0+$0x410] =	vst v17  }
0x1dc: {  	v17 =	vld.idx.msk [tilespmem:v59+s23+$0x0], $0xffff  }
0x1dd: {  	v60 =	vor.u32 v11, v16;
	_ =	sdelay $0x3  }
0x1de: {  	[tilespmem:s0+$0x420] =	vst v17  }
0x1df: {  	v17 =	vld.idx.msk [tilespmem:v60+s23+$0x0], $0xffff  }
0x1e0: {  	v61 =	vor.u32 v12, v16;
	_ =	sdelay $0x3  }
0x1e1: {  	[tilespmem:s0+$0x430] =	vst v17  }
0x1e2: {  	v17 =	vld.idx.msk [tilespmem:v61+s23+$0x0], $0xffff  }
0x1e3: {  	v62 =	vor.u32 v13, v16;
	_ =	sdelay $0x3  }
0x1e4: {  	[tilespmem:s0+$0x440] =	vst v17  }
0x1e5: {  	v17 =	vld.idx.msk [tilespmem:v62+s23+$0x0], $0xffff  }
0x1e6: {  	v63 =	vor.u32 v14, v16;
	_ =	sdelay $0x3  }
0x1e7: {  	[tilespmem:s0+$0x450] =	vst v17  }
0x1e8: {  	v17 =	vld.idx.msk [tilespmem:v63+s23+$0x0], $0xffff  }
0x1e9: {  	v16 =	vor.u32 v15, v16;
	_ =	sdelay $0x3  }
0x1ea: {  	[tilespmem:s0+$0x460] =	vst v17  }
0x1eb: {  	v16 =	vld.idx.msk [tilespmem:v16+s23+$0x0], $0xffff;
	_ =	sdelay $0x4  }
0x1ec: {  	s12 =	simm.s32 $0x8300;
	[tilespmem:s0+$0x470] =	vst v16  }
0x1ed: {  	[tilespmem:s23], [sflag:$0x2] =	stream.indirect.gather [hbm4b:s4+s18], $0x40, s12, s18, $0xb8;
	[tilespmem:$0x18800] =	vst v63  }
0x1ee: {  	s26 =	simm.s32 $0x8380;
	s28 =	rddreg [dreg:$0x5]  }
0x1ef: {  	[tilespmem:s25], [sflag:$0x2] =	stream.indirect.gather [hbm4b:s4+s18], $0x40, s26, s18, $0xb8;
	[tilespmem:$0x18800] =	vst v63  }
0x1f0: {  	p1 =	por $0x1, $0x1;
	s1 =	simm.s32 $0x0;
	s26 =	simm.s32 $0x0  }
0x1f1: {  	[hbm4b:s28+s29] =	stream.strided.scatter [tilespmem:s15], [sflag:$0x4], $0x4000, s16, s29, $0x38;
	[tilespmem:$0x18800] =	vst v63  }
.LBB2_8:
0x1f2: {  	_ =	swait.ge [sflag:s6], $0x2000;
	v16 =	vmov s26  }
0x1f3: {  	[sflag:s6] =	ssyncset.done $0x0;
	v16 =	vand.u32 $0x3F, v16  }
0x1f4: {  	[sflag:s6] =	ssyncadd.s32 $0xFFFFE000;
	v16 =	vbroadcast v16, $0x0  }
0x1f5: {  	_ =	swait.ge [sflag:s6], $0x2000  }
0x1f6: {  	[sflag:s6] =	ssyncset.done $0x0;
	v17 =	vor.u32 v0, v16  }
0x1f7: {  	[sflag:s6] =	ssyncadd.s32 $0xFFFFE000  }
0x1f8: {  	_ =	swait.ge [sflag:s20], $0x4000  }
0x1f9: {  	[sflag:s20] =	ssyncset.done $0x0  }
0x1fa: {  	[sflag:s20] =	ssyncadd.s32 $0xFFFFC000  }
0x1fb: {  	v17 =	vld.idx.msk [tilespmem:v17+s19+$0x0], $0xffff  }
0x1fc: {  	v18 =	vor.u32 v1, v16;
	_ =	sdelay $0x1  }
0x1fd: {  	s0 =	sand.u32 $0x3800, s26;
	s3 =	sand.u32 $0x380, s26  }
0x1fe: {  	s0 =	sor.u32 s3, s0  }
0x1ff: {  	[tilespmem:s0+$0x10800] =	vst v17  }
0x200: {  	v17 =	vld.idx.msk [tilespmem:v18+s19+$0x0], $0xffff  }
0x201: {  	v18 =	vor.u32 v2, v16;
	_ =	sdelay $0x2  }
0x202: {  	s0 =	sadd.s32 $0x10800, s0  }
0x203: {  	[tilespmem:s0+$0x10] =	vst v17  }
0x204: {  	v17 =	vld.idx.msk [tilespmem:v18+s19+$0x0], $0xffff  }
0x205: {  	v18 =	vor.u32 v3, v16;
	_ =	sdelay $0x3  }
0x206: {  	[tilespmem:s0+$0x20] =	vst v17  }
0x207: {  	v17 =	vld.idx.msk [tilespmem:v18+s19+$0x0], $0xffff  }
0x208: {  	v18 =	vor.u32 v4, v16;
	_ =	sdelay $0x3  }
0x209: {  	[tilespmem:s0+$0x30] =	vst v17  }
0x20a: {  	v17 =	vld.idx.msk [tilespmem:v18+s19+$0x0], $0xffff  }
0x20b: {  	v18 =	vor.u32 v5, v16;
	_ =	sdelay $0x3  }
0x20c: {  	[tilespmem:s0+$0x40] =	vst v17  }
0x20d: {  	v17 =	vld.idx.msk [tilespmem:v18+s19+$0x0], $0xffff  }
0x20e: {  	v18 =	vor.u32 v6, v16;
	_ =	sdelay $0x3  }
0x20f: {  	[tilespmem:s0+$0x50] =	vst v17  }
0x210: {  	v17 =	vld.idx.msk [tilespmem:v18+s19+$0x0], $0xffff  }
0x211: {  	v18 =	vor.u32 v7, v16;
	_ =	sdelay $0x3  }
0x212: {  	[tilespmem:s0+$0x60] =	vst v17  }
0x213: {  	v17 =	vld.idx.msk [tilespmem:v18+s19+$0x0], $0xffff  }
0x214: {  	v18 =	vor.u32 v8, v16;
	_ =	sdelay $0x3  }
0x215: {  	[tilespmem:s0+$0x70] =	vst v17  }
0x216: {  	v17 =	vld.idx.msk [tilespmem:v18+s19+$0x0], $0xffff  }
0x217: {  	v18 =	vor.u32 v9, v16;
	_ =	sdelay $0x3  }
0x218: {  	[tilespmem:s0+$0x400] =	vst v17  }
0x219: {  	v17 =	vld.idx.msk [tilespmem:v18+s19+$0x0], $0xffff  }
0x21a: {  	v18 =	vor.u32 v10, v16;
	_ =	sdelay $0x3  }
0x21b: {  	[tilespmem:s0+$0x410] =	vst v17  }
0x21c: {  	v17 =	vld.idx.msk [tilespmem:v18+s19+$0x0], $0xffff  }
0x21d: {  	v18 =	vor.u32 v11, v16;
	_ =	sdelay $0x3  }
0x21e: {  	[tilespmem:s0+$0x420] =	vst v17  }
0x21f: {  	v17 =	vld.idx.msk [tilespmem:v18+s19+$0x0], $0xffff  }
0x220: {  	v18 =	vor.u32 v12, v16;
	_ =	sdelay $0x3  }
0x221: {  	[tilespmem:s0+$0x430] =	vst v17  }
0x222: {  	v17 =	vld.idx.msk [tilespmem:v18+s19+$0x0], $0xffff  }
0x223: {  	v18 =	vor.u32 v13, v16;
	_ =	sdelay $0x3  }
0x224: {  	[tilespmem:s0+$0x440] =	vst v17  }
0x225: {  	v17 =	vld.idx.msk [tilespmem:v18+s19+$0x0], $0xffff  }
0x226: {  	v18 =	vor.u32 v14, v16;
	_ =	sdelay $0x3  }
0x227: {  	[tilespmem:s0+$0x450] =	vst v17  }
0x228: {  	v18 =	vld.idx.msk [tilespmem:v18+s19+$0x0], $0xffff  }
0x229: {  	v17 =	vor.u32 v15, v16;
	_ =	sdelay $0x1  }
0x22a: {  	s12 =	simm.s32 $0x1;
	p0 =	por p1, p1  }
0x22b: {  	s8 =	simm.s32 $0x2;
	s28 =	simm.s32 $0x0;
	s3 =	simm.s32 $0x0;
	v16 =	vmov s12  }
.LBB2_9:
0x22c: {  	p1 =	sne.s32 s8, $0x3F;
	v16 =	vand.u32 $0x3F, v16;
	[tilespmem:s0+$0x460] =	vst v18  }
0x22d: {  	v16 =	vbroadcast v16, $0x0;
	v17 =	vld.idx.msk [tilespmem:v17+s19+$0x0], $0xffff;
	_ =	sdelay $0x1  }
0x22e: {  	v18 =	vor.u32 v0, v16;
	_ =	sdelay $0x3  }
0x22f: {  	[tilespmem:s0+$0x470] =	vst v17  }
0x230: {  	v17 =	vld.idx.msk [tilespmem:v18+s19+$0x0], $0xffff;
	_ =	sdelay $0x1  }
0x231: {  	v18 =	vor.u32 v1, v16  }
0x232: {  	s3 =	sadd.s32 $0x100, s3;
	s28 =	sadd.s32 $0x80, s28  }
0x233: {  	s9 =	sand.u32 $0x380, s28;
	s0 =	sand.u32 $0x3800, s3  }
0x234: {  	s0 =	sor.u32 s9, s0  }
0x235: {  	[tilespmem:s0+$0x10800] =	vst v17  }
0x236: {  	v17 =	vld.idx.msk [tilespmem:v18+s19+$0x0], $0xffff;
	_ =	sdelay $0x1  }
0x237: {  	v18 =	vor.u32 v2, v16;
	_ =	sdelay $0x2  }
0x238: {  	s0 =	sadd.s32 $0x10800, s0  }
0x239: {  	[tilespmem:s0+$0x10] =	vst v17  }
0x23a: {  	v17 =	vld.idx.msk [tilespmem:v18+s19+$0x0], $0xffff;
	_ =	sdelay $0x1  }
0x23b: {  	v18 =	vor.u32 v3, v16;
	_ =	sdelay $0x3  }
0x23c: {  	[tilespmem:s0+$0x20] =	vst v17  }
0x23d: {  	v17 =	vld.idx.msk [tilespmem:v18+s19+$0x0], $0xffff;
	_ =	sdelay $0x1  }
0x23e: {  	v18 =	vor.u32 v4, v16;
	_ =	sdelay $0x3  }
0x23f: {  	[tilespmem:s0+$0x30] =	vst v17  }
0x240: {  	v17 =	vld.idx.msk [tilespmem:v18+s19+$0x0], $0xffff;
	_ =	sdelay $0x1  }
0x241: {  	v18 =	vor.u32 v5, v16;
	_ =	sdelay $0x3  }
0x242: {  	[tilespmem:s0+$0x40] =	vst v17  }
0x243: {  	v17 =	vld.idx.msk [tilespmem:v18+s19+$0x0], $0xffff;
	_ =	sdelay $0x1  }
0x244: {  	v18 =	vor.u32 v6, v16;
	_ =	sdelay $0x3  }
0x245: {  	[tilespmem:s0+$0x50] =	vst v17  }
0x246: {  	v17 =	vld.idx.msk [tilespmem:v18+s19+$0x0], $0xffff;
	_ =	sdelay $0x1  }
0x247: {  	v18 =	vor.u32 v7, v16;
	_ =	sdelay $0x3  }
0x248: {  	[tilespmem:s0+$0x60] =	vst v17  }
0x249: {  	v17 =	vld.idx.msk [tilespmem:v18+s19+$0x0], $0xffff;
	_ =	sdelay $0x1  }
0x24a: {  	v18 =	vor.u32 v8, v16;
	_ =	sdelay $0x3  }
0x24b: {  	[tilespmem:s0+$0x70] =	vst v17  }
0x24c: {  	v17 =	vld.idx.msk [tilespmem:v18+s19+$0x0], $0xffff;
	_ =	sdelay $0x1  }
0x24d: {  	v18 =	vor.u32 v9, v16;
	_ =	sdelay $0x3  }
0x24e: {  	[tilespmem:s0+$0x400] =	vst v17  }
0x24f: {  	v17 =	vld.idx.msk [tilespmem:v18+s19+$0x0], $0xffff;
	_ =	sdelay $0x1  }
0x250: {  	v18 =	vor.u32 v10, v16;
	_ =	sdelay $0x3  }
0x251: {  	[tilespmem:s0+$0x410] =	vst v17  }
0x252: {  	v17 =	vld.idx.msk [tilespmem:v18+s19+$0x0], $0xffff;
	_ =	sdelay $0x1  }
0x253: {  	v18 =	vor.u32 v11, v16;
	_ =	sdelay $0x3  }
0x254: {  	[tilespmem:s0+$0x420] =	vst v17  }
0x255: {  	v17 =	vld.idx.msk [tilespmem:v18+s19+$0x0], $0xffff;
	_ =	sdelay $0x1  }
0x256: {  	v18 =	vor.u32 v12, v16;
	_ =	sdelay $0x3  }
0x257: {  	[tilespmem:s0+$0x430] =	vst v17  }
0x258: {  	v17 =	vld.idx.msk [tilespmem:v18+s19+$0x0], $0xffff;
	_ =	sdelay $0x1  }
0x259: {  	v18 =	vor.u32 v13, v16;
	_ =	sdelay $0x3  }
0x25a: {  	[tilespmem:s0+$0x440] =	vst v17  }
0x25b: {  	v17 =	vld.idx.msk [tilespmem:v18+s19+$0x0], $0xffff;
	_ =	sdelay $0x1  }
0x25c: {  	v18 =	vor.u32 v14, v16;
	_ =	sdelay $0x3  }
0x25d: {  	[tilespmem:s0+$0x450] =	vst v17  }
0x25e: {  	v18 =	vld.idx.msk [tilespmem:v18+s19+$0x0], $0xffff  }
.Ltmp3:
0x25f: {  	(pc) =	sbr.rel @p1 .LBB2_9-.Ltmp3, $2  }
0x260: {  	v17 =	vor.u32 v15, v16;
	_ =	sdelay $0x2  }
0x261: {  	v16 =	vmov s8;
	s8 =	sadd.s32 $0x1, s8  }
0x262: {  	_ =	sdelay $0x1  }
0x263: {  	v16 =	vand.u32 $0x3F, v16  }
0x264: {  	[tilespmem:s0+$0x460] =	vst v18;
	v16 =	vbroadcast v16, $0x0  }
0x265: {  	v17 =	vld.idx.msk [tilespmem:v17+s19+$0x0], $0xffff  }
0x266: {  	v18 =	vor.u32 v0, v16;
	_ =	sdelay $0x3  }
0x267: {  	[tilespmem:s0+$0x470] =	vst v17  }
0x268: {  	v17 =	vld.idx.msk [tilespmem:v18+s19+$0x0], $0xffff  }
0x269: {  	v18 =	vor.u32 v1, v16  }
0x26a: {  	s3 =	sadd.s32 $0x100, s3;
	s8 =	sadd.s32 $0x80, s28  }
0x26b: {  	s0 =	sand.u32 $0x3800, s3;
	s3 =	sand.u32 $0x380, s8  }
0x26c: {  	s0 =	sor.u32 s3, s0  }
0x26d: {  	[tilespmem:s0+$0x10800] =	vst v17  }
0x26e: {  	v17 =	vld.idx.msk [tilespmem:v18+s19+$0x0], $0xffff  }
0x26f: {  	v18 =	vor.u32 v2, v16;
	_ =	sdelay $0x2  }
0x270: {  	s0 =	sadd.s32 $0x10800, s0  }
0x271: {  	[tilespmem:s0+$0x10] =	vst v17  }
0x272: {  	v17 =	vld.idx.msk [tilespmem:v18+s19+$0x0], $0xffff  }
0x273: {  	v18 =	vor.u32 v3, v16;
	_ =	sdelay $0x3  }
0x274: {  	[tilespmem:s0+$0x20] =	vst v17  }
0x275: {  	v17 =	vld.idx.msk [tilespmem:v18+s19+$0x0], $0xffff  }
0x276: {  	v18 =	vor.u32 v4, v16;
	_ =	sdelay $0x3  }
0x277: {  	[tilespmem:s0+$0x30] =	vst v17  }
0x278: {  	v17 =	vld.idx.msk [tilespmem:v18+s19+$0x0], $0xffff  }
0x279: {  	v18 =	vor.u32 v5, v16;
	_ =	sdelay $0x3  }
0x27a: {  	[tilespmem:s0+$0x40] =	vst v17  }
0x27b: {  	v17 =	vld.idx.msk [tilespmem:v18+s19+$0x0], $0xffff  }
0x27c: {  	v18 =	vor.u32 v6, v16;
	_ =	sdelay $0x3  }
0x27d: {  	[tilespmem:s0+$0x50] =	vst v17  }
0x27e: {  	v17 =	vld.idx.msk [tilespmem:v18+s19+$0x0], $0xffff  }
0x27f: {  	v18 =	vor.u32 v7, v16;
	_ =	sdelay $0x3  }
0x280: {  	[tilespmem:s0+$0x60] =	vst v17  }
0x281: {  	v17 =	vld.idx.msk [tilespmem:v18+s19+$0x0], $0xffff  }
0x282: {  	v18 =	vor.u32 v8, v16;
	_ =	sdelay $0x3  }
0x283: {  	[tilespmem:s0+$0x70] =	vst v17  }
0x284: {  	v17 =	vld.idx.msk [tilespmem:v18+s19+$0x0], $0xffff  }
0x285: {  	v18 =	vor.u32 v9, v16;
	_ =	sdelay $0x3  }
0x286: {  	[tilespmem:s0+$0x400] =	vst v17  }
0x287: {  	v17 =	vld.idx.msk [tilespmem:v18+s19+$0x0], $0xffff  }
0x288: {  	v18 =	vor.u32 v10, v16;
	_ =	sdelay $0x3  }
0x289: {  	[tilespmem:s0+$0x410] =	vst v17  }
0x28a: {  	v17 =	vld.idx.msk [tilespmem:v18+s19+$0x0], $0xffff  }
0x28b: {  	v18 =	vor.u32 v11, v16;
	_ =	sdelay $0x3  }
0x28c: {  	[tilespmem:s0+$0x420] =	vst v17  }
0x28d: {  	v17 =	vld.idx.msk [tilespmem:v18+s19+$0x0], $0xffff  }
0x28e: {  	v18 =	vor.u32 v12, v16;
	_ =	sdelay $0x3  }
0x28f: {  	[tilespmem:s0+$0x430] =	vst v17  }
0x290: {  	v17 =	vld.idx.msk [tilespmem:v18+s19+$0x0], $0xffff  }
0x291: {  	v18 =	vor.u32 v13, v16;
	_ =	sdelay $0x3  }
0x292: {  	[tilespmem:s0+$0x440] =	vst v17  }
0x293: {  	v17 =	vld.idx.msk [tilespmem:v18+s19+$0x0], $0xffff  }
0x294: {  	v18 =	vor.u32 v14, v16;
	_ =	sdelay $0x3  }
0x295: {  	[tilespmem:s0+$0x450] =	vst v17  }
0x296: {  	v17 =	vld.idx.msk [tilespmem:v18+s19+$0x0], $0xffff  }
0x297: {  	v16 =	vor.u32 v15, v16;
	_ =	sdelay $0x3  }
0x298: {  	[tilespmem:s0+$0x460] =	vst v17  }
0x299: {  	v16 =	vld.idx.msk [tilespmem:v16+s19+$0x0], $0xffff;
	_ =	sdelay $0x2  }
0x29a: {  	s9 =	sshll.u32 s1, $0x9;
	s1 =	sshll.u32 s1, $0x2  }
0x29b: {  	s28 =	sand.u32 $0x3FFFFE00, s9;
	s8 =	sadd.s32 s10, s1  }
0x29c: {  	s12 =	sadd.s32 $0x8400, s28;
	[tilespmem:s0+$0x470] =	vst v16;
	s0 =	sshll.u32 s8, $0xA  }
0x29d: {  	[tilespmem:s19], [sflag:$0x1] =	stream.indirect.gather [hbm4b:s4+s18], $0x40, s12, s18, $0xb8;
	[tilespmem:$0x18800] =	vst v63  }
0x29e: {  	s0 =	sor.u32 s5, s0  }
0x29f: {  	s3 =	sadd.s32 $0x8480, s28;
	s0 =	sshrl.u32 s0, $0x3  }
0x2a0: {  	[tilespmem:s21], [sflag:$0x1] =	stream.indirect.gather [hbm4b:s4+s18], $0x40, s3, s18, $0xb8;
	[tilespmem:$0x18800] =	vst v63  }
0x2a1: {  	s0 =	sadd.s32 s2, s0  }
0x2a2: {  	[hbm4b:s0+s29] =	stream.strided.scatter [tilespmem:s30], [sflag:$0x3], $0x4000, s16, s29, $0x38;
	[tilespmem:$0x18800] =	vst v63  }
0x2a3: {  	s0 =	simm.s32 $0x0  }
0x2a4: {  	_ =	swait.ge [sflag:s31], $0x2000;
	v16 =	vmov s0  }
0x2a5: {  	[sflag:s31] =	ssyncset.done $0x0;
	v16 =	vand.u32 $0x3F, v16  }
0x2a6: {  	[sflag:s31] =	ssyncadd.s32 $0xFFFFE000;
	v16 =	vbroadcast v16, $0x0  }
0x2a7: {  	_ =	swait.ge [sflag:s31], $0x2000  }
0x2a8: {  	[sflag:s31] =	ssyncset.done $0x0;
	v17 =	vor.u32 v0, v16  }
0x2a9: {  	[sflag:s31] =	ssyncadd.s32 $0xFFFFE000  }
0x2aa: {  	_ =	swait.ge [sflag:s22], $0x4000  }
0x2ab: {  	[sflag:s22] =	ssyncset.done $0x0  }
0x2ac: {  	[sflag:s22] =	ssyncadd.s32 $0xFFFFC000  }
0x2ad: {  	v17 =	vld.idx.msk [tilespmem:v17+s23+$0x0], $0xffff  }
0x2ae: {  	v18 =	vor.u32 v1, v16;
	_ =	sdelay $0x1  }
0x2af: {  	s9 =	sand.u32 $0x3800, s0;
	s8 =	sand.u32 $0x380, s0  }
0x2b0: {  	s3 =	sor.u32 s8, s9  }
0x2b1: {  	[tilespmem:s3+$0x14800] =	vst v17  }
0x2b2: {  	v17 =	vld.idx.msk [tilespmem:v18+s23+$0x0], $0xffff  }
0x2b3: {  	v18 =	vor.u32 v2, v16;
	_ =	sdelay $0x2  }
0x2b4: {  	s3 =	sadd.s32 $0x14800, s3  }
0x2b5: {  	[tilespmem:s3+$0x10] =	vst v17  }
0x2b6: {  	v17 =	vld.idx.msk [tilespmem:v18+s23+$0x0], $0xffff  }
0x2b7: {  	v18 =	vor.u32 v3, v16;
	_ =	sdelay $0x3  }
0x2b8: {  	[tilespmem:s3+$0x20] =	vst v17  }
0x2b9: {  	v17 =	vld.idx.msk [tilespmem:v18+s23+$0x0], $0xffff  }
0x2ba: {  	v18 =	vor.u32 v4, v16;
	_ =	sdelay $0x3  }
0x2bb: {  	[tilespmem:s3+$0x30] =	vst v17  }
0x2bc: {  	v17 =	vld.idx.msk [tilespmem:v18+s23+$0x0], $0xffff  }
0x2bd: {  	v18 =	vor.u32 v5, v16;
	_ =	sdelay $0x3  }
0x2be: {  	[tilespmem:s3+$0x40] =	vst v17  }
0x2bf: {  	v17 =	vld.idx.msk [tilespmem:v18+s23+$0x0], $0xffff  }
0x2c0: {  	v18 =	vor.u32 v6, v16;
	_ =	sdelay $0x3  }
0x2c1: {  	[tilespmem:s3+$0x50] =	vst v17  }
0x2c2: {  	v17 =	vld.idx.msk [tilespmem:v18+s23+$0x0], $0xffff  }
0x2c3: {  	v18 =	vor.u32 v7, v16;
	_ =	sdelay $0x3  }
0x2c4: {  	[tilespmem:s3+$0x60] =	vst v17  }
0x2c5: {  	v17 =	vld.idx.msk [tilespmem:v18+s23+$0x0], $0xffff  }
0x2c6: {  	v18 =	vor.u32 v8, v16;
	_ =	sdelay $0x3  }
0x2c7: {  	[tilespmem:s3+$0x70] =	vst v17  }
0x2c8: {  	v17 =	vld.idx.msk [tilespmem:v18+s23+$0x0], $0xffff  }
0x2c9: {  	v18 =	vor.u32 v9, v16;
	_ =	sdelay $0x3  }
0x2ca: {  	[tilespmem:s3+$0x400] =	vst v17  }
0x2cb: {  	v17 =	vld.idx.msk [tilespmem:v18+s23+$0x0], $0xffff  }
0x2cc: {  	v18 =	vor.u32 v10, v16;
	_ =	sdelay $0x3  }
0x2cd: {  	[tilespmem:s3+$0x410] =	vst v17  }
0x2ce: {  	v17 =	vld.idx.msk [tilespmem:v18+s23+$0x0], $0xffff  }
0x2cf: {  	v18 =	vor.u32 v11, v16;
	_ =	sdelay $0x3  }
0x2d0: {  	[tilespmem:s3+$0x420] =	vst v17  }
0x2d1: {  	v17 =	vld.idx.msk [tilespmem:v18+s23+$0x0], $0xffff  }
0x2d2: {  	v18 =	vor.u32 v12, v16;
	_ =	sdelay $0x3  }
0x2d3: {  	[tilespmem:s3+$0x430] =	vst v17  }
0x2d4: {  	v17 =	vld.idx.msk [tilespmem:v18+s23+$0x0], $0xffff  }
0x2d5: {  	v18 =	vor.u32 v13, v16;
	_ =	sdelay $0x3  }
0x2d6: {  	[tilespmem:s3+$0x440] =	vst v17  }
0x2d7: {  	v17 =	vld.idx.msk [tilespmem:v18+s23+$0x0], $0xffff  }
0x2d8: {  	v18 =	vor.u32 v14, v16;
	_ =	sdelay $0x3  }
0x2d9: {  	[tilespmem:s3+$0x450] =	vst v17  }
0x2da: {  	v18 =	vld.idx.msk [tilespmem:v18+s23+$0x0], $0xffff  }
0x2db: {  	v17 =	vor.u32 v15, v16;
	_ =	sdelay $0x1  }
0x2dc: {  	s12 =	simm.s32 $0x1  }
0x2dd: {  	s9 =	simm.s32 $0x2;
	s8 =	simm.s32 $0x0;
	v16 =	vmov s12  }
.LBB2_11:
0x2de: {  	p1 =	sne.s32 s9, $0x3F;
	v16 =	vand.u32 $0x3F, v16;
	[tilespmem:s3+$0x460] =	vst v18  }
0x2df: {  	v16 =	vbroadcast v16, $0x0;
	v17 =	vld.idx.msk [tilespmem:v17+s23+$0x0], $0xffff;
	_ =	sdelay $0x1  }
0x2e0: {  	v18 =	vor.u32 v0, v16;
	_ =	sdelay $0x3  }
0x2e1: {  	[tilespmem:s3+$0x470] =	vst v17  }
0x2e2: {  	v17 =	vld.idx.msk [tilespmem:v18+s23+$0x0], $0xffff;
	_ =	sdelay $0x1  }
0x2e3: {  	v18 =	vor.u32 v1, v16  }
0x2e4: {  	s0 =	sadd.s32 $0x100, s0;
	s8 =	sadd.s32 $0x80, s8  }
0x2e5: {  	s12 =	sand.u32 $0x380, s8;
	s3 =	sand.u32 $0x3800, s0  }
0x2e6: {  	s3 =	sor.u32 s12, s3  }
0x2e7: {  	[tilespmem:s3+$0x14800] =	vst v17  }
0x2e8: {  	v17 =	vld.idx.msk [tilespmem:v18+s23+$0x0], $0xffff;
	_ =	sdelay $0x1  }
0x2e9: {  	v18 =	vor.u32 v2, v16;
	_ =	sdelay $0x2  }
0x2ea: {  	s3 =	sadd.s32 $0x14800, s3  }
0x2eb: {  	[tilespmem:s3+$0x10] =	vst v17  }
0x2ec: {  	v17 =	vld.idx.msk [tilespmem:v18+s23+$0x0], $0xffff;
	_ =	sdelay $0x1  }
0x2ed: {  	v18 =	vor.u32 v3, v16;
	_ =	sdelay $0x3  }
0x2ee: {  	[tilespmem:s3+$0x20] =	vst v17  }
0x2ef: {  	v17 =	vld.idx.msk [tilespmem:v18+s23+$0x0], $0xffff;
	_ =	sdelay $0x1  }
0x2f0: {  	v18 =	vor.u32 v4, v16;
	_ =	sdelay $0x3  }
0x2f1: {  	[tilespmem:s3+$0x30] =	vst v17  }
0x2f2: {  	v17 =	vld.idx.msk [tilespmem:v18+s23+$0x0], $0xffff;
	_ =	sdelay $0x1  }
0x2f3: {  	v18 =	vor.u32 v5, v16;
	_ =	sdelay $0x3  }
0x2f4: {  	[tilespmem:s3+$0x40] =	vst v17  }
0x2f5: {  	v17 =	vld.idx.msk [tilespmem:v18+s23+$0x0], $0xffff;
	_ =	sdelay $0x1  }
0x2f6: {  	v18 =	vor.u32 v6, v16;
	_ =	sdelay $0x3  }
0x2f7: {  	[tilespmem:s3+$0x50] =	vst v17  }
0x2f8: {  	v17 =	vld.idx.msk [tilespmem:v18+s23+$0x0], $0xffff;
	_ =	sdelay $0x1  }
0x2f9: {  	v18 =	vor.u32 v7, v16;
	_ =	sdelay $0x3  }
0x2fa: {  	[tilespmem:s3+$0x60] =	vst v17  }
0x2fb: {  	v17 =	vld.idx.msk [tilespmem:v18+s23+$0x0], $0xffff;
	_ =	sdelay $0x1  }
0x2fc: {  	v18 =	vor.u32 v8, v16;
	_ =	sdelay $0x3  }
0x2fd: {  	[tilespmem:s3+$0x70] =	vst v17  }
0x2fe: {  	v17 =	vld.idx.msk [tilespmem:v18+s23+$0x0], $0xffff;
	_ =	sdelay $0x1  }
0x2ff: {  	v18 =	vor.u32 v9, v16;
	_ =	sdelay $0x3  }
0x300: {  	[tilespmem:s3+$0x400] =	vst v17  }
0x301: {  	v17 =	vld.idx.msk [tilespmem:v18+s23+$0x0], $0xffff;
	_ =	sdelay $0x1  }
0x302: {  	v18 =	vor.u32 v10, v16;
	_ =	sdelay $0x3  }
0x303: {  	[tilespmem:s3+$0x410] =	vst v17  }
0x304: {  	v17 =	vld.idx.msk [tilespmem:v18+s23+$0x0], $0xffff;
	_ =	sdelay $0x1  }
0x305: {  	v18 =	vor.u32 v11, v16;
	_ =	sdelay $0x3  }
0x306: {  	[tilespmem:s3+$0x420] =	vst v17  }
0x307: {  	v17 =	vld.idx.msk [tilespmem:v18+s23+$0x0], $0xffff;
	_ =	sdelay $0x1  }
0x308: {  	v18 =	vor.u32 v12, v16;
	_ =	sdelay $0x3  }
0x309: {  	[tilespmem:s3+$0x430] =	vst v17  }
0x30a: {  	v17 =	vld.idx.msk [tilespmem:v18+s23+$0x0], $0xffff;
	_ =	sdelay $0x1  }
0x30b: {  	v18 =	vor.u32 v13, v16;
	_ =	sdelay $0x3  }
0x30c: {  	[tilespmem:s3+$0x440] =	vst v17  }
0x30d: {  	v17 =	vld.idx.msk [tilespmem:v18+s23+$0x0], $0xffff;
	_ =	sdelay $0x1  }
0x30e: {  	v18 =	vor.u32 v14, v16;
	_ =	sdelay $0x3  }
0x30f: {  	[tilespmem:s3+$0x450] =	vst v17  }
0x310: {  	v18 =	vld.idx.msk [tilespmem:v18+s23+$0x0], $0xffff  }
.Ltmp4:
0x311: {  	(pc) =	sbr.rel @p1 .LBB2_11-.Ltmp4, $2  }
0x312: {  	v17 =	vor.u32 v15, v16;
	_ =	sdelay $0x2  }
0x313: {  	v16 =	vmov s9;
	s9 =	sadd.s32 $0x1, s9  }
0x314: {  	_ =	sdelay $0x1  }
0x315: {  	v16 =	vand.u32 $0x3F, v16  }
0x316: {  	[tilespmem:s3+$0x460] =	vst v18;
	v16 =	vbroadcast v16, $0x0  }
0x317: {  	v17 =	vld.idx.msk [tilespmem:v17+s23+$0x0], $0xffff  }
0x318: {  	v49 =	vor.u32 v0, v16;
	_ =	sdelay $0x3  }
0x319: {  	[tilespmem:s3+$0x470] =	vst v17  }
0x31a: {  	v17 =	vld.idx.msk [tilespmem:v49+s23+$0x0], $0xffff  }
0x31b: {  	v50 =	vor.u32 v1, v16  }
0x31c: {  	s0 =	sadd.s32 $0x100, s0;
	s8 =	sadd.s32 $0x80, s8  }
0x31d: {  	s0 =	sand.u32 $0x3800, s0;
	s3 =	sand.u32 $0x380, s8  }
0x31e: {  	s0 =	sor.u32 s3, s0  }
0x31f: {  	[tilespmem:s0+$0x14800] =	vst v17  }
0x320: {  	v17 =	vld.idx.msk [tilespmem:v50+s23+$0x0], $0xffff  }
0x321: {  	v51 =	vor.u32 v2, v16;
	_ =	sdelay $0x2  }
0x322: {  	s0 =	sadd.s32 $0x14800, s0  }
0x323: {  	[tilespmem:s0+$0x10] =	vst v17  }
0x324: {  	v17 =	vld.idx.msk [tilespmem:v51+s23+$0x0], $0xffff  }
0x325: {  	v52 =	vor.u32 v3, v16;
	_ =	sdelay $0x3  }
0x326: {  	[tilespmem:s0+$0x20] =	vst v17  }
0x327: {  	v17 =	vld.idx.msk [tilespmem:v52+s23+$0x0], $0xffff  }
0x328: {  	v53 =	vor.u32 v4, v16;
	_ =	sdelay $0x3  }
0x329: {  	[tilespmem:s0+$0x30] =	vst v17  }
0x32a: {  	v17 =	vld.idx.msk [tilespmem:v53+s23+$0x0], $0xffff  }
0x32b: {  	v54 =	vor.u32 v5, v16;
	_ =	sdelay $0x3  }
0x32c: {  	[tilespmem:s0+$0x40] =	vst v17  }
0x32d: {  	v17 =	vld.idx.msk [tilespmem:v54+s23+$0x0], $0xffff  }
0x32e: {  	v55 =	vor.u32 v6, v16;
	_ =	sdelay $0x3  }
0x32f: {  	[tilespmem:s0+$0x50] =	vst v17  }
0x330: {  	v17 =	vld.idx.msk [tilespmem:v55+s23+$0x0], $0xffff  }
0x331: {  	v56 =	vor.u32 v7, v16;
	_ =	sdelay $0x3  }
0x332: {  	[tilespmem:s0+$0x60] =	vst v17  }
0x333: {  	v17 =	vld.idx.msk [tilespmem:v56+s23+$0x0], $0xffff  }
0x334: {  	v57 =	vor.u32 v8, v16;
	_ =	sdelay $0x3  }
0x335: {  	[tilespmem:s0+$0x70] =	vst v17  }
0x336: {  	v17 =	vld.idx.msk [tilespmem:v57+s23+$0x0], $0xffff  }
0x337: {  	v58 =	vor.u32 v9, v16;
	_ =	sdelay $0x3  }
0x338: {  	[tilespmem:s0+$0x400] =	vst v17  }
0x339: {  	v17 =	vld.idx.msk [tilespmem:v58+s23+$0x0], $0xffff  }
0x33a: {  	v59 =	vor.u32 v10, v16;
	_ =	sdelay $0x3  }
0x33b: {  	[tilespmem:s0+$0x410] =	vst v17  }
0x33c: {  	v17 =	vld.idx.msk [tilespmem:v59+s23+$0x0], $0xffff  }
0x33d: {  	v60 =	vor.u32 v11, v16;
	_ =	sdelay $0x3  }
0x33e: {  	[tilespmem:s0+$0x420] =	vst v17  }
0x33f: {  	v17 =	vld.idx.msk [tilespmem:v60+s23+$0x0], $0xffff  }
0x340: {  	v61 =	vor.u32 v12, v16;
	_ =	sdelay $0x3  }
0x341: {  	[tilespmem:s0+$0x430] =	vst v17  }
0x342: {  	v17 =	vld.idx.msk [tilespmem:v61+s23+$0x0], $0xffff  }
0x343: {  	v62 =	vor.u32 v13, v16;
	_ =	sdelay $0x3  }
0x344: {  	[tilespmem:s0+$0x440] =	vst v17  }
0x345: {  	v17 =	vld.idx.msk [tilespmem:v62+s23+$0x0], $0xffff  }
0x346: {  	v63 =	vor.u32 v14, v16;
	_ =	sdelay $0x3  }
0x347: {  	[tilespmem:s0+$0x450] =	vst v17  }
0x348: {  	v17 =	vld.idx.msk [tilespmem:v63+s23+$0x0], $0xffff  }
0x349: {  	v16 =	vor.u32 v15, v16;
	_ =	sdelay $0x3  }
0x34a: {  	[tilespmem:s0+$0x460] =	vst v17  }
0x34b: {  	v16 =	vld.idx.msk [tilespmem:v16+s23+$0x0], $0xffff;
	_ =	sdelay $0x3  }
0x34c: {  	s9 =	sadd.s32 $0x8500, s28;
	s12 =	sadd.s32 $0x8580, s28;
	s28 =	sadd.s32 s11, s1  }
0x34d: {  	[tilespmem:s0+$0x470] =	vst v16;
	s0 =	sshll.u32 s28, $0xA  }
0x34e: {  	[tilespmem:s23], [sflag:$0x2] =	stream.indirect.gather [hbm4b:s4+s18], $0x40, s9, s18, $0xb8;
	[tilespmem:$0x18800] =	vst v63  }
.Ltmp5:
0x34f: {  	s0 =	sor.u32 s5, s0;
	(pc) =	sbr.rel @p0 .LBB2_8-.Ltmp5, $4  }
0x350: {  	s0 =	sshrl.u32 s0, $0x3  }
0x351: {  	[tilespmem:s25], [sflag:$0x2] =	stream.indirect.gather [hbm4b:s4+s18], $0x40, s12, s18, $0xb8;
	[tilespmem:$0x18800] =	vst v63  }
0x352: {  	s1 =	simm.s32 $0x1;
	p1 =	por $0x0, $0x0;
	s0 =	sadd.s32 s2, s0  }
0x353: {  	[hbm4b:s0+s29] =	stream.strided.scatter [tilespmem:s15], [sflag:$0x4], $0x4000, s16, s29, $0x38;
	[tilespmem:$0x18800] =	vst v63  }
0x354: {  	s0 =	simm.s32 $0x0  }
0x355: {  	_ =	swait.ge [sflag:s6], $0x2000;
	v16 =	vmov s0  }
0x356: {  	[sflag:s6] =	ssyncset.done $0x0;
	v16 =	vand.u32 $0x3F, v16  }
0x357: {  	[sflag:s6] =	ssyncadd.s32 $0xFFFFE000;
	v16 =	vbroadcast v16, $0x0  }
0x358: {  	_ =	swait.ge [sflag:s6], $0x2000  }
0x359: {  	[sflag:s6] =	ssyncset.done $0x0;
	v17 =	vor.u32 v0, v16  }
0x35a: {  	[sflag:s6] =	ssyncadd.s32 $0xFFFFE000  }
0x35b: {  	_ =	swait.ge [sflag:s20], $0x4000  }
0x35c: {  	[sflag:s20] =	ssyncset.done $0x0  }
0x35d: {  	[sflag:s20] =	ssyncadd.s32 $0xFFFFC000  }
0x35e: {  	v17 =	vld.idx.msk [tilespmem:v17+s19+$0x0], $0xffff  }
0x35f: {  	v18 =	vor.u32 v1, v16;
	_ =	sdelay $0x1  }
0x360: {  	s1 =	sand.u32 $0x3800, s0;
	s3 =	sand.u32 $0x380, s0  }
0x361: {  	s1 =	sor.u32 s3, s1  }
0x362: {  	[tilespmem:s1+$0x10800] =	vst v17  }
0x363: {  	v17 =	vld.idx.msk [tilespmem:v18+s19+$0x0], $0xffff  }
0x364: {  	v18 =	vor.u32 v2, v16;
	_ =	sdelay $0x2  }
0x365: {  	s1 =	sadd.s32 $0x10800, s1  }
0x366: {  	[tilespmem:s1+$0x10] =	vst v17  }
0x367: {  	v17 =	vld.idx.msk [tilespmem:v18+s19+$0x0], $0xffff  }
0x368: {  	v18 =	vor.u32 v3, v16;
	_ =	sdelay $0x3  }
0x369: {  	[tilespmem:s1+$0x20] =	vst v17  }
0x36a: {  	v17 =	vld.idx.msk [tilespmem:v18+s19+$0x0], $0xffff  }
0x36b: {  	v18 =	vor.u32 v4, v16;
	_ =	sdelay $0x3  }
0x36c: {  	[tilespmem:s1+$0x30] =	vst v17  }
0x36d: {  	v17 =	vld.idx.msk [tilespmem:v18+s19+$0x0], $0xffff  }
0x36e: {  	v18 =	vor.u32 v5, v16;
	_ =	sdelay $0x3  }
0x36f: {  	[tilespmem:s1+$0x40] =	vst v17  }
0x370: {  	v17 =	vld.idx.msk [tilespmem:v18+s19+$0x0], $0xffff  }
0x371: {  	v18 =	vor.u32 v6, v16;
	_ =	sdelay $0x3  }
0x372: {  	[tilespmem:s1+$0x50] =	vst v17  }
0x373: {  	v17 =	vld.idx.msk [tilespmem:v18+s19+$0x0], $0xffff  }
0x374: {  	v18 =	vor.u32 v7, v16;
	_ =	sdelay $0x3  }
0x375: {  	[tilespmem:s1+$0x60] =	vst v17  }
0x376: {  	v17 =	vld.idx.msk [tilespmem:v18+s19+$0x0], $0xffff  }
0x377: {  	v18 =	vor.u32 v8, v16;
	_ =	sdelay $0x3  }
0x378: {  	[tilespmem:s1+$0x70] =	vst v17  }
0x379: {  	v17 =	vld.idx.msk [tilespmem:v18+s19+$0x0], $0xffff  }
0x37a: {  	v18 =	vor.u32 v9, v16;
	_ =	sdelay $0x3  }
0x37b: {  	[tilespmem:s1+$0x400] =	vst v17  }
0x37c: {  	v17 =	vld.idx.msk [tilespmem:v18+s19+$0x0], $0xffff  }
0x37d: {  	v18 =	vor.u32 v10, v16;
	_ =	sdelay $0x3  }
0x37e: {  	[tilespmem:s1+$0x410] =	vst v17  }
0x37f: {  	v17 =	vld.idx.msk [tilespmem:v18+s19+$0x0], $0xffff  }
0x380: {  	v18 =	vor.u32 v11, v16;
	_ =	sdelay $0x3  }
0x381: {  	[tilespmem:s1+$0x420] =	vst v17  }
0x382: {  	v17 =	vld.idx.msk [tilespmem:v18+s19+$0x0], $0xffff  }
0x383: {  	v18 =	vor.u32 v12, v16;
	_ =	sdelay $0x3  }
0x384: {  	[tilespmem:s1+$0x430] =	vst v17  }
0x385: {  	v17 =	vld.idx.msk [tilespmem:v18+s19+$0x0], $0xffff  }
0x386: {  	v18 =	vor.u32 v13, v16;
	_ =	sdelay $0x3  }
0x387: {  	[tilespmem:s1+$0x440] =	vst v17  }
0x388: {  	v17 =	vld.idx.msk [tilespmem:v18+s19+$0x0], $0xffff  }
0x389: {  	v18 =	vor.u32 v14, v16;
	_ =	sdelay $0x3  }
0x38a: {  	[tilespmem:s1+$0x450] =	vst v17  }
0x38b: {  	v18 =	vld.idx.msk [tilespmem:v18+s19+$0x0], $0xffff  }
0x38c: {  	v17 =	vor.u32 v15, v16;
	_ =	sdelay $0x1  }
0x38d: {  	s28 =	simm.s32 $0x1  }
0x38e: {  	s8 =	simm.s32 $0x2;
	s3 =	simm.s32 $0x0;
	v16 =	vmov s28  }
.LBB2_14:
0x38f: {  	p0 =	sne.s32 s8, $0x3F;
	v16 =	vand.u32 $0x3F, v16;
	[tilespmem:s1+$0x460] =	vst v18  }
0x390: {  	v16 =	vbroadcast v16, $0x0;
	v17 =	vld.idx.msk [tilespmem:v17+s19+$0x0], $0xffff;
	_ =	sdelay $0x1  }
0x391: {  	v18 =	vor.u32 v0, v16;
	_ =	sdelay $0x3  }
0x392: {  	[tilespmem:s1+$0x470] =	vst v17  }
0x393: {  	v17 =	vld.idx.msk [tilespmem:v18+s19+$0x0], $0xffff;
	_ =	sdelay $0x1  }
0x394: {  	v18 =	vor.u32 v1, v16  }
0x395: {  	s0 =	sadd.s32 $0x100, s0;
	s3 =	sadd.s32 $0x80, s3  }
0x396: {  	s9 =	sand.u32 $0x380, s3;
	s1 =	sand.u32 $0x3800, s0  }
0x397: {  	s1 =	sor.u32 s9, s1  }
0x398: {  	[tilespmem:s1+$0x10800] =	vst v17  }
0x399: {  	v17 =	vld.idx.msk [tilespmem:v18+s19+$0x0], $0xffff;
	_ =	sdelay $0x1  }
0x39a: {  	v18 =	vor.u32 v2, v16;
	_ =	sdelay $0x2  }
0x39b: {  	s1 =	sadd.s32 $0x10800, s1  }
0x39c: {  	[tilespmem:s1+$0x10] =	vst v17  }
0x39d: {  	v17 =	vld.idx.msk [tilespmem:v18+s19+$0x0], $0xffff;
	_ =	sdelay $0x1  }
0x39e: {  	v18 =	vor.u32 v3, v16;
	_ =	sdelay $0x3  }
0x39f: {  	[tilespmem:s1+$0x20] =	vst v17  }
0x3a0: {  	v17 =	vld.idx.msk [tilespmem:v18+s19+$0x0], $0xffff;
	_ =	sdelay $0x1  }
0x3a1: {  	v18 =	vor.u32 v4, v16;
	_ =	sdelay $0x3  }
0x3a2: {  	[tilespmem:s1+$0x30] =	vst v17  }
0x3a3: {  	v17 =	vld.idx.msk [tilespmem:v18+s19+$0x0], $0xffff;
	_ =	sdelay $0x1  }
0x3a4: {  	v18 =	vor.u32 v5, v16;
	_ =	sdelay $0x3  }
0x3a5: {  	[tilespmem:s1+$0x40] =	vst v17  }
0x3a6: {  	v17 =	vld.idx.msk [tilespmem:v18+s19+$0x0], $0xffff;
	_ =	sdelay $0x1  }
0x3a7: {  	v18 =	vor.u32 v6, v16;
	_ =	sdelay $0x3  }
0x3a8: {  	[tilespmem:s1+$0x50] =	vst v17  }
0x3a9: {  	v17 =	vld.idx.msk [tilespmem:v18+s19+$0x0], $0xffff;
	_ =	sdelay $0x1  }
0x3aa: {  	v18 =	vor.u32 v7, v16;
	_ =	sdelay $0x3  }
0x3ab: {  	[tilespmem:s1+$0x60] =	vst v17  }
0x3ac: {  	v17 =	vld.idx.msk [tilespmem:v18+s19+$0x0], $0xffff;
	_ =	sdelay $0x1  }
0x3ad: {  	v18 =	vor.u32 v8, v16;
	_ =	sdelay $0x3  }
0x3ae: {  	[tilespmem:s1+$0x70] =	vst v17  }
0x3af: {  	v17 =	vld.idx.msk [tilespmem:v18+s19+$0x0], $0xffff;
	_ =	sdelay $0x1  }
0x3b0: {  	v18 =	vor.u32 v9, v16;
	_ =	sdelay $0x3  }
0x3b1: {  	[tilespmem:s1+$0x400] =	vst v17  }
0x3b2: {  	v17 =	vld.idx.msk [tilespmem:v18+s19+$0x0], $0xffff;
	_ =	sdelay $0x1  }
0x3b3: {  	v18 =	vor.u32 v10, v16;
	_ =	sdelay $0x3  }
0x3b4: {  	[tilespmem:s1+$0x410] =	vst v17  }
0x3b5: {  	v17 =	vld.idx.msk [tilespmem:v18+s19+$0x0], $0xffff;
	_ =	sdelay $0x1  }
0x3b6: {  	v18 =	vor.u32 v11, v16;
	_ =	sdelay $0x3  }
0x3b7: {  	[tilespmem:s1+$0x420] =	vst v17  }
0x3b8: {  	v17 =	vld.idx.msk [tilespmem:v18+s19+$0x0], $0xffff;
	_ =	sdelay $0x1  }
0x3b9: {  	v18 =	vor.u32 v12, v16;
	_ =	sdelay $0x3  }
0x3ba: {  	[tilespmem:s1+$0x430] =	vst v17  }
0x3bb: {  	v17 =	vld.idx.msk [tilespmem:v18+s19+$0x0], $0xffff;
	_ =	sdelay $0x1  }
0x3bc: {  	v18 =	vor.u32 v13, v16;
	_ =	sdelay $0x3  }
0x3bd: {  	[tilespmem:s1+$0x440] =	vst v17  }
0x3be: {  	v17 =	vld.idx.msk [tilespmem:v18+s19+$0x0], $0xffff;
	_ =	sdelay $0x1  }
0x3bf: {  	v18 =	vor.u32 v14, v16;
	_ =	sdelay $0x3  }
0x3c0: {  	[tilespmem:s1+$0x450] =	vst v17  }
0x3c1: {  	v18 =	vld.idx.msk [tilespmem:v18+s19+$0x0], $0xffff  }
.Ltmp6:
0x3c2: {  	(pc) =	sbr.rel @p0 .LBB2_14-.Ltmp6, $2  }
0x3c3: {  	v17 =	vor.u32 v15, v16;
	_ =	sdelay $0x2  }
0x3c4: {  	v16 =	vmov s8;
	s8 =	sadd.s32 $0x1, s8  }
0x3c5: {  	_ =	sdelay $0x1  }
0x3c6: {  	v16 =	vand.u32 $0x3F, v16  }
0x3c7: {  	[tilespmem:s1+$0x460] =	vst v18;
	v16 =	vbroadcast v16, $0x0  }
0x3c8: {  	v17 =	vld.idx.msk [tilespmem:v17+s19+$0x0], $0xffff  }
0x3c9: {  	v18 =	vor.u32 v0, v16;
	_ =	sdelay $0x3  }
0x3ca: {  	[tilespmem:s1+$0x470] =	vst v17  }
0x3cb: {  	v17 =	vld.idx.msk [tilespmem:v18+s19+$0x0], $0xffff  }
0x3cc: {  	v18 =	vor.u32 v1, v16  }
0x3cd: {  	s0 =	sadd.s32 $0x100, s0;
	s8 =	sadd.s32 $0x80, s3  }
0x3ce: {  	s0 =	sand.u32 $0x3800, s0;
	s1 =	sand.u32 $0x380, s8  }
0x3cf: {  	s0 =	sor.u32 s1, s0  }
0x3d0: {  	[tilespmem:s0+$0x10800] =	vst v17  }
0x3d1: {  	v17 =	vld.idx.msk [tilespmem:v18+s19+$0x0], $0xffff  }
0x3d2: {  	v18 =	vor.u32 v2, v16;
	_ =	sdelay $0x2  }
0x3d3: {  	s0 =	sadd.s32 $0x10800, s0  }
0x3d4: {  	[tilespmem:s0+$0x10] =	vst v17  }
0x3d5: {  	v17 =	vld.idx.msk [tilespmem:v18+s19+$0x0], $0xffff  }
0x3d6: {  	v18 =	vor.u32 v3, v16;
	_ =	sdelay $0x3  }
0x3d7: {  	[tilespmem:s0+$0x20] =	vst v17  }
0x3d8: {  	v17 =	vld.idx.msk [tilespmem:v18+s19+$0x0], $0xffff  }
0x3d9: {  	v18 =	vor.u32 v4, v16;
	_ =	sdelay $0x3  }
0x3da: {  	[tilespmem:s0+$0x30] =	vst v17  }
0x3db: {  	v17 =	vld.idx.msk [tilespmem:v18+s19+$0x0], $0xffff  }
0x3dc: {  	v18 =	vor.u32 v5, v16;
	_ =	sdelay $0x3  }
0x3dd: {  	[tilespmem:s0+$0x40] =	vst v17  }
0x3de: {  	v17 =	vld.idx.msk [tilespmem:v18+s19+$0x0], $0xffff  }
0x3df: {  	v18 =	vor.u32 v6, v16;
	_ =	sdelay $0x3  }
0x3e0: {  	[tilespmem:s0+$0x50] =	vst v17  }
0x3e1: {  	v17 =	vld.idx.msk [tilespmem:v18+s19+$0x0], $0xffff  }
0x3e2: {  	v18 =	vor.u32 v7, v16;
	_ =	sdelay $0x3  }
0x3e3: {  	[tilespmem:s0+$0x60] =	vst v17  }
0x3e4: {  	v17 =	vld.idx.msk [tilespmem:v18+s19+$0x0], $0xffff  }
0x3e5: {  	v18 =	vor.u32 v8, v16;
	_ =	sdelay $0x3  }
0x3e6: {  	[tilespmem:s0+$0x70] =	vst v17  }
0x3e7: {  	v17 =	vld.idx.msk [tilespmem:v18+s19+$0x0], $0xffff  }
0x3e8: {  	v18 =	vor.u32 v9, v16;
	_ =	sdelay $0x3  }
0x3e9: {  	[tilespmem:s0+$0x400] =	vst v17  }
0x3ea: {  	v17 =	vld.idx.msk [tilespmem:v18+s19+$0x0], $0xffff  }
0x3eb: {  	v18 =	vor.u32 v10, v16;
	_ =	sdelay $0x3  }
0x3ec: {  	[tilespmem:s0+$0x410] =	vst v17  }
0x3ed: {  	v17 =	vld.idx.msk [tilespmem:v18+s19+$0x0], $0xffff  }
0x3ee: {  	v18 =	vor.u32 v11, v16;
	_ =	sdelay $0x3  }
0x3ef: {  	[tilespmem:s0+$0x420] =	vst v17  }
0x3f0: {  	v17 =	vld.idx.msk [tilespmem:v18+s19+$0x0], $0xffff  }
0x3f1: {  	v18 =	vor.u32 v12, v16;
	_ =	sdelay $0x3  }
0x3f2: {  	[tilespmem:s0+$0x430] =	vst v17  }
0x3f3: {  	v17 =	vld.idx.msk [tilespmem:v18+s19+$0x0], $0xffff  }
0x3f4: {  	v18 =	vor.u32 v13, v16;
	_ =	sdelay $0x3  }
0x3f5: {  	[tilespmem:s0+$0x440] =	vst v17  }
0x3f6: {  	v17 =	vld.idx.msk [tilespmem:v18+s19+$0x0], $0xffff  }
0x3f7: {  	v18 =	vor.u32 v14, v16;
	_ =	sdelay $0x3  }
0x3f8: {  	[tilespmem:s0+$0x450] =	vst v17  }
0x3f9: {  	v17 =	vld.idx.msk [tilespmem:v18+s19+$0x0], $0xffff  }
0x3fa: {  	v16 =	vor.u32 v15, v16;
	_ =	sdelay $0x3  }
0x3fb: {  	[tilespmem:s0+$0x460] =	vst v17  }
0x3fc: {  	v16 =	vld.idx.msk [tilespmem:v16+s19+$0x0], $0xffff;
	_ =	sdelay $0x4  }
0x3fd: {  	s9 =	rddreg [dreg:$0x6];
	[tilespmem:s0+$0x470] =	vst v16;
	s0 =	simm.s32 $0x0  }
0x3fe: {  	[hbm4b:s9+s29] =	stream.strided.scatter [tilespmem:s30], [sflag:$0x3], $0x4000, s16, s29, $0x38;
	[tilespmem:$0x18800] =	vst v63  }
0x3ff: {  	v16 =	vmov s0;
	_ =	swait.ge [sflag:s31], $0x2000  }
0x400: {  	v16 =	vand.u32 $0x3F, v16;
	[sflag:s31] =	ssyncset.done $0x0  }
0x401: {  	v16 =	vbroadcast v16, $0x0;
	[sflag:s31] =	ssyncadd.s32 $0xFFFFE000  }
0x402: {  	_ =	swait.ge [sflag:s31], $0x2000  }
0x403: {  	v17 =	vor.u32 v0, v16;
	[sflag:s31] =	ssyncset.done $0x0  }
0x404: {  	[sflag:s31] =	ssyncadd.s32 $0xFFFFE000  }
0x405: {  	_ =	swait.ge [sflag:s22], $0x4000  }
0x406: {  	[sflag:s22] =	ssyncset.done $0x0  }
0x407: {  	[sflag:s22] =	ssyncadd.s32 $0xFFFFC000  }
0x408: {  	v17 =	vld.idx.msk [tilespmem:v17+s23+$0x0], $0xffff  }
0x409: {  	v18 =	vor.u32 v1, v16;
	_ =	sdelay $0x1  }
0x40a: {  	s12 =	sand.u32 $0x3800, s0;
	s26 =	sand.u32 $0x380, s0  }
0x40b: {  	s1 =	sor.u32 s26, s12  }
0x40c: {  	[tilespmem:s1+$0x14800] =	vst v17  }
0x40d: {  	v17 =	vld.idx.msk [tilespmem:v18+s23+$0x0], $0xffff  }
0x40e: {  	v18 =	vor.u32 v2, v16;
	_ =	sdelay $0x2  }
0x40f: {  	s1 =	sadd.s32 $0x14800, s1  }
0x410: {  	[tilespmem:s1+$0x10] =	vst v17  }
0x411: {  	v17 =	vld.idx.msk [tilespmem:v18+s23+$0x0], $0xffff  }
0x412: {  	v18 =	vor.u32 v3, v16;
	_ =	sdelay $0x3  }
0x413: {  	[tilespmem:s1+$0x20] =	vst v17  }
0x414: {  	v17 =	vld.idx.msk [tilespmem:v18+s23+$0x0], $0xffff  }
0x415: {  	v18 =	vor.u32 v4, v16;
	_ =	sdelay $0x3  }
0x416: {  	[tilespmem:s1+$0x30] =	vst v17  }
0x417: {  	v17 =	vld.idx.msk [tilespmem:v18+s23+$0x0], $0xffff  }
0x418: {  	v18 =	vor.u32 v5, v16;
	_ =	sdelay $0x3  }
0x419: {  	[tilespmem:s1+$0x40] =	vst v17  }
0x41a: {  	v17 =	vld.idx.msk [tilespmem:v18+s23+$0x0], $0xffff  }
0x41b: {  	v18 =	vor.u32 v6, v16;
	_ =	sdelay $0x3  }
0x41c: {  	[tilespmem:s1+$0x50] =	vst v17  }
0x41d: {  	v17 =	vld.idx.msk [tilespmem:v18+s23+$0x0], $0xffff  }
0x41e: {  	v18 =	vor.u32 v7, v16;
	_ =	sdelay $0x3  }
0x41f: {  	[tilespmem:s1+$0x60] =	vst v17  }
0x420: {  	v17 =	vld.idx.msk [tilespmem:v18+s23+$0x0], $0xffff  }
0x421: {  	v18 =	vor.u32 v8, v16;
	_ =	sdelay $0x3  }
0x422: {  	[tilespmem:s1+$0x70] =	vst v17  }
0x423: {  	v17 =	vld.idx.msk [tilespmem:v18+s23+$0x0], $0xffff  }
0x424: {  	v18 =	vor.u32 v9, v16;
	_ =	sdelay $0x3  }
0x425: {  	[tilespmem:s1+$0x400] =	vst v17  }
0x426: {  	v17 =	vld.idx.msk [tilespmem:v18+s23+$0x0], $0xffff  }
0x427: {  	v18 =	vor.u32 v10, v16;
	_ =	sdelay $0x3  }
0x428: {  	[tilespmem:s1+$0x410] =	vst v17  }
0x429: {  	v17 =	vld.idx.msk [tilespmem:v18+s23+$0x0], $0xffff  }
0x42a: {  	v18 =	vor.u32 v11, v16;
	_ =	sdelay $0x3  }
0x42b: {  	[tilespmem:s1+$0x420] =	vst v17  }
0x42c: {  	v17 =	vld.idx.msk [tilespmem:v18+s23+$0x0], $0xffff  }
0x42d: {  	v18 =	vor.u32 v12, v16;
	_ =	sdelay $0x3  }
0x42e: {  	[tilespmem:s1+$0x430] =	vst v17  }
0x42f: {  	v17 =	vld.idx.msk [tilespmem:v18+s23+$0x0], $0xffff  }
0x430: {  	v18 =	vor.u32 v13, v16;
	_ =	sdelay $0x3  }
0x431: {  	[tilespmem:s1+$0x440] =	vst v17  }
0x432: {  	v17 =	vld.idx.msk [tilespmem:v18+s23+$0x0], $0xffff  }
0x433: {  	v18 =	vor.u32 v14, v16;
	_ =	sdelay $0x3  }
0x434: {  	[tilespmem:s1+$0x450] =	vst v17  }
0x435: {  	v18 =	vld.idx.msk [tilespmem:v18+s23+$0x0], $0xffff  }
0x436: {  	v17 =	vor.u32 v15, v16;
	_ =	sdelay $0x1  }
0x437: {  	s28 =	simm.s32 $0x1  }
0x438: {  	s3 =	simm.s32 $0x0;
	s8 =	simm.s32 $0x2;
	v16 =	vmov s28  }
.LBB2_16:
0x439: {  	p0 =	sne.s32 s8, $0x3F;
	v16 =	vand.u32 $0x3F, v16;
	[tilespmem:s1+$0x460] =	vst v18  }
0x43a: {  	v16 =	vbroadcast v16, $0x0;
	v17 =	vld.idx.msk [tilespmem:v17+s23+$0x0], $0xffff;
	_ =	sdelay $0x1  }
0x43b: {  	v18 =	vor.u32 v0, v16;
	_ =	sdelay $0x3  }
0x43c: {  	[tilespmem:s1+$0x470] =	vst v17  }
0x43d: {  	v17 =	vld.idx.msk [tilespmem:v18+s23+$0x0], $0xffff;
	_ =	sdelay $0x1  }
0x43e: {  	v18 =	vor.u32 v1, v16  }
0x43f: {  	s0 =	sadd.s32 $0x100, s0;
	s3 =	sadd.s32 $0x80, s3  }
0x440: {  	s9 =	sand.u32 $0x380, s3;
	s1 =	sand.u32 $0x3800, s0  }
0x441: {  	s1 =	sor.u32 s9, s1  }
0x442: {  	[tilespmem:s1+$0x14800] =	vst v17  }
0x443: {  	v17 =	vld.idx.msk [tilespmem:v18+s23+$0x0], $0xffff;
	_ =	sdelay $0x1  }
0x444: {  	v18 =	vor.u32 v2, v16;
	_ =	sdelay $0x2  }
0x445: {  	s1 =	sadd.s32 $0x14800, s1  }
0x446: {  	[tilespmem:s1+$0x10] =	vst v17  }
0x447: {  	v17 =	vld.idx.msk [tilespmem:v18+s23+$0x0], $0xffff;
	_ =	sdelay $0x1  }
0x448: {  	v18 =	vor.u32 v3, v16;
	_ =	sdelay $0x3  }
0x449: {  	[tilespmem:s1+$0x20] =	vst v17  }
0x44a: {  	v17 =	vld.idx.msk [tilespmem:v18+s23+$0x0], $0xffff;
	_ =	sdelay $0x1  }
0x44b: {  	v18 =	vor.u32 v4, v16;
	_ =	sdelay $0x3  }
0x44c: {  	[tilespmem:s1+$0x30] =	vst v17  }
0x44d: {  	v17 =	vld.idx.msk [tilespmem:v18+s23+$0x0], $0xffff;
	_ =	sdelay $0x1  }
0x44e: {  	v18 =	vor.u32 v5, v16;
	_ =	sdelay $0x3  }
0x44f: {  	[tilespmem:s1+$0x40] =	vst v17  }
0x450: {  	v17 =	vld.idx.msk [tilespmem:v18+s23+$0x0], $0xffff;
	_ =	sdelay $0x1  }
0x451: {  	v18 =	vor.u32 v6, v16;
	_ =	sdelay $0x3  }
0x452: {  	[tilespmem:s1+$0x50] =	vst v17  }
0x453: {  	v17 =	vld.idx.msk [tilespmem:v18+s23+$0x0], $0xffff;
	_ =	sdelay $0x1  }
0x454: {  	v18 =	vor.u32 v7, v16;
	_ =	sdelay $0x3  }
0x455: {  	[tilespmem:s1+$0x60] =	vst v17  }
0x456: {  	v17 =	vld.idx.msk [tilespmem:v18+s23+$0x0], $0xffff;
	_ =	sdelay $0x1  }
0x457: {  	v18 =	vor.u32 v8, v16;
	_ =	sdelay $0x3  }
0x458: {  	[tilespmem:s1+$0x70] =	vst v17  }
0x459: {  	v17 =	vld.idx.msk [tilespmem:v18+s23+$0x0], $0xffff;
	_ =	sdelay $0x1  }
0x45a: {  	v18 =	vor.u32 v9, v16;
	_ =	sdelay $0x3  }
0x45b: {  	[tilespmem:s1+$0x400] =	vst v17  }
0x45c: {  	v17 =	vld.idx.msk [tilespmem:v18+s23+$0x0], $0xffff;
	_ =	sdelay $0x1  }
0x45d: {  	v18 =	vor.u32 v10, v16;
	_ =	sdelay $0x3  }
0x45e: {  	[tilespmem:s1+$0x410] =	vst v17  }
0x45f: {  	v17 =	vld.idx.msk [tilespmem:v18+s23+$0x0], $0xffff;
	_ =	sdelay $0x1  }
0x460: {  	v18 =	vor.u32 v11, v16;
	_ =	sdelay $0x3  }
0x461: {  	[tilespmem:s1+$0x420] =	vst v17  }
0x462: {  	v17 =	vld.idx.msk [tilespmem:v18+s23+$0x0], $0xffff;
	_ =	sdelay $0x1  }
0x463: {  	v18 =	vor.u32 v12, v16;
	_ =	sdelay $0x3  }
0x464: {  	[tilespmem:s1+$0x430] =	vst v17  }
0x465: {  	v17 =	vld.idx.msk [tilespmem:v18+s23+$0x0], $0xffff;
	_ =	sdelay $0x1  }
0x466: {  	v18 =	vor.u32 v13, v16;
	_ =	sdelay $0x3  }
0x467: {  	[tilespmem:s1+$0x440] =	vst v17  }
0x468: {  	v17 =	vld.idx.msk [tilespmem:v18+s23+$0x0], $0xffff;
	_ =	sdelay $0x1  }
0x469: {  	v18 =	vor.u32 v14, v16;
	_ =	sdelay $0x3  }
0x46a: {  	[tilespmem:s1+$0x450] =	vst v17  }
0x46b: {  	v18 =	vld.idx.msk [tilespmem:v18+s23+$0x0], $0xffff  }
.Ltmp7:
0x46c: {  	(pc) =	sbr.rel @p0 .LBB2_16-.Ltmp7, $2  }
0x46d: {  	v17 =	vor.u32 v15, v16;
	_ =	sdelay $0x2  }
0x46e: {  	v16 =	vmov s8;
	s8 =	sadd.s32 $0x1, s8  }
0x46f: {  	_ =	sdelay $0x1  }
0x470: {  	v16 =	vand.u32 $0x3F, v16  }
0x471: {  	[tilespmem:s1+$0x460] =	vst v18;
	v16 =	vbroadcast v16, $0x0  }
0x472: {  	v17 =	vld.idx.msk [tilespmem:v17+s23+$0x0], $0xffff  }
0x473: {  	v49 =	vor.u32 v0, v16;
	_ =	sdelay $0x3  }
0x474: {  	[tilespmem:s1+$0x470] =	vst v17  }
0x475: {  	v17 =	vld.idx.msk [tilespmem:v49+s23+$0x0], $0xffff  }
0x476: {  	v50 =	vor.u32 v1, v16  }
0x477: {  	s0 =	sadd.s32 $0x100, s0;
	s28 =	sadd.s32 $0x80, s3  }
0x478: {  	s0 =	sand.u32 $0x3800, s0;
	s1 =	sand.u32 $0x380, s28  }
0x479: {  	s0 =	sor.u32 s1, s0  }
0x47a: {  	[tilespmem:s0+$0x14800] =	vst v17  }
0x47b: {  	v17 =	vld.idx.msk [tilespmem:v50+s23+$0x0], $0xffff  }
0x47c: {  	v51 =	vor.u32 v2, v16;
	_ =	sdelay $0x2  }
0x47d: {  	s0 =	sadd.s32 $0x14800, s0  }
0x47e: {  	[tilespmem:s0+$0x10] =	vst v17  }
0x47f: {  	v17 =	vld.idx.msk [tilespmem:v51+s23+$0x0], $0xffff  }
0x480: {  	v52 =	vor.u32 v3, v16;
	_ =	sdelay $0x3  }
0x481: {  	[tilespmem:s0+$0x20] =	vst v17  }
0x482: {  	v17 =	vld.idx.msk [tilespmem:v52+s23+$0x0], $0xffff  }
0x483: {  	v53 =	vor.u32 v4, v16;
	_ =	sdelay $0x3  }
0x484: {  	[tilespmem:s0+$0x30] =	vst v17  }
0x485: {  	v17 =	vld.idx.msk [tilespmem:v53+s23+$0x0], $0xffff  }
0x486: {  	v54 =	vor.u32 v5, v16;
	_ =	sdelay $0x3  }
0x487: {  	[tilespmem:s0+$0x40] =	vst v17  }
0x488: {  	v17 =	vld.idx.msk [tilespmem:v54+s23+$0x0], $0xffff  }
0x489: {  	v55 =	vor.u32 v6, v16;
	_ =	sdelay $0x3  }
0x48a: {  	[tilespmem:s0+$0x50] =	vst v17  }
0x48b: {  	v17 =	vld.idx.msk [tilespmem:v55+s23+$0x0], $0xffff  }
0x48c: {  	v56 =	vor.u32 v7, v16;
	_ =	sdelay $0x3  }
0x48d: {  	[tilespmem:s0+$0x60] =	vst v17  }
0x48e: {  	v17 =	vld.idx.msk [tilespmem:v56+s23+$0x0], $0xffff  }
0x48f: {  	v57 =	vor.u32 v8, v16;
	_ =	sdelay $0x3  }
0x490: {  	[tilespmem:s0+$0x70] =	vst v17  }
0x491: {  	v17 =	vld.idx.msk [tilespmem:v57+s23+$0x0], $0xffff  }
0x492: {  	v58 =	vor.u32 v9, v16;
	_ =	sdelay $0x3  }
0x493: {  	[tilespmem:s0+$0x400] =	vst v17  }
0x494: {  	v17 =	vld.idx.msk [tilespmem:v58+s23+$0x0], $0xffff  }
0x495: {  	v59 =	vor.u32 v10, v16;
	_ =	sdelay $0x3  }
0x496: {  	[tilespmem:s0+$0x410] =	vst v17  }
0x497: {  	v17 =	vld.idx.msk [tilespmem:v59+s23+$0x0], $0xffff  }
0x498: {  	v60 =	vor.u32 v11, v16;
	_ =	sdelay $0x3  }
0x499: {  	[tilespmem:s0+$0x420] =	vst v17  }
0x49a: {  	v17 =	vld.idx.msk [tilespmem:v60+s23+$0x0], $0xffff  }
0x49b: {  	v61 =	vor.u32 v12, v16;
	_ =	sdelay $0x3  }
0x49c: {  	[tilespmem:s0+$0x430] =	vst v17  }
0x49d: {  	v17 =	vld.idx.msk [tilespmem:v61+s23+$0x0], $0xffff  }
0x49e: {  	v62 =	vor.u32 v13, v16;
	_ =	sdelay $0x3  }
0x49f: {  	[tilespmem:s0+$0x440] =	vst v17  }
0x4a0: {  	v17 =	vld.idx.msk [tilespmem:v62+s23+$0x0], $0xffff  }
0x4a1: {  	v63 =	vor.u32 v14, v16;
	_ =	sdelay $0x3  }
0x4a2: {  	[tilespmem:s0+$0x450] =	vst v17  }
0x4a3: {  	v17 =	vld.idx.msk [tilespmem:v63+s23+$0x0], $0xffff  }
0x4a4: {  	v16 =	vor.u32 v15, v16;
	_ =	sdelay $0x3  }
0x4a5: {  	[tilespmem:s0+$0x460] =	vst v17  }
0x4a6: {  	v16 =	vld.idx.msk [tilespmem:v16+s23+$0x0], $0xffff;
	_ =	sdelay $0x4  }
0x4a7: {  	s24 =	sadd.s32 $0x1, s24;
	[tilespmem:s0+$0x470] =	vst v16  }
0x4a8: {  	[hbm4b:s13+s29] =	stream.strided.scatter [tilespmem:s15], [sflag:$0x4], $0x4000, s16, s29, $0x38;
	[tilespmem:$0x18800] =	vst v63  }
0x4a9: {  	p0 =	sne.s32 s24, s14;
	_ =	swait.ge [sflag:s20], $0x4000  }
.Ltmp8:
0x4aa: {  	[sflag:s20] =	ssyncset.done $0x0;
	(pc) =	sbr.rel @p0 .LBB2_1-.Ltmp8, $4  }
0x4ab: {  	[sflag:s20] =	ssyncadd.s32 $0xFFFFC000  }
0x4ac: {  	_ =	swait.ge [sflag:s22], $0x4000  }
0x4ad: {  	[sflag:s22] =	ssyncset.done $0x0  }
0x4ae: {  	[sflag:s22] =	ssyncadd.s32 $0xFFFFC000  }
0x4af: {  	_ =	sfence.sel $0x180000  }
0x4b0: {  	[bflag:$0x0] =	sbarrier.arrive $0xFFFF  }
0x4b1: {  	_ =	strace $0x90000047  }
0x4b2: {  	s0 =	stileid.u32;
	[bflag:$0x2] =	sbarrier.arrive $0xFFFF  }
0x4b3: {  	p0 =	sne.s32 s0, $0x0;
	s0 =	rddreg [dreg:$0x3]  }
0x4b4: {  	s0 =	sadd.s32 @!p0 $0x100000, s0  }
0x4b5: {  	[sflag:s0] =	ssyncadd.tile.s32 @!p0 $0x1;
	_ =	shalt  }
.Lfunc_end2:
_tile_overlayer_lowered:
.L_overlay_start_2:
0x4b6: {  	(tag) =	ssettag $0x2  }
0x4b7: {  	s0 =	rddreg [dreg:$0x0];
	s2 =	stileid.u32  }
0x4b8: {  	s1 =	rddreg [dreg:$0x1];
	p0 =	sne.s32 s2, $0x0  }
0x4b9: {  	s3 =	rddreg [dreg:$0x2];
	[bflag:$0x3] =	sbarrier.arrive $0xFFFF;
	s2 =	simm.s32 @!p0 $0x1C05  }
0x4ba: {  	[timem:s3], [sflag:s2] =	dma.local @!p0 [hbm:s0], s1  }
0x4bb: {  	s0 =	simm.s32 @!p0 $0x5  }
0x4bc: {  	_ =	swait.ge @!p0 [sflag:s0], s1  }
0x4bd: {  	s1 =	ssub.s32 @!p0 $0x0, s1;
	[sflag:s0] =	ssyncset.done @!p0 $0x0  }
0x4be: {  	[sflag:s0] =	ssyncadd.s32 @!p0 s1  }
0x4bf: {  	[bflag:$0x3] =	sbarrier.arrive $0xFFFF  }
0x4c0: {  	_ =	shalt  }

</sc_bundles>
